<compile_context>
chip_gen: v7x
topology: tpu7x:2x2x1
jax: 0.10.2.dev20260603
libtpu: 0.0.44.dev20260713+nightly
codegen_flags: <defaults>
</compile_context>

<pallas_src>
import functools
import math

import jax
import jax.numpy as jnp
from jax import lax
from jax.experimental import pallas as pl
from jax.experimental.pallas import tpu as pltpu
from jax.experimental.pallas import tpu_sc as plsc

_B, _L, _N, _C = 32, 12, 325, 3
_HOR, _OD = 12, 1
_TD, _SD = 64, 32
_F = _TD + _SD
_ED, _RD = 512, 512
_NH = 8
_DH = _RD // _NH
_KDOCS = 4096
_TOPK = 8
_EL = 3
_EPS = 1e-5
_R = _B * _N


def _ln(x, g, b):
    m = x.mean(-1, keepdims=True)
    v = ((x - m) ** 2).mean(-1, keepdims=True)
    return (x - m) * lax.rsqrt(v + _EPS) * g + b


def _dot(a, b):
    return jnp.dot(a, b, preferred_element_type=jnp.float32)


_QT1 = 400


def _enc_body(x_ref, sp_ref, Wt_ref, bt_ref, W1_ref, b1_ref, g1_ref, be1_ref,
              W2_ref, b2_ref, g2_ref, be2_ref, Wh_ref, bh_ref, Wq_ref, bq_ref,
              mWq_ref, mbq_ref, de_ref, q_ref, qm_ref):
    t = _dot(x_ref[...], Wt_ref[...]) + bt_ref[...]
    h = jnp.concatenate([t, sp_ref[...]], axis=-1)
    for i in range(_EL):
        h = jax.nn.relu(_ln(_dot(h, W1_ref[i]) + b1_ref[i], g1_ref[i], be1_ref[i]))
        h = jax.nn.relu(_ln(_dot(h, W2_ref[i]) + b2_ref[i], g2_ref[i], be2_ref[i]))
    de = _dot(h, Wh_ref[...]) + bh_ref[...]
    q = _dot(de, Wq_ref[...]) + bq_ref[...]
    de_ref[...] = de
    q_ref[...] = q
    qm_ref[...] = _dot(q, mWq_ref[...]) + mbq_ref[...]


def _encoder_call(x2, spf, W_temp, b_temp, enc_W1, enc_b1, enc_g1, enc_be1,
                  enc_W2, enc_b2, enc_g2, enc_be2, W_h2e, b_h2e, Wq, bq, mWq, mbq):
    grid = (_R // _QT1,)

    def full(a):
        return pl.BlockSpec(a.shape, lambda i: (0,) * a.ndim)

    row_specs = [pl.BlockSpec((_QT1, x2.shape[1]), lambda i: (i, 0)),
                 pl.BlockSpec((_QT1, spf.shape[1]), lambda i: (i, 0))]
    consts = [W_temp, b_temp, enc_W1, enc_b1, enc_g1, enc_be1,
              enc_W2, enc_b2, enc_g2, enc_be2, W_h2e, b_h2e, Wq, bq, mWq, mbq]
    out_spec = pl.BlockSpec((_QT1, _RD), lambda i: (i, 0))
    return pl.pallas_call(
        _enc_body,
        grid=grid,
        in_specs=row_specs + [full(c) for c in consts],
        out_specs=[out_spec, out_spec, out_spec],
        out_shape=[jax.ShapeDtypeStruct((_R, _RD), jnp.float32)] * 3,
    )(x2, spf, *consts)


def _kv_body(st_ref, Wk_ref, bk_ref, mWk_ref, mbk_ref,
             Wv_ref, bv_ref, mWv_ref, mbv_ref, kv_ref):
    s = st_ref[...]
    kk = _dot(_dot(s, Wk_ref[...]) + bk_ref[...], mWk_ref[...]) + mbk_ref[...]
    vv = _dot(_dot(s, Wv_ref[...]) + bv_ref[...], mWv_ref[...]) + mbv_ref[...]
    k16 = lax.bitcast_convert_type(kk.astype(jnp.bfloat16), jnp.uint16).astype(jnp.uint32)
    v16 = lax.bitcast_convert_type(vv.astype(jnp.bfloat16), jnp.uint16).astype(jnp.uint32)
    kv_ref[...] = lax.bitcast_convert_type(k16 | (v16 << 16), jnp.int32)


def _kv_call(store, Wk, bk, mWk, mbk, Wv, bv, mWv, mbv):
    T = 512
    grid = (_KDOCS // T,)

    def full(a):
        return pl.BlockSpec(a.shape, lambda i: (0,) * a.ndim)

    consts = [Wk, bk, mWk, mbk, Wv, bv, mWv, mbv]
    return pl.pallas_call(
        _kv_body,
        grid=grid,
        in_specs=[pl.BlockSpec((T, _RD), lambda i: (i, 0))] + [full(c) for c in consts],
        out_specs=pl.BlockSpec((T, _RD), lambda i: (i, 0)),
        out_shape=jax.ShapeDtypeStruct((_KDOCS, _RD), jnp.int32),
    )(store, *consts)


_NS = 2
_RS = _R // _NS
_QT3 = 200


def _topk_body(q_ref, st_ref, idx_ref):
    s = lax.dot_general(q_ref[...], st_ref[...], (((1,), (1,)), ((), ())),
                        preferred_element_type=jnp.float32)
    cols = lax.broadcasted_iota(jnp.int32, (_QT3, _KDOCS), 1)
    outs = []
    for _ in range(_TOPK):
        m = jnp.max(s, axis=1, keepdims=True)
        hit = s == m
        cj = jnp.min(jnp.where(hit, cols, _KDOCS), axis=1, keepdims=True)
        outs.append(cj)
        s = jnp.where(hit, -jnp.inf, s)
    idx_ref[...] = jnp.concatenate(outs, axis=1)


def _topk_call(q, store):
    rows = q.shape[0]
    grid = (rows // _QT3,)
    return pl.pallas_call(
        _topk_body,
        grid=grid,
        in_specs=[pl.BlockSpec((_QT3, _RD), lambda i: (i, 0)),
                  pl.BlockSpec((_KDOCS, _RD), lambda i: (0, 0))],
        out_specs=pl.BlockSpec((_QT3, _TOPK), lambda i: (i, 0)),
        out_shape=jax.ShapeDtypeStruct((rows, _TOPK), jnp.int32),
    )(q, store)


_NW = 32
_BT = _RS * _TOPK
_BTP = 43008
_BPW = _BTP // _NW
_CH = 112


_NCH = _BPW // _CH


@functools.cache
def _build_sc_gather():
    @functools.partial(
        pl.kernel,
        mesh=plsc.VectorSubcoreMesh(core_axis_name="c", subcore_axis_name="s"),
        out_type=jax.ShapeDtypeStruct((_BTP, _RD), jnp.int32),
        scratch_types=[
            pltpu.VMEM((_BPW,), jnp.int32),
            pltpu.VMEM((2, _CH, _RD), jnp.int32),
        ] + [pltpu.SemaphoreType.DMA] * 4,
    )
    def _sc_gather(table_hbm, idx_hbm, out_hbm, idx_v, rows_v, *sems):
        gsem = sems[:2]
        wsem = sems[2:]
        wid = lax.axis_index("s") * 2 + lax.axis_index("c")
        base = wid * _BPW
        pltpu.sync_copy(idx_hbm.at[pl.ds(base, _BPW)], idx_v)

        def g_start(i, b):
            for sub in range(_CH // 16):
                idx16 = idx_v[pl.ds(i * _CH + sub * 16, 16)]
                pltpu.make_async_copy(
                    table_hbm.at[idx16],
                    rows_v.at[b, pl.ds(sub * 16, 16)], gsem[b]).start()

        def g_wait(i, b):
            for sub in range(_CH // 16):
                pltpu.make_async_copy(
                    table_hbm.at[idx_v[pl.ds(sub * 16, 16)]],
                    rows_v.at[b, pl.ds(sub * 16, 16)], gsem[b]).wait()

        def w_desc(i, b):
            return pltpu.make_async_copy(
                rows_v.at[b], out_hbm.at[pl.ds(base + i * _CH, _CH)], wsem[b])

        g_start(0, 0)
        g_start(1, 1)

        def body(j, carry):
            i0 = 2 * j
            i1 = 2 * j + 1
            g_wait(i0, 0)
            w_desc(i0, 0).start()
            w_desc(i0, 0).wait()
            g_start(i0 + 2, 0)
            g_wait(i1, 1)
            w_desc(i1, 1).start()
            w_desc(i1, 1).wait()
            g_start(i1 + 2, 1)
            return carry

        lax.fori_loop(0, _NCH // 2 - 1, body, 0)
        g_wait(_NCH - 2, 0)
        w_desc(_NCH - 2, 0).start()
        g_wait(_NCH - 1, 1)
        w_desc(_NCH - 1, 1).start()
        w_desc(_NCH - 2, 0).wait()
        w_desc(_NCH - 1, 1).wait()

    return _sc_gather


def _gather_call(kv, idx_flat):
    return _build_sc_gather()(kv, idx_flat)


_QT5 = 200


def _att_body(de_ref, qm_ref, kv_ref, mWo_ref, mbo_ref, W1_ref, b1_ref,
              g_ref, be_ref, W2_ref, b2_ref, y_ref):
    qm = qm_ref[...]
    u = lax.bitcast_convert_type(kv_ref[...], jnp.uint32)
    kg = lax.bitcast_convert_type(
        (u & 0xffff).astype(jnp.uint16), jnp.bfloat16).astype(jnp.float32)
    vg = lax.bitcast_convert_type(
        (u >> 16).astype(jnp.uint16), jnp.bfloat16).astype(jnp.float32)
    p = kg * qm[:, None, :]
    he = lax.broadcasted_iota(jnp.int32, (_NH, _RD), 0)
    de_i = lax.broadcasted_iota(jnp.int32, (_NH, _RD), 1) // _DH
    E = (he == de_i).astype(jnp.float32)
    ET = (lax.broadcasted_iota(jnp.int32, (_RD, _NH), 0) // _DH
          == lax.broadcasted_iota(jnp.int32, (_RD, _NH), 1)).astype(jnp.float32)
    s = _dot(p.reshape(_QT5 * _TOPK, _RD), ET).reshape(_QT5, _TOPK, _NH)
    s = s * (1.0 / math.sqrt(_DH))
    m = jnp.max(s, axis=1, keepdims=True)
    e = jnp.exp(s - m)
    a = e / jnp.sum(e, axis=1, keepdims=True)
    ab = _dot(a.reshape(_QT5 * _TOPK, _NH), E).reshape(_QT5, _TOPK, _RD)
    o = jnp.sum(ab * vg, axis=1)
    retr = _dot(o, mWo_ref[...]) + mbo_ref[...]
    comb = jnp.concatenate([de_ref[...], retr], axis=-1)
    z = jax.nn.relu(_ln(_dot(comb, W1_ref[...]) + b1_ref[...], g_ref[...], be_ref[...]))
    y_ref[...] = _dot(z, W2_ref[...]) + b2_ref[...]


def _att_call(de, qm, kvg, mWo, mbo, out_W1, out_b1, out_g, out_be, out_W2, out_b2):
    rows = de.shape[0]
    grid = (rows // _QT5,)

    def full(a):
        return pl.BlockSpec(a.shape, lambda i: (0,) * a.ndim)

    consts = [mWo, mbo, out_W1, out_b1, out_g, out_be, out_W2, out_b2]
    return pl.pallas_call(
        _att_body,
        grid=grid,
        in_specs=[pl.BlockSpec((_QT5, _RD), lambda i: (i, 0)),
                  pl.BlockSpec((_QT5, _RD), lambda i: (i, 0)),
                  pl.BlockSpec((_QT5, _TOPK, _RD), lambda i: (i, 0, 0))]
                 + [full(c) for c in consts],
        out_specs=pl.BlockSpec((_QT5, _HOR * _OD), lambda i: (i, 0)),
        out_shape=jax.ShapeDtypeStruct((rows, _HOR * _OD), jnp.float32),
    )(de, qm, kvg, *consts)


def kernel(history_data, W_temp, b_temp, spatial_emb, enc_W1, enc_b1, enc_g1,
           enc_be1, enc_W2, enc_b2, enc_g2, enc_be2, W_h2e, b_h2e, Wq, bq,
           Wk, bk, Wv, bv, mWq, mbq, mWk, mbk, mWv, mbv, mWo, mbo,
           out_W1, out_b1, out_g, out_be, out_W2, out_b2, store):
    x2 = history_data.transpose(0, 2, 1, 3).reshape(_R, _L * _C)
    spf = jnp.broadcast_to(spatial_emb[None], (_B, _N, _SD)).reshape(_R, _SD)

    r1 = lambda v: v.reshape(1, -1)
    r3 = lambda v: v.reshape(_EL, 1, -1)

    de, q, qm = _encoder_call(
        x2, spf, W_temp, r1(b_temp), enc_W1, r3(enc_b1), r3(enc_g1), r3(enc_be1),
        enc_W2, r3(enc_b2), r3(enc_g2), r3(enc_be2), W_h2e, r1(b_h2e),
        Wq, r1(bq), mWq, r1(mbq))

    kv = _kv_call(store, Wk, r1(bk), mWk, r1(mbk), Wv, r1(bv), mWv, r1(mbv))

    pad = jnp.zeros((_BTP - _BT,), jnp.int32)
    ys = []
    for s in range(_NS):
        sl = slice(s * _RS, (s + 1) * _RS)
        idx = _topk_call(q[sl], store)
        g = _gather_call(kv, jnp.concatenate([idx.reshape(_BT), pad]))[:_BT]
        ys.append(_att_call(de[sl], qm[sl], g.reshape(_RS, _TOPK, _RD),
                            mWo, r1(mbo), out_W1, r1(out_b1), r1(out_g),
                            r1(out_be), out_W2, r1(out_b2)))
    y = jnp.concatenate(ys, axis=0)

    return y.reshape(_B, _N, _HOR, _OD).transpose(0, 2, 1, 3)

# --- scband reference (transcript-rebuilt; emitter-appended) ---
"""Pipeline reference for scband-rast-51805895524599 (READ-ONLY COPY).

The authoritative reference and input builder live on the scoring server;
editing this copy changes nothing except your own understanding.
"""

import jax, jax.numpy as jnp
import numpy as np

B, L, N, C = 32, 12, 325, 3
HOR, OD = 12, 1
TD, SD = 64, 32
F = TD + SD
ED, RD = 512, 512
NH = 8
DH = RD // NH
KDOCS = 4096
TOPK = 8
EL = 3
EPS = 1e-5


def _ln(x, g, b):
    m = x.mean(-1, keepdims=True)
    v = ((x - m) ** 2).mean(-1, keepdims=True)
    return (x - m) / jnp.sqrt(v + EPS) * g + b


def setup_inputs(seed: int = 0):
    key = jax.random.key(seed)
    ks = jax.random.split(key, 24)
    s = 0.02

    def p(k, shape, scale=s):
        return jax.random.normal(k, shape, dtype=jnp.float32) * scale

    inp = {}
    inp['history_data'] = jax.random.normal(ks[0], (B, L, N, C), dtype=jnp.float32)
    inp['W_temp'] = p(ks[1], (L * C, TD)); inp['b_temp'] = jnp.zeros((TD,), jnp.float32)
    inp['spatial_emb'] = p(ks[2], (N, SD), 1.0)
    inp['enc_W1'] = p(ks[3], (EL, F, F)); inp['enc_b1'] = jnp.zeros((EL, F), jnp.float32)
    inp['enc_g1'] = jnp.ones((EL, F), jnp.float32); inp['enc_be1'] = jnp.zeros((EL, F), jnp.float32)
    inp['enc_W2'] = p(ks[4], (EL, F, F)); inp['enc_b2'] = jnp.zeros((EL, F), jnp.float32)
    inp['enc_g2'] = jnp.ones((EL, F), jnp.float32); inp['enc_be2'] = jnp.zeros((EL, F), jnp.float32)
    inp['W_h2e'] = p(ks[5], (F, ED)); inp['b_h2e'] = jnp.zeros((ED,), jnp.float32)
    inp['Wq'] = p(ks[6], (ED, RD)); inp['bq'] = jnp.zeros((RD,), jnp.float32)
    inp['Wk'] = p(ks[7], (RD, RD)); inp['bk'] = jnp.zeros((RD,), jnp.float32)
    inp['Wv'] = p(ks[8], (RD, RD)); inp['bv'] = jnp.zeros((RD,), jnp.float32)
    inp['mWq'] = p(ks[9], (RD, RD)); inp['mbq'] = jnp.zeros((RD,), jnp.float32)
    inp['mWk'] = p(ks[10], (RD, RD)); inp['mbk'] = jnp.zeros((RD,), jnp.float32)
    inp['mWv'] = p(ks[11], (RD, RD)); inp['mbv'] = jnp.zeros((RD,), jnp.float32)
    inp['mWo'] = p(ks[12], (RD, RD)); inp['mbo'] = jnp.zeros((RD,), jnp.float32)
    inp['out_W1'] = p(ks[13], (ED + RD, ED + RD)); inp['out_b1'] = jnp.zeros((ED + RD,), jnp.float32)
    inp['out_g'] = jnp.ones((ED + RD,), jnp.float32); inp['out_be'] = jnp.zeros((ED + RD,), jnp.float32)
    inp['out_W2'] = p(ks[14], (ED + RD, HOR * OD)); inp['out_b2'] = jnp.zeros((HOR * OD,), jnp.float32)
    inp['store'] = p(ks[15], (KDOCS, RD), 1.0)
    return inp


def reference(history_data, W_temp, b_temp, spatial_emb, enc_W1, enc_b1, enc_g1, enc_be1,
              enc_W2, enc_b2, enc_g2, enc_be2, W_h2e, b_h2e, Wq, bq, Wk, bk, Wv, bv,
              mWq, mbq, mWk, mbk, mWv, mbv, mWo, mbo,
              out_W1, out_b1, out_g, out_be, out_W2, out_b2, store):
    # temporal 1x1 conv over (C*L) channels == per-node linear
    x = history_data.transpose(0, 2, 1, 3).reshape(B, N, L * C)
    t = x @ W_temp + b_temp                                   # [B, N, TD]
    sp = jnp.broadcast_to(spatial_emb[None], (B, N, SD))       # [B, N, SD]
    h = jnp.concatenate([t, sp], axis=-1)                      # [B, N, F]
    for i in range(EL):
        h = jax.nn.relu(_ln(h @ enc_W1[i] + enc_b1[i], enc_g1[i], enc_be1[i]))
        h = jax.nn.relu(_ln(h @ enc_W2[i] + enc_b2[i], enc_g2[i], enc_be2[i]))
    data_embed = h @ W_h2e + b_h2e                             # [B, N, ED]
    q = (data_embed @ Wq + bq).reshape(B * N, RD)              # queries
    # kNN retrieval against document store
    sim = q @ store.T                                          # [B*N, KDOCS]
    _, idx = jax.lax.top_k(sim, TOPK)                          # [B*N, TOPK]
    ret = store[idx]                                           # [B*N, TOPK, RD]
    kk = ret @ Wk + bk
    vv = ret @ Wv + bv
    # multi-head cross attention: 1 query token over TOPK retrieved tokens
    qh = (q @ mWq + mbq).reshape(B * N, 1, NH, DH).transpose(0, 2, 1, 3)
    kh = (kk @ mWk + mbk).reshape(B * N, TOPK, NH, DH).transpose(0, 2, 1, 3)
    vh = (vv @ mWv + mbv).reshape(B * N, TOPK, NH, DH).transpose(0, 2, 1, 3)
    att = jax.nn.softmax(jnp.einsum('bhqd,bhkd->bhqk', qh, kh) / jnp.sqrt(float(DH)), axis=-1)
    o = jnp.einsum('bhqk,bhkd->bhqd', att, vh).transpose(0, 2, 1, 3).reshape(B * N, RD)
    retr_out = (o @ mWo + mbo).reshape(B, N, RD)
    comb = jnp.concatenate([data_embed, retr_out], axis=-1)    # [B, N, ED+RD]
    y = jax.nn.relu(_ln(comb @ out_W1 + out_b1, out_g, out_be))
    y = y @ out_W2 + out_b2                                    # [B, N, HOR*OD]
    return y.reshape(B, N, HOR, OD).transpose(0, 2, 1, 3)      # [B, HOR, N, OD]

if __name__ == "__main__":
    import jax
    _d = setup_inputs()
    print(jax.jit(kernel)(*tuple(_d.values())))

</pallas_src>

<mosaic_0001>
#map = affine_map<(d0, d1) -> (0, 0)>
#map1 = affine_map<(d0, d1) -> (0)>
module attributes {stable_mosaic.version = 14 : i64} {
  func.func @_sc_gather(%arg0: i32, %arg1: i32, %arg2: memref<4096x512xi32, #tpu.memory_space<hbm>>, %arg3: memref<43008xi32, #tpu.memory_space<hbm>>, %arg4: memref<43008x512xi32, #tpu.memory_space<hbm>>, %arg5: memref<1344xi32, #tpu.memory_space<vmem>>, %arg6: memref<2x112x512xi32, #tpu.memory_space<vmem>>, %arg7: memref<!tpu.dma_semaphore, #tpu.memory_space<semaphore_mem>>, %arg8: memref<!tpu.dma_semaphore, #tpu.memory_space<semaphore_mem>>, %arg9: memref<!tpu.dma_semaphore, #tpu.memory_space<semaphore_mem>>, %arg10: memref<!tpu.dma_semaphore, #tpu.memory_space<semaphore_mem>>) attributes {dimension_semantics = [#tpu.dimension_semantics<core_parallel>, #tpu.dimension_semantics<subcore_parallel>], iteration_bounds = array<i64: 2, 16>, scalar_prefetch = 0 : i64, scratch_operands = 6 : i64, tpu.core_type = #tpu.core_type<sc_vector_subcore>, window_params = [{transform_indices = #map}, {transform_indices = #map1}, {transform_indices = #map}]} {
    %mul3A = arith.constant 2 : i32
    %mul3A_0 = arith.muli %arg1, %mul3A : i32
    %add3A = arith.addi %mul3A_0, %arg0 : i32
    %mul3A_1 = arith.constant 1344 : i32
    %mul3A_2 = arith.muli %add3A, %mul3A_1 : i32
    "tpu.region"() ({
      %run_scoped3A = tpu.sem_alloc : memref<!tpu.dma_semaphore, #tpu.memory_space<semaphore_mem>>
      %dma_start3A_373 = tpu.memref_slice %arg3[%mul3A_2] : memref<43008xi32, #tpu.memory_space<hbm>> -> memref<1344xi32, #tpu.memory_space<hbm>>
      %dma_start3A_374 = tpu.memref_slice %arg3[%mul3A_2] : memref<43008xi32, #tpu.memory_space<hbm>> -> memref<1344xi32, #tpu.memory_space<hbm>>
      tpu.enqueue_dma source(%dma_start3A_374 : memref<1344xi32, #tpu.memory_space<hbm>>) target(%arg5 : memref<1344xi32, #tpu.memory_space<vmem>>) target_semaphore(%run_scoped3A : memref<!tpu.dma_semaphore, #tpu.memory_space<semaphore_mem>>)
      %dma_wait3A_375 = tpu.memref_slice %arg3[%mul3A_2] : memref<43008xi32, #tpu.memory_space<hbm>> -> memref<1344xi32, #tpu.memory_space<hbm>>
      %dma_wait3A_376 = tpu.memref_slice %arg3[%mul3A_2] : memref<43008xi32, #tpu.memory_space<hbm>> -> memref<1344xi32, #tpu.memory_space<hbm>>
      tpu.wait_dma2 semaphore(%run_scoped3A : memref<!tpu.dma_semaphore, #tpu.memory_space<semaphore_mem>>) src(%dma_wait3A_376 : memref<1344xi32, #tpu.memory_space<hbm>>) dst(%arg5 : memref<1344xi32, #tpu.memory_space<vmem>>)
      tpu.yield
    }) : () -> ()
    %get3A = arith.constant 0 : index
    %get3A_3 = tpu.vector_load %arg5[%get3A] {strides = array<i32>} : memref<1344xi32, #tpu.memory_space<vmem>>, vector<16xi32>,
    %get3A_4 = vector.shape_cast %get3A_3 : vector<16xi32> to vector<16xi32>
    %dma_start3A = arith.constant 0 : i32
    %dma_start3A_5 = arith.constant 0 : i32
    %dma_start3A_6 = arith.constant 0 : i32
    %dma_start3A_7 = tpu.memref_slice %arg6[%dma_start3A, %dma_start3A_5, %dma_start3A_6] : memref<2x112x512xi32, #tpu.memory_space<vmem>> -> memref<1x16x512xi32, #tpu.memory_space<vmem>>
    %dma_start3A_8 = tpu.memref_squeeze %dma_start3A_7 : memref<1x16x512xi32, #tpu.memory_space<vmem>> -> memref<16x512xi32, #tpu.memory_space<vmem>>
    %dma_start3A_9 = arith.constant 0 : i32
    %dma_start3A_10 = arith.constant 0 : i32
    %dma_start3A_11 = tpu.memref_slice %arg2[%dma_start3A_9, %dma_start3A_10] : memref<4096x512xi32, #tpu.memory_space<hbm>> -> memref<4096x512xi32, #tpu.memory_space<hbm>>
    tpu.enqueue_indirect_dma source(%dma_start3A_11 : memref<4096x512xi32, #tpu.memory_space<hbm>>) target(%dma_start3A_8 : memref<16x512xi32, #tpu.memory_space<vmem>>) offsets(%get3A_4 : vector<16xi32>) semaphore(%arg7 : memref<!tpu.dma_semaphore, #tpu.memory_space<semaphore_mem>>)
    %get3A_12 = arith.constant 16 : index
    %get3A_13 = tpu.vector_load %arg5[%get3A_12] {strides = array<i32>} : memref<1344xi32, #tpu.memory_space<vmem>>, vector<16xi32>,
    %get3A_14 = vector.shape_cast %get3A_13 : vector<16xi32> to vector<16xi32>
    %dma_start3A_15 = arith.constant 0 : i32
    %dma_start3A_16 = arith.constant 16 : i32
    %dma_start3A_17 = arith.constant 0 : i32
    %dma_start3A_18 = tpu.memref_slice %arg6[%dma_start3A_15, %dma_start3A_16, %dma_start3A_17] : memref<2x112x512xi32, #tpu.memory_space<vmem>> -> memref<1x16x512xi32, #tpu.memory_space<vmem>>
    %dma_start3A_19 = tpu.memref_squeeze %dma_start3A_18 : memref<1x16x512xi32, #tpu.memory_space<vmem>> -> memref<16x512xi32, #tpu.memory_space<vmem>>
    %dma_start3A_20 = arith.constant 0 : i32
    %dma_start3A_21 = arith.constant 0 : i32
    %dma_start3A_22 = tpu.memref_slice %arg2[%dma_start3A_20, %dma_start3A_21] : memref<4096x512xi32, #tpu.memory_space<hbm>> -> memref<4096x512xi32, #tpu.memory_space<hbm>>
    tpu.enqueue_indirect_dma source(%dma_start3A_22 : memref<4096x512xi32, #tpu.memory_space<hbm>>) target(%dma_start3A_19 : memref<16x512xi32, #tpu.memory_space<vmem>>) offsets(%get3A_14 : vector<16xi32>) semaphore(%arg7 : memref<!tpu.dma_semaphore, #tpu.memory_space<semaphore_mem>>)
    %get3A_23 = arith.constant 32 : index
    %get3A_24 = tpu.vector_load %arg5[%get3A_23] {strides = array<i32>} : memref<1344xi32, #tpu.memory_space<vmem>>, vector<16xi32>,
    %get3A_25 = vector.shape_cast %get3A_24 : vector<16xi32> to vector<16xi32>
    %dma_start3A_26 = arith.constant 0 : i32
    %dma_start3A_27 = arith.constant 32 : i32
    %dma_start3A_28 = arith.constant 0 : i32
    %dma_start3A_29 = tpu.memref_slice %arg6[%dma_start3A_26, %dma_start3A_27, %dma_start3A_28] : memref<2x112x512xi32, #tpu.memory_space<vmem>> -> memref<1x16x512xi32, #tpu.memory_space<vmem>>
    %dma_start3A_30 = tpu.memref_squeeze %dma_start3A_29 : memref<1x16x512xi32, #tpu.memory_space<vmem>> -> memref<16x512xi32, #tpu.memory_space<vmem>>
    %dma_start3A_31 = arith.constant 0 : i32
    %dma_start3A_32 = arith.constant 0 : i32
    %dma_start3A_33 = tpu.memref_slice %arg2[%dma_start3A_31, %dma_start3A_32] : memref<4096x512xi32, #tpu.memory_space<hbm>> -> memref<4096x512xi32, #tpu.memory_space<hbm>>
    tpu.enqueue_indirect_dma source(%dma_start3A_33 : memref<4096x512xi32, #tpu.memory_space<hbm>>) target(%dma_start3A_30 : memref<16x512xi32, #tpu.memory_space<vmem>>) offsets(%get3A_25 : vector<16xi32>) semaphore(%arg7 : memref<!tpu.dma_semaphore, #tpu.memory_space<semaphore_mem>>)
    %get3A_34 = arith.constant 48 : index
    %get3A_35 = tpu.vector_load %arg5[%get3A_34] {strides = array<i32>} : memref<1344xi32, #tpu.memory_space<vmem>>, vector<16xi32>,
    %get3A_36 = vector.shape_cast %get3A_35 : vector<16xi32> to vector<16xi32>
    %dma_start3A_37 = arith.constant 0 : i32
    %dma_start3A_38 = arith.constant 48 : i32
    %dma_start3A_39 = arith.constant 0 : i32
    %dma_start3A_40 = tpu.memref_slice %arg6[%dma_start3A_37, %dma_start3A_38, %dma_start3A_39] : memref<2x112x512xi32, #tpu.memory_space<vmem>> -> memref<1x16x512xi32, #tpu.memory_space<vmem>>
    %dma_start3A_41 = tpu.memref_squeeze %dma_start3A_40 : memref<1x16x512xi32, #tpu.memory_space<vmem>> -> memref<16x512xi32, #tpu.memory_space<vmem>>
    %dma_start3A_42 = arith.constant 0 : i32
    %dma_start3A_43 = arith.constant 0 : i32
    %dma_start3A_44 = tpu.memref_slice %arg2[%dma_start3A_42, %dma_start3A_43] : memref<4096x512xi32, #tpu.memory_space<hbm>> -> memref<4096x512xi32, #tpu.memory_space<hbm>>
    tpu.enqueue_indirect_dma source(%dma_start3A_44 : memref<4096x512xi32, #tpu.memory_space<hbm>>) target(%dma_start3A_41 : memref<16x512xi32, #tpu.memory_space<vmem>>) offsets(%get3A_36 : vector<16xi32>) semaphore(%arg7 : memref<!tpu.dma_semaphore, #tpu.memory_space<semaphore_mem>>)
    %get3A_45 = arith.constant 64 : index
    %get3A_46 = tpu.vector_load %arg5[%get3A_45] {strides = array<i32>} : memref<1344xi32, #tpu.memory_space<vmem>>, vector<16xi32>,
    %get3A_47 = vector.shape_cast %get3A_46 : vector<16xi32> to vector<16xi32>
    %dma_start3A_48 = arith.constant 0 : i32
    %dma_start3A_49 = arith.constant 64 : i32
    %dma_start3A_50 = arith.constant 0 : i32
    %dma_start3A_51 = tpu.memref_slice %arg6[%dma_start3A_48, %dma_start3A_49, %dma_start3A_50] : memref<2x112x512xi32, #tpu.memory_space<vmem>> -> memref<1x16x512xi32, #tpu.memory_space<vmem>>
    %dma_start3A_52 = tpu.memref_squeeze %dma_start3A_51 : memref<1x16x512xi32, #tpu.memory_space<vmem>> -> memref<16x512xi32, #tpu.memory_space<vmem>>
    %dma_start3A_53 = arith.constant 0 : i32
    %dma_start3A_54 = arith.constant 0 : i32
    %dma_start3A_55 = tpu.memref_slice %arg2[%dma_start3A_53, %dma_start3A_54] : memref<4096x512xi32, #tpu.memory_space<hbm>> -> memref<4096x512xi32, #tpu.memory_space<hbm>>
    tpu.enqueue_indirect_dma source(%dma_start3A_55 : memref<4096x512xi32, #tpu.memory_space<hbm>>) target(%dma_start3A_52 : memref<16x512xi32, #tpu.memory_space<vmem>>) offsets(%get3A_47 : vector<16xi32>) semaphore(%arg7 : memref<!tpu.dma_semaphore, #tpu.memory_space<semaphore_mem>>)
    %get3A_56 = arith.constant 80 : index
    %get3A_57 = tpu.vector_load %arg5[%get3A_56] {strides = array<i32>} : memref<1344xi32, #tpu.memory_space<vmem>>, vector<16xi32>,
    %get3A_58 = vector.shape_cast %get3A_57 : vector<16xi32> to vector<16xi32>
    %dma_start3A_59 = arith.constant 0 : i32
    %dma_start3A_60 = arith.constant 80 : i32
    %dma_start3A_61 = arith.constant 0 : i32
    %dma_start3A_62 = tpu.memref_slice %arg6[%dma_start3A_59, %dma_start3A_60, %dma_start3A_61] : memref<2x112x512xi32, #tpu.memory_space<vmem>> -> memref<1x16x512xi32, #tpu.memory_space<vmem>>
    %dma_start3A_63 = tpu.memref_squeeze %dma_start3A_62 : memref<1x16x512xi32, #tpu.memory_space<vmem>> -> memref<16x512xi32, #tpu.memory_space<vmem>>
    %dma_start3A_64 = arith.constant 0 : i32
    %dma_start3A_65 = arith.constant 0 : i32
    %dma_start3A_66 = tpu.memref_slice %arg2[%dma_start3A_64, %dma_start3A_65] : memref<4096x512xi32, #tpu.memory_space<hbm>> -> memref<4096x512xi32, #tpu.memory_space<hbm>>
    tpu.enqueue_indirect_dma source(%dma_start3A_66 : memref<4096x512xi32, #tpu.memory_space<hbm>>) target(%dma_start3A_63 : memref<16x512xi32, #tpu.memory_space<vmem>>) offsets(%get3A_58 : vector<16xi32>) semaphore(%arg7 : memref<!tpu.dma_semaphore, #tpu.memory_space<semaphore_mem>>)
    %get3A_67 = arith.constant 96 : index
    %get3A_68 = tpu.vector_load %arg5[%get3A_67] {strides = array<i32>} : memref<1344xi32, #tpu.memory_space<vmem>>, vector<16xi32>,
    %get3A_69 = vector.shape_cast %get3A_68 : vector<16xi32> to vector<16xi32>
    %dma_start3A_70 = arith.constant 0 : i32
    %dma_start3A_71 = arith.constant 96 : i32
    %dma_start3A_72 = arith.constant 0 : i32
    %dma_start3A_73 = tpu.memref_slice %arg6[%dma_start3A_70, %dma_start3A_71, %dma_start3A_72] : memref<2x112x512xi32, #tpu.memory_space<vmem>> -> memref<1x16x512xi32, #tpu.memory_space<vmem>>
    %dma_start3A_74 = tpu.memref_squeeze %dma_start3A_73 : memref<1x16x512xi32, #tpu.memory_space<vmem>> -> memref<16x512xi32, #tpu.memory_space<vmem>>
    %dma_start3A_75 = arith.constant 0 : i32
    %dma_start3A_76 = arith.constant 0 : i32
    %dma_start3A_77 = tpu.memref_slice %arg2[%dma_start3A_75, %dma_start3A_76] : memref<4096x512xi32, #tpu.memory_space<hbm>> -> memref<4096x512xi32, #tpu.memory_space<hbm>>
    tpu.enqueue_indirect_dma source(%dma_start3A_77 : memref<4096x512xi32, #tpu.memory_space<hbm>>) target(%dma_start3A_74 : memref<16x512xi32, #tpu.memory_space<vmem>>) offsets(%get3A_69 : vector<16xi32>) semaphore(%arg7 : memref<!tpu.dma_semaphore, #tpu.memory_space<semaphore_mem>>)
    %get3A_78 = arith.constant 112 : index
    %get3A_79 = tpu.vector_load %arg5[%get3A_78] {strides = array<i32>} : memref<1344xi32, #tpu.memory_space<vmem>>, vector<16xi32>,
    %get3A_80 = vector.shape_cast %get3A_79 : vector<16xi32> to vector<16xi32>
    %dma_start3A_81 = arith.constant 1 : i32
    %dma_start3A_82 = arith.constant 0 : i32
    %dma_start3A_83 = arith.constant 0 : i32
    %dma_start3A_84 = tpu.memref_slice %arg6[%dma_start3A_81, %dma_start3A_82, %dma_start3A_83] : memref<2x112x512xi32, #tpu.memory_space<vmem>> -> memref<1x16x512xi32, #tpu.memory_space<vmem>>
    %dma_start3A_85 = tpu.memref_squeeze %dma_start3A_84 : memref<1x16x512xi32, #tpu.memory_space<vmem>> -> memref<16x512xi32, #tpu.memory_space<vmem>>
    %dma_start3A_86 = arith.constant 0 : i32
    %dma_start3A_87 = arith.constant 0 : i32
    %dma_start3A_88 = tpu.memref_slice %arg2[%dma_start3A_86, %dma_start3A_87] : memref<4096x512xi32, #tpu.memory_space<hbm>> -> memref<4096x512xi32, #tpu.memory_space<hbm>>
    tpu.enqueue_indirect_dma source(%dma_start3A_88 : memref<4096x512xi32, #tpu.memory_space<hbm>>) target(%dma_start3A_85 : memref<16x512xi32, #tpu.memory_space<vmem>>) offsets(%get3A_80 : vector<16xi32>) semaphore(%arg8 : memref<!tpu.dma_semaphore, #tpu.memory_space<semaphore_mem>>)
    %get3A_89 = arith.constant 128 : index
    %get3A_90 = tpu.vector_load %arg5[%get3A_89] {strides = array<i32>} : memref<1344xi32, #tpu.memory_space<vmem>>, vector<16xi32>,
    %get3A_91 = vector.shape_cast %get3A_90 : vector<16xi32> to vector<16xi32>
    %dma_start3A_92 = arith.constant 1 : i32
    %dma_start3A_93 = arith.constant 16 : i32
    %dma_start3A_94 = arith.constant 0 : i32
    %dma_start3A_95 = tpu.memref_slice %arg6[%dma_start3A_92, %dma_start3A_93, %dma_start3A_94] : memref<2x112x512xi32, #tpu.memory_space<vmem>> -> memref<1x16x512xi32, #tpu.memory_space<vmem>>
    %dma_start3A_96 = tpu.memref_squeeze %dma_start3A_95 : memref<1x16x512xi32, #tpu.memory_space<vmem>> -> memref<16x512xi32, #tpu.memory_space<vmem>>
    %dma_start3A_97 = arith.constant 0 : i32
    %dma_start3A_98 = arith.constant 0 : i32
    %dma_start3A_99 = tpu.memref_slice %arg2[%dma_start3A_97, %dma_start3A_98] : memref<4096x512xi32, #tpu.memory_space<hbm>> -> memref<4096x512xi32, #tpu.memory_space<hbm>>
    tpu.enqueue_indirect_dma source(%dma_start3A_99 : memref<4096x512xi32, #tpu.memory_space<hbm>>) target(%dma_start3A_96 : memref<16x512xi32, #tpu.memory_space<vmem>>) offsets(%get3A_91 : vector<16xi32>) semaphore(%arg8 : memref<!tpu.dma_semaphore, #tpu.memory_space<semaphore_mem>>)
    %get3A_100 = arith.constant 144 : index
    %get3A_101 = tpu.vector_load %arg5[%get3A_100] {strides = array<i32>} : memref<1344xi32, #tpu.memory_space<vmem>>, vector<16xi32>,
    %get3A_102 = vector.shape_cast %get3A_101 : vector<16xi32> to vector<16xi32>
    %dma_start3A_103 = arith.constant 1 : i32
    %dma_start3A_104 = arith.constant 32 : i32
    %dma_start3A_105 = arith.constant 0 : i32
    %dma_start3A_106 = tpu.memref_slice %arg6[%dma_start3A_103, %dma_start3A_104, %dma_start3A_105] : memref<2x112x512xi32, #tpu.memory_space<vmem>> -> memref<1x16x512xi32, #tpu.memory_space<vmem>>
    %dma_start3A_107 = tpu.memref_squeeze %dma_start3A_106 : memref<1x16x512xi32, #tpu.memory_space<vmem>> -> memref<16x512xi32, #tpu.memory_space<vmem>>
    %dma_start3A_108 = arith.constant 0 : i32
    %dma_start3A_109 = arith.constant 0 : i32
    %dma_start3A_110 = tpu.memref_slice %arg2[%dma_start3A_108, %dma_start3A_109] : memref<4096x512xi32, #tpu.memory_space<hbm>> -> memref<4096x512xi32, #tpu.memory_space<hbm>>
    tpu.enqueue_indirect_dma source(%dma_start3A_110 : memref<4096x512xi32, #tpu.memory_space<hbm>>) target(%dma_start3A_107 : memref<16x512xi32, #tpu.memory_space<vmem>>) offsets(%get3A_102 : vector<16xi32>) semaphore(%arg8 : memref<!tpu.dma_semaphore, #tpu.memory_space<semaphore_mem>>)
    %get3A_111 = arith.constant 160 : index
    %get3A_112 = tpu.vector_load %arg5[%get3A_111] {strides = array<i32>} : memref<1344xi32, #tpu.memory_space<vmem>>, vector<16xi32>,
    %get3A_113 = vector.shape_cast %get3A_112 : vector<16xi32> to vector<16xi32>
    %dma_start3A_114 = arith.constant 1 : i32
    %dma_start3A_115 = arith.constant 48 : i32
    %dma_start3A_116 = arith.constant 0 : i32
    %dma_start3A_117 = tpu.memref_slice %arg6[%dma_start3A_114, %dma_start3A_115, %dma_start3A_116] : memref<2x112x512xi32, #tpu.memory_space<vmem>> -> memref<1x16x512xi32, #tpu.memory_space<vmem>>
    %dma_start3A_118 = tpu.memref_squeeze %dma_start3A_117 : memref<1x16x512xi32, #tpu.memory_space<vmem>> -> memref<16x512xi32, #tpu.memory_space<vmem>>
    %dma_start3A_119 = arith.constant 0 : i32
    %dma_start3A_120 = arith.constant 0 : i32
    %dma_start3A_121 = tpu.memref_slice %arg2[%dma_start3A_119, %dma_start3A_120] : memref<4096x512xi32, #tpu.memory_space<hbm>> -> memref<4096x512xi32, #tpu.memory_space<hbm>>
    tpu.enqueue_indirect_dma source(%dma_start3A_121 : memref<4096x512xi32, #tpu.memory_space<hbm>>) target(%dma_start3A_118 : memref<16x512xi32, #tpu.memory_space<vmem>>) offsets(%get3A_113 : vector<16xi32>) semaphore(%arg8 : memref<!tpu.dma_semaphore, #tpu.memory_space<semaphore_mem>>)
    %get3A_122 = arith.constant 176 : index
    %get3A_123 = tpu.vector_load %arg5[%get3A_122] {strides = array<i32>} : memref<1344xi32, #tpu.memory_space<vmem>>, vector<16xi32>,
    %get3A_124 = vector.shape_cast %get3A_123 : vector<16xi32> to vector<16xi32>
    %dma_start3A_125 = arith.constant 1 : i32
    %dma_start3A_126 = arith.constant 64 : i32
    %dma_start3A_127 = arith.constant 0 : i32
    %dma_start3A_128 = tpu.memref_slice %arg6[%dma_start3A_125, %dma_start3A_126, %dma_start3A_127] : memref<2x112x512xi32, #tpu.memory_space<vmem>> -> memref<1x16x512xi32, #tpu.memory_space<vmem>>
    %dma_start3A_129 = tpu.memref_squeeze %dma_start3A_128 : memref<1x16x512xi32, #tpu.memory_space<vmem>> -> memref<16x512xi32, #tpu.memory_space<vmem>>
    %dma_start3A_130 = arith.constant 0 : i32
    %dma_start3A_131 = arith.constant 0 : i32
    %dma_start3A_132 = tpu.memref_slice %arg2[%dma_start3A_130, %dma_start3A_131] : memref<4096x512xi32, #tpu.memory_space<hbm>> -> memref<4096x512xi32, #tpu.memory_space<hbm>>
    tpu.enqueue_indirect_dma source(%dma_start3A_132 : memref<4096x512xi32, #tpu.memory_space<hbm>>) target(%dma_start3A_129 : memref<16x512xi32, #tpu.memory_space<vmem>>) offsets(%get3A_124 : vector<16xi32>) semaphore(%arg8 : memref<!tpu.dma_semaphore, #tpu.memory_space<semaphore_mem>>)
    %get3A_133 = arith.constant 192 : index
    %get3A_134 = tpu.vector_load %arg5[%get3A_133] {strides = array<i32>} : memref<1344xi32, #tpu.memory_space<vmem>>, vector<16xi32>,
    %get3A_135 = vector.shape_cast %get3A_134 : vector<16xi32> to vector<16xi32>
    %dma_start3A_136 = arith.constant 1 : i32
    %dma_start3A_137 = arith.constant 80 : i32
    %dma_start3A_138 = arith.constant 0 : i32
    %dma_start3A_139 = tpu.memref_slice %arg6[%dma_start3A_136, %dma_start3A_137, %dma_start3A_138] : memref<2x112x512xi32, #tpu.memory_space<vmem>> -> memref<1x16x512xi32, #tpu.memory_space<vmem>>
    %dma_start3A_140 = tpu.memref_squeeze %dma_start3A_139 : memref<1x16x512xi32, #tpu.memory_space<vmem>> -> memref<16x512xi32, #tpu.memory_space<vmem>>
    %dma_start3A_141 = arith.constant 0 : i32
    %dma_start3A_142 = arith.constant 0 : i32
    %dma_start3A_143 = tpu.memref_slice %arg2[%dma_start3A_141, %dma_start3A_142] : memref<4096x512xi32, #tpu.memory_space<hbm>> -> memref<4096x512xi32, #tpu.memory_space<hbm>>
    tpu.enqueue_indirect_dma source(%dma_start3A_143 : memref<4096x512xi32, #tpu.memory_space<hbm>>) target(%dma_start3A_140 : memref<16x512xi32, #tpu.memory_space<vmem>>) offsets(%get3A_135 : vector<16xi32>) semaphore(%arg8 : memref<!tpu.dma_semaphore, #tpu.memory_space<semaphore_mem>>)
    %get3A_144 = arith.constant 208 : index
    %get3A_145 = tpu.vector_load %arg5[%get3A_144] {strides = array<i32>} : memref<1344xi32, #tpu.memory_space<vmem>>, vector<16xi32>,
    %get3A_146 = vector.shape_cast %get3A_145 : vector<16xi32> to vector<16xi32>
    %dma_start3A_147 = arith.constant 1 : i32
    %dma_start3A_148 = arith.constant 96 : i32
    %dma_start3A_149 = arith.constant 0 : i32
    %dma_start3A_150 = tpu.memref_slice %arg6[%dma_start3A_147, %dma_start3A_148, %dma_start3A_149] : memref<2x112x512xi32, #tpu.memory_space<vmem>> -> memref<1x16x512xi32, #tpu.memory_space<vmem>>
    %dma_start3A_151 = tpu.memref_squeeze %dma_start3A_150 : memref<1x16x512xi32, #tpu.memory_space<vmem>> -> memref<16x512xi32, #tpu.memory_space<vmem>>
    %dma_start3A_152 = arith.constant 0 : i32
    %dma_start3A_153 = arith.constant 0 : i32
    %dma_start3A_154 = tpu.memref_slice %arg2[%dma_start3A_152, %dma_start3A_153] : memref<4096x512xi32, #tpu.memory_space<hbm>> -> memref<4096x512xi32, #tpu.memory_space<hbm>>
    tpu.enqueue_indirect_dma source(%dma_start3A_154 : memref<4096x512xi32, #tpu.memory_space<hbm>>) target(%dma_start3A_151 : memref<16x512xi32, #tpu.memory_space<vmem>>) offsets(%get3A_146 : vector<16xi32>) semaphore(%arg8 : memref<!tpu.dma_semaphore, #tpu.memory_space<semaphore_mem>>)
    %scan3A = arith.constant 0 : i32
    %scan3A_155 = arith.constant 0 : i32
    %scan3A_156 = arith.constant 5 : i32
    %scan3A_157 = arith.addi %scan3A_155, %scan3A_156 : i32
    %scan3A_158 = arith.constant 1 : i32
    scf.for %scan3A_373 = %scan3A_155 to %scan3A_157 step %scan3A_158  : i32 {
      %mul3A_374 = arith.constant 2 : i32
      %mul3A_375 = arith.muli %mul3A_374, %scan3A_373 : i32
      %mul3A_376 = arith.constant 2 : i32
      %mul3A_377 = arith.muli %mul3A_376, %scan3A_373 : i32
      %add3A_378 = arith.constant 1 : i32
      %add3A_379 = arith.addi %mul3A_377, %add3A_378 : i32
      %get3A_380 = arith.constant 0 : index
      %get3A_381 = tpu.vector_load %arg5[%get3A_380] {strides = array<i32>} : memref<1344xi32, #tpu.memory_space<vmem>>, vector<16xi32>,
      %get3A_382 = vector.shape_cast %get3A_381 : vector<16xi32> to vector<16xi32>
      %dma_wait3A_383 = arith.constant 0 : i32
      %dma_wait3A_384 = arith.constant 0 : i32
      %dma_wait3A_385 = arith.constant 0 : i32
      %dma_wait3A_386 = tpu.memref_slice %arg6[%dma_wait3A_383, %dma_wait3A_384, %dma_wait3A_385] : memref<2x112x512xi32, #tpu.memory_space<vmem>> -> memref<1x16x512xi32, #tpu.memory_space<vmem>>
      %dma_wait3A_387 = tpu.memref_squeeze %dma_wait3A_386 : memref<1x16x512xi32, #tpu.memory_space<vmem>> -> memref<16x512xi32, #tpu.memory_space<vmem>>
      %dma_wait3A_388 = arith.constant 0 : i32
      %dma_wait3A_389 = arith.constant 0 : i32
      %dma_wait3A_390 = tpu.memref_slice %arg2[%dma_wait3A_388, %dma_wait3A_389] : memref<4096x512xi32, #tpu.memory_space<hbm>> -> memref<4096x512xi32, #tpu.memory_space<hbm>>
      tpu.wait_indirect_dma semaphore(%arg7 : memref<!tpu.dma_semaphore, #tpu.memory_space<semaphore_mem>>) src(%dma_wait3A_390 : memref<4096x512xi32, #tpu.memory_space<hbm>>) dst(%dma_wait3A_387 : memref<16x512xi32, #tpu.memory_space<vmem>>)
      %get3A_391 = arith.constant 16 : index
      %get3A_392 = tpu.vector_load %arg5[%get3A_391] {strides = array<i32>} : memref<1344xi32, #tpu.memory_space<vmem>>, vector<16xi32>,
      %get3A_393 = vector.shape_cast %get3A_392 : vector<16xi32> to vector<16xi32>
      %dma_wait3A_394 = arith.constant 0 : i32
      %dma_wait3A_395 = arith.constant 16 : i32
      %dma_wait3A_396 = arith.constant 0 : i32
      %dma_wait3A_397 = tpu.memref_slice %arg6[%dma_wait3A_394, %dma_wait3A_395, %dma_wait3A_396] : memref<2x112x512xi32, #tpu.memory_space<vmem>> -> memref<1x16x512xi32, #tpu.memory_space<vmem>>
      %dma_wait3A_398 = tpu.memref_squeeze %dma_wait3A_397 : memref<1x16x512xi32, #tpu.memory_space<vmem>> -> memref<16x512xi32, #tpu.memory_space<vmem>>
      %dma_wait3A_399 = arith.constant 0 : i32
      %dma_wait3A_400 = arith.constant 0 : i32
      %dma_wait3A_401 = tpu.memref_slice %arg2[%dma_wait3A_399, %dma_wait3A_400] : memref<4096x512xi32, #tpu.memory_space<hbm>> -> memref<4096x512xi32, #tpu.memory_space<hbm>>
      tpu.wait_indirect_dma semaphore(%arg7 : memref<!tpu.dma_semaphore, #tpu.memory_space<semaphore_mem>>) src(%dma_wait3A_401 : memref<4096x512xi32, #tpu.memory_space<hbm>>) dst(%dma_wait3A_398 : memref<16x512xi32, #tpu.memory_space<vmem>>)
      %get3A_402 = arith.constant 32 : index
      %get3A_403 = tpu.vector_load %arg5[%get3A_402] {strides = array<i32>} : memref<1344xi32, #tpu.memory_space<vmem>>, vector<16xi32>,
      %get3A_404 = vector.shape_cast %get3A_403 : vector<16xi32> to vector<16xi32>
      %dma_wait3A_405 = arith.constant 0 : i32
      %dma_wait3A_406 = arith.constant 32 : i32
      %dma_wait3A_407 = arith.constant 0 : i32
      %dma_wait3A_408 = tpu.memref_slice %arg6[%dma_wait3A_405, %dma_wait3A_406, %dma_wait3A_407] : memref<2x112x512xi32, #tpu.memory_space<vmem>> -> memref<1x16x512xi32, #tpu.memory_space<vmem>>
      %dma_wait3A_409 = tpu.memref_squeeze %dma_wait3A_408 : memref<1x16x512xi32, #tpu.memory_space<vmem>> -> memref<16x512xi32, #tpu.memory_space<vmem>>
      %dma_wait3A_410 = arith.constant 0 : i32
      %dma_wait3A_411 = arith.constant 0 : i32
      %dma_wait3A_412 = tpu.memref_slice %arg2[%dma_wait3A_410, %dma_wait3A_411] : memref<4096x512xi32, #tpu.memory_space<hbm>> -> memref<4096x512xi32, #tpu.memory_space<hbm>>
      tpu.wait_indirect_dma semaphore(%arg7 : memref<!tpu.dma_semaphore, #tpu.memory_space<semaphore_mem>>) src(%dma_wait3A_412 : memref<4096x512xi32, #tpu.memory_space<hbm>>) dst(%dma_wait3A_409 : memref<16x512xi32, #tpu.memory_space<vmem>>)
      %get3A_413 = arith.constant 48 : index
      %get3A_414 = tpu.vector_load %arg5[%get3A_413] {strides = array<i32>} : memref<1344xi32, #tpu.memory_space<vmem>>, vector<16xi32>,
      %get3A_415 = vector.shape_cast %get3A_414 : vector<16xi32> to vector<16xi32>
      %dma_wait3A_416 = arith.constant 0 : i32
      %dma_wait3A_417 = arith.constant 48 : i32
      %dma_wait3A_418 = arith.constant 0 : i32
      %dma_wait3A_419 = tpu.memref_slice %arg6[%dma_wait3A_416, %dma_wait3A_417, %dma_wait3A_418] : memref<2x112x512xi32, #tpu.memory_space<vmem>> -> memref<1x16x512xi32, #tpu.memory_space<vmem>>
      %dma_wait3A_420 = tpu.memref_squeeze %dma_wait3A_419 : memref<1x16x512xi32, #tpu.memory_space<vmem>> -> memref<16x512xi32, #tpu.memory_space<vmem>>
      %dma_wait3A_421 = arith.constant 0 : i32
      %dma_wait3A_422 = arith.constant 0 : i32
      %dma_wait3A_423 = tpu.memref_slice %arg2[%dma_wait3A_421, %dma_wait3A_422] : memref<4096x512xi32, #tpu.memory_space<hbm>> -> memref<4096x512xi32, #tpu.memory_space<hbm>>
      tpu.wait_indirect_dma semaphore(%arg7 : memref<!tpu.dma_semaphore, #tpu.memory_space<semaphore_mem>>) src(%dma_wait3A_423 : memref<4096x512xi32, #tpu.memory_space<hbm>>) dst(%dma_wait3A_420 : memref<16x512xi32, #tpu.memory_space<vmem>>)
      %get3A_424 = arith.constant 64 : index
      %get3A_425 = tpu.vector_load %arg5[%get3A_424] {strides = array<i32>} : memref<1344xi32, #tpu.memory_space<vmem>>, vector<16xi32>,
      %get3A_426 = vector.shape_cast %get3A_425 : vector<16xi32> to vector<16xi32>
      %dma_wait3A_427 = arith.constant 0 : i32
      %dma_wait3A_428 = arith.constant 64 : i32
      %dma_wait3A_429 = arith.constant 0 : i32
      %dma_wait3A_430 = tpu.memref_slice %arg6[%dma_wait3A_427, %dma_wait3A_428, %dma_wait3A_429] : memref<2x112x512xi32, #tpu.memory_space<vmem>> -> memref<1x16x512xi32, #tpu.memory_space<vmem>>
      %dma_wait3A_431 = tpu.memref_squeeze %dma_wait3A_430 : memref<1x16x512xi32, #tpu.memory_space<vmem>> -> memref<16x512xi32, #tpu.memory_space<vmem>>
      %dma_wait3A_432 = arith.constant 0 : i32
      %dma_wait3A_433 = arith.constant 0 : i32
      %dma_wait3A_434 = tpu.memref_slice %arg2[%dma_wait3A_432, %dma_wait3A_433] : memref<4096x512xi32, #tpu.memory_space<hbm>> -> memref<4096x512xi32, #tpu.memory_space<hbm>>
      tpu.wait_indirect_dma semaphore(%arg7 : memref<!tpu.dma_semaphore, #tpu.memory_space<semaphore_mem>>) src(%dma_wait3A_434 : memref<4096x512xi32, #tpu.memory_space<hbm>>) dst(%dma_wait3A_431 : memref<16x512xi32, #tpu.memory_space<vmem>>)
      %get3A_435 = arith.constant 80 : index
      %get3A_436 = tpu.vector_load %arg5[%get3A_435] {strides = array<i32>} : memref<1344xi32, #tpu.memory_space<vmem>>, vector<16xi32>,
      %get3A_437 = vector.shape_cast %get3A_436 : vector<16xi32> to vector<16xi32>
      %dma_wait3A_438 = arith.constant 0 : i32
      %dma_wait3A_439 = arith.constant 80 : i32
      %dma_wait3A_440 = arith.constant 0 : i32
      %dma_wait3A_441 = tpu.memref_slice %arg6[%dma_wait3A_438, %dma_wait3A_439, %dma_wait3A_440] : memref<2x112x512xi32, #tpu.memory_space<vmem>> -> memref<1x16x512xi32, #tpu.memory_space<vmem>>
      %dma_wait3A_442 = tpu.memref_squeeze %dma_wait3A_441 : memref<1x16x512xi32, #tpu.memory_space<vmem>> -> memref<16x512xi32, #tpu.memory_space<vmem>>
      %dma_wait3A_443 = arith.constant 0 : i32
      %dma_wait3A_444 = arith.constant 0 : i32
      %dma_wait3A_445 = tpu.memref_slice %arg2[%dma_wait3A_443, %dma_wait3A_444] : memref<4096x512xi32, #tpu.memory_space<hbm>> -> memref<4096x512xi32, #tpu.memory_space<hbm>>
      tpu.wait_indirect_dma semaphore(%arg7 : memref<!tpu.dma_semaphore, #tpu.memory_space<semaphore_mem>>) src(%dma_wait3A_445 : memref<4096x512xi32, #tpu.memory_space<hbm>>) dst(%dma_wait3A_442 : memref<16x512xi32, #tpu.memory_space<vmem>>)
      %get3A_446 = arith.constant 96 : index
      %get3A_447 = tpu.vector_load %arg5[%get3A_446] {strides = array<i32>} : memref<1344xi32, #tpu.memory_space<vmem>>, vector<16xi32>,
      %get3A_448 = vector.shape_cast %get3A_447 : vector<16xi32> to vector<16xi32>
      %dma_wait3A_449 = arith.constant 0 : i32
      %dma_wait3A_450 = arith.constant 96 : i32
      %dma_wait3A_451 = arith.constant 0 : i32
      %dma_wait3A_452 = tpu.memref_slice %arg6[%dma_wait3A_449, %dma_wait3A_450, %dma_wait3A_451] : memref<2x112x512xi32, #tpu.memory_space<vmem>> -> memref<1x16x512xi32, #tpu.memory_space<vmem>>
      %dma_wait3A_453 = tpu.memref_squeeze %dma_wait3A_452 : memref<1x16x512xi32, #tpu.memory_space<vmem>> -> memref<16x512xi32, #tpu.memory_space<vmem>>
      %dma_wait3A_454 = arith.constant 0 : i32
      %dma_wait3A_455 = arith.constant 0 : i32
      %dma_wait3A_456 = tpu.memref_slice %arg2[%dma_wait3A_454, %dma_wait3A_455] : memref<4096x512xi32, #tpu.memory_space<hbm>> -> memref<4096x512xi32, #tpu.memory_space<hbm>>
      tpu.wait_indirect_dma semaphore(%arg7 : memref<!tpu.dma_semaphore, #tpu.memory_space<semaphore_mem>>) src(%dma_wait3A_456 : memref<4096x512xi32, #tpu.memory_space<hbm>>) dst(%dma_wait3A_453 : memref<16x512xi32, #tpu.memory_space<vmem>>)
      %mul3A_457 = arith.constant 112 : i32
      %mul3A_458 = arith.muli %mul3A_375, %mul3A_457 : i32
      %add3A_459 = arith.addi %mul3A_2, %mul3A_458 : i32
      %dma_start3A_460 = arith.constant 0 : i32
      %dma_start3A_461 = arith.constant 0 : i32
      %dma_start3A_462 = arith.constant 0 : i32
      %dma_start3A_463 = tpu.memref_slice %arg6[%dma_start3A_460, %dma_start3A_461, %dma_start3A_462] : memref<2x112x512xi32, #tpu.memory_space<vmem>> -> memref<1x112x512xi32, #tpu.memory_space<vmem>>
      %dma_start3A_464 = tpu.memref_squeeze %dma_start3A_463 : memref<1x112x512xi32, #tpu.memory_space<vmem>> -> memref<112x512xi32, #tpu.memory_space<vmem>>
      %dma_start3A_465 = arith.constant 0 : i32
      %dma_start3A_466 = tpu.memref_slice %arg4[%add3A_459, %dma_start3A_465] : memref<43008x512xi32, #tpu.memory_space<hbm>> -> memref<112x512xi32, #tpu.memory_space<hbm>>
      %dma_start3A_467 = arith.constant 0 : i32
      %dma_start3A_468 = tpu.memref_slice %arg4[%add3A_459, %dma_start3A_467] : memref<43008x512xi32, #tpu.memory_space<hbm>> -> memref<112x512xi32, #tpu.memory_space<hbm>>
      %dma_start3A_469 = arith.constant 0 : i32
      %dma_start3A_470 = arith.constant 0 : i32
      %dma_start3A_471 = tpu.memref_slice %arg6[%dma_start3A_460, %dma_start3A_469, %dma_start3A_470] : memref<2x112x512xi32, #tpu.memory_space<vmem>> -> memref<1x112x512xi32, #tpu.memory_space<vmem>>
      %dma_start3A_472 = tpu.memref_squeeze %dma_start3A_471 : memref<1x112x512xi32, #tpu.memory_space<vmem>> -> memref<112x512xi32, #tpu.memory_space<vmem>>
      tpu.enqueue_dma source(%dma_start3A_472 : memref<112x512xi32, #tpu.memory_space<vmem>>) target(%dma_start3A_468 : memref<112x512xi32, #tpu.memory_space<hbm>>) target_semaphore(%arg9 : memref<!tpu.dma_semaphore, #tpu.memory_space<semaphore_mem>>)
      %mul3A_473 = arith.constant 112 : i32
      %mul3A_474 = arith.muli %mul3A_375, %mul3A_473 : i32
      %add3A_475 = arith.addi %mul3A_2, %mul3A_474 : i32
      %dma_wait3A_476 = arith.constant 0 : i32
      %dma_wait3A_477 = arith.constant 0 : i32
      %dma_wait3A_478 = arith.constant 0 : i32
      %dma_wait3A_479 = tpu.memref_slice %arg6[%dma_wait3A_476, %dma_wait3A_477, %dma_wait3A_478] : memref<2x112x512xi32, #tpu.memory_space<vmem>> -> memref<1x112x512xi32, #tpu.memory_space<vmem>>
      %dma_wait3A_480 = tpu.memref_squeeze %dma_wait3A_479 : memref<1x112x512xi32, #tpu.memory_space<vmem>> -> memref<112x512xi32, #tpu.memory_space<vmem>>
      %dma_wait3A_481 = arith.constant 0 : i32
      %dma_wait3A_482 = tpu.memref_slice %arg4[%add3A_475, %dma_wait3A_481] : memref<43008x512xi32, #tpu.memory_space<hbm>> -> memref<112x512xi32, #tpu.memory_space<hbm>>
      %dma_wait3A_483 = arith.constant 0 : i32
      %dma_wait3A_484 = tpu.memref_slice %arg4[%add3A_475, %dma_wait3A_483] : memref<43008x512xi32, #tpu.memory_space<hbm>> -> memref<112x512xi32, #tpu.memory_space<hbm>>
      %dma_wait3A_485 = arith.constant 0 : i32
      %dma_wait3A_486 = arith.constant 0 : i32
      %dma_wait3A_487 = tpu.memref_slice %arg6[%dma_wait3A_476, %dma_wait3A_485, %dma_wait3A_486] : memref<2x112x512xi32, #tpu.memory_space<vmem>> -> memref<1x112x512xi32, #tpu.memory_space<vmem>>
      %dma_wait3A_488 = tpu.memref_squeeze %dma_wait3A_487 : memref<1x112x512xi32, #tpu.memory_space<vmem>> -> memref<112x512xi32, #tpu.memory_space<vmem>>
      tpu.wait_dma2 semaphore(%arg9 : memref<!tpu.dma_semaphore, #tpu.memory_space<semaphore_mem>>) src(%dma_wait3A_488 : memref<112x512xi32, #tpu.memory_space<vmem>>) dst(%dma_wait3A_484 : memref<112x512xi32, #tpu.memory_space<hbm>>)
      %add3A_489 = arith.constant 2 : i32
      %add3A_490 = arith.addi %mul3A_375, %add3A_489 : i32
      %mul3A_491 = arith.constant 112 : i32
      %mul3A_492 = arith.muli %add3A_490, %mul3A_491 : i32
      %add3A_493 = arith.constant 0 : i32
      %add3A_494 = arith.addi %mul3A_492, %add3A_493 : i32
      %get3A_495 = arith.index_cast %add3A_494 : i32 to index
      %get3A_496 = tpu.vector_load %arg5[%get3A_495] {strides = array<i32>} : memref<1344xi32, #tpu.memory_space<vmem>>, vector<16xi32>,
      %get3A_497 = vector.shape_cast %get3A_496 : vector<16xi32> to vector<16xi32>
      %dma_start3A_498 = arith.constant 0 : i32
      %dma_start3A_499 = arith.constant 0 : i32
      %dma_start3A_500 = arith.constant 0 : i32
      %dma_start3A_501 = tpu.memref_slice %arg6[%dma_start3A_498, %dma_start3A_499, %dma_start3A_500] : memref<2x112x512xi32, #tpu.memory_space<vmem>> -> memref<1x16x512xi32, #tpu.memory_space<vmem>>
      %dma_start3A_502 = tpu.memref_squeeze %dma_start3A_501 : memref<1x16x512xi32, #tpu.memory_space<vmem>> -> memref<16x512xi32, #tpu.memory_space<vmem>>
      %dma_start3A_503 = arith.constant 0 : i32
      %dma_start3A_504 = arith.constant 0 : i32
      %dma_start3A_505 = tpu.memref_slice %arg2[%dma_start3A_503, %dma_start3A_504] : memref<4096x512xi32, #tpu.memory_space<hbm>> -> memref<4096x512xi32, #tpu.memory_space<hbm>>
      tpu.enqueue_indirect_dma source(%dma_start3A_505 : memref<4096x512xi32, #tpu.memory_space<hbm>>) target(%dma_start3A_502 : memref<16x512xi32, #tpu.memory_space<vmem>>) offsets(%get3A_497 : vector<16xi32>) semaphore(%arg7 : memref<!tpu.dma_semaphore, #tpu.memory_space<semaphore_mem>>)
      %mul3A_506 = arith.constant 112 : i32
      %mul3A_507 = arith.muli %add3A_490, %mul3A_506 : i32
      %add3A_508 = arith.constant 16 : i32
      %add3A_509 = arith.addi %mul3A_507, %add3A_508 : i32
      %get3A_510 = arith.index_cast %add3A_509 : i32 to index
      %get3A_511 = tpu.vector_load %arg5[%get3A_510] {strides = array<i32>} : memref<1344xi32, #tpu.memory_space<vmem>>, vector<16xi32>,
      %get3A_512 = vector.shape_cast %get3A_511 : vector<16xi32> to vector<16xi32>
      %dma_start3A_513 = arith.constant 0 : i32
      %dma_start3A_514 = arith.constant 16 : i32
      %dma_start3A_515 = arith.constant 0 : i32
      %dma_start3A_516 = tpu.memref_slice %arg6[%dma_start3A_513, %dma_start3A_514, %dma_start3A_515] : memref<2x112x512xi32, #tpu.memory_space<vmem>> -> memref<1x16x512xi32, #tpu.memory_space<vmem>>
      %dma_start3A_517 = tpu.memref_squeeze %dma_start3A_516 : memref<1x16x512xi32, #tpu.memory_space<vmem>> -> memref<16x512xi32, #tpu.memory_space<vmem>>
      %dma_start3A_518 = arith.constant 0 : i32
      %dma_start3A_519 = arith.constant 0 : i32
      %dma_start3A_520 = tpu.memref_slice %arg2[%dma_start3A_518, %dma_start3A_519] : memref<4096x512xi32, #tpu.memory_space<hbm>> -> memref<4096x512xi32, #tpu.memory_space<hbm>>
      tpu.enqueue_indirect_dma source(%dma_start3A_520 : memref<4096x512xi32, #tpu.memory_space<hbm>>) target(%dma_start3A_517 : memref<16x512xi32, #tpu.memory_space<vmem>>) offsets(%get3A_512 : vector<16xi32>) semaphore(%arg7 : memref<!tpu.dma_semaphore, #tpu.memory_space<semaphore_mem>>)
      %mul3A_521 = arith.constant 112 : i32
      %mul3A_522 = arith.muli %add3A_490, %mul3A_521 : i32
      %add3A_523 = arith.constant 32 : i32
      %add3A_524 = arith.addi %mul3A_522, %add3A_523 : i32
      %get3A_525 = arith.index_cast %add3A_524 : i32 to index
      %get3A_526 = tpu.vector_load %arg5[%get3A_525] {strides = array<i32>} : memref<1344xi32, #tpu.memory_space<vmem>>, vector<16xi32>,
      %get3A_527 = vector.shape_cast %get3A_526 : vector<16xi32> to vector<16xi32>
      %dma_start3A_528 = arith.constant 0 : i32
      %dma_start3A_529 = arith.constant 32 : i32
      %dma_start3A_530 = arith.constant 0 : i32
      %dma_start3A_531 = tpu.memref_slice %arg6[%dma_start3A_528, %dma_start3A_529, %dma_start3A_530] : memref<2x112x512xi32, #tpu.memory_space<vmem>> -> memref<1x16x512xi32, #tpu.memory_space<vmem>>
      %dma_start3A_532 = tpu.memref_squeeze %dma_start3A_531 : memref<1x16x512xi32, #tpu.memory_space<vmem>> -> memref<16x512xi32, #tpu.memory_space<vmem>>
      %dma_start3A_533 = arith.constant 0 : i32
      %dma_start3A_534 = arith.constant 0 : i32
      %dma_start3A_535 = tpu.memref_slice %arg2[%dma_start3A_533, %dma_start3A_534] : memref<4096x512xi32, #tpu.memory_space<hbm>> -> memref<4096x512xi32, #tpu.memory_space<hbm>>
      tpu.enqueue_indirect_dma source(%dma_start3A_535 : memref<4096x512xi32, #tpu.memory_space<hbm>>) target(%dma_start3A_532 : memref<16x512xi32, #tpu.memory_space<vmem>>) offsets(%get3A_527 : vector<16xi32>) semaphore(%arg7 : memref<!tpu.dma_semaphore, #tpu.memory_space<semaphore_mem>>)
      %mul3A_536 = arith.constant 112 : i32
      %mul3A_537 = arith.muli %add3A_490, %mul3A_536 : i32
      %add3A_538 = arith.constant 48 : i32
      %add3A_539 = arith.addi %mul3A_537, %add3A_538 : i32
      %get3A_540 = arith.index_cast %add3A_539 : i32 to index
      %get3A_541 = tpu.vector_load %arg5[%get3A_540] {strides = array<i32>} : memref<1344xi32, #tpu.memory_space<vmem>>, vector<16xi32>,
      %get3A_542 = vector.shape_cast %get3A_541 : vector<16xi32> to vector<16xi32>
      %dma_start3A_543 = arith.constant 0 : i32
      %dma_start3A_544 = arith.constant 48 : i32
      %dma_start3A_545 = arith.constant 0 : i32
      %dma_start3A_546 = tpu.memref_slice %arg6[%dma_start3A_543, %dma_start3A_544, %dma_start3A_545] : memref<2x112x512xi32, #tpu.memory_space<vmem>> -> memref<1x16x512xi32, #tpu.memory_space<vmem>>
      %dma_start3A_547 = tpu.memref_squeeze %dma_start3A_546 : memref<1x16x512xi32, #tpu.memory_space<vmem>> -> memref<16x512xi32, #tpu.memory_space<vmem>>
      %dma_start3A_548 = arith.constant 0 : i32
      %dma_start3A_549 = arith.constant 0 : i32
      %dma_start3A_550 = tpu.memref_slice %arg2[%dma_start3A_548, %dma_start3A_549] : memref<4096x512xi32, #tpu.memory_space<hbm>> -> memref<4096x512xi32, #tpu.memory_space<hbm>>
      tpu.enqueue_indirect_dma source(%dma_start3A_550 : memref<4096x512xi32, #tpu.memory_space<hbm>>) target(%dma_start3A_547 : memref<16x512xi32, #tpu.memory_space<vmem>>) offsets(%get3A_542 : vector<16xi32>) semaphore(%arg7 : memref<!tpu.dma_semaphore, #tpu.memory_space<semaphore_mem>>)
      %mul3A_551 = arith.constant 112 : i32
      %mul3A_552 = arith.muli %add3A_490, %mul3A_551 : i32
      %add3A_553 = arith.constant 64 : i32
      %add3A_554 = arith.addi %mul3A_552, %add3A_553 : i32
      %get3A_555 = arith.index_cast %add3A_554 : i32 to index
      %get3A_556 = tpu.vector_load %arg5[%get3A_555] {strides = array<i32>} : memref<1344xi32, #tpu.memory_space<vmem>>, vector<16xi32>,
      %get3A_557 = vector.shape_cast %get3A_556 : vector<16xi32> to vector<16xi32>
      %dma_start3A_558 = arith.constant 0 : i32
      %dma_start3A_559 = arith.constant 64 : i32
      %dma_start3A_560 = arith.constant 0 : i32
      %dma_start3A_561 = tpu.memref_slice %arg6[%dma_start3A_558, %dma_start3A_559, %dma_start3A_560] : memref<2x112x512xi32, #tpu.memory_space<vmem>> -> memref<1x16x512xi32, #tpu.memory_space<vmem>>
      %dma_start3A_562 = tpu.memref_squeeze %dma_start3A_561 : memref<1x16x512xi32, #tpu.memory_space<vmem>> -> memref<16x512xi32, #tpu.memory_space<vmem>>
      %dma_start3A_563 = arith.constant 0 : i32
      %dma_start3A_564 = arith.constant 0 : i32
      %dma_start3A_565 = tpu.memref_slice %arg2[%dma_start3A_563, %dma_start3A_564] : memref<4096x512xi32, #tpu.memory_space<hbm>> -> memref<4096x512xi32, #tpu.memory_space<hbm>>
      tpu.enqueue_indirect_dma source(%dma_start3A_565 : memref<4096x512xi32, #tpu.memory_space<hbm>>) target(%dma_start3A_562 : memref<16x512xi32, #tpu.memory_space<vmem>>) offsets(%get3A_557 : vector<16xi32>) semaphore(%arg7 : memref<!tpu.dma_semaphore, #tpu.memory_space<semaphore_mem>>)
      %mul3A_566 = arith.constant 112 : i32
      %mul3A_567 = arith.muli %add3A_490, %mul3A_566 : i32
      %add3A_568 = arith.constant 80 : i32
      %add3A_569 = arith.addi %mul3A_567, %add3A_568 : i32
      %get3A_570 = arith.index_cast %add3A_569 : i32 to index
      %get3A_571 = tpu.vector_load %arg5[%get3A_570] {strides = array<i32>} : memref<1344xi32, #tpu.memory_space<vmem>>, vector<16xi32>,
      %get3A_572 = vector.shape_cast %get3A_571 : vector<16xi32> to vector<16xi32>
      %dma_start3A_573 = arith.constant 0 : i32
      %dma_start3A_574 = arith.constant 80 : i32
      %dma_start3A_575 = arith.constant 0 : i32
      %dma_start3A_576 = tpu.memref_slice %arg6[%dma_start3A_573, %dma_start3A_574, %dma_start3A_575] : memref<2x112x512xi32, #tpu.memory_space<vmem>> -> memref<1x16x512xi32, #tpu.memory_space<vmem>>
      %dma_start3A_577 = tpu.memref_squeeze %dma_start3A_576 : memref<1x16x512xi32, #tpu.memory_space<vmem>> -> memref<16x512xi32, #tpu.memory_space<vmem>>
      %dma_start3A_578 = arith.constant 0 : i32
      %dma_start3A_579 = arith.constant 0 : i32
      %dma_start3A_580 = tpu.memref_slice %arg2[%dma_start3A_578, %dma_start3A_579] : memref<4096x512xi32, #tpu.memory_space<hbm>> -> memref<4096x512xi32, #tpu.memory_space<hbm>>
      tpu.enqueue_indirect_dma source(%dma_start3A_580 : memref<4096x512xi32, #tpu.memory_space<hbm>>) target(%dma_start3A_577 : memref<16x512xi32, #tpu.memory_space<vmem>>) offsets(%get3A_572 : vector<16xi32>) semaphore(%arg7 : memref<!tpu.dma_semaphore, #tpu.memory_space<semaphore_mem>>)
      %mul3A_581 = arith.constant 112 : i32
      %mul3A_582 = arith.muli %add3A_490, %mul3A_581 : i32
      %add3A_583 = arith.constant 96 : i32
      %add3A_584 = arith.addi %mul3A_582, %add3A_583 : i32
      %get3A_585 = arith.index_cast %add3A_584 : i32 to index
      %get3A_586 = tpu.vector_load %arg5[%get3A_585] {strides = array<i32>} : memref<1344xi32, #tpu.memory_space<vmem>>, vector<16xi32>,
      %get3A_587 = vector.shape_cast %get3A_586 : vector<16xi32> to vector<16xi32>
      %dma_start3A_588 = arith.constant 0 : i32
      %dma_start3A_589 = arith.constant 96 : i32
      %dma_start3A_590 = arith.constant 0 : i32
      %dma_start3A_591 = tpu.memref_slice %arg6[%dma_start3A_588, %dma_start3A_589, %dma_start3A_590] : memref<2x112x512xi32, #tpu.memory_space<vmem>> -> memref<1x16x512xi32, #tpu.memory_space<vmem>>
      %dma_start3A_592 = tpu.memref_squeeze %dma_start3A_591 : memref<1x16x512xi32, #tpu.memory_space<vmem>> -> memref<16x512xi32, #tpu.memory_space<vmem>>
      %dma_start3A_593 = arith.constant 0 : i32
      %dma_start3A_594 = arith.constant 0 : i32
      %dma_start3A_595 = tpu.memref_slice %arg2[%dma_start3A_593, %dma_start3A_594] : memref<4096x512xi32, #tpu.memory_space<hbm>> -> memref<4096x512xi32, #tpu.memory_space<hbm>>
      tpu.enqueue_indirect_dma source(%dma_start3A_595 : memref<4096x512xi32, #tpu.memory_space<hbm>>) target(%dma_start3A_592 : memref<16x512xi32, #tpu.memory_space<vmem>>) offsets(%get3A_587 : vector<16xi32>) semaphore(%arg7 : memref<!tpu.dma_semaphore, #tpu.memory_space<semaphore_mem>>)
      %get3A_596 = arith.constant 0 : index
      %get3A_597 = tpu.vector_load %arg5[%get3A_596] {strides = array<i32>} : memref<1344xi32, #tpu.memory_space<vmem>>, vector<16xi32>,
      %get3A_598 = vector.shape_cast %get3A_597 : vector<16xi32> to vector<16xi32>
      %dma_wait3A_599 = arith.constant 1 : i32
      %dma_wait3A_600 = arith.constant 0 : i32
      %dma_wait3A_601 = arith.constant 0 : i32
      %dma_wait3A_602 = tpu.memref_slice %arg6[%dma_wait3A_599, %dma_wait3A_600, %dma_wait3A_601] : memref<2x112x512xi32, #tpu.memory_space<vmem>> -> memref<1x16x512xi32, #tpu.memory_space<vmem>>
      %dma_wait3A_603 = tpu.memref_squeeze %dma_wait3A_602 : memref<1x16x512xi32, #tpu.memory_space<vmem>> -> memref<16x512xi32, #tpu.memory_space<vmem>>
      %dma_wait3A_604 = arith.constant 0 : i32
      %dma_wait3A_605 = arith.constant 0 : i32
      %dma_wait3A_606 = tpu.memref_slice %arg2[%dma_wait3A_604, %dma_wait3A_605] : memref<4096x512xi32, #tpu.memory_space<hbm>> -> memref<4096x512xi32, #tpu.memory_space<hbm>>
      tpu.wait_indirect_dma semaphore(%arg8 : memref<!tpu.dma_semaphore, #tpu.memory_space<semaphore_mem>>) src(%dma_wait3A_606 : memref<4096x512xi32, #tpu.memory_space<hbm>>) dst(%dma_wait3A_603 : memref<16x512xi32, #tpu.memory_space<vmem>>)
      %get3A_607 = arith.constant 16 : index
      %get3A_608 = tpu.vector_load %arg5[%get3A_607] {strides = array<i32>} : memref<1344xi32, #tpu.memory_space<vmem>>, vector<16xi32>,
      %get3A_609 = vector.shape_cast %get3A_608 : vector<16xi32> to vector<16xi32>
      %dma_wait3A_610 = arith.constant 1 : i32
      %dma_wait3A_611 = arith.constant 16 : i32
      %dma_wait3A_612 = arith.constant 0 : i32
      %dma_wait3A_613 = tpu.memref_slice %arg6[%dma_wait3A_610, %dma_wait3A_611, %dma_wait3A_612] : memref<2x112x512xi32, #tpu.memory_space<vmem>> -> memref<1x16x512xi32, #tpu.memory_space<vmem>>
      %dma_wait3A_614 = tpu.memref_squeeze %dma_wait3A_613 : memref<1x16x512xi32, #tpu.memory_space<vmem>> -> memref<16x512xi32, #tpu.memory_space<vmem>>
      %dma_wait3A_615 = arith.constant 0 : i32
      %dma_wait3A_616 = arith.constant 0 : i32
      %dma_wait3A_617 = tpu.memref_slice %arg2[%dma_wait3A_615, %dma_wait3A_616] : memref<4096x512xi32, #tpu.memory_space<hbm>> -> memref<4096x512xi32, #tpu.memory_space<hbm>>
      tpu.wait_indirect_dma semaphore(%arg8 : memref<!tpu.dma_semaphore, #tpu.memory_space<semaphore_mem>>) src(%dma_wait3A_617 : memref<4096x512xi32, #tpu.memory_space<hbm>>) dst(%dma_wait3A_614 : memref<16x512xi32, #tpu.memory_space<vmem>>)
      %get3A_618 = arith.constant 32 : index
      %get3A_619 = tpu.vector_load %arg5[%get3A_618] {strides = array<i32>} : memref<1344xi32, #tpu.memory_space<vmem>>, vector<16xi32>,
      %get3A_620 = vector.shape_cast %get3A_619 : vector<16xi32> to vector<16xi32>
      %dma_wait3A_621 = arith.constant 1 : i32
      %dma_wait3A_622 = arith.constant 32 : i32
      %dma_wait3A_623 = arith.constant 0 : i32
      %dma_wait3A_624 = tpu.memref_slice %arg6[%dma_wait3A_621, %dma_wait3A_622, %dma_wait3A_623] : memref<2x112x512xi32, #tpu.memory_space<vmem>> -> memref<1x16x512xi32, #tpu.memory_space<vmem>>
      %dma_wait3A_625 = tpu.memref_squeeze %dma_wait3A_624 : memref<1x16x512xi32, #tpu.memory_space<vmem>> -> memref<16x512xi32, #tpu.memory_space<vmem>>
      %dma_wait3A_626 = arith.constant 0 : i32
      %dma_wait3A_627 = arith.constant 0 : i32
      %dma_wait3A_628 = tpu.memref_slice %arg2[%dma_wait3A_626, %dma_wait3A_627] : memref<4096x512xi32, #tpu.memory_space<hbm>> -> memref<4096x512xi32, #tpu.memory_space<hbm>>
      tpu.wait_indirect_dma semaphore(%arg8 : memref<!tpu.dma_semaphore, #tpu.memory_space<semaphore_mem>>) src(%dma_wait3A_628 : memref<4096x512xi32, #tpu.memory_space<hbm>>) dst(%dma_wait3A_625 : memref<16x512xi32, #tpu.memory_space<vmem>>)
      %get3A_629 = arith.constant 48 : index
      %get3A_630 = tpu.vector_load %arg5[%get3A_629] {strides = array<i32>} : memref<1344xi32, #tpu.memory_space<vmem>>, vector<16xi32>,
      %get3A_631 = vector.shape_cast %get3A_630 : vector<16xi32> to vector<16xi32>
      %dma_wait3A_632 = arith.constant 1 : i32
      %dma_wait3A_633 = arith.constant 48 : i32
      %dma_wait3A_634 = arith.constant 0 : i32
      %dma_wait3A_635 = tpu.memref_slice %arg6[%dma_wait3A_632, %dma_wait3A_633, %dma_wait3A_634] : memref<2x112x512xi32, #tpu.memory_space<vmem>> -> memref<1x16x512xi32, #tpu.memory_space<vmem>>
      %dma_wait3A_636 = tpu.memref_squeeze %dma_wait3A_635 : memref<1x16x512xi32, #tpu.memory_space<vmem>> -> memref<16x512xi32, #tpu.memory_space<vmem>>
      %dma_wait3A_637 = arith.constant 0 : i32
      %dma_wait3A_638 = arith.constant 0 : i32
      %dma_wait3A_639 = tpu.memref_slice %arg2[%dma_wait3A_637, %dma_wait3A_638] : memref<4096x512xi32, #tpu.memory_space<hbm>> -> memref<4096x512xi32, #tpu.memory_space<hbm>>
      tpu.wait_indirect_dma semaphore(%arg8 : memref<!tpu.dma_semaphore, #tpu.memory_space<semaphore_mem>>) src(%dma_wait3A_639 : memref<4096x512xi32, #tpu.memory_space<hbm>>) dst(%dma_wait3A_636 : memref<16x512xi32, #tpu.memory_space<vmem>>)
      %get3A_640 = arith.constant 64 : index
      %get3A_641 = tpu.vector_load %arg5[%get3A_640] {strides = array<i32>} : memref<1344xi32, #tpu.memory_space<vmem>>, vector<16xi32>,
      %get3A_642 = vector.shape_cast %get3A_641 : vector<16xi32> to vector<16xi32>
      %dma_wait3A_643 = arith.constant 1 : i32
      %dma_wait3A_644 = arith.constant 64 : i32
      %dma_wait3A_645 = arith.constant 0 : i32
      %dma_wait3A_646 = tpu.memref_slice %arg6[%dma_wait3A_643, %dma_wait3A_644, %dma_wait3A_645] : memref<2x112x512xi32, #tpu.memory_space<vmem>> -> memref<1x16x512xi32, #tpu.memory_space<vmem>>
      %dma_wait3A_647 = tpu.memref_squeeze %dma_wait3A_646 : memref<1x16x512xi32, #tpu.memory_space<vmem>> -> memref<16x512xi32, #tpu.memory_space<vmem>>
      %dma_wait3A_648 = arith.constant 0 : i32
      %dma_wait3A_649 = arith.constant 0 : i32
      %dma_wait3A_650 = tpu.memref_slice %arg2[%dma_wait3A_648, %dma_wait3A_649] : memref<4096x512xi32, #tpu.memory_space<hbm>> -> memref<4096x512xi32, #tpu.memory_space<hbm>>
      tpu.wait_indirect_dma semaphore(%arg8 : memref<!tpu.dma_semaphore, #tpu.memory_space<semaphore_mem>>) src(%dma_wait3A_650 : memref<4096x512xi32, #tpu.memory_space<hbm>>) dst(%dma_wait3A_647 : memref<16x512xi32, #tpu.memory_space<vmem>>)
      %get3A_651 = arith.constant 80 : index
      %get3A_652 = tpu.vector_load %arg5[%get3A_651] {strides = array<i32>} : memref<1344xi32, #tpu.memory_space<vmem>>, vector<16xi32>,
      %get3A_653 = vector.shape_cast %get3A_652 : vector<16xi32> to vector<16xi32>
      %dma_wait3A_654 = arith.constant 1 : i32
      %dma_wait3A_655 = arith.constant 80 : i32
      %dma_wait3A_656 = arith.constant 0 : i32
      %dma_wait3A_657 = tpu.memref_slice %arg6[%dma_wait3A_654, %dma_wait3A_655, %dma_wait3A_656] : memref<2x112x512xi32, #tpu.memory_space<vmem>> -> memref<1x16x512xi32, #tpu.memory_space<vmem>>
      %dma_wait3A_658 = tpu.memref_squeeze %dma_wait3A_657 : memref<1x16x512xi32, #tpu.memory_space<vmem>> -> memref<16x512xi32, #tpu.memory_space<vmem>>
      %dma_wait3A_659 = arith.constant 0 : i32
      %dma_wait3A_660 = arith.constant 0 : i32
      %dma_wait3A_661 = tpu.memref_slice %arg2[%dma_wait3A_659, %dma_wait3A_660] : memref<4096x512xi32, #tpu.memory_space<hbm>> -> memref<4096x512xi32, #tpu.memory_space<hbm>>
      tpu.wait_indirect_dma semaphore(%arg8 : memref<!tpu.dma_semaphore, #tpu.memory_space<semaphore_mem>>) src(%dma_wait3A_661 : memref<4096x512xi32, #tpu.memory_space<hbm>>) dst(%dma_wait3A_658 : memref<16x512xi32, #tpu.memory_space<vmem>>)
      %get3A_662 = arith.constant 96 : index
      %get3A_663 = tpu.vector_load %arg5[%get3A_662] {strides = array<i32>} : memref<1344xi32, #tpu.memory_space<vmem>>, vector<16xi32>,
      %get3A_664 = vector.shape_cast %get3A_663 : vector<16xi32> to vector<16xi32>
      %dma_wait3A_665 = arith.constant 1 : i32
      %dma_wait3A_666 = arith.constant 96 : i32
      %dma_wait3A_667 = arith.constant 0 : i32
      %dma_wait3A_668 = tpu.memref_slice %arg6[%dma_wait3A_665, %dma_wait3A_666, %dma_wait3A_667] : memref<2x112x512xi32, #tpu.memory_space<vmem>> -> memref<1x16x512xi32, #tpu.memory_space<vmem>>
      %dma_wait3A_669 = tpu.memref_squeeze %dma_wait3A_668 : memref<1x16x512xi32, #tpu.memory_space<vmem>> -> memref<16x512xi32, #tpu.memory_space<vmem>>
      %dma_wait3A_670 = arith.constant 0 : i32
      %dma_wait3A_671 = arith.constant 0 : i32
      %dma_wait3A_672 = tpu.memref_slice %arg2[%dma_wait3A_670, %dma_wait3A_671] : memref<4096x512xi32, #tpu.memory_space<hbm>> -> memref<4096x512xi32, #tpu.memory_space<hbm>>
      tpu.wait_indirect_dma semaphore(%arg8 : memref<!tpu.dma_semaphore, #tpu.memory_space<semaphore_mem>>) src(%dma_wait3A_672 : memref<4096x512xi32, #tpu.memory_space<hbm>>) dst(%dma_wait3A_669 : memref<16x512xi32, #tpu.memory_space<vmem>>)
      %mul3A_673 = arith.constant 112 : i32
      %mul3A_674 = arith.muli %add3A_379, %mul3A_673 : i32
      %add3A_675 = arith.addi %mul3A_2, %mul3A_674 : i32
      %dma_start3A_676 = arith.constant 1 : i32
      %dma_start3A_677 = arith.constant 0 : i32
      %dma_start3A_678 = arith.constant 0 : i32
      %dma_start3A_679 = tpu.memref_slice %arg6[%dma_start3A_676, %dma_start3A_677, %dma_start3A_678] : memref<2x112x512xi32, #tpu.memory_space<vmem>> -> memref<1x112x512xi32, #tpu.memory_space<vmem>>
      %dma_start3A_680 = tpu.memref_squeeze %dma_start3A_679 : memref<1x112x512xi32, #tpu.memory_space<vmem>> -> memref<112x512xi32, #tpu.memory_space<vmem>>
      %dma_start3A_681 = arith.constant 0 : i32
      %dma_start3A_682 = tpu.memref_slice %arg4[%add3A_675, %dma_start3A_681] : memref<43008x512xi32, #tpu.memory_space<hbm>> -> memref<112x512xi32, #tpu.memory_space<hbm>>
      %dma_start3A_683 = arith.constant 0 : i32
      %dma_start3A_684 = tpu.memref_slice %arg4[%add3A_675, %dma_start3A_683] : memref<43008x512xi32, #tpu.memory_space<hbm>> -> memref<112x512xi32, #tpu.memory_space<hbm>>
      %dma_start3A_685 = arith.constant 0 : i32
      %dma_start3A_686 = arith.constant 0 : i32
      %dma_start3A_687 = tpu.memref_slice %arg6[%dma_start3A_676, %dma_start3A_685, %dma_start3A_686] : memref<2x112x512xi32, #tpu.memory_space<vmem>> -> memref<1x112x512xi32, #tpu.memory_space<vmem>>
      %dma_start3A_688 = tpu.memref_squeeze %dma_start3A_687 : memref<1x112x512xi32, #tpu.memory_space<vmem>> -> memref<112x512xi32, #tpu.memory_space<vmem>>
      tpu.enqueue_dma source(%dma_start3A_688 : memref<112x512xi32, #tpu.memory_space<vmem>>) target(%dma_start3A_684 : memref<112x512xi32, #tpu.memory_space<hbm>>) target_semaphore(%arg10 : memref<!tpu.dma_semaphore, #tpu.memory_space<semaphore_mem>>)
      %mul3A_689 = arith.constant 112 : i32
      %mul3A_690 = arith.muli %add3A_379, %mul3A_689 : i32
      %add3A_691 = arith.addi %mul3A_2, %mul3A_690 : i32
      %dma_wait3A_692 = arith.constant 1 : i32
      %dma_wait3A_693 = arith.constant 0 : i32
      %dma_wait3A_694 = arith.constant 0 : i32
      %dma_wait3A_695 = tpu.memref_slice %arg6[%dma_wait3A_692, %dma_wait3A_693, %dma_wait3A_694] : memref<2x112x512xi32, #tpu.memory_space<vmem>> -> memref<1x112x512xi32, #tpu.memory_space<vmem>>
      %dma_wait3A_696 = tpu.memref_squeeze %dma_wait3A_695 : memref<1x112x512xi32, #tpu.memory_space<vmem>> -> memref<112x512xi32, #tpu.memory_space<vmem>>
      %dma_wait3A_697 = arith.constant 0 : i32
      %dma_wait3A_698 = tpu.memref_slice %arg4[%add3A_691, %dma_wait3A_697] : memref<43008x512xi32, #tpu.memory_space<hbm>> -> memref<112x512xi32, #tpu.memory_space<hbm>>
      %dma_wait3A_699 = arith.constant 0 : i32
      %dma_wait3A_700 = tpu.memref_slice %arg4[%add3A_691, %dma_wait3A_699] : memref<43008x512xi32, #tpu.memory_space<hbm>> -> memref<112x512xi32, #tpu.memory_space<hbm>>
      %dma_wait3A_701 = arith.constant 0 : i32
      %dma_wait3A_702 = arith.constant 0 : i32
      %dma_wait3A_703 = tpu.memref_slice %arg6[%dma_wait3A_692, %dma_wait3A_701, %dma_wait3A_702] : memref<2x112x512xi32, #tpu.memory_space<vmem>> -> memref<1x112x512xi32, #tpu.memory_space<vmem>>
      %dma_wait3A_704 = tpu.memref_squeeze %dma_wait3A_703 : memref<1x112x512xi32, #tpu.memory_space<vmem>> -> memref<112x512xi32, #tpu.memory_space<vmem>>
      tpu.wait_dma2 semaphore(%arg10 : memref<!tpu.dma_semaphore, #tpu.memory_space<semaphore_mem>>) src(%dma_wait3A_704 : memref<112x512xi32, #tpu.memory_space<vmem>>) dst(%dma_wait3A_700 : memref<112x512xi32, #tpu.memory_space<hbm>>)
      %add3A_705 = arith.constant 2 : i32
      %add3A_706 = arith.addi %add3A_379, %add3A_705 : i32
      %mul3A_707 = arith.constant 112 : i32
      %mul3A_708 = arith.muli %add3A_706, %mul3A_707 : i32
      %add3A_709 = arith.constant 0 : i32
      %add3A_710 = arith.addi %mul3A_708, %add3A_709 : i32
      %get3A_711 = arith.index_cast %add3A_710 : i32 to index
      %get3A_712 = tpu.vector_load %arg5[%get3A_711] {strides = array<i32>} : memref<1344xi32, #tpu.memory_space<vmem>>, vector<16xi32>,
      %get3A_713 = vector.shape_cast %get3A_712 : vector<16xi32> to vector<16xi32>
      %dma_start3A_714 = arith.constant 1 : i32
      %dma_start3A_715 = arith.constant 0 : i32
      %dma_start3A_716 = arith.constant 0 : i32
      %dma_start3A_717 = tpu.memref_slice %arg6[%dma_start3A_714, %dma_start3A_715, %dma_start3A_716] : memref<2x112x512xi32, #tpu.memory_space<vmem>> -> memref<1x16x512xi32, #tpu.memory_space<vmem>>
      %dma_start3A_718 = tpu.memref_squeeze %dma_start3A_717 : memref<1x16x512xi32, #tpu.memory_space<vmem>> -> memref<16x512xi32, #tpu.memory_space<vmem>>
      %dma_start3A_719 = arith.constant 0 : i32
      %dma_start3A_720 = arith.constant 0 : i32
      %dma_start3A_721 = tpu.memref_slice %arg2[%dma_start3A_719, %dma_start3A_720] : memref<4096x512xi32, #tpu.memory_space<hbm>> -> memref<4096x512xi32, #tpu.memory_space<hbm>>
      tpu.enqueue_indirect_dma source(%dma_start3A_721 : memref<4096x512xi32, #tpu.memory_space<hbm>>) target(%dma_start3A_718 : memref<16x512xi32, #tpu.memory_space<vmem>>) offsets(%get3A_713 : vector<16xi32>) semaphore(%arg8 : memref<!tpu.dma_semaphore, #tpu.memory_space<semaphore_mem>>)
      %mul3A_722 = arith.constant 112 : i32
      %mul3A_723 = arith.muli %add3A_706, %mul3A_722 : i32
      %add3A_724 = arith.constant 16 : i32
      %add3A_725 = arith.addi %mul3A_723, %add3A_724 : i32
      %get3A_726 = arith.index_cast %add3A_725 : i32 to index
      %get3A_727 = tpu.vector_load %arg5[%get3A_726] {strides = array<i32>} : memref<1344xi32, #tpu.memory_space<vmem>>, vector<16xi32>,
      %get3A_728 = vector.shape_cast %get3A_727 : vector<16xi32> to vector<16xi32>
      %dma_start3A_729 = arith.constant 1 : i32
      %dma_start3A_730 = arith.constant 16 : i32
      %dma_start3A_731 = arith.constant 0 : i32
      %dma_start3A_732 = tpu.memref_slice %arg6[%dma_start3A_729, %dma_start3A_730, %dma_start3A_731] : memref<2x112x512xi32, #tpu.memory_space<vmem>> -> memref<1x16x512xi32, #tpu.memory_space<vmem>>
      %dma_start3A_733 = tpu.memref_squeeze %dma_start3A_732 : memref<1x16x512xi32, #tpu.memory_space<vmem>> -> memref<16x512xi32, #tpu.memory_space<vmem>>
      %dma_start3A_734 = arith.constant 0 : i32
      %dma_start3A_735 = arith.constant 0 : i32
      %dma_start3A_736 = tpu.memref_slice %arg2[%dma_start3A_734, %dma_start3A_735] : memref<4096x512xi32, #tpu.memory_space<hbm>> -> memref<4096x512xi32, #tpu.memory_space<hbm>>
      tpu.enqueue_indirect_dma source(%dma_start3A_736 : memref<4096x512xi32, #tpu.memory_space<hbm>>) target(%dma_start3A_733 : memref<16x512xi32, #tpu.memory_space<vmem>>) offsets(%get3A_728 : vector<16xi32>) semaphore(%arg8 : memref<!tpu.dma_semaphore, #tpu.memory_space<semaphore_mem>>)
      %mul3A_737 = arith.constant 112 : i32
      %mul3A_738 = arith.muli %add3A_706, %mul3A_737 : i32
      %add3A_739 = arith.constant 32 : i32
      %add3A_740 = arith.addi %mul3A_738, %add3A_739 : i32
      %get3A_741 = arith.index_cast %add3A_740 : i32 to index
      %get3A_742 = tpu.vector_load %arg5[%get3A_741] {strides = array<i32>} : memref<1344xi32, #tpu.memory_space<vmem>>, vector<16xi32>,
      %get3A_743 = vector.shape_cast %get3A_742 : vector<16xi32> to vector<16xi32>
      %dma_start3A_744 = arith.constant 1 : i32
      %dma_start3A_745 = arith.constant 32 : i32
      %dma_start3A_746 = arith.constant 0 : i32
      %dma_start3A_747 = tpu.memref_slice %arg6[%dma_start3A_744, %dma_start3A_745, %dma_start3A_746] : memref<2x112x512xi32, #tpu.memory_space<vmem>> -> memref<1x16x512xi32, #tpu.memory_space<vmem>>
      %dma_start3A_748 = tpu.memref_squeeze %dma_start3A_747 : memref<1x16x512xi32, #tpu.memory_space<vmem>> -> memref<16x512xi32, #tpu.memory_space<vmem>>
      %dma_start3A_749 = arith.constant 0 : i32
      %dma_start3A_750 = arith.constant 0 : i32
      %dma_start3A_751 = tpu.memref_slice %arg2[%dma_start3A_749, %dma_start3A_750] : memref<4096x512xi32, #tpu.memory_space<hbm>> -> memref<4096x512xi32, #tpu.memory_space<hbm>>
      tpu.enqueue_indirect_dma source(%dma_start3A_751 : memref<4096x512xi32, #tpu.memory_space<hbm>>) target(%dma_start3A_748 : memref<16x512xi32, #tpu.memory_space<vmem>>) offsets(%get3A_743 : vector<16xi32>) semaphore(%arg8 : memref<!tpu.dma_semaphore, #tpu.memory_space<semaphore_mem>>)
      %mul3A_752 = arith.constant 112 : i32
      %mul3A_753 = arith.muli %add3A_706, %mul3A_752 : i32
      %add3A_754 = arith.constant 48 : i32
      %add3A_755 = arith.addi %mul3A_753, %add3A_754 : i32
      %get3A_756 = arith.index_cast %add3A_755 : i32 to index
      %get3A_757 = tpu.vector_load %arg5[%get3A_756] {strides = array<i32>} : memref<1344xi32, #tpu.memory_space<vmem>>, vector<16xi32>,
      %get3A_758 = vector.shape_cast %get3A_757 : vector<16xi32> to vector<16xi32>
      %dma_start3A_759 = arith.constant 1 : i32
      %dma_start3A_760 = arith.constant 48 : i32
      %dma_start3A_761 = arith.constant 0 : i32
      %dma_start3A_762 = tpu.memref_slice %arg6[%dma_start3A_759, %dma_start3A_760, %dma_start3A_761] : memref<2x112x512xi32, #tpu.memory_space<vmem>> -> memref<1x16x512xi32, #tpu.memory_space<vmem>>
      %dma_start3A_763 = tpu.memref_squeeze %dma_start3A_762 : memref<1x16x512xi32, #tpu.memory_space<vmem>> -> memref<16x512xi32, #tpu.memory_space<vmem>>
      %dma_start3A_764 = arith.constant 0 : i32
      %dma_start3A_765 = arith.constant 0 : i32
      %dma_start3A_766 = tpu.memref_slice %arg2[%dma_start3A_764, %dma_start3A_765] : memref<4096x512xi32, #tpu.memory_space<hbm>> -> memref<4096x512xi32, #tpu.memory_space<hbm>>
      tpu.enqueue_indirect_dma source(%dma_start3A_766 : memref<4096x512xi32, #tpu.memory_space<hbm>>) target(%dma_start3A_763 : memref<16x512xi32, #tpu.memory_space<vmem>>) offsets(%get3A_758 : vector<16xi32>) semaphore(%arg8 : memref<!tpu.dma_semaphore, #tpu.memory_space<semaphore_mem>>)
      %mul3A_767 = arith.constant 112 : i32
      %mul3A_768 = arith.muli %add3A_706, %mul3A_767 : i32
      %add3A_769 = arith.constant 64 : i32
      %add3A_770 = arith.addi %mul3A_768, %add3A_769 : i32
      %get3A_771 = arith.index_cast %add3A_770 : i32 to index
      %get3A_772 = tpu.vector_load %arg5[%get3A_771] {strides = array<i32>} : memref<1344xi32, #tpu.memory_space<vmem>>, vector<16xi32>,
      %get3A_773 = vector.shape_cast %get3A_772 : vector<16xi32> to vector<16xi32>
      %dma_start3A_774 = arith.constant 1 : i32
      %dma_start3A_775 = arith.constant 64 : i32
      %dma_start3A_776 = arith.constant 0 : i32
      %dma_start3A_777 = tpu.memref_slice %arg6[%dma_start3A_774, %dma_start3A_775, %dma_start3A_776] : memref<2x112x512xi32, #tpu.memory_space<vmem>> -> memref<1x16x512xi32, #tpu.memory_space<vmem>>
      %dma_start3A_778 = tpu.memref_squeeze %dma_start3A_777 : memref<1x16x512xi32, #tpu.memory_space<vmem>> -> memref<16x512xi32, #tpu.memory_space<vmem>>
      %dma_start3A_779 = arith.constant 0 : i32
      %dma_start3A_780 = arith.constant 0 : i32
      %dma_start3A_781 = tpu.memref_slice %arg2[%dma_start3A_779, %dma_start3A_780] : memref<4096x512xi32, #tpu.memory_space<hbm>> -> memref<4096x512xi32, #tpu.memory_space<hbm>>
      tpu.enqueue_indirect_dma source(%dma_start3A_781 : memref<4096x512xi32, #tpu.memory_space<hbm>>) target(%dma_start3A_778 : memref<16x512xi32, #tpu.memory_space<vmem>>) offsets(%get3A_773 : vector<16xi32>) semaphore(%arg8 : memref<!tpu.dma_semaphore, #tpu.memory_space<semaphore_mem>>)
      %mul3A_782 = arith.constant 112 : i32
      %mul3A_783 = arith.muli %add3A_706, %mul3A_782 : i32
      %add3A_784 = arith.constant 80 : i32
      %add3A_785 = arith.addi %mul3A_783, %add3A_784 : i32
      %get3A_786 = arith.index_cast %add3A_785 : i32 to index
      %get3A_787 = tpu.vector_load %arg5[%get3A_786] {strides = array<i32>} : memref<1344xi32, #tpu.memory_space<vmem>>, vector<16xi32>,
      %get3A_788 = vector.shape_cast %get3A_787 : vector<16xi32> to vector<16xi32>
      %dma_start3A_789 = arith.constant 1 : i32
      %dma_start3A_790 = arith.constant 80 : i32
      %dma_start3A_791 = arith.constant 0 : i32
      %dma_start3A_792 = tpu.memref_slice %arg6[%dma_start3A_789, %dma_start3A_790, %dma_start3A_791] : memref<2x112x512xi32, #tpu.memory_space<vmem>> -> memref<1x16x512xi32, #tpu.memory_space<vmem>>
      %dma_start3A_793 = tpu.memref_squeeze %dma_start3A_792 : memref<1x16x512xi32, #tpu.memory_space<vmem>> -> memref<16x512xi32, #tpu.memory_space<vmem>>
      %dma_start3A_794 = arith.constant 0 : i32
      %dma_start3A_795 = arith.constant 0 : i32
      %dma_start3A_796 = tpu.memref_slice %arg2[%dma_start3A_794, %dma_start3A_795] : memref<4096x512xi32, #tpu.memory_space<hbm>> -> memref<4096x512xi32, #tpu.memory_space<hbm>>
      tpu.enqueue_indirect_dma source(%dma_start3A_796 : memref<4096x512xi32, #tpu.memory_space<hbm>>) target(%dma_start3A_793 : memref<16x512xi32, #tpu.memory_space<vmem>>) offsets(%get3A_788 : vector<16xi32>) semaphore(%arg8 : memref<!tpu.dma_semaphore, #tpu.memory_space<semaphore_mem>>)
      %mul3A_797 = arith.constant 112 : i32
      %mul3A_798 = arith.muli %add3A_706, %mul3A_797 : i32
      %add3A_799 = arith.constant 96 : i32
      %add3A_800 = arith.addi %mul3A_798, %add3A_799 : i32
      %get3A_801 = arith.index_cast %add3A_800 : i32 to index
      %get3A_802 = tpu.vector_load %arg5[%get3A_801] {strides = array<i32>} : memref<1344xi32, #tpu.memory_space<vmem>>, vector<16xi32>,
      %get3A_803 = vector.shape_cast %get3A_802 : vector<16xi32> to vector<16xi32>
      %dma_start3A_804 = arith.constant 1 : i32
      %dma_start3A_805 = arith.constant 96 : i32
      %dma_start3A_806 = arith.constant 0 : i32
      %dma_start3A_807 = tpu.memref_slice %arg6[%dma_start3A_804, %dma_start3A_805, %dma_start3A_806] : memref<2x112x512xi32, #tpu.memory_space<vmem>> -> memref<1x16x512xi32, #tpu.memory_space<vmem>>
      %dma_start3A_808 = tpu.memref_squeeze %dma_start3A_807 : memref<1x16x512xi32, #tpu.memory_space<vmem>> -> memref<16x512xi32, #tpu.memory_space<vmem>>
      %dma_start3A_809 = arith.constant 0 : i32
      %dma_start3A_810 = arith.constant 0 : i32
      %dma_start3A_811 = tpu.memref_slice %arg2[%dma_start3A_809, %dma_start3A_810] : memref<4096x512xi32, #tpu.memory_space<hbm>> -> memref<4096x512xi32, #tpu.memory_space<hbm>>
      tpu.enqueue_indirect_dma source(%dma_start3A_811 : memref<4096x512xi32, #tpu.memory_space<hbm>>) target(%dma_start3A_808 : memref<16x512xi32, #tpu.memory_space<vmem>>) offsets(%get3A_803 : vector<16xi32>) semaphore(%arg8 : memref<!tpu.dma_semaphore, #tpu.memory_space<semaphore_mem>>)
    }
    %scan3A_159 = arith.constant 5 : i32
    %get3A_160 = arith.constant 0 : index
    %get3A_161 = tpu.vector_load %arg5[%get3A_160] {strides = array<i32>} : memref<1344xi32, #tpu.memory_space<vmem>>, vector<16xi32>,
    %get3A_162 = vector.shape_cast %get3A_161 : vector<16xi32> to vector<16xi32>
    %dma_wait3A = arith.constant 0 : i32
    %dma_wait3A_163 = arith.constant 0 : i32
    %dma_wait3A_164 = arith.constant 0 : i32
    %dma_wait3A_165 = tpu.memref_slice %arg6[%dma_wait3A, %dma_wait3A_163, %dma_wait3A_164] : memref<2x112x512xi32, #tpu.memory_space<vmem>> -> memref<1x16x512xi32, #tpu.memory_space<vmem>>
    %dma_wait3A_166 = tpu.memref_squeeze %dma_wait3A_165 : memref<1x16x512xi32, #tpu.memory_space<vmem>> -> memref<16x512xi32, #tpu.memory_space<vmem>>
    %dma_wait3A_167 = arith.constant 0 : i32
    %dma_wait3A_168 = arith.constant 0 : i32
    %dma_wait3A_169 = tpu.memref_slice %arg2[%dma_wait3A_167, %dma_wait3A_168] : memref<4096x512xi32, #tpu.memory_space<hbm>> -> memref<4096x512xi32, #tpu.memory_space<hbm>>
    tpu.wait_indirect_dma semaphore(%arg7 : memref<!tpu.dma_semaphore, #tpu.memory_space<semaphore_mem>>) src(%dma_wait3A_169 : memref<4096x512xi32, #tpu.memory_space<hbm>>) dst(%dma_wait3A_166 : memref<16x512xi32, #tpu.memory_space<vmem>>)
    %get3A_170 = arith.constant 16 : index
    %get3A_171 = tpu.vector_load %arg5[%get3A_170] {strides = array<i32>} : memref<1344xi32, #tpu.memory_space<vmem>>, vector<16xi32>,
    %get3A_172 = vector.shape_cast %get3A_171 : vector<16xi32> to vector<16xi32>
    %dma_wait3A_173 = arith.constant 0 : i32
    %dma_wait3A_174 = arith.constant 16 : i32
    %dma_wait3A_175 = arith.constant 0 : i32
    %dma_wait3A_176 = tpu.memref_slice %arg6[%dma_wait3A_173, %dma_wait3A_174, %dma_wait3A_175] : memref<2x112x512xi32, #tpu.memory_space<vmem>> -> memref<1x16x512xi32, #tpu.memory_space<vmem>>
    %dma_wait3A_177 = tpu.memref_squeeze %dma_wait3A_176 : memref<1x16x512xi32, #tpu.memory_space<vmem>> -> memref<16x512xi32, #tpu.memory_space<vmem>>
    %dma_wait3A_178 = arith.constant 0 : i32
    %dma_wait3A_179 = arith.constant 0 : i32
    %dma_wait3A_180 = tpu.memref_slice %arg2[%dma_wait3A_178, %dma_wait3A_179] : memref<4096x512xi32, #tpu.memory_space<hbm>> -> memref<4096x512xi32, #tpu.memory_space<hbm>>
    tpu.wait_indirect_dma semaphore(%arg7 : memref<!tpu.dma_semaphore, #tpu.memory_space<semaphore_mem>>) src(%dma_wait3A_180 : memref<4096x512xi32, #tpu.memory_space<hbm>>) dst(%dma_wait3A_177 : memref<16x512xi32, #tpu.memory_space<vmem>>)
    %get3A_181 = arith.constant 32 : index
    %get3A_182 = tpu.vector_load %arg5[%get3A_181] {strides = array<i32>} : memref<1344xi32, #tpu.memory_space<vmem>>, vector<16xi32>,
    %get3A_183 = vector.shape_cast %get3A_182 : vector<16xi32> to vector<16xi32>
    %dma_wait3A_184 = arith.constant 0 : i32
    %dma_wait3A_185 = arith.constant 32 : i32
    %dma_wait3A_186 = arith.constant 0 : i32
    %dma_wait3A_187 = tpu.memref_slice %arg6[%dma_wait3A_184, %dma_wait3A_185, %dma_wait3A_186] : memref<2x112x512xi32, #tpu.memory_space<vmem>> -> memref<1x16x512xi32, #tpu.memory_space<vmem>>
    %dma_wait3A_188 = tpu.memref_squeeze %dma_wait3A_187 : memref<1x16x512xi32, #tpu.memory_space<vmem>> -> memref<16x512xi32, #tpu.memory_space<vmem>>
    %dma_wait3A_189 = arith.constant 0 : i32
    %dma_wait3A_190 = arith.constant 0 : i32
    %dma_wait3A_191 = tpu.memref_slice %arg2[%dma_wait3A_189, %dma_wait3A_190] : memref<4096x512xi32, #tpu.memory_space<hbm>> -> memref<4096x512xi32, #tpu.memory_space<hbm>>
    tpu.wait_indirect_dma semaphore(%arg7 : memref<!tpu.dma_semaphore, #tpu.memory_space<semaphore_mem>>) src(%dma_wait3A_191 : memref<4096x512xi32, #tpu.memory_space<hbm>>) dst(%dma_wait3A_188 : memref<16x512xi32, #tpu.memory_space<vmem>>)
    %get3A_192 = arith.constant 48 : index
    %get3A_193 = tpu.vector_load %arg5[%get3A_192] {strides = array<i32>} : memref<1344xi32, #tpu.memory_space<vmem>>, vector<16xi32>,
    %get3A_194 = vector.shape_cast %get3A_193 : vector<16xi32> to vector<16xi32>
    %dma_wait3A_195 = arith.constant 0 : i32
    %dma_wait3A_196 = arith.constant 48 : i32
    %dma_wait3A_197 = arith.constant 0 : i32
    %dma_wait3A_198 = tpu.memref_slice %arg6[%dma_wait3A_195, %dma_wait3A_196, %dma_wait3A_197] : memref<2x112x512xi32, #tpu.memory_space<vmem>> -> memref<1x16x512xi32, #tpu.memory_space<vmem>>
    %dma_wait3A_199 = tpu.memref_squeeze %dma_wait3A_198 : memref<1x16x512xi32, #tpu.memory_space<vmem>> -> memref<16x512xi32, #tpu.memory_space<vmem>>
    %dma_wait3A_200 = arith.constant 0 : i32
    %dma_wait3A_201 = arith.constant 0 : i32
    %dma_wait3A_202 = tpu.memref_slice %arg2[%dma_wait3A_200, %dma_wait3A_201] : memref<4096x512xi32, #tpu.memory_space<hbm>> -> memref<4096x512xi32, #tpu.memory_space<hbm>>
    tpu.wait_indirect_dma semaphore(%arg7 : memref<!tpu.dma_semaphore, #tpu.memory_space<semaphore_mem>>) src(%dma_wait3A_202 : memref<4096x512xi32, #tpu.memory_space<hbm>>) dst(%dma_wait3A_199 : memref<16x512xi32, #tpu.memory_space<vmem>>)
    %get3A_203 = arith.constant 64 : index
    %get3A_204 = tpu.vector_load %arg5[%get3A_203] {strides = array<i32>} : memref<1344xi32, #tpu.memory_space<vmem>>, vector<16xi32>,
    %get3A_205 = vector.shape_cast %get3A_204 : vector<16xi32> to vector<16xi32>
    %dma_wait3A_206 = arith.constant 0 : i32
    %dma_wait3A_207 = arith.constant 64 : i32
    %dma_wait3A_208 = arith.constant 0 : i32
    %dma_wait3A_209 = tpu.memref_slice %arg6[%dma_wait3A_206, %dma_wait3A_207, %dma_wait3A_208] : memref<2x112x512xi32, #tpu.memory_space<vmem>> -> memref<1x16x512xi32, #tpu.memory_space<vmem>>
    %dma_wait3A_210 = tpu.memref_squeeze %dma_wait3A_209 : memref<1x16x512xi32, #tpu.memory_space<vmem>> -> memref<16x512xi32, #tpu.memory_space<vmem>>
    %dma_wait3A_211 = arith.constant 0 : i32
    %dma_wait3A_212 = arith.constant 0 : i32
    %dma_wait3A_213 = tpu.memref_slice %arg2[%dma_wait3A_211, %dma_wait3A_212] : memref<4096x512xi32, #tpu.memory_space<hbm>> -> memref<4096x512xi32, #tpu.memory_space<hbm>>
    tpu.wait_indirect_dma semaphore(%arg7 : memref<!tpu.dma_semaphore, #tpu.memory_space<semaphore_mem>>) src(%dma_wait3A_213 : memref<4096x512xi32, #tpu.memory_space<hbm>>) dst(%dma_wait3A_210 : memref<16x512xi32, #tpu.memory_space<vmem>>)
    %get3A_214 = arith.constant 80 : index
    %get3A_215 = tpu.vector_load %arg5[%get3A_214] {strides = array<i32>} : memref<1344xi32, #tpu.memory_space<vmem>>, vector<16xi32>,
    %get3A_216 = vector.shape_cast %get3A_215 : vector<16xi32> to vector<16xi32>
    %dma_wait3A_217 = arith.constant 0 : i32
    %dma_wait3A_218 = arith.constant 80 : i32
    %dma_wait3A_219 = arith.constant 0 : i32
    %dma_wait3A_220 = tpu.memref_slice %arg6[%dma_wait3A_217, %dma_wait3A_218, %dma_wait3A_219] : memref<2x112x512xi32, #tpu.memory_space<vmem>> -> memref<1x16x512xi32, #tpu.memory_space<vmem>>
    %dma_wait3A_221 = tpu.memref_squeeze %dma_wait3A_220 : memref<1x16x512xi32, #tpu.memory_space<vmem>> -> memref<16x512xi32, #tpu.memory_space<vmem>>
    %dma_wait3A_222 = arith.constant 0 : i32
    %dma_wait3A_223 = arith.constant 0 : i32
    %dma_wait3A_224 = tpu.memref_slice %arg2[%dma_wait3A_222, %dma_wait3A_223] : memref<4096x512xi32, #tpu.memory_space<hbm>> -> memref<4096x512xi32, #tpu.memory_space<hbm>>
    tpu.wait_indirect_dma semaphore(%arg7 : memref<!tpu.dma_semaphore, #tpu.memory_space<semaphore_mem>>) src(%dma_wait3A_224 : memref<4096x512xi32, #tpu.memory_space<hbm>>) dst(%dma_wait3A_221 : memref<16x512xi32, #tpu.memory_space<vmem>>)
    %get3A_225 = arith.constant 96 : index
    %get3A_226 = tpu.vector_load %arg5[%get3A_225] {strides = array<i32>} : memref<1344xi32, #tpu.memory_space<vmem>>, vector<16xi32>,
    %get3A_227 = vector.shape_cast %get3A_226 : vector<16xi32> to vector<16xi32>
    %dma_wait3A_228 = arith.constant 0 : i32
    %dma_wait3A_229 = arith.constant 96 : i32
    %dma_wait3A_230 = arith.constant 0 : i32
    %dma_wait3A_231 = tpu.memref_slice %arg6[%dma_wait3A_228, %dma_wait3A_229, %dma_wait3A_230] : memref<2x112x512xi32, #tpu.memory_space<vmem>> -> memref<1x16x512xi32, #tpu.memory_space<vmem>>
    %dma_wait3A_232 = tpu.memref_squeeze %dma_wait3A_231 : memref<1x16x512xi32, #tpu.memory_space<vmem>> -> memref<16x512xi32, #tpu.memory_space<vmem>>
    %dma_wait3A_233 = arith.constant 0 : i32
    %dma_wait3A_234 = arith.constant 0 : i32
    %dma_wait3A_235 = tpu.memref_slice %arg2[%dma_wait3A_233, %dma_wait3A_234] : memref<4096x512xi32, #tpu.memory_space<hbm>> -> memref<4096x512xi32, #tpu.memory_space<hbm>>
    tpu.wait_indirect_dma semaphore(%arg7 : memref<!tpu.dma_semaphore, #tpu.memory_space<semaphore_mem>>) src(%dma_wait3A_235 : memref<4096x512xi32, #tpu.memory_space<hbm>>) dst(%dma_wait3A_232 : memref<16x512xi32, #tpu.memory_space<vmem>>)
    %add3A_236 = arith.constant 1120 : i32
    %add3A_237 = arith.addi %mul3A_2, %add3A_236 : i32
    %dma_start3A_238 = arith.constant 0 : i32
    %dma_start3A_239 = arith.constant 0 : i32
    %dma_start3A_240 = arith.constant 0 : i32
    %dma_start3A_241 = tpu.memref_slice %arg6[%dma_start3A_238, %dma_start3A_239, %dma_start3A_240] : memref<2x112x512xi32, #tpu.memory_space<vmem>> -> memref<1x112x512xi32, #tpu.memory_space<vmem>>
    %dma_start3A_242 = tpu.memref_squeeze %dma_start3A_241 : memref<1x112x512xi32, #tpu.memory_space<vmem>> -> memref<112x512xi32, #tpu.memory_space<vmem>>
    %dma_start3A_243 = arith.constant 0 : i32
    %dma_start3A_244 = tpu.memref_slice %arg4[%add3A_237, %dma_start3A_243] : memref<43008x512xi32, #tpu.memory_space<hbm>> -> memref<112x512xi32, #tpu.memory_space<hbm>>
    %dma_start3A_245 = arith.constant 0 : i32
    %dma_start3A_246 = tpu.memref_slice %arg4[%add3A_237, %dma_start3A_245] : memref<43008x512xi32, #tpu.memory_space<hbm>> -> memref<112x512xi32, #tpu.memory_space<hbm>>
    %dma_start3A_247 = arith.constant 0 : i32
    %dma_start3A_248 = arith.constant 0 : i32
    %dma_start3A_249 = tpu.memref_slice %arg6[%dma_start3A_238, %dma_start3A_247, %dma_start3A_248] : memref<2x112x512xi32, #tpu.memory_space<vmem>> -> memref<1x112x512xi32, #tpu.memory_space<vmem>>
    %dma_start3A_250 = tpu.memref_squeeze %dma_start3A_249 : memref<1x112x512xi32, #tpu.memory_space<vmem>> -> memref<112x512xi32, #tpu.memory_space<vmem>>
    tpu.enqueue_dma source(%dma_start3A_250 : memref<112x512xi32, #tpu.memory_space<vmem>>) target(%dma_start3A_246 : memref<112x512xi32, #tpu.memory_space<hbm>>) target_semaphore(%arg9 : memref<!tpu.dma_semaphore, #tpu.memory_space<semaphore_mem>>)
    %get3A_251 = arith.constant 0 : index
    %get3A_252 = tpu.vector_load %arg5[%get3A_251] {strides = array<i32>} : memref<1344xi32, #tpu.memory_space<vmem>>, vector<16xi32>,
    %get3A_253 = vector.shape_cast %get3A_252 : vector<16xi32> to vector<16xi32>
    %dma_wait3A_254 = arith.constant 1 : i32
    %dma_wait3A_255 = arith.constant 0 : i32
    %dma_wait3A_256 = arith.constant 0 : i32
    %dma_wait3A_257 = tpu.memref_slice %arg6[%dma_wait3A_254, %dma_wait3A_255, %dma_wait3A_256] : memref<2x112x512xi32, #tpu.memory_space<vmem>> -> memref<1x16x512xi32, #tpu.memory_space<vmem>>
    %dma_wait3A_258 = tpu.memref_squeeze %dma_wait3A_257 : memref<1x16x512xi32, #tpu.memory_space<vmem>> -> memref<16x512xi32, #tpu.memory_space<vmem>>
    %dma_wait3A_259 = arith.constant 0 : i32
    %dma_wait3A_260 = arith.constant 0 : i32
    %dma_wait3A_261 = tpu.memref_slice %arg2[%dma_wait3A_259, %dma_wait3A_260] : memref<4096x512xi32, #tpu.memory_space<hbm>> -> memref<4096x512xi32, #tpu.memory_space<hbm>>
    tpu.wait_indirect_dma semaphore(%arg8 : memref<!tpu.dma_semaphore, #tpu.memory_space<semaphore_mem>>) src(%dma_wait3A_261 : memref<4096x512xi32, #tpu.memory_space<hbm>>) dst(%dma_wait3A_258 : memref<16x512xi32, #tpu.memory_space<vmem>>)
    %get3A_262 = arith.constant 16 : index
    %get3A_263 = tpu.vector_load %arg5[%get3A_262] {strides = array<i32>} : memref<1344xi32, #tpu.memory_space<vmem>>, vector<16xi32>,
    %get3A_264 = vector.shape_cast %get3A_263 : vector<16xi32> to vector<16xi32>
    %dma_wait3A_265 = arith.constant 1 : i32
    %dma_wait3A_266 = arith.constant 16 : i32
    %dma_wait3A_267 = arith.constant 0 : i32
    %dma_wait3A_268 = tpu.memref_slice %arg6[%dma_wait3A_265, %dma_wait3A_266, %dma_wait3A_267] : memref<2x112x512xi32, #tpu.memory_space<vmem>> -> memref<1x16x512xi32, #tpu.memory_space<vmem>>
    %dma_wait3A_269 = tpu.memref_squeeze %dma_wait3A_268 : memref<1x16x512xi32, #tpu.memory_space<vmem>> -> memref<16x512xi32, #tpu.memory_space<vmem>>
    %dma_wait3A_270 = arith.constant 0 : i32
    %dma_wait3A_271 = arith.constant 0 : i32
    %dma_wait3A_272 = tpu.memref_slice %arg2[%dma_wait3A_270, %dma_wait3A_271] : memref<4096x512xi32, #tpu.memory_space<hbm>> -> memref<4096x512xi32, #tpu.memory_space<hbm>>
    tpu.wait_indirect_dma semaphore(%arg8 : memref<!tpu.dma_semaphore, #tpu.memory_space<semaphore_mem>>) src(%dma_wait3A_272 : memref<4096x512xi32, #tpu.memory_space<hbm>>) dst(%dma_wait3A_269 : memref<16x512xi32, #tpu.memory_space<vmem>>)
    %get3A_273 = arith.constant 32 : index
    %get3A_274 = tpu.vector_load %arg5[%get3A_273] {strides = array<i32>} : memref<1344xi32, #tpu.memory_space<vmem>>, vector<16xi32>,
    %get3A_275 = vector.shape_cast %get3A_274 : vector<16xi32> to vector<16xi32>
    %dma_wait3A_276 = arith.constant 1 : i32
    %dma_wait3A_277 = arith.constant 32 : i32
    %dma_wait3A_278 = arith.constant 0 : i32
    %dma_wait3A_279 = tpu.memref_slice %arg6[%dma_wait3A_276, %dma_wait3A_277, %dma_wait3A_278] : memref<2x112x512xi32, #tpu.memory_space<vmem>> -> memref<1x16x512xi32, #tpu.memory_space<vmem>>
    %dma_wait3A_280 = tpu.memref_squeeze %dma_wait3A_279 : memref<1x16x512xi32, #tpu.memory_space<vmem>> -> memref<16x512xi32, #tpu.memory_space<vmem>>
    %dma_wait3A_281 = arith.constant 0 : i32
    %dma_wait3A_282 = arith.constant 0 : i32
    %dma_wait3A_283 = tpu.memref_slice %arg2[%dma_wait3A_281, %dma_wait3A_282] : memref<4096x512xi32, #tpu.memory_space<hbm>> -> memref<4096x512xi32, #tpu.memory_space<hbm>>
    tpu.wait_indirect_dma semaphore(%arg8 : memref<!tpu.dma_semaphore, #tpu.memory_space<semaphore_mem>>) src(%dma_wait3A_283 : memref<4096x512xi32, #tpu.memory_space<hbm>>) dst(%dma_wait3A_280 : memref<16x512xi32, #tpu.memory_space<vmem>>)
    %get3A_284 = arith.constant 48 : index
    %get3A_285 = tpu.vector_load %arg5[%get3A_284] {strides = array<i32>} : memref<1344xi32, #tpu.memory_space<vmem>>, vector<16xi32>,
    %get3A_286 = vector.shape_cast %get3A_285 : vector<16xi32> to vector<16xi32>
    %dma_wait3A_287 = arith.constant 1 : i32
    %dma_wait3A_288 = arith.constant 48 : i32
    %dma_wait3A_289 = arith.constant 0 : i32
    %dma_wait3A_290 = tpu.memref_slice %arg6[%dma_wait3A_287, %dma_wait3A_288, %dma_wait3A_289] : memref<2x112x512xi32, #tpu.memory_space<vmem>> -> memref<1x16x512xi32, #tpu.memory_space<vmem>>
    %dma_wait3A_291 = tpu.memref_squeeze %dma_wait3A_290 : memref<1x16x512xi32, #tpu.memory_space<vmem>> -> memref<16x512xi32, #tpu.memory_space<vmem>>
    %dma_wait3A_292 = arith.constant 0 : i32
    %dma_wait3A_293 = arith.constant 0 : i32
    %dma_wait3A_294 = tpu.memref_slice %arg2[%dma_wait3A_292, %dma_wait3A_293] : memref<4096x512xi32, #tpu.memory_space<hbm>> -> memref<4096x512xi32, #tpu.memory_space<hbm>>
    tpu.wait_indirect_dma semaphore(%arg8 : memref<!tpu.dma_semaphore, #tpu.memory_space<semaphore_mem>>) src(%dma_wait3A_294 : memref<4096x512xi32, #tpu.memory_space<hbm>>) dst(%dma_wait3A_291 : memref<16x512xi32, #tpu.memory_space<vmem>>)
    %get3A_295 = arith.constant 64 : index
    %get3A_296 = tpu.vector_load %arg5[%get3A_295] {strides = array<i32>} : memref<1344xi32, #tpu.memory_space<vmem>>, vector<16xi32>,
    %get3A_297 = vector.shape_cast %get3A_296 : vector<16xi32> to vector<16xi32>
    %dma_wait3A_298 = arith.constant 1 : i32
    %dma_wait3A_299 = arith.constant 64 : i32
    %dma_wait3A_300 = arith.constant 0 : i32
    %dma_wait3A_301 = tpu.memref_slice %arg6[%dma_wait3A_298, %dma_wait3A_299, %dma_wait3A_300] : memref<2x112x512xi32, #tpu.memory_space<vmem>> -> memref<1x16x512xi32, #tpu.memory_space<vmem>>
    %dma_wait3A_302 = tpu.memref_squeeze %dma_wait3A_301 : memref<1x16x512xi32, #tpu.memory_space<vmem>> -> memref<16x512xi32, #tpu.memory_space<vmem>>
    %dma_wait3A_303 = arith.constant 0 : i32
    %dma_wait3A_304 = arith.constant 0 : i32
    %dma_wait3A_305 = tpu.memref_slice %arg2[%dma_wait3A_303, %dma_wait3A_304] : memref<4096x512xi32, #tpu.memory_space<hbm>> -> memref<4096x512xi32, #tpu.memory_space<hbm>>
    tpu.wait_indirect_dma semaphore(%arg8 : memref<!tpu.dma_semaphore, #tpu.memory_space<semaphore_mem>>) src(%dma_wait3A_305 : memref<4096x512xi32, #tpu.memory_space<hbm>>) dst(%dma_wait3A_302 : memref<16x512xi32, #tpu.memory_space<vmem>>)
    %get3A_306 = arith.constant 80 : index
    %get3A_307 = tpu.vector_load %arg5[%get3A_306] {strides = array<i32>} : memref<1344xi32, #tpu.memory_space<vmem>>, vector<16xi32>,
    %get3A_308 = vector.shape_cast %get3A_307 : vector<16xi32> to vector<16xi32>
    %dma_wait3A_309 = arith.constant 1 : i32
    %dma_wait3A_310 = arith.constant 80 : i32
    %dma_wait3A_311 = arith.constant 0 : i32
    %dma_wait3A_312 = tpu.memref_slice %arg6[%dma_wait3A_309, %dma_wait3A_310, %dma_wait3A_311] : memref<2x112x512xi32, #tpu.memory_space<vmem>> -> memref<1x16x512xi32, #tpu.memory_space<vmem>>
    %dma_wait3A_313 = tpu.memref_squeeze %dma_wait3A_312 : memref<1x16x512xi32, #tpu.memory_space<vmem>> -> memref<16x512xi32, #tpu.memory_space<vmem>>
    %dma_wait3A_314 = arith.constant 0 : i32
    %dma_wait3A_315 = arith.constant 0 : i32
    %dma_wait3A_316 = tpu.memref_slice %arg2[%dma_wait3A_314, %dma_wait3A_315] : memref<4096x512xi32, #tpu.memory_space<hbm>> -> memref<4096x512xi32, #tpu.memory_space<hbm>>
    tpu.wait_indirect_dma semaphore(%arg8 : memref<!tpu.dma_semaphore, #tpu.memory_space<semaphore_mem>>) src(%dma_wait3A_316 : memref<4096x512xi32, #tpu.memory_space<hbm>>) dst(%dma_wait3A_313 : memref<16x512xi32, #tpu.memory_space<vmem>>)
    %get3A_317 = arith.constant 96 : index
    %get3A_318 = tpu.vector_load %arg5[%get3A_317] {strides = array<i32>} : memref<1344xi32, #tpu.memory_space<vmem>>, vector<16xi32>,
    %get3A_319 = vector.shape_cast %get3A_318 : vector<16xi32> to vector<16xi32>
    %dma_wait3A_320 = arith.constant 1 : i32
    %dma_wait3A_321 = arith.constant 96 : i32
    %dma_wait3A_322 = arith.constant 0 : i32
    %dma_wait3A_323 = tpu.memref_slice %arg6[%dma_wait3A_320, %dma_wait3A_321, %dma_wait3A_322] : memref<2x112x512xi32, #tpu.memory_space<vmem>> -> memref<1x16x512xi32, #tpu.memory_space<vmem>>
    %dma_wait3A_324 = tpu.memref_squeeze %dma_wait3A_323 : memref<1x16x512xi32, #tpu.memory_space<vmem>> -> memref<16x512xi32, #tpu.memory_space<vmem>>
    %dma_wait3A_325 = arith.constant 0 : i32
    %dma_wait3A_326 = arith.constant 0 : i32
    %dma_wait3A_327 = tpu.memref_slice %arg2[%dma_wait3A_325, %dma_wait3A_326] : memref<4096x512xi32, #tpu.memory_space<hbm>> -> memref<4096x512xi32, #tpu.memory_space<hbm>>
    tpu.wait_indirect_dma semaphore(%arg8 : memref<!tpu.dma_semaphore, #tpu.memory_space<semaphore_mem>>) src(%dma_wait3A_327 : memref<4096x512xi32, #tpu.memory_space<hbm>>) dst(%dma_wait3A_324 : memref<16x512xi32, #tpu.memory_space<vmem>>)
    %add3A_328 = arith.constant 1232 : i32
    %add3A_329 = arith.addi %mul3A_2, %add3A_328 : i32
    %dma_start3A_330 = arith.constant 1 : i32
    %dma_start3A_331 = arith.constant 0 : i32
    %dma_start3A_332 = arith.constant 0 : i32
    %dma_start3A_333 = tpu.memref_slice %arg6[%dma_start3A_330, %dma_start3A_331, %dma_start3A_332] : memref<2x112x512xi32, #tpu.memory_space<vmem>> -> memref<1x112x512xi32, #tpu.memory_space<vmem>>
    %dma_start3A_334 = tpu.memref_squeeze %dma_start3A_333 : memref<1x112x512xi32, #tpu.memory_space<vmem>> -> memref<112x512xi32, #tpu.memory_space<vmem>>
    %dma_start3A_335 = arith.constant 0 : i32
    %dma_start3A_336 = tpu.memref_slice %arg4[%add3A_329, %dma_start3A_335] : memref<43008x512xi32, #tpu.memory_space<hbm>> -> memref<112x512xi32, #tpu.memory_space<hbm>>
    %dma_start3A_337 = arith.constant 0 : i32
    %dma_start3A_338 = tpu.memref_slice %arg4[%add3A_329, %dma_start3A_337] : memref<43008x512xi32, #tpu.memory_space<hbm>> -> memref<112x512xi32, #tpu.memory_space<hbm>>
    %dma_start3A_339 = arith.constant 0 : i32
    %dma_start3A_340 = arith.constant 0 : i32
    %dma_start3A_341 = tpu.memref_slice %arg6[%dma_start3A_330, %dma_start3A_339, %dma_start3A_340] : memref<2x112x512xi32, #tpu.memory_space<vmem>> -> memref<1x112x512xi32, #tpu.memory_space<vmem>>
    %dma_start3A_342 = tpu.memref_squeeze %dma_start3A_341 : memref<1x112x512xi32, #tpu.memory_space<vmem>> -> memref<112x512xi32, #tpu.memory_space<vmem>>
    tpu.enqueue_dma source(%dma_start3A_342 : memref<112x512xi32, #tpu.memory_space<vmem>>) target(%dma_start3A_338 : memref<112x512xi32, #tpu.memory_space<hbm>>) target_semaphore(%arg10 : memref<!tpu.dma_semaphore, #tpu.memory_space<semaphore_mem>>)
    %add3A_343 = arith.constant 1120 : i32
    %add3A_344 = arith.addi %mul3A_2, %add3A_343 : i32
    %dma_wait3A_345 = arith.constant 0 : i32
    %dma_wait3A_346 = arith.constant 0 : i32
    %dma_wait3A_347 = arith.constant 0 : i32
    %dma_wait3A_348 = tpu.memref_slice %arg6[%dma_wait3A_345, %dma_wait3A_346, %dma_wait3A_347] : memref<2x112x512xi32, #tpu.memory_space<vmem>> -> memref<1x112x512xi32, #tpu.memory_space<vmem>>
    %dma_wait3A_349 = tpu.memref_squeeze %dma_wait3A_348 : memref<1x112x512xi32, #tpu.memory_space<vmem>> -> memref<112x512xi32, #tpu.memory_space<vmem>>
    %dma_wait3A_350 = arith.constant 0 : i32
    %dma_wait3A_351 = tpu.memref_slice %arg4[%add3A_344, %dma_wait3A_350] : memref<43008x512xi32, #tpu.memory_space<hbm>> -> memref<112x512xi32, #tpu.memory_space<hbm>>
    %dma_wait3A_352 = arith.constant 0 : i32
    %dma_wait3A_353 = tpu.memref_slice %arg4[%add3A_344, %dma_wait3A_352] : memref<43008x512xi32, #tpu.memory_space<hbm>> -> memref<112x512xi32, #tpu.memory_space<hbm>>
    %dma_wait3A_354 = arith.constant 0 : i32
    %dma_wait3A_355 = arith.constant 0 : i32
    %dma_wait3A_356 = tpu.memref_slice %arg6[%dma_wait3A_345, %dma_wait3A_354, %dma_wait3A_355] : memref<2x112x512xi32, #tpu.memory_space<vmem>> -> memref<1x112x512xi32, #tpu.memory_space<vmem>>
    %dma_wait3A_357 = tpu.memref_squeeze %dma_wait3A_356 : memref<1x112x512xi32, #tpu.memory_space<vmem>> -> memref<112x512xi32, #tpu.memory_space<vmem>>
    tpu.wait_dma2 semaphore(%arg9 : memref<!tpu.dma_semaphore, #tpu.memory_space<semaphore_mem>>) src(%dma_wait3A_357 : memref<112x512xi32, #tpu.memory_space<vmem>>) dst(%dma_wait3A_353 : memref<112x512xi32, #tpu.memory_space<hbm>>)
    %add3A_358 = arith.constant 1232 : i32
    %add3A_359 = arith.addi %mul3A_2, %add3A_358 : i32
    %dma_wait3A_360 = arith.constant 1 : i32
    %dma_wait3A_361 = arith.constant 0 : i32
    %dma_wait3A_362 = arith.constant 0 : i32
    %dma_wait3A_363 = tpu.memref_slice %arg6[%dma_wait3A_360, %dma_wait3A_361, %dma_wait3A_362] : memref<2x112x512xi32, #tpu.memory_space<vmem>> -> memref<1x112x512xi32, #tpu.memory_space<vmem>>
    %dma_wait3A_364 = tpu.memref_squeeze %dma_wait3A_363 : memref<1x112x512xi32, #tpu.memory_space<vmem>> -> memref<112x512xi32, #tpu.memory_space<vmem>>
    %dma_wait3A_365 = arith.constant 0 : i32
    %dma_wait3A_366 = tpu.memref_slice %arg4[%add3A_359, %dma_wait3A_365] : memref<43008x512xi32, #tpu.memory_space<hbm>> -> memref<112x512xi32, #tpu.memory_space<hbm>>
    %dma_wait3A_367 = arith.constant 0 : i32
    %dma_wait3A_368 = tpu.memref_slice %arg4[%add3A_359, %dma_wait3A_367] : memref<43008x512xi32, #tpu.memory_space<hbm>> -> memref<112x512xi32, #tpu.memory_space<hbm>>
    %dma_wait3A_369 = arith.constant 0 : i32
    %dma_wait3A_370 = arith.constant 0 : i32
    %dma_wait3A_371 = tpu.memref_slice %arg6[%dma_wait3A_360, %dma_wait3A_369, %dma_wait3A_370] : memref<2x112x512xi32, #tpu.memory_space<vmem>> -> memref<1x112x512xi32, #tpu.memory_space<vmem>>
    %dma_wait3A_372 = tpu.memref_squeeze %dma_wait3A_371 : memref<1x112x512xi32, #tpu.memory_space<vmem>> -> memref<112x512xi32, #tpu.memory_space<vmem>>
    tpu.wait_dma2 semaphore(%arg10 : memref<!tpu.dma_semaphore, #tpu.memory_space<semaphore_mem>>) src(%dma_wait3A_372 : memref<112x512xi32, #tpu.memory_space<vmem>>) dst(%dma_wait3A_368 : memref<112x512xi32, #tpu.memory_space<hbm>>)
    return
  }
}

#map = affine_map<(d0, d1) -> (0, 0)>
#map1 = affine_map<(d0, d1) -> (0)>
module attributes {stable_mosaic.version = 14 : i64} {
  func.func @_sc_gather(%arg0: i32, %arg1: i32, %arg2: memref<4096x512xi32, #tpu.memory_space<hbm>>, %arg3: memref<43008xi32, #tpu.memory_space<hbm>>, %arg4: memref<43008x512xi32, #tpu.memory_space<hbm>>, %arg5: memref<1344xi32, #tpu.memory_space<vmem>>, %arg6: memref<2x112x512xi32, #tpu.memory_space<vmem>>, %arg7: memref<!tpu.dma_semaphore, #tpu.memory_space<semaphore_mem>>, %arg8: memref<!tpu.dma_semaphore, #tpu.memory_space<semaphore_mem>>, %arg9: memref<!tpu.dma_semaphore, #tpu.memory_space<semaphore_mem>>, %arg10: memref<!tpu.dma_semaphore, #tpu.memory_space<semaphore_mem>>) attributes {dimension_semantics = [#tpu.dimension_semantics<core_parallel>, #tpu.dimension_semantics<subcore_parallel>], iteration_bounds = array<i64: 2, 16>, scalar_prefetch = 0 : i64, scratch_operands = 6 : i64, tpu.core_type = #tpu.core_type<sc_vector_subcore>, window_params = [{transform_indices = #map}, {transform_indices = #map1}, {transform_indices = #map}]} {
    %mul3A = arith.constant 2 : i32
    %mul3A_0 = arith.muli %arg1, %mul3A : i32
    %add3A = arith.addi %mul3A_0, %arg0 : i32
    %mul3A_1 = arith.constant 1344 : i32
    %mul3A_2 = arith.muli %add3A, %mul3A_1 : i32
    "tpu.region"() ({
      %run_scoped3A = tpu.sem_alloc : memref<!tpu.dma_semaphore, #tpu.memory_space<semaphore_mem>>
      %dma_start3A_373 = tpu.memref_slice %arg3[%mul3A_2] : memref<43008xi32, #tpu.memory_space<hbm>> -> memref<1344xi32, #tpu.memory_space<hbm>>
      %dma_start3A_374 = tpu.memref_slice %arg3[%mul3A_2] : memref<43008xi32, #tpu.memory_space<hbm>> -> memref<1344xi32, #tpu.memory_space<hbm>>
      tpu.enqueue_dma source(%dma_start3A_374 : memref<1344xi32, #tpu.memory_space<hbm>>) target(%arg5 : memref<1344xi32, #tpu.memory_space<vmem>>) target_semaphore(%run_scoped3A : memref<!tpu.dma_semaphore, #tpu.memory_space<semaphore_mem>>)
      %dma_wait3A_375 = tpu.memref_slice %arg3[%mul3A_2] : memref<43008xi32, #tpu.memory_space<hbm>> -> memref<1344xi32, #tpu.memory_space<hbm>>
      %dma_wait3A_376 = tpu.memref_slice %arg3[%mul3A_2] : memref<43008xi32, #tpu.memory_space<hbm>> -> memref<1344xi32, #tpu.memory_space<hbm>>
      tpu.wait_dma2 semaphore(%run_scoped3A : memref<!tpu.dma_semaphore, #tpu.memory_space<semaphore_mem>>) src(%dma_wait3A_376 : memref<1344xi32, #tpu.memory_space<hbm>>) dst(%arg5 : memref<1344xi32, #tpu.memory_space<vmem>>)
      tpu.yield
    }) : () -> ()
    %get3A = arith.constant 0 : index
    %get3A_3 = tpu.vector_load %arg5[%get3A] {strides = array<i32>} : memref<1344xi32, #tpu.memory_space<vmem>>, vector<16xi32>,
    %get3A_4 = vector.shape_cast %get3A_3 : vector<16xi32> to vector<16xi32>
    %dma_start3A = arith.constant 0 : i32
    %dma_start3A_5 = arith.constant 0 : i32
    %dma_start3A_6 = arith.constant 0 : i32
    %dma_start3A_7 = tpu.memref_slice %arg6[%dma_start3A, %dma_start3A_5, %dma_start3A_6] : memref<2x112x512xi32, #tpu.memory_space<vmem>> -> memref<1x16x512xi32, #tpu.memory_space<vmem>>
    %dma_start3A_8 = tpu.memref_squeeze %dma_start3A_7 : memref<1x16x512xi32, #tpu.memory_space<vmem>> -> memref<16x512xi32, #tpu.memory_space<vmem>>
    %dma_start3A_9 = arith.constant 0 : i32
    %dma_start3A_10 = arith.constant 0 : i32
    %dma_start3A_11 = tpu.memref_slice %arg2[%dma_start3A_9, %dma_start3A_10] : memref<4096x512xi32, #tpu.memory_space<hbm>> -> memref<4096x512xi32, #tpu.memory_space<hbm>>
    tpu.enqueue_indirect_dma source(%dma_start3A_11 : memref<4096x512xi32, #tpu.memory_space<hbm>>) target(%dma_start3A_8 : memref<16x512xi32, #tpu.memory_space<vmem>>) offsets(%get3A_4 : vector<16xi32>) semaphore(%arg7 : memref<!tpu.dma_semaphore, #tpu.memory_space<semaphore_mem>>)
    %get3A_12 = arith.constant 16 : index
    %get3A_13 = tpu.vector_load %arg5[%get3A_12] {strides = array<i32>} : memref<1344xi32, #tpu.memory_space<vmem>>, vector<16xi32>,
    %get3A_14 = vector.shape_cast %get3A_13 : vector<16xi32> to vector<16xi32>
    %dma_start3A_15 = arith.constant 0 : i32
    %dma_start3A_16 = arith.constant 16 : i32
    %dma_start3A_17 = arith.constant 0 : i32
    %dma_start3A_18 = tpu.memref_slice %arg6[%dma_start3A_15, %dma_start3A_16, %dma_start3A_17] : memref<2x112x512xi32, #tpu.memory_space<vmem>> -> memref<1x16x512xi32, #tpu.memory_space<vmem>>
    %dma_start3A_19 = tpu.memref_squeeze %dma_start3A_18 : memref<1x16x512xi32, #tpu.memory_space<vmem>> -> memref<16x512xi32, #tpu.memory_space<vmem>>
    %dma_start3A_20 = arith.constant 0 : i32
    %dma_start3A_21 = arith.constant 0 : i32
    %dma_start3A_22 = tpu.memref_slice %arg2[%dma_start3A_20, %dma_start3A_21] : memref<4096x512xi32, #tpu.memory_space<hbm>> -> memref<4096x512xi32, #tpu.memory_space<hbm>>
    tpu.enqueue_indirect_dma source(%dma_start3A_22 : memref<4096x512xi32, #tpu.memory_space<hbm>>) target(%dma_start3A_19 : memref<16x512xi32, #tpu.memory_space<vmem>>) offsets(%get3A_14 : vector<16xi32>) semaphore(%arg7 : memref<!tpu.dma_semaphore, #tpu.memory_space<semaphore_mem>>)
    %get3A_23 = arith.constant 32 : index
    %get3A_24 = tpu.vector_load %arg5[%get3A_23] {strides = array<i32>} : memref<1344xi32, #tpu.memory_space<vmem>>, vector<16xi32>,
    %get3A_25 = vector.shape_cast %get3A_24 : vector<16xi32> to vector<16xi32>
    %dma_start3A_26 = arith.constant 0 : i32
    %dma_start3A_27 = arith.constant 32 : i32
    %dma_start3A_28 = arith.constant 0 : i32
    %dma_start3A_29 = tpu.memref_slice %arg6[%dma_start3A_26, %dma_start3A_27, %dma_start3A_28] : memref<2x112x512xi32, #tpu.memory_space<vmem>> -> memref<1x16x512xi32, #tpu.memory_space<vmem>>
    %dma_start3A_30 = tpu.memref_squeeze %dma_start3A_29 : memref<1x16x512xi32, #tpu.memory_space<vmem>> -> memref<16x512xi32, #tpu.memory_space<vmem>>
    %dma_start3A_31 = arith.constant 0 : i32
    %dma_start3A_32 = arith.constant 0 : i32
    %dma_start3A_33 = tpu.memref_slice %arg2[%dma_start3A_31, %dma_start3A_32] : memref<4096x512xi32, #tpu.memory_space<hbm>> -> memref<4096x512xi32, #tpu.memory_space<hbm>>
    tpu.enqueue_indirect_dma source(%dma_start3A_33 : memref<4096x512xi32, #tpu.memory_space<hbm>>) target(%dma_start3A_30 : memref<16x512xi32, #tpu.memory_space<vmem>>) offsets(%get3A_25 : vector<16xi32>) semaphore(%arg7 : memref<!tpu.dma_semaphore, #tpu.memory_space<semaphore_mem>>)
    %get3A_34 = arith.constant 48 : index
    %get3A_35 = tpu.vector_load %arg5[%get3A_34] {strides = array<i32>} : memref<1344xi32, #tpu.memory_space<vmem>>, vector<16xi32>,
    %get3A_36 = vector.shape_cast %get3A_35 : vector<16xi32> to vector<16xi32>
    %dma_start3A_37 = arith.constant 0 : i32
    %dma_start3A_38 = arith.constant 48 : i32
    %dma_start3A_39 = arith.constant 0 : i32
    %dma_start3A_40 = tpu.memref_slice %arg6[%dma_start3A_37, %dma_start3A_38, %dma_start3A_39] : memref<2x112x512xi32, #tpu.memory_space<vmem>> -> memref<1x16x512xi32, #tpu.memory_space<vmem>>
    %dma_start3A_41 = tpu.memref_squeeze %dma_start3A_40 : memref<1x16x512xi32, #tpu.memory_space<vmem>> -> memref<16x512xi32, #tpu.memory_space<vmem>>
    %dma_start3A_42 = arith.constant 0 : i32
    %dma_start3A_43 = arith.constant 0 : i32
    %dma_start3A_44 = tpu.memref_slice %arg2[%dma_start3A_42, %dma_start3A_43] : memref<4096x512xi32, #tpu.memory_space<hbm>> -> memref<4096x512xi32, #tpu.memory_space<hbm>>
    tpu.enqueue_indirect_dma source(%dma_start3A_44 : memref<4096x512xi32, #tpu.memory_space<hbm>>) target(%dma_start3A_41 : memref<16x512xi32, #tpu.memory_space<vmem>>) offsets(%get3A_36 : vector<16xi32>) semaphore(%arg7 : memref<!tpu.dma_semaphore, #tpu.memory_space<semaphore_mem>>)
    %get3A_45 = arith.constant 64 : index
    %get3A_46 = tpu.vector_load %arg5[%get3A_45] {strides = array<i32>} : memref<1344xi32, #tpu.memory_space<vmem>>, vector<16xi32>,
    %get3A_47 = vector.shape_cast %get3A_46 : vector<16xi32> to vector<16xi32>
    %dma_start3A_48 = arith.constant 0 : i32
    %dma_start3A_49 = arith.constant 64 : i32
    %dma_start3A_50 = arith.constant 0 : i32
    %dma_start3A_51 = tpu.memref_slice %arg6[%dma_start3A_48, %dma_start3A_49, %dma_start3A_50] : memref<2x112x512xi32, #tpu.memory_space<vmem>> -> memref<1x16x512xi32, #tpu.memory_space<vmem>>
    %dma_start3A_52 = tpu.memref_squeeze %dma_start3A_51 : memref<1x16x512xi32, #tpu.memory_space<vmem>> -> memref<16x512xi32, #tpu.memory_space<vmem>>
    %dma_start3A_53 = arith.constant 0 : i32
    %dma_start3A_54 = arith.constant 0 : i32
    %dma_start3A_55 = tpu.memref_slice %arg2[%dma_start3A_53, %dma_start3A_54] : memref<4096x512xi32, #tpu.memory_space<hbm>> -> memref<4096x512xi32, #tpu.memory_space<hbm>>
    tpu.enqueue_indirect_dma source(%dma_start3A_55 : memref<4096x512xi32, #tpu.memory_space<hbm>>) target(%dma_start3A_52 : memref<16x512xi32, #tpu.memory_space<vmem>>) offsets(%get3A_47 : vector<16xi32>) semaphore(%arg7 : memref<!tpu.dma_semaphore, #tpu.memory_space<semaphore_mem>>)
    %get3A_56 = arith.constant 80 : index
    %get3A_57 = tpu.vector_load %arg5[%get3A_56] {strides = array<i32>} : memref<1344xi32, #tpu.memory_space<vmem>>, vector<16xi32>,
    %get3A_58 = vector.shape_cast %get3A_57 : vector<16xi32> to vector<16xi32>
    %dma_start3A_59 = arith.constant 0 : i32
    %dma_start3A_60 = arith.constant 80 : i32
    %dma_start3A_61 = arith.constant 0 : i32
    %dma_start3A_62 = tpu.memref_slice %arg6[%dma_start3A_59, %dma_start3A_60, %dma_start3A_61] : memref<2x112x512xi32, #tpu.memory_space<vmem>> -> memref<1x16x512xi32, #tpu.memory_space<vmem>>
    %dma_start3A_63 = tpu.memref_squeeze %dma_start3A_62 : memref<1x16x512xi32, #tpu.memory_space<vmem>> -> memref<16x512xi32, #tpu.memory_space<vmem>>
    %dma_start3A_64 = arith.constant 0 : i32
    %dma_start3A_65 = arith.constant 0 : i32
    %dma_start3A_66 = tpu.memref_slice %arg2[%dma_start3A_64, %dma_start3A_65] : memref<4096x512xi32, #tpu.memory_space<hbm>> -> memref<4096x512xi32, #tpu.memory_space<hbm>>
    tpu.enqueue_indirect_dma source(%dma_start3A_66 : memref<4096x512xi32, #tpu.memory_space<hbm>>) target(%dma_start3A_63 : memref<16x512xi32, #tpu.memory_space<vmem>>) offsets(%get3A_58 : vector<16xi32>) semaphore(%arg7 : memref<!tpu.dma_semaphore, #tpu.memory_space<semaphore_mem>>)
    %get3A_67 = arith.constant 96 : index
    %get3A_68 = tpu.vector_load %arg5[%get3A_67] {strides = array<i32>} : memref<1344xi32, #tpu.memory_space<vmem>>, vector<16xi32>,
    %get3A_69 = vector.shape_cast %get3A_68 : vector<16xi32> to vector<16xi32>
    %dma_start3A_70 = arith.constant 0 : i32
    %dma_start3A_71 = arith.constant 96 : i32
    %dma_start3A_72 = arith.constant 0 : i32
    %dma_start3A_73 = tpu.memref_slice %arg6[%dma_start3A_70, %dma_start3A_71, %dma_start3A_72] : memref<2x112x512xi32, #tpu.memory_space<vmem>> -> memref<1x16x512xi32, #tpu.memory_space<vmem>>
    %dma_start3A_74 = tpu.memref_squeeze %dma_start3A_73 : memref<1x16x512xi32, #tpu.memory_space<vmem>> -> memref<16x512xi32, #tpu.memory_space<vmem>>
    %dma_start3A_75 = arith.constant 0 : i32
    %dma_start3A_76 = arith.constant 0 : i32
    %dma_start3A_77 = tpu.memref_slice %arg2[%dma_start3A_75, %dma_start3A_76] : memref<4096x512xi32, #tpu.memory_space<hbm>> -> memref<4096x512xi32, #tpu.memory_space<hbm>>
    tpu.enqueue_indirect_dma source(%dma_start3A_77 : memref<4096x512xi32, #tpu.memory_space<hbm>>) target(%dma_start3A_74 : memref<16x512xi32, #tpu.memory_space<vmem>>) offsets(%get3A_69 : vector<16xi32>) semaphore(%arg7 : memref<!tpu.dma_semaphore, #tpu.memory_space<semaphore_mem>>)
    %get3A_78 = arith.constant 112 : index
    %get3A_79 = tpu.vector_load %arg5[%get3A_78] {strides = array<i32>} : memref<1344xi32, #tpu.memory_space<vmem>>, vector<16xi32>,
    %get3A_80 = vector.shape_cast %get3A_79 : vector<16xi32> to vector<16xi32>
    %dma_start3A_81 = arith.constant 1 : i32
    %dma_start3A_82 = arith.constant 0 : i32
    %dma_start3A_83 = arith.constant 0 : i32
    %dma_start3A_84 = tpu.memref_slice %arg6[%dma_start3A_81, %dma_start3A_82, %dma_start3A_83] : memref<2x112x512xi32, #tpu.memory_space<vmem>> -> memref<1x16x512xi32, #tpu.memory_space<vmem>>
    %dma_start3A_85 = tpu.memref_squeeze %dma_start3A_84 : memref<1x16x512xi32, #tpu.memory_space<vmem>> -> memref<16x512xi32, #tpu.memory_space<vmem>>
    %dma_start3A_86 = arith.constant 0 : i32
    %dma_start3A_87 = arith.constant 0 : i32
    %dma_start3A_88 = tpu.memref_slice %arg2[%dma_start3A_86, %dma_start3A_87] : memref<4096x512xi32, #tpu.memory_space<hbm>> -> memref<4096x512xi32, #tpu.memory_space<hbm>>
    tpu.enqueue_indirect_dma source(%dma_start3A_88 : memref<4096x512xi32, #tpu.memory_space<hbm>>) target(%dma_start3A_85 : memref<16x512xi32, #tpu.memory_space<vmem>>) offsets(%get3A_80 : vector<16xi32>) semaphore(%arg8 : memref<!tpu.dma_semaphore, #tpu.memory_space<semaphore_mem>>)
    %get3A_89 = arith.constant 128 : index
    %get3A_90 = tpu.vector_load %arg5[%get3A_89] {strides = array<i32>} : memref<1344xi32, #tpu.memory_space<vmem>>, vector<16xi32>,
    %get3A_91 = vector.shape_cast %get3A_90 : vector<16xi32> to vector<16xi32>
    %dma_start3A_92 = arith.constant 1 : i32
    %dma_start3A_93 = arith.constant 16 : i32
    %dma_start3A_94 = arith.constant 0 : i32
    %dma_start3A_95 = tpu.memref_slice %arg6[%dma_start3A_92, %dma_start3A_93, %dma_start3A_94] : memref<2x112x512xi32, #tpu.memory_space<vmem>> -> memref<1x16x512xi32, #tpu.memory_space<vmem>>
    %dma_start3A_96 = tpu.memref_squeeze %dma_start3A_95 : memref<1x16x512xi32, #tpu.memory_space<vmem>> -> memref<16x512xi32, #tpu.memory_space<vmem>>
    %dma_start3A_97 = arith.constant 0 : i32
    %dma_start3A_98 = arith.constant 0 : i32
    %dma_start3A_99 = tpu.memref_slice %arg2[%dma_start3A_97, %dma_start3A_98] : memref<4096x512xi32, #tpu.memory_space<hbm>> -> memref<4096x512xi32, #tpu.memory_space<hbm>>
    tpu.enqueue_indirect_dma source(%dma_start3A_99 : memref<4096x512xi32, #tpu.memory_space<hbm>>) target(%dma_start3A_96 : memref<16x512xi32, #tpu.memory_space<vmem>>) offsets(%get3A_91 : vector<16xi32>) semaphore(%arg8 : memref<!tpu.dma_semaphore, #tpu.memory_space<semaphore_mem>>)
    %get3A_100 = arith.constant 144 : index
    %get3A_101 = tpu.vector_load %arg5[%get3A_100] {strides = array<i32>} : memref<1344xi32, #tpu.memory_space<vmem>>, vector<16xi32>,
    %get3A_102 = vector.shape_cast %get3A_101 : vector<16xi32> to vector<16xi32>
    %dma_start3A_103 = arith.constant 1 : i32
    %dma_start3A_104 = arith.constant 32 : i32
    %dma_start3A_105 = arith.constant 0 : i32
    %dma_start3A_106 = tpu.memref_slice %arg6[%dma_start3A_103, %dma_start3A_104, %dma_start3A_105] : memref<2x112x512xi32, #tpu.memory_space<vmem>> -> memref<1x16x512xi32, #tpu.memory_space<vmem>>
    %dma_start3A_107 = tpu.memref_squeeze %dma_start3A_106 : memref<1x16x512xi32, #tpu.memory_space<vmem>> -> memref<16x512xi32, #tpu.memory_space<vmem>>
    %dma_start3A_108 = arith.constant 0 : i32
    %dma_start3A_109 = arith.constant 0 : i32
    %dma_start3A_110 = tpu.memref_slice %arg2[%dma_start3A_108, %dma_start3A_109] : memref<4096x512xi32, #tpu.memory_space<hbm>> -> memref<4096x512xi32, #tpu.memory_space<hbm>>
    tpu.enqueue_indirect_dma source(%dma_start3A_110 : memref<4096x512xi32, #tpu.memory_space<hbm>>) target(%dma_start3A_107 : memref<16x512xi32, #tpu.memory_space<vmem>>) offsets(%get3A_102 : vector<16xi32>) semaphore(%arg8 : memref<!tpu.dma_semaphore, #tpu.memory_space<semaphore_mem>>)
    %get3A_111 = arith.constant 160 : index
    %get3A_112 = tpu.vector_load %arg5[%get3A_111] {strides = array<i32>} : memref<1344xi32, #tpu.memory_space<vmem>>, vector<16xi32>,
    %get3A_113 = vector.shape_cast %get3A_112 : vector<16xi32> to vector<16xi32>
    %dma_start3A_114 = arith.constant 1 : i32
    %dma_start3A_115 = arith.constant 48 : i32
    %dma_start3A_116 = arith.constant 0 : i32
    %dma_start3A_117 = tpu.memref_slice %arg6[%dma_start3A_114, %dma_start3A_115, %dma_start3A_116] : memref<2x112x512xi32, #tpu.memory_space<vmem>> -> memref<1x16x512xi32, #tpu.memory_space<vmem>>
    %dma_start3A_118 = tpu.memref_squeeze %dma_start3A_117 : memref<1x16x512xi32, #tpu.memory_space<vmem>> -> memref<16x512xi32, #tpu.memory_space<vmem>>
    %dma_start3A_119 = arith.constant 0 : i32
    %dma_start3A_120 = arith.constant 0 : i32
    %dma_start3A_121 = tpu.memref_slice %arg2[%dma_start3A_119, %dma_start3A_120] : memref<4096x512xi32, #tpu.memory_space<hbm>> -> memref<4096x512xi32, #tpu.memory_space<hbm>>
    tpu.enqueue_indirect_dma source(%dma_start3A_121 : memref<4096x512xi32, #tpu.memory_space<hbm>>) target(%dma_start3A_118 : memref<16x512xi32, #tpu.memory_space<vmem>>) offsets(%get3A_113 : vector<16xi32>) semaphore(%arg8 : memref<!tpu.dma_semaphore, #tpu.memory_space<semaphore_mem>>)
    %get3A_122 = arith.constant 176 : index
    %get3A_123 = tpu.vector_load %arg5[%get3A_122] {strides = array<i32>} : memref<1344xi32, #tpu.memory_space<vmem>>, vector<16xi32>,
    %get3A_124 = vector.shape_cast %get3A_123 : vector<16xi32> to vector<16xi32>
    %dma_start3A_125 = arith.constant 1 : i32
    %dma_start3A_126 = arith.constant 64 : i32
    %dma_start3A_127 = arith.constant 0 : i32
    %dma_start3A_128 = tpu.memref_slice %arg6[%dma_start3A_125, %dma_start3A_126, %dma_start3A_127] : memref<2x112x512xi32, #tpu.memory_space<vmem>> -> memref<1x16x512xi32, #tpu.memory_space<vmem>>
    %dma_start3A_129 = tpu.memref_squeeze %dma_start3A_128 : memref<1x16x512xi32, #tpu.memory_space<vmem>> -> memref<16x512xi32, #tpu.memory_space<vmem>>
    %dma_start3A_130 = arith.constant 0 : i32
    %dma_start3A_131 = arith.constant 0 : i32
    %dma_start3A_132 = tpu.memref_slice %arg2[%dma_start3A_130, %dma_start3A_131] : memref<4096x512xi32, #tpu.memory_space<hbm>> -> memref<4096x512xi32, #tpu.memory_space<hbm>>
    tpu.enqueue_indirect_dma source(%dma_start3A_132 : memref<4096x512xi32, #tpu.memory_space<hbm>>) target(%dma_start3A_129 : memref<16x512xi32, #tpu.memory_space<vmem>>) offsets(%get3A_124 : vector<16xi32>) semaphore(%arg8 : memref<!tpu.dma_semaphore, #tpu.memory_space<semaphore_mem>>)
    %get3A_133 = arith.constant 192 : index
    %get3A_134 = tpu.vector_load %arg5[%get3A_133] {strides = array<i32>} : memref<1344xi32, #tpu.memory_space<vmem>>, vector<16xi32>,
    %get3A_135 = vector.shape_cast %get3A_134 : vector<16xi32> to vector<16xi32>
    %dma_start3A_136 = arith.constant 1 : i32
    %dma_start3A_137 = arith.constant 80 : i32
    %dma_start3A_138 = arith.constant 0 : i32
    %dma_start3A_139 = tpu.memref_slice %arg6[%dma_start3A_136, %dma_start3A_137, %dma_start3A_138] : memref<2x112x512xi32, #tpu.memory_space<vmem>> -> memref<1x16x512xi32, #tpu.memory_space<vmem>>
    %dma_start3A_140 = tpu.memref_squeeze %dma_start3A_139 : memref<1x16x512xi32, #tpu.memory_space<vmem>> -> memref<16x512xi32, #tpu.memory_space<vmem>>
    %dma_start3A_141 = arith.constant 0 : i32
    %dma_start3A_142 = arith.constant 0 : i32
    %dma_start3A_143 = tpu.memref_slice %arg2[%dma_start3A_141, %dma_start3A_142] : memref<4096x512xi32, #tpu.memory_space<hbm>> -> memref<4096x512xi32, #tpu.memory_space<hbm>>
    tpu.enqueue_indirect_dma source(%dma_start3A_143 : memref<4096x512xi32, #tpu.memory_space<hbm>>) target(%dma_start3A_140 : memref<16x512xi32, #tpu.memory_space<vmem>>) offsets(%get3A_135 : vector<16xi32>) semaphore(%arg8 : memref<!tpu.dma_semaphore, #tpu.memory_space<semaphore_mem>>)
    %get3A_144 = arith.constant 208 : index
    %get3A_145 = tpu.vector_load %arg5[%get3A_144] {strides = array<i32>} : memref<1344xi32, #tpu.memory_space<vmem>>, vector<16xi32>,
    %get3A_146 = vector.shape_cast %get3A_145 : vector<16xi32> to vector<16xi32>
    %dma_start3A_147 = arith.constant 1 : i32
    %dma_start3A_148 = arith.constant 96 : i32
    %dma_start3A_149 = arith.constant 0 : i32
    %dma_start3A_150 = tpu.memref_slice %arg6[%dma_start3A_147, %dma_start3A_148, %dma_start3A_149] : memref<2x112x512xi32, #tpu.memory_space<vmem>> -> memref<1x16x512xi32, #tpu.memory_space<vmem>>
    %dma_start3A_151 = tpu.memref_squeeze %dma_start3A_150 : memref<1x16x512xi32, #tpu.memory_space<vmem>> -> memref<16x512xi32, #tpu.memory_space<vmem>>
    %dma_start3A_152 = arith.constant 0 : i32
    %dma_start3A_153 = arith.constant 0 : i32
    %dma_start3A_154 = tpu.memref_slice %arg2[%dma_start3A_152, %dma_start3A_153] : memref<4096x512xi32, #tpu.memory_space<hbm>> -> memref<4096x512xi32, #tpu.memory_space<hbm>>
    tpu.enqueue_indirect_dma source(%dma_start3A_154 : memref<4096x512xi32, #tpu.memory_space<hbm>>) target(%dma_start3A_151 : memref<16x512xi32, #tpu.memory_space<vmem>>) offsets(%get3A_146 : vector<16xi32>) semaphore(%arg8 : memref<!tpu.dma_semaphore, #tpu.memory_space<semaphore_mem>>)
    %scan3A = arith.constant 0 : i32
    %scan3A_155 = arith.constant 0 : i32
    %scan3A_156 = arith.constant 5 : i32
    %scan3A_157 = arith.addi %scan3A_155, %scan3A_156 : i32
    %scan3A_158 = arith.constant 1 : i32
    scf.for %scan3A_373 = %scan3A_155 to %scan3A_157 step %scan3A_158  : i32 {
      %mul3A_374 = arith.constant 2 : i32
      %mul3A_375 = arith.muli %mul3A_374, %scan3A_373 : i32
      %mul3A_376 = arith.constant 2 : i32
      %mul3A_377 = arith.muli %mul3A_376, %scan3A_373 : i32
      %add3A_378 = arith.constant 1 : i32
      %add3A_379 = arith.addi %mul3A_377, %add3A_378 : i32
      %get3A_380 = arith.constant 0 : index
      %get3A_381 = tpu.vector_load %arg5[%get3A_380] {strides = array<i32>} : memref<1344xi32, #tpu.memory_space<vmem>>, vector<16xi32>,
      %get3A_382 = vector.shape_cast %get3A_381 : vector<16xi32> to vector<16xi32>
      %dma_wait3A_383 = arith.constant 0 : i32
      %dma_wait3A_384 = arith.constant 0 : i32
      %dma_wait3A_385 = arith.constant 0 : i32
      %dma_wait3A_386 = tpu.memref_slice %arg6[%dma_wait3A_383, %dma_wait3A_384, %dma_wait3A_385] : memref<2x112x512xi32, #tpu.memory_space<vmem>> -> memref<1x16x512xi32, #tpu.memory_space<vmem>>
      %dma_wait3A_387 = tpu.memref_squeeze %dma_wait3A_386 : memref<1x16x512xi32, #tpu.memory_space<vmem>> -> memref<16x512xi32, #tpu.memory_space<vmem>>
      %dma_wait3A_388 = arith.constant 0 : i32
      %dma_wait3A_389 = arith.constant 0 : i32
      %dma_wait3A_390 = tpu.memref_slice %arg2[%dma_wait3A_388, %dma_wait3A_389] : memref<4096x512xi32, #tpu.memory_space<hbm>> -> memref<4096x512xi32, #tpu.memory_space<hbm>>
      tpu.wait_indirect_dma semaphore(%arg7 : memref<!tpu.dma_semaphore, #tpu.memory_space<semaphore_mem>>) src(%dma_wait3A_390 : memref<4096x512xi32, #tpu.memory_space<hbm>>) dst(%dma_wait3A_387 : memref<16x512xi32, #tpu.memory_space<vmem>>)
      %get3A_391 = arith.constant 16 : index
      %get3A_392 = tpu.vector_load %arg5[%get3A_391] {strides = array<i32>} : memref<1344xi32, #tpu.memory_space<vmem>>, vector<16xi32>,
      %get3A_393 = vector.shape_cast %get3A_392 : vector<16xi32> to vector<16xi32>
      %dma_wait3A_394 = arith.constant 0 : i32
      %dma_wait3A_395 = arith.constant 16 : i32
      %dma_wait3A_396 = arith.constant 0 : i32
      %dma_wait3A_397 = tpu.memref_slice %arg6[%dma_wait3A_394, %dma_wait3A_395, %dma_wait3A_396] : memref<2x112x512xi32, #tpu.memory_space<vmem>> -> memref<1x16x512xi32, #tpu.memory_space<vmem>>
      %dma_wait3A_398 = tpu.memref_squeeze %dma_wait3A_397 : memref<1x16x512xi32, #tpu.memory_space<vmem>> -> memref<16x512xi32, #tpu.memory_space<vmem>>
      %dma_wait3A_399 = arith.constant 0 : i32
      %dma_wait3A_400 = arith.constant 0 : i32
      %dma_wait3A_401 = tpu.memref_slice %arg2[%dma_wait3A_399, %dma_wait3A_400] : memref<4096x512xi32, #tpu.memory_space<hbm>> -> memref<4096x512xi32, #tpu.memory_space<hbm>>
      tpu.wait_indirect_dma semaphore(%arg7 : memref<!tpu.dma_semaphore, #tpu.memory_space<semaphore_mem>>) src(%dma_wait3A_401 : memref<4096x512xi32, #tpu.memory_space<hbm>>) dst(%dma_wait3A_398 : memref<16x512xi32, #tpu.memory_space<vmem>>)
      %get3A_402 = arith.constant 32 : index
      %get3A_403 = tpu.vector_load %arg5[%get3A_402] {strides = array<i32>} : memref<1344xi32, #tpu.memory_space<vmem>>, vector<16xi32>,
      %get3A_404 = vector.shape_cast %get3A_403 : vector<16xi32> to vector<16xi32>
      %dma_wait3A_405 = arith.constant 0 : i32
      %dma_wait3A_406 = arith.constant 32 : i32
      %dma_wait3A_407 = arith.constant 0 : i32
      %dma_wait3A_408 = tpu.memref_slice %arg6[%dma_wait3A_405, %dma_wait3A_406, %dma_wait3A_407] : memref<2x112x512xi32, #tpu.memory_space<vmem>> -> memref<1x16x512xi32, #tpu.memory_space<vmem>>
      %dma_wait3A_409 = tpu.memref_squeeze %dma_wait3A_408 : memref<1x16x512xi32, #tpu.memory_space<vmem>> -> memref<16x512xi32, #tpu.memory_space<vmem>>
      %dma_wait3A_410 = arith.constant 0 : i32
      %dma_wait3A_411 = arith.constant 0 : i32
      %dma_wait3A_412 = tpu.memref_slice %arg2[%dma_wait3A_410, %dma_wait3A_411] : memref<4096x512xi32, #tpu.memory_space<hbm>> -> memref<4096x512xi32, #tpu.memory_space<hbm>>
      tpu.wait_indirect_dma semaphore(%arg7 : memref<!tpu.dma_semaphore, #tpu.memory_space<semaphore_mem>>) src(%dma_wait3A_412 : memref<4096x512xi32, #tpu.memory_space<hbm>>) dst(%dma_wait3A_409 : memref<16x512xi32, #tpu.memory_space<vmem>>)
      %get3A_413 = arith.constant 48 : index
      %get3A_414 = tpu.vector_load %arg5[%get3A_413] {strides = array<i32>} : memref<1344xi32, #tpu.memory_space<vmem>>, vector<16xi32>,
      %get3A_415 = vector.shape_cast %get3A_414 : vector<16xi32> to vector<16xi32>
      %dma_wait3A_416 = arith.constant 0 : i32
      %dma_wait3A_417 = arith.constant 48 : i32
      %dma_wait3A_418 = arith.constant 0 : i32
      %dma_wait3A_419 = tpu.memref_slice %arg6[%dma_wait3A_416, %dma_wait3A_417, %dma_wait3A_418] : memref<2x112x512xi32, #tpu.memory_space<vmem>> -> memref<1x16x512xi32, #tpu.memory_space<vmem>>
      %dma_wait3A_420 = tpu.memref_squeeze %dma_wait3A_419 : memref<1x16x512xi32, #tpu.memory_space<vmem>> -> memref<16x512xi32, #tpu.memory_space<vmem>>
      %dma_wait3A_421 = arith.constant 0 : i32
      %dma_wait3A_422 = arith.constant 0 : i32
      %dma_wait3A_423 = tpu.memref_slice %arg2[%dma_wait3A_421, %dma_wait3A_422] : memref<4096x512xi32, #tpu.memory_space<hbm>> -> memref<4096x512xi32, #tpu.memory_space<hbm>>
      tpu.wait_indirect_dma semaphore(%arg7 : memref<!tpu.dma_semaphore, #tpu.memory_space<semaphore_mem>>) src(%dma_wait3A_423 : memref<4096x512xi32, #tpu.memory_space<hbm>>) dst(%dma_wait3A_420 : memref<16x512xi32, #tpu.memory_space<vmem>>)
      %get3A_424 = arith.constant 64 : index
      %get3A_425 = tpu.vector_load %arg5[%get3A_424] {strides = array<i32>} : memref<1344xi32, #tpu.memory_space<vmem>>, vector<16xi32>,
      %get3A_426 = vector.shape_cast %get3A_425 : vector<16xi32> to vector<16xi32>
      %dma_wait3A_427 = arith.constant 0 : i32
      %dma_wait3A_428 = arith.constant 64 : i32
      %dma_wait3A_429 = arith.constant 0 : i32
      %dma_wait3A_430 = tpu.memref_slice %arg6[%dma_wait3A_427, %dma_wait3A_428, %dma_wait3A_429] : memref<2x112x512xi32, #tpu.memory_space<vmem>> -> memref<1x16x512xi32, #tpu.memory_space<vmem>>
      %dma_wait3A_431 = tpu.memref_squeeze %dma_wait3A_430 : memref<1x16x512xi32, #tpu.memory_space<vmem>> -> memref<16x512xi32, #tpu.memory_space<vmem>>
      %dma_wait3A_432 = arith.constant 0 : i32
      %dma_wait3A_433 = arith.constant 0 : i32
      %dma_wait3A_434 = tpu.memref_slice %arg2[%dma_wait3A_432, %dma_wait3A_433] : memref<4096x512xi32, #tpu.memory_space<hbm>> -> memref<4096x512xi32, #tpu.memory_space<hbm>>
      tpu.wait_indirect_dma semaphore(%arg7 : memref<!tpu.dma_semaphore, #tpu.memory_space<semaphore_mem>>) src(%dma_wait3A_434 : memref<4096x512xi32, #tpu.memory_space<hbm>>) dst(%dma_wait3A_431 : memref<16x512xi32, #tpu.memory_space<vmem>>)
      %get3A_435 = arith.constant 80 : index
      %get3A_436 = tpu.vector_load %arg5[%get3A_435] {strides = array<i32>} : memref<1344xi32, #tpu.memory_space<vmem>>, vector<16xi32>,
      %get3A_437 = vector.shape_cast %get3A_436 : vector<16xi32> to vector<16xi32>
      %dma_wait3A_438 = arith.constant 0 : i32
      %dma_wait3A_439 = arith.constant 80 : i32
      %dma_wait3A_440 = arith.constant 0 : i32
      %dma_wait3A_441 = tpu.memref_slice %arg6[%dma_wait3A_438, %dma_wait3A_439, %dma_wait3A_440] : memref<2x112x512xi32, #tpu.memory_space<vmem>> -> memref<1x16x512xi32, #tpu.memory_space<vmem>>
      %dma_wait3A_442 = tpu.memref_squeeze %dma_wait3A_441 : memref<1x16x512xi32, #tpu.memory_space<vmem>> -> memref<16x512xi32, #tpu.memory_space<vmem>>
      %dma_wait3A_443 = arith.constant 0 : i32
      %dma_wait3A_444 = arith.constant 0 : i32
      %dma_wait3A_445 = tpu.memref_slice %arg2[%dma_wait3A_443, %dma_wait3A_444] : memref<4096x512xi32, #tpu.memory_space<hbm>> -> memref<4096x512xi32, #tpu.memory_space<hbm>>
      tpu.wait_indirect_dma semaphore(%arg7 : memref<!tpu.dma_semaphore, #tpu.memory_space<semaphore_mem>>) src(%dma_wait3A_445 : memref<4096x512xi32, #tpu.memory_space<hbm>>) dst(%dma_wait3A_442 : memref<16x512xi32, #tpu.memory_space<vmem>>)
      %get3A_446 = arith.constant 96 : index
      %get3A_447 = tpu.vector_load %arg5[%get3A_446] {strides = array<i32>} : memref<1344xi32, #tpu.memory_space<vmem>>, vector<16xi32>,
      %get3A_448 = vector.shape_cast %get3A_447 : vector<16xi32> to vector<16xi32>
      %dma_wait3A_449 = arith.constant 0 : i32
      %dma_wait3A_450 = arith.constant 96 : i32
      %dma_wait3A_451 = arith.constant 0 : i32
      %dma_wait3A_452 = tpu.memref_slice %arg6[%dma_wait3A_449, %dma_wait3A_450, %dma_wait3A_451] : memref<2x112x512xi32, #tpu.memory_space<vmem>> -> memref<1x16x512xi32, #tpu.memory_space<vmem>>
      %dma_wait3A_453 = tpu.memref_squeeze %dma_wait3A_452 : memref<1x16x512xi32, #tpu.memory_space<vmem>> -> memref<16x512xi32, #tpu.memory_space<vmem>>
      %dma_wait3A_454 = arith.constant 0 : i32
      %dma_wait3A_455 = arith.constant 0 : i32
      %dma_wait3A_456 = tpu.memref_slice %arg2[%dma_wait3A_454, %dma_wait3A_455] : memref<4096x512xi32, #tpu.memory_space<hbm>> -> memref<4096x512xi32, #tpu.memory_space<hbm>>
      tpu.wait_indirect_dma semaphore(%arg7 : memref<!tpu.dma_semaphore, #tpu.memory_space<semaphore_mem>>) src(%dma_wait3A_456 : memref<4096x512xi32, #tpu.memory_space<hbm>>) dst(%dma_wait3A_453 : memref<16x512xi32, #tpu.memory_space<vmem>>)
      %mul3A_457 = arith.constant 112 : i32
      %mul3A_458 = arith.muli %mul3A_375, %mul3A_457 : i32
      %add3A_459 = arith.addi %mul3A_2, %mul3A_458 : i32
      %dma_start3A_460 = arith.constant 0 : i32
      %dma_start3A_461 = arith.constant 0 : i32
      %dma_start3A_462 = arith.constant 0 : i32
      %dma_start3A_463 = tpu.memref_slice %arg6[%dma_start3A_460, %dma_start3A_461, %dma_start3A_462] : memref<2x112x512xi32, #tpu.memory_space<vmem>> -> memref<1x112x512xi32, #tpu.memory_space<vmem>>
      %dma_start3A_464 = tpu.memref_squeeze %dma_start3A_463 : memref<1x112x512xi32, #tpu.memory_space<vmem>> -> memref<112x512xi32, #tpu.memory_space<vmem>>
      %dma_start3A_465 = arith.constant 0 : i32
      %dma_start3A_466 = tpu.memref_slice %arg4[%add3A_459, %dma_start3A_465] : memref<43008x512xi32, #tpu.memory_space<hbm>> -> memref<112x512xi32, #tpu.memory_space<hbm>>
      %dma_start3A_467 = arith.constant 0 : i32
      %dma_start3A_468 = tpu.memref_slice %arg4[%add3A_459, %dma_start3A_467] : memref<43008x512xi32, #tpu.memory_space<hbm>> -> memref<112x512xi32, #tpu.memory_space<hbm>>
      %dma_start3A_469 = arith.constant 0 : i32
      %dma_start3A_470 = arith.constant 0 : i32
      %dma_start3A_471 = tpu.memref_slice %arg6[%dma_start3A_460, %dma_start3A_469, %dma_start3A_470] : memref<2x112x512xi32, #tpu.memory_space<vmem>> -> memref<1x112x512xi32, #tpu.memory_space<vmem>>
      %dma_start3A_472 = tpu.memref_squeeze %dma_start3A_471 : memref<1x112x512xi32, #tpu.memory_space<vmem>> -> memref<112x512xi32, #tpu.memory_space<vmem>>
      tpu.enqueue_dma source(%dma_start3A_472 : memref<112x512xi32, #tpu.memory_space<vmem>>) target(%dma_start3A_468 : memref<112x512xi32, #tpu.memory_space<hbm>>) target_semaphore(%arg9 : memref<!tpu.dma_semaphore, #tpu.memory_space<semaphore_mem>>)
      %mul3A_473 = arith.constant 112 : i32
      %mul3A_474 = arith.muli %mul3A_375, %mul3A_473 : i32
      %add3A_475 = arith.addi %mul3A_2, %mul3A_474 : i32
      %dma_wait3A_476 = arith.constant 0 : i32
      %dma_wait3A_477 = arith.constant 0 : i32
      %dma_wait3A_478 = arith.constant 0 : i32
      %dma_wait3A_479 = tpu.memref_slice %arg6[%dma_wait3A_476, %dma_wait3A_477, %dma_wait3A_478] : memref<2x112x512xi32, #tpu.memory_space<vmem>> -> memref<1x112x512xi32, #tpu.memory_space<vmem>>
      %dma_wait3A_480 = tpu.memref_squeeze %dma_wait3A_479 : memref<1x112x512xi32, #tpu.memory_space<vmem>> -> memref<112x512xi32, #tpu.memory_space<vmem>>
      %dma_wait3A_481 = arith.constant 0 : i32
      %dma_wait3A_482 = tpu.memref_slice %arg4[%add3A_475, %dma_wait3A_481] : memref<43008x512xi32, #tpu.memory_space<hbm>> -> memref<112x512xi32, #tpu.memory_space<hbm>>
      %dma_wait3A_483 = arith.constant 0 : i32
      %dma_wait3A_484 = tpu.memref_slice %arg4[%add3A_475, %dma_wait3A_483] : memref<43008x512xi32, #tpu.memory_space<hbm>> -> memref<112x512xi32, #tpu.memory_space<hbm>>
      %dma_wait3A_485 = arith.constant 0 : i32
      %dma_wait3A_486 = arith.constant 0 : i32
      %dma_wait3A_487 = tpu.memref_slice %arg6[%dma_wait3A_476, %dma_wait3A_485, %dma_wait3A_486] : memref<2x112x512xi32, #tpu.memory_space<vmem>> -> memref<1x112x512xi32, #tpu.memory_space<vmem>>
      %dma_wait3A_488 = tpu.memref_squeeze %dma_wait3A_487 : memref<1x112x512xi32, #tpu.memory_space<vmem>> -> memref<112x512xi32, #tpu.memory_space<vmem>>
      tpu.wait_dma2 semaphore(%arg9 : memref<!tpu.dma_semaphore, #tpu.memory_space<semaphore_mem>>) src(%dma_wait3A_488 : memref<112x512xi32, #tpu.memory_space<vmem>>) dst(%dma_wait3A_484 : memref<112x512xi32, #tpu.memory_space<hbm>>)
      %add3A_489 = arith.constant 2 : i32
      %add3A_490 = arith.addi %mul3A_375, %add3A_489 : i32
      %mul3A_491 = arith.constant 112 : i32
      %mul3A_492 = arith.muli %add3A_490, %mul3A_491 : i32
      %add3A_493 = arith.constant 0 : i32
      %add3A_494 = arith.addi %mul3A_492, %add3A_493 : i32
      %get3A_495 = arith.index_cast %add3A_494 : i32 to index
      %get3A_496 = tpu.vector_load %arg5[%get3A_495] {strides = array<i32>} : memref<1344xi32, #tpu.memory_space<vmem>>, vector<16xi32>,
      %get3A_497 = vector.shape_cast %get3A_496 : vector<16xi32> to vector<16xi32>
      %dma_start3A_498 = arith.constant 0 : i32
      %dma_start3A_499 = arith.constant 0 : i32
      %dma_start3A_500 = arith.constant 0 : i32
      %dma_start3A_501 = tpu.memref_slice %arg6[%dma_start3A_498, %dma_start3A_499, %dma_start3A_500] : memref<2x112x512xi32, #tpu.memory_space<vmem>> -> memref<1x16x512xi32, #tpu.memory_space<vmem>>
      %dma_start3A_502 = tpu.memref_squeeze %dma_start3A_501 : memref<1x16x512xi32, #tpu.memory_space<vmem>> -> memref<16x512xi32, #tpu.memory_space<vmem>>
      %dma_start3A_503 = arith.constant 0 : i32
      %dma_start3A_504 = arith.constant 0 : i32
      %dma_start3A_505 = tpu.memref_slice %arg2[%dma_start3A_503, %dma_start3A_504] : memref<4096x512xi32, #tpu.memory_space<hbm>> -> memref<4096x512xi32, #tpu.memory_space<hbm>>
      tpu.enqueue_indirect_dma source(%dma_start3A_505 : memref<4096x512xi32, #tpu.memory_space<hbm>>) target(%dma_start3A_502 : memref<16x512xi32, #tpu.memory_space<vmem>>) offsets(%get3A_497 : vector<16xi32>) semaphore(%arg7 : memref<!tpu.dma_semaphore, #tpu.memory_space<semaphore_mem>>)
      %mul3A_506 = arith.constant 112 : i32
      %mul3A_507 = arith.muli %add3A_490, %mul3A_506 : i32
      %add3A_508 = arith.constant 16 : i32
      %add3A_509 = arith.addi %mul3A_507, %add3A_508 : i32
      %get3A_510 = arith.index_cast %add3A_509 : i32 to index
      %get3A_511 = tpu.vector_load %arg5[%get3A_510] {strides = array<i32>} : memref<1344xi32, #tpu.memory_space<vmem>>, vector<16xi32>,
      %get3A_512 = vector.shape_cast %get3A_511 : vector<16xi32> to vector<16xi32>
      %dma_start3A_513 = arith.constant 0 : i32
      %dma_start3A_514 = arith.constant 16 : i32
      %dma_start3A_515 = arith.constant 0 : i32
      %dma_start3A_516 = tpu.memref_slice %arg6[%dma_start3A_513, %dma_start3A_514, %dma_start3A_515] : memref<2x112x512xi32, #tpu.memory_space<vmem>> -> memref<1x16x512xi32, #tpu.memory_space<vmem>>
      %dma_start3A_517 = tpu.memref_squeeze %dma_start3A_516 : memref<1x16x512xi32, #tpu.memory_space<vmem>> -> memref<16x512xi32, #tpu.memory_space<vmem>>
      %dma_start3A_518 = arith.constant 0 : i32
      %dma_start3A_519 = arith.constant 0 : i32
      %dma_start3A_520 = tpu.memref_slice %arg2[%dma_start3A_518, %dma_start3A_519] : memref<4096x512xi32, #tpu.memory_space<hbm>> -> memref<4096x512xi32, #tpu.memory_space<hbm>>
      tpu.enqueue_indirect_dma source(%dma_start3A_520 : memref<4096x512xi32, #tpu.memory_space<hbm>>) target(%dma_start3A_517 : memref<16x512xi32, #tpu.memory_space<vmem>>) offsets(%get3A_512 : vector<16xi32>) semaphore(%arg7 : memref<!tpu.dma_semaphore, #tpu.memory_space<semaphore_mem>>)
      %mul3A_521 = arith.constant 112 : i32
      %mul3A_522 = arith.muli %add3A_490, %mul3A_521 : i32
      %add3A_523 = arith.constant 32 : i32
      %add3A_524 = arith.addi %mul3A_522, %add3A_523 : i32
      %get3A_525 = arith.index_cast %add3A_524 : i32 to index
      %get3A_526 = tpu.vector_load %arg5[%get3A_525] {strides = array<i32>} : memref<1344xi32, #tpu.memory_space<vmem>>, vector<16xi32>,
      %get3A_527 = vector.shape_cast %get3A_526 : vector<16xi32> to vector<16xi32>
      %dma_start3A_528 = arith.constant 0 : i32
      %dma_start3A_529 = arith.constant 32 : i32
      %dma_start3A_530 = arith.constant 0 : i32
      %dma_start3A_531 = tpu.memref_slice %arg6[%dma_start3A_528, %dma_start3A_529, %dma_start3A_530] : memref<2x112x512xi32, #tpu.memory_space<vmem>> -> memref<1x16x512xi32, #tpu.memory_space<vmem>>
      %dma_start3A_532 = tpu.memref_squeeze %dma_start3A_531 : memref<1x16x512xi32, #tpu.memory_space<vmem>> -> memref<16x512xi32, #tpu.memory_space<vmem>>
      %dma_start3A_533 = arith.constant 0 : i32
      %dma_start3A_534 = arith.constant 0 : i32
      %dma_start3A_535 = tpu.memref_slice %arg2[%dma_start3A_533, %dma_start3A_534] : memref<4096x512xi32, #tpu.memory_space<hbm>> -> memref<4096x512xi32, #tpu.memory_space<hbm>>
      tpu.enqueue_indirect_dma source(%dma_start3A_535 : memref<4096x512xi32, #tpu.memory_space<hbm>>) target(%dma_start3A_532 : memref<16x512xi32, #tpu.memory_space<vmem>>) offsets(%get3A_527 : vector<16xi32>) semaphore(%arg7 : memref<!tpu.dma_semaphore, #tpu.memory_space<semaphore_mem>>)
      %mul3A_536 = arith.constant 112 : i32
      %mul3A_537 = arith.muli %add3A_490, %mul3A_536 : i32
      %add3A_538 = arith.constant 48 : i32
      %add3A_539 = arith.addi %mul3A_537, %add3A_538 : i32
      %get3A_540 = arith.index_cast %add3A_539 : i32 to index
      %get3A_541 = tpu.vector_load %arg5[%get3A_540] {strides = array<i32>} : memref<1344xi32, #tpu.memory_space<vmem>>, vector<16xi32>,
      %get3A_542 = vector.shape_cast %get3A_541 : vector<16xi32> to vector<16xi32>
      %dma_start3A_543 = arith.constant 0 : i32
      %dma_start3A_544 = arith.constant 48 : i32
      %dma_start3A_545 = arith.constant 0 : i32
      %dma_start3A_546 = tpu.memref_slice %arg6[%dma_start3A_543, %dma_start3A_544, %dma_start3A_545] : memref<2x112x512xi32, #tpu.memory_space<vmem>> -> memref<1x16x512xi32, #tpu.memory_space<vmem>>
      %dma_start3A_547 = tpu.memref_squeeze %dma_start3A_546 : memref<1x16x512xi32, #tpu.memory_space<vmem>> -> memref<16x512xi32, #tpu.memory_space<vmem>>
      %dma_start3A_548 = arith.constant 0 : i32
      %dma_start3A_549 = arith.constant 0 : i32
      %dma_start3A_550 = tpu.memref_slice %arg2[%dma_start3A_548, %dma_start3A_549] : memref<4096x512xi32, #tpu.memory_space<hbm>> -> memref<4096x512xi32, #tpu.memory_space<hbm>>
      tpu.enqueue_indirect_dma source(%dma_start3A_550 : memref<4096x512xi32, #tpu.memory_space<hbm>>) target(%dma_start3A_547 : memref<16x512xi32, #tpu.memory_space<vmem>>) offsets(%get3A_542 : vector<16xi32>) semaphore(%arg7 : memref<!tpu.dma_semaphore, #tpu.memory_space<semaphore_mem>>)
      %mul3A_551 = arith.constant 112 : i32
      %mul3A_552 = arith.muli %add3A_490, %mul3A_551 : i32
      %add3A_553 = arith.constant 64 : i32
      %add3A_554 = arith.addi %mul3A_552, %add3A_553 : i32
      %get3A_555 = arith.index_cast %add3A_554 : i32 to index
      %get3A_556 = tpu.vector_load %arg5[%get3A_555] {strides = array<i32>} : memref<1344xi32, #tpu.memory_space<vmem>>, vector<16xi32>,
      %get3A_557 = vector.shape_cast %get3A_556 : vector<16xi32> to vector<16xi32>
      %dma_start3A_558 = arith.constant 0 : i32
      %dma_start3A_559 = arith.constant 64 : i32
      %dma_start3A_560 = arith.constant 0 : i32
      %dma_start3A_561 = tpu.memref_slice %arg6[%dma_start3A_558, %dma_start3A_559, %dma_start3A_560] : memref<2x112x512xi32, #tpu.memory_space<vmem>> -> memref<1x16x512xi32, #tpu.memory_space<vmem>>
      %dma_start3A_562 = tpu.memref_squeeze %dma_start3A_561 : memref<1x16x512xi32, #tpu.memory_space<vmem>> -> memref<16x512xi32, #tpu.memory_space<vmem>>
      %dma_start3A_563 = arith.constant 0 : i32
      %dma_start3A_564 = arith.constant 0 : i32
      %dma_start3A_565 = tpu.memref_slice %arg2[%dma_start3A_563, %dma_start3A_564] : memref<4096x512xi32, #tpu.memory_space<hbm>> -> memref<4096x512xi32, #tpu.memory_space<hbm>>
      tpu.enqueue_indirect_dma source(%dma_start3A_565 : memref<4096x512xi32, #tpu.memory_space<hbm>>) target(%dma_start3A_562 : memref<16x512xi32, #tpu.memory_space<vmem>>) offsets(%get3A_557 : vector<16xi32>) semaphore(%arg7 : memref<!tpu.dma_semaphore, #tpu.memory_space<semaphore_mem>>)
      %mul3A_566 = arith.constant 112 : i32
      %mul3A_567 = arith.muli %add3A_490, %mul3A_566 : i32
      %add3A_568 = arith.constant 80 : i32
      %add3A_569 = arith.addi %mul3A_567, %add3A_568 : i32
      %get3A_570 = arith.index_cast %add3A_569 : i32 to index
      %get3A_571 = tpu.vector_load %arg5[%get3A_570] {strides = array<i32>} : memref<1344xi32, #tpu.memory_space<vmem>>, vector<16xi32>,
      %get3A_572 = vector.shape_cast %get3A_571 : vector<16xi32> to vector<16xi32>
      %dma_start3A_573 = arith.constant 0 : i32
      %dma_start3A_574 = arith.constant 80 : i32
      %dma_start3A_575 = arith.constant 0 : i32
      %dma_start3A_576 = tpu.memref_slice %arg6[%dma_start3A_573, %dma_start3A_574, %dma_start3A_575] : memref<2x112x512xi32, #tpu.memory_space<vmem>> -> memref<1x16x512xi32, #tpu.memory_space<vmem>>
      %dma_start3A_577 = tpu.memref_squeeze %dma_start3A_576 : memref<1x16x512xi32, #tpu.memory_space<vmem>> -> memref<16x512xi32, #tpu.memory_space<vmem>>
      %dma_start3A_578 = arith.constant 0 : i32
      %dma_start3A_579 = arith.constant 0 : i32
      %dma_start3A_580 = tpu.memref_slice %arg2[%dma_start3A_578, %dma_start3A_579] : memref<4096x512xi32, #tpu.memory_space<hbm>> -> memref<4096x512xi32, #tpu.memory_space<hbm>>
      tpu.enqueue_indirect_dma source(%dma_start3A_580 : memref<4096x512xi32, #tpu.memory_space<hbm>>) target(%dma_start3A_577 : memref<16x512xi32, #tpu.memory_space<vmem>>) offsets(%get3A_572 : vector<16xi32>) semaphore(%arg7 : memref<!tpu.dma_semaphore, #tpu.memory_space<semaphore_mem>>)
      %mul3A_581 = arith.constant 112 : i32
      %mul3A_582 = arith.muli %add3A_490, %mul3A_581 : i32
      %add3A_583 = arith.constant 96 : i32
      %add3A_584 = arith.addi %mul3A_582, %add3A_583 : i32
      %get3A_585 = arith.index_cast %add3A_584 : i32 to index
      %get3A_586 = tpu.vector_load %arg5[%get3A_585] {strides = array<i32>} : memref<1344xi32, #tpu.memory_space<vmem>>, vector<16xi32>,
      %get3A_587 = vector.shape_cast %get3A_586 : vector<16xi32> to vector<16xi32>
      %dma_start3A_588 = arith.constant 0 : i32
      %dma_start3A_589 = arith.constant 96 : i32
      %dma_start3A_590 = arith.constant 0 : i32
      %dma_start3A_591 = tpu.memref_slice %arg6[%dma_start3A_588, %dma_start3A_589, %dma_start3A_590] : memref<2x112x512xi32, #tpu.memory_space<vmem>> -> memref<1x16x512xi32, #tpu.memory_space<vmem>>
      %dma_start3A_592 = tpu.memref_squeeze %dma_start3A_591 : memref<1x16x512xi32, #tpu.memory_space<vmem>> -> memref<16x512xi32, #tpu.memory_space<vmem>>
      %dma_start3A_593 = arith.constant 0 : i32
      %dma_start3A_594 = arith.constant 0 : i32
      %dma_start3A_595 = tpu.memref_slice %arg2[%dma_start3A_593, %dma_start3A_594] : memref<4096x512xi32, #tpu.memory_space<hbm>> -> memref<4096x512xi32, #tpu.memory_space<hbm>>
      tpu.enqueue_indirect_dma source(%dma_start3A_595 : memref<4096x512xi32, #tpu.memory_space<hbm>>) target(%dma_start3A_592 : memref<16x512xi32, #tpu.memory_space<vmem>>) offsets(%get3A_587 : vector<16xi32>) semaphore(%arg7 : memref<!tpu.dma_semaphore, #tpu.memory_space<semaphore_mem>>)
      %get3A_596 = arith.constant 0 : index
      %get3A_597 = tpu.vector_load %arg5[%get3A_596] {strides = array<i32>} : memref<1344xi32, #tpu.memory_space<vmem>>, vector<16xi32>,
      %get3A_598 = vector.shape_cast %get3A_597 : vector<16xi32> to vector<16xi32>
      %dma_wait3A_599 = arith.constant 1 : i32
      %dma_wait3A_600 = arith.constant 0 : i32
      %dma_wait3A_601 = arith.constant 0 : i32
      %dma_wait3A_602 = tpu.memref_slice %arg6[%dma_wait3A_599, %dma_wait3A_600, %dma_wait3A_601] : memref<2x112x512xi32, #tpu.memory_space<vmem>> -> memref<1x16x512xi32, #tpu.memory_space<vmem>>
      %dma_wait3A_603 = tpu.memref_squeeze %dma_wait3A_602 : memref<1x16x512xi32, #tpu.memory_space<vmem>> -> memref<16x512xi32, #tpu.memory_space<vmem>>
      %dma_wait3A_604 = arith.constant 0 : i32
      %dma_wait3A_605 = arith.constant 0 : i32
      %dma_wait3A_606 = tpu.memref_slice %arg2[%dma_wait3A_604, %dma_wait3A_605] : memref<4096x512xi32, #tpu.memory_space<hbm>> -> memref<4096x512xi32, #tpu.memory_space<hbm>>
      tpu.wait_indirect_dma semaphore(%arg8 : memref<!tpu.dma_semaphore, #tpu.memory_space<semaphore_mem>>) src(%dma_wait3A_606 : memref<4096x512xi32, #tpu.memory_space<hbm>>) dst(%dma_wait3A_603 : memref<16x512xi32, #tpu.memory_space<vmem>>)
      %get3A_607 = arith.constant 16 : index
      %get3A_608 = tpu.vector_load %arg5[%get3A_607] {strides = array<i32>} : memref<1344xi32, #tpu.memory_space<vmem>>, vector<16xi32>,
      %get3A_609 = vector.shape_cast %get3A_608 : vector<16xi32> to vector<16xi32>
      %dma_wait3A_610 = arith.constant 1 : i32
      %dma_wait3A_611 = arith.constant 16 : i32
      %dma_wait3A_612 = arith.constant 0 : i32
      %dma_wait3A_613 = tpu.memref_slice %arg6[%dma_wait3A_610, %dma_wait3A_611, %dma_wait3A_612] : memref<2x112x512xi32, #tpu.memory_space<vmem>> -> memref<1x16x512xi32, #tpu.memory_space<vmem>>
      %dma_wait3A_614 = tpu.memref_squeeze %dma_wait3A_613 : memref<1x16x512xi32, #tpu.memory_space<vmem>> -> memref<16x512xi32, #tpu.memory_space<vmem>>
      %dma_wait3A_615 = arith.constant 0 : i32
      %dma_wait3A_616 = arith.constant 0 : i32
      %dma_wait3A_617 = tpu.memref_slice %arg2[%dma_wait3A_615, %dma_wait3A_616] : memref<4096x512xi32, #tpu.memory_space<hbm>> -> memref<4096x512xi32, #tpu.memory_space<hbm>>
      tpu.wait_indirect_dma semaphore(%arg8 : memref<!tpu.dma_semaphore, #tpu.memory_space<semaphore_mem>>) src(%dma_wait3A_617 : memref<4096x512xi32, #tpu.memory_space<hbm>>) dst(%dma_wait3A_614 : memref<16x512xi32, #tpu.memory_space<vmem>>)
      %get3A_618 = arith.constant 32 : index
      %get3A_619 = tpu.vector_load %arg5[%get3A_618] {strides = array<i32>} : memref<1344xi32, #tpu.memory_space<vmem>>, vector<16xi32>,
      %get3A_620 = vector.shape_cast %get3A_619 : vector<16xi32> to vector<16xi32>
      %dma_wait3A_621 = arith.constant 1 : i32
      %dma_wait3A_622 = arith.constant 32 : i32
      %dma_wait3A_623 = arith.constant 0 : i32
      %dma_wait3A_624 = tpu.memref_slice %arg6[%dma_wait3A_621, %dma_wait3A_622, %dma_wait3A_623] : memref<2x112x512xi32, #tpu.memory_space<vmem>> -> memref<1x16x512xi32, #tpu.memory_space<vmem>>
      %dma_wait3A_625 = tpu.memref_squeeze %dma_wait3A_624 : memref<1x16x512xi32, #tpu.memory_space<vmem>> -> memref<16x512xi32, #tpu.memory_space<vmem>>
      %dma_wait3A_626 = arith.constant 0 : i32
      %dma_wait3A_627 = arith.constant 0 : i32
      %dma_wait3A_628 = tpu.memref_slice %arg2[%dma_wait3A_626, %dma_wait3A_627] : memref<4096x512xi32, #tpu.memory_space<hbm>> -> memref<4096x512xi32, #tpu.memory_space<hbm>>
      tpu.wait_indirect_dma semaphore(%arg8 : memref<!tpu.dma_semaphore, #tpu.memory_space<semaphore_mem>>) src(%dma_wait3A_628 : memref<4096x512xi32, #tpu.memory_space<hbm>>) dst(%dma_wait3A_625 : memref<16x512xi32, #tpu.memory_space<vmem>>)
      %get3A_629 = arith.constant 48 : index
      %get3A_630 = tpu.vector_load %arg5[%get3A_629] {strides = array<i32>} : memref<1344xi32, #tpu.memory_space<vmem>>, vector<16xi32>,
      %get3A_631 = vector.shape_cast %get3A_630 : vector<16xi32> to vector<16xi32>
      %dma_wait3A_632 = arith.constant 1 : i32
      %dma_wait3A_633 = arith.constant 48 : i32
      %dma_wait3A_634 = arith.constant 0 : i32
      %dma_wait3A_635 = tpu.memref_slice %arg6[%dma_wait3A_632, %dma_wait3A_633, %dma_wait3A_634] : memref<2x112x512xi32, #tpu.memory_space<vmem>> -> memref<1x16x512xi32, #tpu.memory_space<vmem>>
      %dma_wait3A_636 = tpu.memref_squeeze %dma_wait3A_635 : memref<1x16x512xi32, #tpu.memory_space<vmem>> -> memref<16x512xi32, #tpu.memory_space<vmem>>
      %dma_wait3A_637 = arith.constant 0 : i32
      %dma_wait3A_638 = arith.constant 0 : i32
      %dma_wait3A_639 = tpu.memref_slice %arg2[%dma_wait3A_637, %dma_wait3A_638] : memref<4096x512xi32, #tpu.memory_space<hbm>> -> memref<4096x512xi32, #tpu.memory_space<hbm>>
      tpu.wait_indirect_dma semaphore(%arg8 : memref<!tpu.dma_semaphore, #tpu.memory_space<semaphore_mem>>) src(%dma_wait3A_639 : memref<4096x512xi32, #tpu.memory_space<hbm>>) dst(%dma_wait3A_636 : memref<16x512xi32, #tpu.memory_space<vmem>>)
      %get3A_640 = arith.constant 64 : index
      %get3A_641 = tpu.vector_load %arg5[%get3A_640] {strides = array<i32>} : memref<1344xi32, #tpu.memory_space<vmem>>, vector<16xi32>,
      %get3A_642 = vector.shape_cast %get3A_641 : vector<16xi32> to vector<16xi32>
      %dma_wait3A_643 = arith.constant 1 : i32
      %dma_wait3A_644 = arith.constant 64 : i32
      %dma_wait3A_645 = arith.constant 0 : i32
      %dma_wait3A_646 = tpu.memref_slice %arg6[%dma_wait3A_643, %dma_wait3A_644, %dma_wait3A_645] : memref<2x112x512xi32, #tpu.memory_space<vmem>> -> memref<1x16x512xi32, #tpu.memory_space<vmem>>
      %dma_wait3A_647 = tpu.memref_squeeze %dma_wait3A_646 : memref<1x16x512xi32, #tpu.memory_space<vmem>> -> memref<16x512xi32, #tpu.memory_space<vmem>>
      %dma_wait3A_648 = arith.constant 0 : i32
      %dma_wait3A_649 = arith.constant 0 : i32
      %dma_wait3A_650 = tpu.memref_slice %arg2[%dma_wait3A_648, %dma_wait3A_649] : memref<4096x512xi32, #tpu.memory_space<hbm>> -> memref<4096x512xi32, #tpu.memory_space<hbm>>
      tpu.wait_indirect_dma semaphore(%arg8 : memref<!tpu.dma_semaphore, #tpu.memory_space<semaphore_mem>>) src(%dma_wait3A_650 : memref<4096x512xi32, #tpu.memory_space<hbm>>) dst(%dma_wait3A_647 : memref<16x512xi32, #tpu.memory_space<vmem>>)
      %get3A_651 = arith.constant 80 : index
      %get3A_652 = tpu.vector_load %arg5[%get3A_651] {strides = array<i32>} : memref<1344xi32, #tpu.memory_space<vmem>>, vector<16xi32>,
      %get3A_653 = vector.shape_cast %get3A_652 : vector<16xi32> to vector<16xi32>
      %dma_wait3A_654 = arith.constant 1 : i32
      %dma_wait3A_655 = arith.constant 80 : i32
      %dma_wait3A_656 = arith.constant 0 : i32
      %dma_wait3A_657 = tpu.memref_slice %arg6[%dma_wait3A_654, %dma_wait3A_655, %dma_wait3A_656] : memref<2x112x512xi32, #tpu.memory_space<vmem>> -> memref<1x16x512xi32, #tpu.memory_space<vmem>>
      %dma_wait3A_658 = tpu.memref_squeeze %dma_wait3A_657 : memref<1x16x512xi32, #tpu.memory_space<vmem>> -> memref<16x512xi32, #tpu.memory_space<vmem>>
      %dma_wait3A_659 = arith.constant 0 : i32
      %dma_wait3A_660 = arith.constant 0 : i32
      %dma_wait3A_661 = tpu.memref_slice %arg2[%dma_wait3A_659, %dma_wait3A_660] : memref<4096x512xi32, #tpu.memory_space<hbm>> -> memref<4096x512xi32, #tpu.memory_space<hbm>>
      tpu.wait_indirect_dma semaphore(%arg8 : memref<!tpu.dma_semaphore, #tpu.memory_space<semaphore_mem>>) src(%dma_wait3A_661 : memref<4096x512xi32, #tpu.memory_space<hbm>>) dst(%dma_wait3A_658 : memref<16x512xi32, #tpu.memory_space<vmem>>)
      %get3A_662 = arith.constant 96 : index
      %get3A_663 = tpu.vector_load %arg5[%get3A_662] {strides = array<i32>} : memref<1344xi32, #tpu.memory_space<vmem>>, vector<16xi32>,
      %get3A_664 = vector.shape_cast %get3A_663 : vector<16xi32> to vector<16xi32>
      %dma_wait3A_665 = arith.constant 1 : i32
      %dma_wait3A_666 = arith.constant 96 : i32
      %dma_wait3A_667 = arith.constant 0 : i32
      %dma_wait3A_668 = tpu.memref_slice %arg6[%dma_wait3A_665, %dma_wait3A_666, %dma_wait3A_667] : memref<2x112x512xi32, #tpu.memory_space<vmem>> -> memref<1x16x512xi32, #tpu.memory_space<vmem>>
      %dma_wait3A_669 = tpu.memref_squeeze %dma_wait3A_668 : memref<1x16x512xi32, #tpu.memory_space<vmem>> -> memref<16x512xi32, #tpu.memory_space<vmem>>
      %dma_wait3A_670 = arith.constant 0 : i32
      %dma_wait3A_671 = arith.constant 0 : i32
      %dma_wait3A_672 = tpu.memref_slice %arg2[%dma_wait3A_670, %dma_wait3A_671] : memref<4096x512xi32, #tpu.memory_space<hbm>> -> memref<4096x512xi32, #tpu.memory_space<hbm>>
      tpu.wait_indirect_dma semaphore(%arg8 : memref<!tpu.dma_semaphore, #tpu.memory_space<semaphore_mem>>) src(%dma_wait3A_672 : memref<4096x512xi32, #tpu.memory_space<hbm>>) dst(%dma_wait3A_669 : memref<16x512xi32, #tpu.memory_space<vmem>>)
      %mul3A_673 = arith.constant 112 : i32
      %mul3A_674 = arith.muli %add3A_379, %mul3A_673 : i32
      %add3A_675 = arith.addi %mul3A_2, %mul3A_674 : i32
      %dma_start3A_676 = arith.constant 1 : i32
      %dma_start3A_677 = arith.constant 0 : i32
      %dma_start3A_678 = arith.constant 0 : i32
      %dma_start3A_679 = tpu.memref_slice %arg6[%dma_start3A_676, %dma_start3A_677, %dma_start3A_678] : memref<2x112x512xi32, #tpu.memory_space<vmem>> -> memref<1x112x512xi32, #tpu.memory_space<vmem>>
      %dma_start3A_680 = tpu.memref_squeeze %dma_start3A_679 : memref<1x112x512xi32, #tpu.memory_space<vmem>> -> memref<112x512xi32, #tpu.memory_space<vmem>>
      %dma_start3A_681 = arith.constant 0 : i32
      %dma_start3A_682 = tpu.memref_slice %arg4[%add3A_675, %dma_start3A_681] : memref<43008x512xi32, #tpu.memory_space<hbm>> -> memref<112x512xi32, #tpu.memory_space<hbm>>
      %dma_start3A_683 = arith.constant 0 : i32
      %dma_start3A_684 = tpu.memref_slice %arg4[%add3A_675, %dma_start3A_683] : memref<43008x512xi32, #tpu.memory_space<hbm>> -> memref<112x512xi32, #tpu.memory_space<hbm>>
      %dma_start3A_685 = arith.constant 0 : i32
      %dma_start3A_686 = arith.constant 0 : i32
      %dma_start3A_687 = tpu.memref_slice %arg6[%dma_start3A_676, %dma_start3A_685, %dma_start3A_686] : memref<2x112x512xi32, #tpu.memory_space<vmem>> -> memref<1x112x512xi32, #tpu.memory_space<vmem>>
      %dma_start3A_688 = tpu.memref_squeeze %dma_start3A_687 : memref<1x112x512xi32, #tpu.memory_space<vmem>> -> memref<112x512xi32, #tpu.memory_space<vmem>>
      tpu.enqueue_dma source(%dma_start3A_688 : memref<112x512xi32, #tpu.memory_space<vmem>>) target(%dma_start3A_684 : memref<112x512xi32, #tpu.memory_space<hbm>>) target_semaphore(%arg10 : memref<!tpu.dma_semaphore, #tpu.memory_space<semaphore_mem>>)
      %mul3A_689 = arith.constant 112 : i32
      %mul3A_690 = arith.muli %add3A_379, %mul3A_689 : i32
      %add3A_691 = arith.addi %mul3A_2, %mul3A_690 : i32
      %dma_wait3A_692 = arith.constant 1 : i32
      %dma_wait3A_693 = arith.constant 0 : i32
      %dma_wait3A_694 = arith.constant 0 : i32
      %dma_wait3A_695 = tpu.memref_slice %arg6[%dma_wait3A_692, %dma_wait3A_693, %dma_wait3A_694] : memref<2x112x512xi32, #tpu.memory_space<vmem>> -> memref<1x112x512xi32, #tpu.memory_space<vmem>>
      %dma_wait3A_696 = tpu.memref_squeeze %dma_wait3A_695 : memref<1x112x512xi32, #tpu.memory_space<vmem>> -> memref<112x512xi32, #tpu.memory_space<vmem>>
      %dma_wait3A_697 = arith.constant 0 : i32
      %dma_wait3A_698 = tpu.memref_slice %arg4[%add3A_691, %dma_wait3A_697] : memref<43008x512xi32, #tpu.memory_space<hbm>> -> memref<112x512xi32, #tpu.memory_space<hbm>>
      %dma_wait3A_699 = arith.constant 0 : i32
      %dma_wait3A_700 = tpu.memref_slice %arg4[%add3A_691, %dma_wait3A_699] : memref<43008x512xi32, #tpu.memory_space<hbm>> -> memref<112x512xi32, #tpu.memory_space<hbm>>
      %dma_wait3A_701 = arith.constant 0 : i32
      %dma_wait3A_702 = arith.constant 0 : i32
      %dma_wait3A_703 = tpu.memref_slice %arg6[%dma_wait3A_692, %dma_wait3A_701, %dma_wait3A_702] : memref<2x112x512xi32, #tpu.memory_space<vmem>> -> memref<1x112x512xi32, #tpu.memory_space<vmem>>
      %dma_wait3A_704 = tpu.memref_squeeze %dma_wait3A_703 : memref<1x112x512xi32, #tpu.memory_space<vmem>> -> memref<112x512xi32, #tpu.memory_space<vmem>>
      tpu.wait_dma2 semaphore(%arg10 : memref<!tpu.dma_semaphore, #tpu.memory_space<semaphore_mem>>) src(%dma_wait3A_704 : memref<112x512xi32, #tpu.memory_space<vmem>>) dst(%dma_wait3A_700 : memref<112x512xi32, #tpu.memory_space<hbm>>)
      %add3A_705 = arith.constant 2 : i32
      %add3A_706 = arith.addi %add3A_379, %add3A_705 : i32
      %mul3A_707 = arith.constant 112 : i32
      %mul3A_708 = arith.muli %add3A_706, %mul3A_707 : i32
      %add3A_709 = arith.constant 0 : i32
      %add3A_710 = arith.addi %mul3A_708, %add3A_709 : i32
      %get3A_711 = arith.index_cast %add3A_710 : i32 to index
      %get3A_712 = tpu.vector_load %arg5[%get3A_711] {strides = array<i32>} : memref<1344xi32, #tpu.memory_space<vmem>>, vector<16xi32>,
      %get3A_713 = vector.shape_cast %get3A_712 : vector<16xi32> to vector<16xi32>
      %dma_start3A_714 = arith.constant 1 : i32
      %dma_start3A_715 = arith.constant 0 : i32
      %dma_start3A_716 = arith.constant 0 : i32
      %dma_start3A_717 = tpu.memref_slice %arg6[%dma_start3A_714, %dma_start3A_715, %dma_start3A_716] : memref<2x112x512xi32, #tpu.memory_space<vmem>> -> memref<1x16x512xi32, #tpu.memory_space<vmem>>
      %dma_start3A_718 = tpu.memref_squeeze %dma_start3A_717 : memref<1x16x512xi32, #tpu.memory_space<vmem>> -> memref<16x512xi32, #tpu.memory_space<vmem>>
      %dma_start3A_719 = arith.constant 0 : i32
      %dma_start3A_720 = arith.constant 0 : i32
      %dma_start3A_721 = tpu.memref_slice %arg2[%dma_start3A_719, %dma_start3A_720] : memref<4096x512xi32, #tpu.memory_space<hbm>> -> memref<4096x512xi32, #tpu.memory_space<hbm>>
      tpu.enqueue_indirect_dma source(%dma_start3A_721 : memref<4096x512xi32, #tpu.memory_space<hbm>>) target(%dma_start3A_718 : memref<16x512xi32, #tpu.memory_space<vmem>>) offsets(%get3A_713 : vector<16xi32>) semaphore(%arg8 : memref<!tpu.dma_semaphore, #tpu.memory_space<semaphore_mem>>)
      %mul3A_722 = arith.constant 112 : i32
      %mul3A_723 = arith.muli %add3A_706, %mul3A_722 : i32
      %add3A_724 = arith.constant 16 : i32
      %add3A_725 = arith.addi %mul3A_723, %add3A_724 : i32
      %get3A_726 = arith.index_cast %add3A_725 : i32 to index
      %get3A_727 = tpu.vector_load %arg5[%get3A_726] {strides = array<i32>} : memref<1344xi32, #tpu.memory_space<vmem>>, vector<16xi32>,
      %get3A_728 = vector.shape_cast %get3A_727 : vector<16xi32> to vector<16xi32>
      %dma_start3A_729 = arith.constant 1 : i32
      %dma_start3A_730 = arith.constant 16 : i32
      %dma_start3A_731 = arith.constant 0 : i32
      %dma_start3A_732 = tpu.memref_slice %arg6[%dma_start3A_729, %dma_start3A_730, %dma_start3A_731] : memref<2x112x512xi32, #tpu.memory_space<vmem>> -> memref<1x16x512xi32, #tpu.memory_space<vmem>>
      %dma_start3A_733 = tpu.memref_squeeze %dma_start3A_732 : memref<1x16x512xi32, #tpu.memory_space<vmem>> -> memref<16x512xi32, #tpu.memory_space<vmem>>
      %dma_start3A_734 = arith.constant 0 : i32
      %dma_start3A_735 = arith.constant 0 : i32
      %dma_start3A_736 = tpu.memref_slice %arg2[%dma_start3A_734, %dma_start3A_735] : memref<4096x512xi32, #tpu.memory_space<hbm>> -> memref<4096x512xi32, #tpu.memory_space<hbm>>
      tpu.enqueue_indirect_dma source(%dma_start3A_736 : memref<4096x512xi32, #tpu.memory_space<hbm>>) target(%dma_start3A_733 : memref<16x512xi32, #tpu.memory_space<vmem>>) offsets(%get3A_728 : vector<16xi32>) semaphore(%arg8 : memref<!tpu.dma_semaphore, #tpu.memory_space<semaphore_mem>>)
      %mul3A_737 = arith.constant 112 : i32
      %mul3A_738 = arith.muli %add3A_706, %mul3A_737 : i32
      %add3A_739 = arith.constant 32 : i32
      %add3A_740 = arith.addi %mul3A_738, %add3A_739 : i32
      %get3A_741 = arith.index_cast %add3A_740 : i32 to index
      %get3A_742 = tpu.vector_load %arg5[%get3A_741] {strides = array<i32>} : memref<1344xi32, #tpu.memory_space<vmem>>, vector<16xi32>,
      %get3A_743 = vector.shape_cast %get3A_742 : vector<16xi32> to vector<16xi32>
      %dma_start3A_744 = arith.constant 1 : i32
      %dma_start3A_745 = arith.constant 32 : i32
      %dma_start3A_746 = arith.constant 0 : i32
      %dma_start3A_747 = tpu.memref_slice %arg6[%dma_start3A_744, %dma_start3A_745, %dma_start3A_746] : memref<2x112x512xi32, #tpu.memory_space<vmem>> -> memref<1x16x512xi32, #tpu.memory_space<vmem>>
      %dma_start3A_748 = tpu.memref_squeeze %dma_start3A_747 : memref<1x16x512xi32, #tpu.memory_space<vmem>> -> memref<16x512xi32, #tpu.memory_space<vmem>>
      %dma_start3A_749 = arith.constant 0 : i32
      %dma_start3A_750 = arith.constant 0 : i32
      %dma_start3A_751 = tpu.memref_slice %arg2[%dma_start3A_749, %dma_start3A_750] : memref<4096x512xi32, #tpu.memory_space<hbm>> -> memref<4096x512xi32, #tpu.memory_space<hbm>>
      tpu.enqueue_indirect_dma source(%dma_start3A_751 : memref<4096x512xi32, #tpu.memory_space<hbm>>) target(%dma_start3A_748 : memref<16x512xi32, #tpu.memory_space<vmem>>) offsets(%get3A_743 : vector<16xi32>) semaphore(%arg8 : memref<!tpu.dma_semaphore, #tpu.memory_space<semaphore_mem>>)
      %mul3A_752 = arith.constant 112 : i32
      %mul3A_753 = arith.muli %add3A_706, %mul3A_752 : i32
      %add3A_754 = arith.constant 48 : i32
      %add3A_755 = arith.addi %mul3A_753, %add3A_754 : i32
      %get3A_756 = arith.index_cast %add3A_755 : i32 to index
      %get3A_757 = tpu.vector_load %arg5[%get3A_756] {strides = array<i32>} : memref<1344xi32, #tpu.memory_space<vmem>>, vector<16xi32>,
      %get3A_758 = vector.shape_cast %get3A_757 : vector<16xi32> to vector<16xi32>
      %dma_start3A_759 = arith.constant 1 : i32
      %dma_start3A_760 = arith.constant 48 : i32
      %dma_start3A_761 = arith.constant 0 : i32
      %dma_start3A_762 = tpu.memref_slice %arg6[%dma_start3A_759, %dma_start3A_760, %dma_start3A_761] : memref<2x112x512xi32, #tpu.memory_space<vmem>> -> memref<1x16x512xi32, #tpu.memory_space<vmem>>
      %dma_start3A_763 = tpu.memref_squeeze %dma_start3A_762 : memref<1x16x512xi32, #tpu.memory_space<vmem>> -> memref<16x512xi32, #tpu.memory_space<vmem>>
      %dma_start3A_764 = arith.constant 0 : i32
      %dma_start3A_765 = arith.constant 0 : i32
      %dma_start3A_766 = tpu.memref_slice %arg2[%dma_start3A_764, %dma_start3A_765] : memref<4096x512xi32, #tpu.memory_space<hbm>> -> memref<4096x512xi32, #tpu.memory_space<hbm>>
      tpu.enqueue_indirect_dma source(%dma_start3A_766 : memref<4096x512xi32, #tpu.memory_space<hbm>>) target(%dma_start3A_763 : memref<16x512xi32, #tpu.memory_space<vmem>>) offsets(%get3A_758 : vector<16xi32>) semaphore(%arg8 : memref<!tpu.dma_semaphore, #tpu.memory_space<semaphore_mem>>)
      %mul3A_767 = arith.constant 112 : i32
      %mul3A_768 = arith.muli %add3A_706, %mul3A_767 : i32
      %add3A_769 = arith.constant 64 : i32
      %add3A_770 = arith.addi %mul3A_768, %add3A_769 : i32
      %get3A_771 = arith.index_cast %add3A_770 : i32 to index
      %get3A_772 = tpu.vector_load %arg5[%get3A_771] {strides = array<i32>} : memref<1344xi32, #tpu.memory_space<vmem>>, vector<16xi32>,
      %get3A_773 = vector.shape_cast %get3A_772 : vector<16xi32> to vector<16xi32>
      %dma_start3A_774 = arith.constant 1 : i32
      %dma_start3A_775 = arith.constant 64 : i32
      %dma_start3A_776 = arith.constant 0 : i32
      %dma_start3A_777 = tpu.memref_slice %arg6[%dma_start3A_774, %dma_start3A_775, %dma_start3A_776] : memref<2x112x512xi32, #tpu.memory_space<vmem>> -> memref<1x16x512xi32, #tpu.memory_space<vmem>>
      %dma_start3A_778 = tpu.memref_squeeze %dma_start3A_777 : memref<1x16x512xi32, #tpu.memory_space<vmem>> -> memref<16x512xi32, #tpu.memory_space<vmem>>
      %dma_start3A_779 = arith.constant 0 : i32
      %dma_start3A_780 = arith.constant 0 : i32
      %dma_start3A_781 = tpu.memref_slice %arg2[%dma_start3A_779, %dma_start3A_780] : memref<4096x512xi32, #tpu.memory_space<hbm>> -> memref<4096x512xi32, #tpu.memory_space<hbm>>
      tpu.enqueue_indirect_dma source(%dma_start3A_781 : memref<4096x512xi32, #tpu.memory_space<hbm>>) target(%dma_start3A_778 : memref<16x512xi32, #tpu.memory_space<vmem>>) offsets(%get3A_773 : vector<16xi32>) semaphore(%arg8 : memref<!tpu.dma_semaphore, #tpu.memory_space<semaphore_mem>>)
      %mul3A_782 = arith.constant 112 : i32
      %mul3A_783 = arith.muli %add3A_706, %mul3A_782 : i32
      %add3A_784 = arith.constant 80 : i32
      %add3A_785 = arith.addi %mul3A_783, %add3A_784 : i32
      %get3A_786 = arith.index_cast %add3A_785 : i32 to index
      %get3A_787 = tpu.vector_load %arg5[%get3A_786] {strides = array<i32>} : memref<1344xi32, #tpu.memory_space<vmem>>, vector<16xi32>,
      %get3A_788 = vector.shape_cast %get3A_787 : vector<16xi32> to vector<16xi32>
      %dma_start3A_789 = arith.constant 1 : i32
      %dma_start3A_790 = arith.constant 80 : i32
      %dma_start3A_791 = arith.constant 0 : i32
      %dma_start3A_792 = tpu.memref_slice %arg6[%dma_start3A_789, %dma_start3A_790, %dma_start3A_791] : memref<2x112x512xi32, #tpu.memory_space<vmem>> -> memref<1x16x512xi32, #tpu.memory_space<vmem>>
      %dma_start3A_793 = tpu.memref_squeeze %dma_start3A_792 : memref<1x16x512xi32, #tpu.memory_space<vmem>> -> memref<16x512xi32, #tpu.memory_space<vmem>>
      %dma_start3A_794 = arith.constant 0 : i32
      %dma_start3A_795 = arith.constant 0 : i32
      %dma_start3A_796 = tpu.memref_slice %arg2[%dma_start3A_794, %dma_start3A_795] : memref<4096x512xi32, #tpu.memory_space<hbm>> -> memref<4096x512xi32, #tpu.memory_space<hbm>>
      tpu.enqueue_indirect_dma source(%dma_start3A_796 : memref<4096x512xi32, #tpu.memory_space<hbm>>) target(%dma_start3A_793 : memref<16x512xi32, #tpu.memory_space<vmem>>) offsets(%get3A_788 : vector<16xi32>) semaphore(%arg8 : memref<!tpu.dma_semaphore, #tpu.memory_space<semaphore_mem>>)
      %mul3A_797 = arith.constant 112 : i32
      %mul3A_798 = arith.muli %add3A_706, %mul3A_797 : i32
      %add3A_799 = arith.constant 96 : i32
      %add3A_800 = arith.addi %mul3A_798, %add3A_799 : i32
      %get3A_801 = arith.index_cast %add3A_800 : i32 to index
      %get3A_802 = tpu.vector_load %arg5[%get3A_801] {strides = array<i32>} : memref<1344xi32, #tpu.memory_space<vmem>>, vector<16xi32>,
      %get3A_803 = vector.shape_cast %get3A_802 : vector<16xi32> to vector<16xi32>
      %dma_start3A_804 = arith.constant 1 : i32
      %dma_start3A_805 = arith.constant 96 : i32
      %dma_start3A_806 = arith.constant 0 : i32
      %dma_start3A_807 = tpu.memref_slice %arg6[%dma_start3A_804, %dma_start3A_805, %dma_start3A_806] : memref<2x112x512xi32, #tpu.memory_space<vmem>> -> memref<1x16x512xi32, #tpu.memory_space<vmem>>
      %dma_start3A_808 = tpu.memref_squeeze %dma_start3A_807 : memref<1x16x512xi32, #tpu.memory_space<vmem>> -> memref<16x512xi32, #tpu.memory_space<vmem>>
      %dma_start3A_809 = arith.constant 0 : i32
      %dma_start3A_810 = arith.constant 0 : i32
      %dma_start3A_811 = tpu.memref_slice %arg2[%dma_start3A_809, %dma_start3A_810] : memref<4096x512xi32, #tpu.memory_space<hbm>> -> memref<4096x512xi32, #tpu.memory_space<hbm>>
      tpu.enqueue_indirect_dma source(%dma_start3A_811 : memref<4096x512xi32, #tpu.memory_space<hbm>>) target(%dma_start3A_808 : memref<16x512xi32, #tpu.memory_space<vmem>>) offsets(%get3A_803 : vector<16xi32>) semaphore(%arg8 : memref<!tpu.dma_semaphore, #tpu.memory_space<semaphore_mem>>)
    }
    %scan3A_159 = arith.constant 5 : i32
    %get3A_160 = arith.constant 0 : index
    %get3A_161 = tpu.vector_load %arg5[%get3A_160] {strides = array<i32>} : memref<1344xi32, #tpu.memory_space<vmem>>, vector<16xi32>,
    %get3A_162 = vector.shape_cast %get3A_161 : vector<16xi32> to vector<16xi32>
    %dma_wait3A = arith.constant 0 : i32
    %dma_wait3A_163 = arith.constant 0 : i32
    %dma_wait3A_164 = arith.constant 0 : i32
    %dma_wait3A_165 = tpu.memref_slice %arg6[%dma_wait3A, %dma_wait3A_163, %dma_wait3A_164] : memref<2x112x512xi32, #tpu.memory_space<vmem>> -> memref<1x16x512xi32, #tpu.memory_space<vmem>>
    %dma_wait3A_166 = tpu.memref_squeeze %dma_wait3A_165 : memref<1x16x512xi32, #tpu.memory_space<vmem>> -> memref<16x512xi32, #tpu.memory_space<vmem>>
    %dma_wait3A_167 = arith.constant 0 : i32
    %dma_wait3A_168 = arith.constant 0 : i32
    %dma_wait3A_169 = tpu.memref_slice %arg2[%dma_wait3A_167, %dma_wait3A_168] : memref<4096x512xi32, #tpu.memory_space<hbm>> -> memref<4096x512xi32, #tpu.memory_space<hbm>>
    tpu.wait_indirect_dma semaphore(%arg7 : memref<!tpu.dma_semaphore, #tpu.memory_space<semaphore_mem>>) src(%dma_wait3A_169 : memref<4096x512xi32, #tpu.memory_space<hbm>>) dst(%dma_wait3A_166 : memref<16x512xi32, #tpu.memory_space<vmem>>)
    %get3A_170 = arith.constant 16 : index
    %get3A_171 = tpu.vector_load %arg5[%get3A_170] {strides = array<i32>} : memref<1344xi32, #tpu.memory_space<vmem>>, vector<16xi32>,
    %get3A_172 = vector.shape_cast %get3A_171 : vector<16xi32> to vector<16xi32>
    %dma_wait3A_173 = arith.constant 0 : i32
    %dma_wait3A_174 = arith.constant 16 : i32
    %dma_wait3A_175 = arith.constant 0 : i32
    %dma_wait3A_176 = tpu.memref_slice %arg6[%dma_wait3A_173, %dma_wait3A_174, %dma_wait3A_175] : memref<2x112x512xi32, #tpu.memory_space<vmem>> -> memref<1x16x512xi32, #tpu.memory_space<vmem>>
    %dma_wait3A_177 = tpu.memref_squeeze %dma_wait3A_176 : memref<1x16x512xi32, #tpu.memory_space<vmem>> -> memref<16x512xi32, #tpu.memory_space<vmem>>
    %dma_wait3A_178 = arith.constant 0 : i32
    %dma_wait3A_179 = arith.constant 0 : i32
    %dma_wait3A_180 = tpu.memref_slice %arg2[%dma_wait3A_178, %dma_wait3A_179] : memref<4096x512xi32, #tpu.memory_space<hbm>> -> memref<4096x512xi32, #tpu.memory_space<hbm>>
    tpu.wait_indirect_dma semaphore(%arg7 : memref<!tpu.dma_semaphore, #tpu.memory_space<semaphore_mem>>) src(%dma_wait3A_180 : memref<4096x512xi32, #tpu.memory_space<hbm>>) dst(%dma_wait3A_177 : memref<16x512xi32, #tpu.memory_space<vmem>>)
    %get3A_181 = arith.constant 32 : index
    %get3A_182 = tpu.vector_load %arg5[%get3A_181] {strides = array<i32>} : memref<1344xi32, #tpu.memory_space<vmem>>, vector<16xi32>,
    %get3A_183 = vector.shape_cast %get3A_182 : vector<16xi32> to vector<16xi32>
    %dma_wait3A_184 = arith.constant 0 : i32
    %dma_wait3A_185 = arith.constant 32 : i32
    %dma_wait3A_186 = arith.constant 0 : i32
    %dma_wait3A_187 = tpu.memref_slice %arg6[%dma_wait3A_184, %dma_wait3A_185, %dma_wait3A_186] : memref<2x112x512xi32, #tpu.memory_space<vmem>> -> memref<1x16x512xi32, #tpu.memory_space<vmem>>
    %dma_wait3A_188 = tpu.memref_squeeze %dma_wait3A_187 : memref<1x16x512xi32, #tpu.memory_space<vmem>> -> memref<16x512xi32, #tpu.memory_space<vmem>>
    %dma_wait3A_189 = arith.constant 0 : i32
    %dma_wait3A_190 = arith.constant 0 : i32
    %dma_wait3A_191 = tpu.memref_slice %arg2[%dma_wait3A_189, %dma_wait3A_190] : memref<4096x512xi32, #tpu.memory_space<hbm>> -> memref<4096x512xi32, #tpu.memory_space<hbm>>
    tpu.wait_indirect_dma semaphore(%arg7 : memref<!tpu.dma_semaphore, #tpu.memory_space<semaphore_mem>>) src(%dma_wait3A_191 : memref<4096x512xi32, #tpu.memory_space<hbm>>) dst(%dma_wait3A_188 : memref<16x512xi32, #tpu.memory_space<vmem>>)
    %get3A_192 = arith.constant 48 : index
    %get3A_193 = tpu.vector_load %arg5[%get3A_192] {strides = array<i32>} : memref<1344xi32, #tpu.memory_space<vmem>>, vector<16xi32>,
    %get3A_194 = vector.shape_cast %get3A_193 : vector<16xi32> to vector<16xi32>
    %dma_wait3A_195 = arith.constant 0 : i32
    %dma_wait3A_196 = arith.constant 48 : i32
    %dma_wait3A_197 = arith.constant 0 : i32
    %dma_wait3A_198 = tpu.memref_slice %arg6[%dma_wait3A_195, %dma_wait3A_196, %dma_wait3A_197] : memref<2x112x512xi32, #tpu.memory_space<vmem>> -> memref<1x16x512xi32, #tpu.memory_space<vmem>>
    %dma_wait3A_199 = tpu.memref_squeeze %dma_wait3A_198 : memref<1x16x512xi32, #tpu.memory_space<vmem>> -> memref<16x512xi32, #tpu.memory_space<vmem>>
    %dma_wait3A_200 = arith.constant 0 : i32
    %dma_wait3A_201 = arith.constant 0 : i32
    %dma_wait3A_202 = tpu.memref_slice %arg2[%dma_wait3A_200, %dma_wait3A_201] : memref<4096x512xi32, #tpu.memory_space<hbm>> -> memref<4096x512xi32, #tpu.memory_space<hbm>>
    tpu.wait_indirect_dma semaphore(%arg7 : memref<!tpu.dma_semaphore, #tpu.memory_space<semaphore_mem>>) src(%dma_wait3A_202 : memref<4096x512xi32, #tpu.memory_space<hbm>>) dst(%dma_wait3A_199 : memref<16x512xi32, #tpu.memory_space<vmem>>)
    %get3A_203 = arith.constant 64 : index
    %get3A_204 = tpu.vector_load %arg5[%get3A_203] {strides = array<i32>} : memref<1344xi32, #tpu.memory_space<vmem>>, vector<16xi32>,
    %get3A_205 = vector.shape_cast %get3A_204 : vector<16xi32> to vector<16xi32>
    %dma_wait3A_206 = arith.constant 0 : i32
    %dma_wait3A_207 = arith.constant 64 : i32
    %dma_wait3A_208 = arith.constant 0 : i32
    %dma_wait3A_209 = tpu.memref_slice %arg6[%dma_wait3A_206, %dma_wait3A_207, %dma_wait3A_208] : memref<2x112x512xi32, #tpu.memory_space<vmem>> -> memref<1x16x512xi32, #tpu.memory_space<vmem>>
    %dma_wait3A_210 = tpu.memref_squeeze %dma_wait3A_209 : memref<1x16x512xi32, #tpu.memory_space<vmem>> -> memref<16x512xi32, #tpu.memory_space<vmem>>
    %dma_wait3A_211 = arith.constant 0 : i32
    %dma_wait3A_212 = arith.constant 0 : i32
    %dma_wait3A_213 = tpu.memref_slice %arg2[%dma_wait3A_211, %dma_wait3A_212] : memref<4096x512xi32, #tpu.memory_space<hbm>> -> memref<4096x512xi32, #tpu.memory_space<hbm>>
    tpu.wait_indirect_dma semaphore(%arg7 : memref<!tpu.dma_semaphore, #tpu.memory_space<semaphore_mem>>) src(%dma_wait3A_213 : memref<4096x512xi32, #tpu.memory_space<hbm>>) dst(%dma_wait3A_210 : memref<16x512xi32, #tpu.memory_space<vmem>>)
    %get3A_214 = arith.constant 80 : index
    %get3A_215 = tpu.vector_load %arg5[%get3A_214] {strides = array<i32>} : memref<1344xi32, #tpu.memory_space<vmem>>, vector<16xi32>,
    %get3A_216 = vector.shape_cast %get3A_215 : vector<16xi32> to vector<16xi32>
    %dma_wait3A_217 = arith.constant 0 : i32
    %dma_wait3A_218 = arith.constant 80 : i32
    %dma_wait3A_219 = arith.constant 0 : i32
    %dma_wait3A_220 = tpu.memref_slice %arg6[%dma_wait3A_217, %dma_wait3A_218, %dma_wait3A_219] : memref<2x112x512xi32, #tpu.memory_space<vmem>> -> memref<1x16x512xi32, #tpu.memory_space<vmem>>
    %dma_wait3A_221 = tpu.memref_squeeze %dma_wait3A_220 : memref<1x16x512xi32, #tpu.memory_space<vmem>> -> memref<16x512xi32, #tpu.memory_space<vmem>>
    %dma_wait3A_222 = arith.constant 0 : i32
    %dma_wait3A_223 = arith.constant 0 : i32
    %dma_wait3A_224 = tpu.memref_slice %arg2[%dma_wait3A_222, %dma_wait3A_223] : memref<4096x512xi32, #tpu.memory_space<hbm>> -> memref<4096x512xi32, #tpu.memory_space<hbm>>
    tpu.wait_indirect_dma semaphore(%arg7 : memref<!tpu.dma_semaphore, #tpu.memory_space<semaphore_mem>>) src(%dma_wait3A_224 : memref<4096x512xi32, #tpu.memory_space<hbm>>) dst(%dma_wait3A_221 : memref<16x512xi32, #tpu.memory_space<vmem>>)
    %get3A_225 = arith.constant 96 : index
    %get3A_226 = tpu.vector_load %arg5[%get3A_225] {strides = array<i32>} : memref<1344xi32, #tpu.memory_space<vmem>>, vector<16xi32>,
    %get3A_227 = vector.shape_cast %get3A_226 : vector<16xi32> to vector<16xi32>
    %dma_wait3A_228 = arith.constant 0 : i32
    %dma_wait3A_229 = arith.constant 96 : i32
    %dma_wait3A_230 = arith.constant 0 : i32
    %dma_wait3A_231 = tpu.memref_slice %arg6[%dma_wait3A_228, %dma_wait3A_229, %dma_wait3A_230] : memref<2x112x512xi32, #tpu.memory_space<vmem>> -> memref<1x16x512xi32, #tpu.memory_space<vmem>>
    %dma_wait3A_232 = tpu.memref_squeeze %dma_wait3A_231 : memref<1x16x512xi32, #tpu.memory_space<vmem>> -> memref<16x512xi32, #tpu.memory_space<vmem>>
    %dma_wait3A_233 = arith.constant 0 : i32
    %dma_wait3A_234 = arith.constant 0 : i32
    %dma_wait3A_235 = tpu.memref_slice %arg2[%dma_wait3A_233, %dma_wait3A_234] : memref<4096x512xi32, #tpu.memory_space<hbm>> -> memref<4096x512xi32, #tpu.memory_space<hbm>>
    tpu.wait_indirect_dma semaphore(%arg7 : memref<!tpu.dma_semaphore, #tpu.memory_space<semaphore_mem>>) src(%dma_wait3A_235 : memref<4096x512xi32, #tpu.memory_space<hbm>>) dst(%dma_wait3A_232 : memref<16x512xi32, #tpu.memory_space<vmem>>)
    %add3A_236 = arith.constant 1120 : i32
    %add3A_237 = arith.addi %mul3A_2, %add3A_236 : i32
    %dma_start3A_238 = arith.constant 0 : i32
    %dma_start3A_239 = arith.constant 0 : i32
    %dma_start3A_240 = arith.constant 0 : i32
    %dma_start3A_241 = tpu.memref_slice %arg6[%dma_start3A_238, %dma_start3A_239, %dma_start3A_240] : memref<2x112x512xi32, #tpu.memory_space<vmem>> -> memref<1x112x512xi32, #tpu.memory_space<vmem>>
    %dma_start3A_242 = tpu.memref_squeeze %dma_start3A_241 : memref<1x112x512xi32, #tpu.memory_space<vmem>> -> memref<112x512xi32, #tpu.memory_space<vmem>>
    %dma_start3A_243 = arith.constant 0 : i32
    %dma_start3A_244 = tpu.memref_slice %arg4[%add3A_237, %dma_start3A_243] : memref<43008x512xi32, #tpu.memory_space<hbm>> -> memref<112x512xi32, #tpu.memory_space<hbm>>
    %dma_start3A_245 = arith.constant 0 : i32
    %dma_start3A_246 = tpu.memref_slice %arg4[%add3A_237, %dma_start3A_245] : memref<43008x512xi32, #tpu.memory_space<hbm>> -> memref<112x512xi32, #tpu.memory_space<hbm>>
    %dma_start3A_247 = arith.constant 0 : i32
    %dma_start3A_248 = arith.constant 0 : i32
    %dma_start3A_249 = tpu.memref_slice %arg6[%dma_start3A_238, %dma_start3A_247, %dma_start3A_248] : memref<2x112x512xi32, #tpu.memory_space<vmem>> -> memref<1x112x512xi32, #tpu.memory_space<vmem>>
    %dma_start3A_250 = tpu.memref_squeeze %dma_start3A_249 : memref<1x112x512xi32, #tpu.memory_space<vmem>> -> memref<112x512xi32, #tpu.memory_space<vmem>>
    tpu.enqueue_dma source(%dma_start3A_250 : memref<112x512xi32, #tpu.memory_space<vmem>>) target(%dma_start3A_246 : memref<112x512xi32, #tpu.memory_space<hbm>>) target_semaphore(%arg9 : memref<!tpu.dma_semaphore, #tpu.memory_space<semaphore_mem>>)
    %get3A_251 = arith.constant 0 : index
    %get3A_252 = tpu.vector_load %arg5[%get3A_251] {strides = array<i32>} : memref<1344xi32, #tpu.memory_space<vmem>>, vector<16xi32>,
    %get3A_253 = vector.shape_cast %get3A_252 : vector<16xi32> to vector<16xi32>
    %dma_wait3A_254 = arith.constant 1 : i32
    %dma_wait3A_255 = arith.constant 0 : i32
    %dma_wait3A_256 = arith.constant 0 : i32
    %dma_wait3A_257 = tpu.memref_slice %arg6[%dma_wait3A_254, %dma_wait3A_255, %dma_wait3A_256] : memref<2x112x512xi32, #tpu.memory_space<vmem>> -> memref<1x16x512xi32, #tpu.memory_space<vmem>>
    %dma_wait3A_258 = tpu.memref_squeeze %dma_wait3A_257 : memref<1x16x512xi32, #tpu.memory_space<vmem>> -> memref<16x512xi32, #tpu.memory_space<vmem>>
    %dma_wait3A_259 = arith.constant 0 : i32
    %dma_wait3A_260 = arith.constant 0 : i32
    %dma_wait3A_261 = tpu.memref_slice %arg2[%dma_wait3A_259, %dma_wait3A_260] : memref<4096x512xi32, #tpu.memory_space<hbm>> -> memref<4096x512xi32, #tpu.memory_space<hbm>>
    tpu.wait_indirect_dma semaphore(%arg8 : memref<!tpu.dma_semaphore, #tpu.memory_space<semaphore_mem>>) src(%dma_wait3A_261 : memref<4096x512xi32, #tpu.memory_space<hbm>>) dst(%dma_wait3A_258 : memref<16x512xi32, #tpu.memory_space<vmem>>)
    %get3A_262 = arith.constant 16 : index
    %get3A_263 = tpu.vector_load %arg5[%get3A_262] {strides = array<i32>} : memref<1344xi32, #tpu.memory_space<vmem>>, vector<16xi32>,
    %get3A_264 = vector.shape_cast %get3A_263 : vector<16xi32> to vector<16xi32>
    %dma_wait3A_265 = arith.constant 1 : i32
    %dma_wait3A_266 = arith.constant 16 : i32
    %dma_wait3A_267 = arith.constant 0 : i32
    %dma_wait3A_268 = tpu.memref_slice %arg6[%dma_wait3A_265, %dma_wait3A_266, %dma_wait3A_267] : memref<2x112x512xi32, #tpu.memory_space<vmem>> -> memref<1x16x512xi32, #tpu.memory_space<vmem>>
    %dma_wait3A_269 = tpu.memref_squeeze %dma_wait3A_268 : memref<1x16x512xi32, #tpu.memory_space<vmem>> -> memref<16x512xi32, #tpu.memory_space<vmem>>
    %dma_wait3A_270 = arith.constant 0 : i32
    %dma_wait3A_271 = arith.constant 0 : i32
    %dma_wait3A_272 = tpu.memref_slice %arg2[%dma_wait3A_270, %dma_wait3A_271] : memref<4096x512xi32, #tpu.memory_space<hbm>> -> memref<4096x512xi32, #tpu.memory_space<hbm>>
    tpu.wait_indirect_dma semaphore(%arg8 : memref<!tpu.dma_semaphore, #tpu.memory_space<semaphore_mem>>) src(%dma_wait3A_272 : memref<4096x512xi32, #tpu.memory_space<hbm>>) dst(%dma_wait3A_269 : memref<16x512xi32, #tpu.memory_space<vmem>>)
    %get3A_273 = arith.constant 32 : index
    %get3A_274 = tpu.vector_load %arg5[%get3A_273] {strides = array<i32>} : memref<1344xi32, #tpu.memory_space<vmem>>, vector<16xi32>,
    %get3A_275 = vector.shape_cast %get3A_274 : vector<16xi32> to vector<16xi32>
    %dma_wait3A_276 = arith.constant 1 : i32
    %dma_wait3A_277 = arith.constant 32 : i32
    %dma_wait3A_278 = arith.constant 0 : i32
    %dma_wait3A_279 = tpu.memref_slice %arg6[%dma_wait3A_276, %dma_wait3A_277, %dma_wait3A_278] : memref<2x112x512xi32, #tpu.memory_space<vmem>> -> memref<1x16x512xi32, #tpu.memory_space<vmem>>
    %dma_wait3A_280 = tpu.memref_squeeze %dma_wait3A_279 : memref<1x16x512xi32, #tpu.memory_space<vmem>> -> memref<16x512xi32, #tpu.memory_space<vmem>>
    %dma_wait3A_281 = arith.constant 0 : i32
    %dma_wait3A_282 = arith.constant 0 : i32
    %dma_wait3A_283 = tpu.memref_slice %arg2[%dma_wait3A_281, %dma_wait3A_282] : memref<4096x512xi32, #tpu.memory_space<hbm>> -> memref<4096x512xi32, #tpu.memory_space<hbm>>
    tpu.wait_indirect_dma semaphore(%arg8 : memref<!tpu.dma_semaphore, #tpu.memory_space<semaphore_mem>>) src(%dma_wait3A_283 : memref<4096x512xi32, #tpu.memory_space<hbm>>) dst(%dma_wait3A_280 : memref<16x512xi32, #tpu.memory_space<vmem>>)
    %get3A_284 = arith.constant 48 : index
    %get3A_285 = tpu.vector_load %arg5[%get3A_284] {strides = array<i32>} : memref<1344xi32, #tpu.memory_space<vmem>>, vector<16xi32>,
    %get3A_286 = vector.shape_cast %get3A_285 : vector<16xi32> to vector<16xi32>
    %dma_wait3A_287 = arith.constant 1 : i32
    %dma_wait3A_288 = arith.constant 48 : i32
    %dma_wait3A_289 = arith.constant 0 : i32
    %dma_wait3A_290 = tpu.memref_slice %arg6[%dma_wait3A_287, %dma_wait3A_288, %dma_wait3A_289] : memref<2x112x512xi32, #tpu.memory_space<vmem>> -> memref<1x16x512xi32, #tpu.memory_space<vmem>>
    %dma_wait3A_291 = tpu.memref_squeeze %dma_wait3A_290 : memref<1x16x512xi32, #tpu.memory_space<vmem>> -> memref<16x512xi32, #tpu.memory_space<vmem>>
    %dma_wait3A_292 = arith.constant 0 : i32
    %dma_wait3A_293 = arith.constant 0 : i32
    %dma_wait3A_294 = tpu.memref_slice %arg2[%dma_wait3A_292, %dma_wait3A_293] : memref<4096x512xi32, #tpu.memory_space<hbm>> -> memref<4096x512xi32, #tpu.memory_space<hbm>>
    tpu.wait_indirect_dma semaphore(%arg8 : memref<!tpu.dma_semaphore, #tpu.memory_space<semaphore_mem>>) src(%dma_wait3A_294 : memref<4096x512xi32, #tpu.memory_space<hbm>>) dst(%dma_wait3A_291 : memref<16x512xi32, #tpu.memory_space<vmem>>)
    %get3A_295 = arith.constant 64 : index
    %get3A_296 = tpu.vector_load %arg5[%get3A_295] {strides = array<i32>} : memref<1344xi32, #tpu.memory_space<vmem>>, vector<16xi32>,
    %get3A_297 = vector.shape_cast %get3A_296 : vector<16xi32> to vector<16xi32>
    %dma_wait3A_298 = arith.constant 1 : i32
    %dma_wait3A_299 = arith.constant 64 : i32
    %dma_wait3A_300 = arith.constant 0 : i32
    %dma_wait3A_301 = tpu.memref_slice %arg6[%dma_wait3A_298, %dma_wait3A_299, %dma_wait3A_300] : memref<2x112x512xi32, #tpu.memory_space<vmem>> -> memref<1x16x512xi32, #tpu.memory_space<vmem>>
    %dma_wait3A_302 = tpu.memref_squeeze %dma_wait3A_301 : memref<1x16x512xi32, #tpu.memory_space<vmem>> -> memref<16x512xi32, #tpu.memory_space<vmem>>
    %dma_wait3A_303 = arith.constant 0 : i32
    %dma_wait3A_304 = arith.constant 0 : i32
    %dma_wait3A_305 = tpu.memref_slice %arg2[%dma_wait3A_303, %dma_wait3A_304] : memref<4096x512xi32, #tpu.memory_space<hbm>> -> memref<4096x512xi32, #tpu.memory_space<hbm>>
    tpu.wait_indirect_dma semaphore(%arg8 : memref<!tpu.dma_semaphore, #tpu.memory_space<semaphore_mem>>) src(%dma_wait3A_305 : memref<4096x512xi32, #tpu.memory_space<hbm>>) dst(%dma_wait3A_302 : memref<16x512xi32, #tpu.memory_space<vmem>>)
    %get3A_306 = arith.constant 80 : index
    %get3A_307 = tpu.vector_load %arg5[%get3A_306] {strides = array<i32>} : memref<1344xi32, #tpu.memory_space<vmem>>, vector<16xi32>,
    %get3A_308 = vector.shape_cast %get3A_307 : vector<16xi32> to vector<16xi32>
    %dma_wait3A_309 = arith.constant 1 : i32
    %dma_wait3A_310 = arith.constant 80 : i32
    %dma_wait3A_311 = arith.constant 0 : i32
    %dma_wait3A_312 = tpu.memref_slice %arg6[%dma_wait3A_309, %dma_wait3A_310, %dma_wait3A_311] : memref<2x112x512xi32, #tpu.memory_space<vmem>> -> memref<1x16x512xi32, #tpu.memory_space<vmem>>
    %dma_wait3A_313 = tpu.memref_squeeze %dma_wait3A_312 : memref<1x16x512xi32, #tpu.memory_space<vmem>> -> memref<16x512xi32, #tpu.memory_space<vmem>>
    %dma_wait3A_314 = arith.constant 0 : i32
    %dma_wait3A_315 = arith.constant 0 : i32
    %dma_wait3A_316 = tpu.memref_slice %arg2[%dma_wait3A_314, %dma_wait3A_315] : memref<4096x512xi32, #tpu.memory_space<hbm>> -> memref<4096x512xi32, #tpu.memory_space<hbm>>
    tpu.wait_indirect_dma semaphore(%arg8 : memref<!tpu.dma_semaphore, #tpu.memory_space<semaphore_mem>>) src(%dma_wait3A_316 : memref<4096x512xi32, #tpu.memory_space<hbm>>) dst(%dma_wait3A_313 : memref<16x512xi32, #tpu.memory_space<vmem>>)
    %get3A_317 = arith.constant 96 : index
    %get3A_318 = tpu.vector_load %arg5[%get3A_317] {strides = array<i32>} : memref<1344xi32, #tpu.memory_space<vmem>>, vector<16xi32>,
    %get3A_319 = vector.shape_cast %get3A_318 : vector<16xi32> to vector<16xi32>
    %dma_wait3A_320 = arith.constant 1 : i32
    %dma_wait3A_321 = arith.constant 96 : i32
    %dma_wait3A_322 = arith.constant 0 : i32
    %dma_wait3A_323 = tpu.memref_slice %arg6[%dma_wait3A_320, %dma_wait3A_321, %dma_wait3A_322] : memref<2x112x512xi32, #tpu.memory_space<vmem>> -> memref<1x16x512xi32, #tpu.memory_space<vmem>>
    %dma_wait3A_324 = tpu.memref_squeeze %dma_wait3A_323 : memref<1x16x512xi32, #tpu.memory_space<vmem>> -> memref<16x512xi32, #tpu.memory_space<vmem>>
    %dma_wait3A_325 = arith.constant 0 : i32
    %dma_wait3A_326 = arith.constant 0 : i32
    %dma_wait3A_327 = tpu.memref_slice %arg2[%dma_wait3A_325, %dma_wait3A_326] : memref<4096x512xi32, #tpu.memory_space<hbm>> -> memref<4096x512xi32, #tpu.memory_space<hbm>>
    tpu.wait_indirect_dma semaphore(%arg8 : memref<!tpu.dma_semaphore, #tpu.memory_space<semaphore_mem>>) src(%dma_wait3A_327 : memref<4096x512xi32, #tpu.memory_space<hbm>>) dst(%dma_wait3A_324 : memref<16x512xi32, #tpu.memory_space<vmem>>)
    %add3A_328 = arith.constant 1232 : i32
    %add3A_329 = arith.addi %mul3A_2, %add3A_328 : i32
    %dma_start3A_330 = arith.constant 1 : i32
    %dma_start3A_331 = arith.constant 0 : i32
    %dma_start3A_332 = arith.constant 0 : i32
    %dma_start3A_333 = tpu.memref_slice %arg6[%dma_start3A_330, %dma_start3A_331, %dma_start3A_332] : memref<2x112x512xi32, #tpu.memory_space<vmem>> -> memref<1x112x512xi32, #tpu.memory_space<vmem>>
    %dma_start3A_334 = tpu.memref_squeeze %dma_start3A_333 : memref<1x112x512xi32, #tpu.memory_space<vmem>> -> memref<112x512xi32, #tpu.memory_space<vmem>>
    %dma_start3A_335 = arith.constant 0 : i32
    %dma_start3A_336 = tpu.memref_slice %arg4[%add3A_329, %dma_start3A_335] : memref<43008x512xi32, #tpu.memory_space<hbm>> -> memref<112x512xi32, #tpu.memory_space<hbm>>
    %dma_start3A_337 = arith.constant 0 : i32
    %dma_start3A_338 = tpu.memref_slice %arg4[%add3A_329, %dma_start3A_337] : memref<43008x512xi32, #tpu.memory_space<hbm>> -> memref<112x512xi32, #tpu.memory_space<hbm>>
    %dma_start3A_339 = arith.constant 0 : i32
    %dma_start3A_340 = arith.constant 0 : i32
    %dma_start3A_341 = tpu.memref_slice %arg6[%dma_start3A_330, %dma_start3A_339, %dma_start3A_340] : memref<2x112x512xi32, #tpu.memory_space<vmem>> -> memref<1x112x512xi32, #tpu.memory_space<vmem>>
    %dma_start3A_342 = tpu.memref_squeeze %dma_start3A_341 : memref<1x112x512xi32, #tpu.memory_space<vmem>> -> memref<112x512xi32, #tpu.memory_space<vmem>>
    tpu.enqueue_dma source(%dma_start3A_342 : memref<112x512xi32, #tpu.memory_space<vmem>>) target(%dma_start3A_338 : memref<112x512xi32, #tpu.memory_space<hbm>>) target_semaphore(%arg10 : memref<!tpu.dma_semaphore, #tpu.memory_space<semaphore_mem>>)
    %add3A_343 = arith.constant 1120 : i32
    %add3A_344 = arith.addi %mul3A_2, %add3A_343 : i32
    %dma_wait3A_345 = arith.constant 0 : i32
    %dma_wait3A_346 = arith.constant 0 : i32
    %dma_wait3A_347 = arith.constant 0 : i32
    %dma_wait3A_348 = tpu.memref_slice %arg6[%dma_wait3A_345, %dma_wait3A_346, %dma_wait3A_347] : memref<2x112x512xi32, #tpu.memory_space<vmem>> -> memref<1x112x512xi32, #tpu.memory_space<vmem>>
    %dma_wait3A_349 = tpu.memref_squeeze %dma_wait3A_348 : memref<1x112x512xi32, #tpu.memory_space<vmem>> -> memref<112x512xi32, #tpu.memory_space<vmem>>
    %dma_wait3A_350 = arith.constant 0 : i32
    %dma_wait3A_351 = tpu.memref_slice %arg4[%add3A_344, %dma_wait3A_350] : memref<43008x512xi32, #tpu.memory_space<hbm>> -> memref<112x512xi32, #tpu.memory_space<hbm>>
    %dma_wait3A_352 = arith.constant 0 : i32
    %dma_wait3A_353 = tpu.memref_slice %arg4[%add3A_344, %dma_wait3A_352] : memref<43008x512xi32, #tpu.memory_space<hbm>> -> memref<112x512xi32, #tpu.memory_space<hbm>>
    %dma_wait3A_354 = arith.constant 0 : i32
    %dma_wait3A_355 = arith.constant 0 : i32
    %dma_wait3A_356 = tpu.memref_slice %arg6[%dma_wait3A_345, %dma_wait3A_354, %dma_wait3A_355] : memref<2x112x512xi32, #tpu.memory_space<vmem>> -> memref<1x112x512xi32, #tpu.memory_space<vmem>>
    %dma_wait3A_357 = tpu.memref_squeeze %dma_wait3A_356 : memref<1x112x512xi32, #tpu.memory_space<vmem>> -> memref<112x512xi32, #tpu.memory_space<vmem>>
    tpu.wait_dma2 semaphore(%arg9 : memref<!tpu.dma_semaphore, #tpu.memory_space<semaphore_mem>>) src(%dma_wait3A_357 : memref<112x512xi32, #tpu.memory_space<vmem>>) dst(%dma_wait3A_353 : memref<112x512xi32, #tpu.memory_space<hbm>>)
    %add3A_358 = arith.constant 1232 : i32
    %add3A_359 = arith.addi %mul3A_2, %add3A_358 : i32
    %dma_wait3A_360 = arith.constant 1 : i32
    %dma_wait3A_361 = arith.constant 0 : i32
    %dma_wait3A_362 = arith.constant 0 : i32
    %dma_wait3A_363 = tpu.memref_slice %arg6[%dma_wait3A_360, %dma_wait3A_361, %dma_wait3A_362] : memref<2x112x512xi32, #tpu.memory_space<vmem>> -> memref<1x112x512xi32, #tpu.memory_space<vmem>>
    %dma_wait3A_364 = tpu.memref_squeeze %dma_wait3A_363 : memref<1x112x512xi32, #tpu.memory_space<vmem>> -> memref<112x512xi32, #tpu.memory_space<vmem>>
    %dma_wait3A_365 = arith.constant 0 : i32
    %dma_wait3A_366 = tpu.memref_slice %arg4[%add3A_359, %dma_wait3A_365] : memref<43008x512xi32, #tpu.memory_space<hbm>> -> memref<112x512xi32, #tpu.memory_space<hbm>>
    %dma_wait3A_367 = arith.constant 0 : i32
    %dma_wait3A_368 = tpu.memref_slice %arg4[%add3A_359, %dma_wait3A_367] : memref<43008x512xi32, #tpu.memory_space<hbm>> -> memref<112x512xi32, #tpu.memory_space<hbm>>
    %dma_wait3A_369 = arith.constant 0 : i32
    %dma_wait3A_370 = arith.constant 0 : i32
    %dma_wait3A_371 = tpu.memref_slice %arg6[%dma_wait3A_360, %dma_wait3A_369, %dma_wait3A_370] : memref<2x112x512xi32, #tpu.memory_space<vmem>> -> memref<1x112x512xi32, #tpu.memory_space<vmem>>
    %dma_wait3A_372 = tpu.memref_squeeze %dma_wait3A_371 : memref<1x112x512xi32, #tpu.memory_space<vmem>> -> memref<112x512xi32, #tpu.memory_space<vmem>>
    tpu.wait_dma2 semaphore(%arg10 : memref<!tpu.dma_semaphore, #tpu.memory_space<semaphore_mem>>) src(%dma_wait3A_372 : memref<112x512xi32, #tpu.memory_space<vmem>>) dst(%dma_wait3A_368 : memref<112x512xi32, #tpu.memory_space<hbm>>)
    return
  }
}

module attributes {stable_mosaic.version = 14 : i64} {
  func.func @_enc_body(%arg0: i32, %arg1: memref<400x36xf32, #tpu.memory_space<vmem>>, %arg2: memref<400x32xf32, #tpu.memory_space<vmem>>, %arg3: memref<36x64xf32, #tpu.memory_space<vmem>>, %arg4: memref<1x64xf32, #tpu.memory_space<vmem>>, %arg5: memref<3x96x96xf32, #tpu.memory_space<vmem>>, %arg6: memref<3x1x96xf32, #tpu.memory_space<vmem>>, %arg7: memref<3x1x96xf32, #tpu.memory_space<vmem>>, %arg8: memref<3x1x96xf32, #tpu.memory_space<vmem>>, %arg9: memref<3x96x96xf32, #tpu.memory_space<vmem>>, %arg10: memref<3x1x96xf32, #tpu.memory_space<vmem>>, %arg11: memref<3x1x96xf32, #tpu.memory_space<vmem>>, %arg12: memref<3x1x96xf32, #tpu.memory_space<vmem>>, %arg13: memref<96x512xf32, #tpu.memory_space<vmem>>, %arg14: memref<1x512xf32, #tpu.memory_space<vmem>>, %arg15: memref<512x512xf32, #tpu.memory_space<vmem>>, %arg16: memref<1x512xf32, #tpu.memory_space<vmem>>, %arg17: memref<512x512xf32, #tpu.memory_space<vmem>>, %arg18: memref<1x512xf32, #tpu.memory_space<vmem>>, %arg19: memref<400x512xf32, #tpu.memory_space<vmem>>, %arg20: memref<400x512xf32, #tpu.memory_space<vmem>>, %arg21: memref<400x512xf32, #tpu.memory_space<vmem>>) attributes {dimension_semantics = [#tpu.dimension_semantics<arbitrary>], iteration_bounds = array<i64: 26>, scalar_prefetch = 0 : i64, scratch_operands = 0 : i64, tpu.core_type = #tpu.core_type<tc>, window_params = [{transform_indices = @transform_0, window_bounds = array<i64: 400, 36>}, {transform_indices = @transform_1, window_bounds = array<i64: 400, 32>}, {pipeline_mode = #tpu.pipeline_mode<synchronous>, transform_indices = @transform_2, window_bounds = array<i64: 36, 64>}, {pipeline_mode = #tpu.pipeline_mode<synchronous>, transform_indices = @transform_3, window_bounds = array<i64: 1, 64>}, {pipeline_mode = #tpu.pipeline_mode<synchronous>, transform_indices = @transform_4, window_bounds = array<i64: 3, 96, 96>}, {pipeline_mode = #tpu.pipeline_mode<synchronous>, transform_indices = @transform_5, window_bounds = array<i64: 3, 1, 96>}, {pipeline_mode = #tpu.pipeline_mode<synchronous>, transform_indices = @transform_6, window_bounds = array<i64: 3, 1, 96>}, {pipeline_mode = #tpu.pipeline_mode<synchronous>, transform_indices = @transform_7, window_bounds = array<i64: 3, 1, 96>}, {pipeline_mode = #tpu.pipeline_mode<synchronous>, transform_indices = @transform_8, window_bounds = array<i64: 3, 96, 96>}, {pipeline_mode = #tpu.pipeline_mode<synchronous>, transform_indices = @transform_9, window_bounds = array<i64: 3, 1, 96>}, {pipeline_mode = #tpu.pipeline_mode<synchronous>, transform_indices = @transform_10, window_bounds = array<i64: 3, 1, 96>}, {pipeline_mode = #tpu.pipeline_mode<synchronous>, transform_indices = @transform_11, window_bounds = array<i64: 3, 1, 96>}, {pipeline_mode = #tpu.pipeline_mode<synchronous>, transform_indices = @transform_12, window_bounds = array<i64: 96, 512>}, {pipeline_mode = #tpu.pipeline_mode<synchronous>, transform_indices = @transform_13, window_bounds = array<i64: 1, 512>}, {pipeline_mode = #tpu.pipeline_mode<synchronous>, transform_indices = @transform_14, window_bounds = array<i64: 512, 512>}, {pipeline_mode = #tpu.pipeline_mode<synchronous>, transform_indices = @transform_15, window_bounds = array<i64: 1, 512>}, {pipeline_mode = #tpu.pipeline_mode<synchronous>, transform_indices = @transform_16, window_bounds = array<i64: 512, 512>}, {pipeline_mode = #tpu.pipeline_mode<synchronous>, transform_indices = @transform_17, window_bounds = array<i64: 1, 512>}, {transform_indices = @transform_18, window_bounds = array<i64: 400, 512>}, {transform_indices = @transform_19, window_bounds = array<i64: 400, 512>}, {transform_indices = @transform_20, window_bounds = array<i64: 400, 512>}]} {
    %get3A = arith.constant 0 : index
    %get3A_0 = arith.constant 0 : index
    %get3A_1 = vector.load %arg1[%get3A, %get3A_0] : memref<400x36xf32, #tpu.memory_space<vmem>>, vector<400x36xf32>
    %get3A_2 = arith.constant 0 : index
    %get3A_3 = arith.constant 0 : index
    %get3A_4 = vector.load %arg3[%get3A_2, %get3A_3] : memref<36x64xf32, #tpu.memory_space<vmem>>, vector<36x64xf32>
    %dot_general3A = arith.constant dense<0.000000e+00> : vector<400x64xf32>
    %dot_general3A_5 = tpu.matmul %get3A_1, %get3A_4, %dot_general3A {dimension_numbers = #tpu.dot_dimension_numbers<[1], [0], [0], [1], [0, 0, 1, 1], [], []>, transpose_lhs_hint = false} : vector<400x36xf32>, vector<36x64xf32>, vector<400x64xf32> -> vector<400x64xf32>
    %get3A_6 = arith.constant 0 : index
    %get3A_7 = arith.constant 0 : index
    %get3A_8 = vector.load %arg4[%get3A_6, %get3A_7] : memref<1x64xf32, #tpu.memory_space<vmem>>, vector<1x64xf32>
    %add3A = vector.broadcast %get3A_8 : vector<1x64xf32> to vector<400x64xf32>
    %add3A_9 = arith.addf %dot_general3A_5, %add3A : vector<400x64xf32>
    %get3A_10 = arith.constant 0 : index
    %get3A_11 = arith.constant 0 : index
    %get3A_12 = vector.load %arg2[%get3A_10, %get3A_11] : memref<400x32xf32, #tpu.memory_space<vmem>>, vector<400x32xf32>
    %concatenate3A = tpu.concatenate %add3A_9, %get3A_12 in 1 : vector<400x64xf32>, vector<400x32xf32> -> vector<400x96xf32>
    %get3A_13 = arith.constant 0 : index
    %get3A_14 = arith.constant 0 : index
    %get3A_15 = arith.constant 0 : index
    %get3A_16 = vector.load %arg5[%get3A_13, %get3A_14, %get3A_15] : memref<3x96x96xf32, #tpu.memory_space<vmem>>, vector<1x96x96xf32>
    %get3A_17 = vector.shape_cast %get3A_16 : vector<1x96x96xf32> to vector<96x96xf32>
    %dot_general3A_18 = arith.constant dense<0.000000e+00> : vector<400x96xf32>
    %dot_general3A_19 = tpu.matmul %concatenate3A, %get3A_17, %dot_general3A_18 {dimension_numbers = #tpu.dot_dimension_numbers<[1], [0], [0], [1], [0, 0, 1, 1], [], []>, transpose_lhs_hint = false} : vector<400x96xf32>, vector<96x96xf32>, vector<400x96xf32> -> vector<400x96xf32>
    %get3A_20 = arith.constant 0 : index
    %get3A_21 = arith.constant 0 : index
    %get3A_22 = arith.constant 0 : index
    %get3A_23 = vector.load %arg6[%get3A_20, %get3A_21, %get3A_22] : memref<3x1x96xf32, #tpu.memory_space<vmem>>, vector<1x1x96xf32>
    %get3A_24 = vector.shape_cast %get3A_23 : vector<1x1x96xf32> to vector<1x96xf32>
    %add3A_25 = vector.broadcast %get3A_24 : vector<1x96xf32> to vector<400x96xf32>
    %add3A_26 = arith.addf %dot_general3A_19, %add3A_25 : vector<400x96xf32>
    %get3A_27 = arith.constant 0 : index
    %get3A_28 = arith.constant 0 : index
    %get3A_29 = arith.constant 0 : index
    %get3A_30 = vector.load %arg7[%get3A_27, %get3A_28, %get3A_29] : memref<3x1x96xf32, #tpu.memory_space<vmem>>, vector<1x1x96xf32>
    %get3A_31 = vector.shape_cast %get3A_30 : vector<1x1x96xf32> to vector<1x96xf32>
    %get3A_32 = arith.constant 0 : index
    %get3A_33 = arith.constant 0 : index
    %get3A_34 = arith.constant 0 : index
    %get3A_35 = vector.load %arg8[%get3A_32, %get3A_33, %get3A_34] : memref<3x1x96xf32, #tpu.memory_space<vmem>>, vector<1x1x96xf32>
    %get3A_36 = vector.shape_cast %get3A_35 : vector<1x1x96xf32> to vector<1x96xf32>
    %reduce_sum3A = arith.constant dense<0.000000e+00> : vector<400xf32>
    %reduce_sum3A_37 = vector.multi_reduction <add>, %add3A_26, %reduce_sum3A [1] : vector<400x96xf32> to vector<400xf32>
    %broadcast_in_dim3A = vector.shape_cast %reduce_sum3A_37 : vector<400xf32> to vector<400x1xf32>
    %div3A = arith.constant 9.600000e+01 : f32
    %div3A_38 = vector.broadcast %div3A : f32 to vector<400x1xf32>
    %div3A_39 = arith.divf %broadcast_in_dim3A, %div3A_38 : vector<400x1xf32>
    %sub3A = vector.broadcast %div3A_39 : vector<400x1xf32> to vector<400x96xf32>
    %sub3A_40 = arith.subf %add3A_26, %sub3A : vector<400x96xf32>
    %integer_pow3A = arith.mulf %sub3A_40, %sub3A_40 : vector<400x96xf32>
    %reduce_sum3A_41 = arith.constant dense<0.000000e+00> : vector<400xf32>
    %reduce_sum3A_42 = vector.multi_reduction <add>, %integer_pow3A, %reduce_sum3A_41 [1] : vector<400x96xf32> to vector<400xf32>
    %broadcast_in_dim3A_43 = vector.shape_cast %reduce_sum3A_42 : vector<400xf32> to vector<400x1xf32>
    %div3A_44 = arith.constant 9.600000e+01 : f32
    %div3A_45 = vector.broadcast %div3A_44 : f32 to vector<400x1xf32>
    %div3A_46 = arith.divf %broadcast_in_dim3A_43, %div3A_45 : vector<400x1xf32>
    %sub3A_47 = vector.broadcast %div3A_39 : vector<400x1xf32> to vector<400x96xf32>
    %sub3A_48 = arith.subf %add3A_26, %sub3A_47 : vector<400x96xf32>
    %add3A_49 = arith.constant 9.99999974E-6 : f32
    %add3A_50 = vector.broadcast %add3A_49 : f32 to vector<400x1xf32>
    %add3A_51 = arith.addf %div3A_46, %add3A_50 : vector<400x1xf32>
    %sqrt3A = math.sqrt %add3A_51 : vector<400x1xf32>
    %div3A_52 = vector.broadcast %sqrt3A : vector<400x1xf32> to vector<400x96xf32>
    %div3A_53 = arith.divf %sub3A_48, %div3A_52 : vector<400x96xf32>
    %mul3A = vector.broadcast %get3A_31 : vector<1x96xf32> to vector<400x96xf32>
    %mul3A_54 = arith.mulf %div3A_53, %mul3A : vector<400x96xf32>
    %add3A_55 = vector.broadcast %get3A_36 : vector<1x96xf32> to vector<400x96xf32>
    %add3A_56 = arith.addf %mul3A_54, %add3A_55 : vector<400x96xf32>
    %max3A = arith.constant 0.000000e+00 : f32
    %max3A_57 = vector.broadcast %max3A : f32 to vector<400x96xf32>
    %max3A_58 = arith.maximumf %add3A_56, %max3A_57 : vector<400x96xf32>
    %get3A_59 = arith.constant 0 : index
    %get3A_60 = arith.constant 0 : index
    %get3A_61 = arith.constant 0 : index
    %get3A_62 = vector.load %arg9[%get3A_59, %get3A_60, %get3A_61] : memref<3x96x96xf32, #tpu.memory_space<vmem>>, vector<1x96x96xf32>
    %get3A_63 = vector.shape_cast %get3A_62 : vector<1x96x96xf32> to vector<96x96xf32>
    %dot_general3A_64 = arith.constant dense<0.000000e+00> : vector<400x96xf32>
    %dot_general3A_65 = tpu.matmul %max3A_58, %get3A_63, %dot_general3A_64 {dimension_numbers = #tpu.dot_dimension_numbers<[1], [0], [0], [1], [0, 0, 1, 1], [], []>, transpose_lhs_hint = false} : vector<400x96xf32>, vector<96x96xf32>, vector<400x96xf32> -> vector<400x96xf32>
    %get3A_66 = arith.constant 0 : index
    %get3A_67 = arith.constant 0 : index
    %get3A_68 = arith.constant 0 : index
    %get3A_69 = vector.load %arg10[%get3A_66, %get3A_67, %get3A_68] : memref<3x1x96xf32, #tpu.memory_space<vmem>>, vector<1x1x96xf32>
    %get3A_70 = vector.shape_cast %get3A_69 : vector<1x1x96xf32> to vector<1x96xf32>
    %add3A_71 = vector.broadcast %get3A_70 : vector<1x96xf32> to vector<400x96xf32>
    %add3A_72 = arith.addf %dot_general3A_65, %add3A_71 : vector<400x96xf32>
    %get3A_73 = arith.constant 0 : index
    %get3A_74 = arith.constant 0 : index
    %get3A_75 = arith.constant 0 : index
    %get3A_76 = vector.load %arg11[%get3A_73, %get3A_74, %get3A_75] : memref<3x1x96xf32, #tpu.memory_space<vmem>>, vector<1x1x96xf32>
    %get3A_77 = vector.shape_cast %get3A_76 : vector<1x1x96xf32> to vector<1x96xf32>
    %get3A_78 = arith.constant 0 : index
    %get3A_79 = arith.constant 0 : index
    %get3A_80 = arith.constant 0 : index
    %get3A_81 = vector.load %arg12[%get3A_78, %get3A_79, %get3A_80] : memref<3x1x96xf32, #tpu.memory_space<vmem>>, vector<1x1x96xf32>
    %get3A_82 = vector.shape_cast %get3A_81 : vector<1x1x96xf32> to vector<1x96xf32>
    %reduce_sum3A_83 = arith.constant dense<0.000000e+00> : vector<400xf32>
    %reduce_sum3A_84 = vector.multi_reduction <add>, %add3A_72, %reduce_sum3A_83 [1] : vector<400x96xf32> to vector<400xf32>
    %broadcast_in_dim3A_85 = vector.shape_cast %reduce_sum3A_84 : vector<400xf32> to vector<400x1xf32>
    %div3A_86 = arith.constant 9.600000e+01 : f32
    %div3A_87 = vector.broadcast %div3A_86 : f32 to vector<400x1xf32>
    %div3A_88 = arith.divf %broadcast_in_dim3A_85, %div3A_87 : vector<400x1xf32>
    %sub3A_89 = vector.broadcast %div3A_88 : vector<400x1xf32> to vector<400x96xf32>
    %sub3A_90 = arith.subf %add3A_72, %sub3A_89 : vector<400x96xf32>
    %integer_pow3A_91 = arith.mulf %sub3A_90, %sub3A_90 : vector<400x96xf32>
    %reduce_sum3A_92 = arith.constant dense<0.000000e+00> : vector<400xf32>
    %reduce_sum3A_93 = vector.multi_reduction <add>, %integer_pow3A_91, %reduce_sum3A_92 [1] : vector<400x96xf32> to vector<400xf32>
    %broadcast_in_dim3A_94 = vector.shape_cast %reduce_sum3A_93 : vector<400xf32> to vector<400x1xf32>
    %div3A_95 = arith.constant 9.600000e+01 : f32
    %div3A_96 = vector.broadcast %div3A_95 : f32 to vector<400x1xf32>
    %div3A_97 = arith.divf %broadcast_in_dim3A_94, %div3A_96 : vector<400x1xf32>
    %sub3A_98 = vector.broadcast %div3A_88 : vector<400x1xf32> to vector<400x96xf32>
    %sub3A_99 = arith.subf %add3A_72, %sub3A_98 : vector<400x96xf32>
    %add3A_100 = arith.constant 9.99999974E-6 : f32
    %add3A_101 = vector.broadcast %add3A_100 : f32 to vector<400x1xf32>
    %add3A_102 = arith.addf %div3A_97, %add3A_101 : vector<400x1xf32>
    %sqrt3A_103 = math.sqrt %add3A_102 : vector<400x1xf32>
    %div3A_104 = vector.broadcast %sqrt3A_103 : vector<400x1xf32> to vector<400x96xf32>
    %div3A_105 = arith.divf %sub3A_99, %div3A_104 : vector<400x96xf32>
    %mul3A_106 = vector.broadcast %get3A_77 : vector<1x96xf32> to vector<400x96xf32>
    %mul3A_107 = arith.mulf %div3A_105, %mul3A_106 : vector<400x96xf32>
    %add3A_108 = vector.broadcast %get3A_82 : vector<1x96xf32> to vector<400x96xf32>
    %add3A_109 = arith.addf %mul3A_107, %add3A_108 : vector<400x96xf32>
    %max3A_110 = arith.constant 0.000000e+00 : f32
    %max3A_111 = vector.broadcast %max3A_110 : f32 to vector<400x96xf32>
    %max3A_112 = arith.maximumf %add3A_109, %max3A_111 : vector<400x96xf32>
    %get3A_113 = arith.constant 1 : index
    %get3A_114 = arith.constant 0 : index
    %get3A_115 = arith.constant 0 : index
    %get3A_116 = vector.load %arg5[%get3A_113, %get3A_114, %get3A_115] : memref<3x96x96xf32, #tpu.memory_space<vmem>>, vector<1x96x96xf32>
    %get3A_117 = vector.shape_cast %get3A_116 : vector<1x96x96xf32> to vector<96x96xf32>
    %dot_general3A_118 = arith.constant dense<0.000000e+00> : vector<400x96xf32>
    %dot_general3A_119 = tpu.matmul %max3A_112, %get3A_117, %dot_general3A_118 {dimension_numbers = #tpu.dot_dimension_numbers<[1], [0], [0], [1], [0, 0, 1, 1], [], []>, transpose_lhs_hint = false} : vector<400x96xf32>, vector<96x96xf32>, vector<400x96xf32> -> vector<400x96xf32>
    %get3A_120 = arith.constant 1 : index
    %get3A_121 = arith.constant 0 : index
    %get3A_122 = arith.constant 0 : index
    %get3A_123 = vector.load %arg6[%get3A_120, %get3A_121, %get3A_122] : memref<3x1x96xf32, #tpu.memory_space<vmem>>, vector<1x1x96xf32>
    %get3A_124 = vector.shape_cast %get3A_123 : vector<1x1x96xf32> to vector<1x96xf32>
    %add3A_125 = vector.broadcast %get3A_124 : vector<1x96xf32> to vector<400x96xf32>
    %add3A_126 = arith.addf %dot_general3A_119, %add3A_125 : vector<400x96xf32>
    %get3A_127 = arith.constant 1 : index
    %get3A_128 = arith.constant 0 : index
    %get3A_129 = arith.constant 0 : index
    %get3A_130 = vector.load %arg7[%get3A_127, %get3A_128, %get3A_129] : memref<3x1x96xf32, #tpu.memory_space<vmem>>, vector<1x1x96xf32>
    %get3A_131 = vector.shape_cast %get3A_130 : vector<1x1x96xf32> to vector<1x96xf32>
    %get3A_132 = arith.constant 1 : index
    %get3A_133 = arith.constant 0 : index
    %get3A_134 = arith.constant 0 : index
    %get3A_135 = vector.load %arg8[%get3A_132, %get3A_133, %get3A_134] : memref<3x1x96xf32, #tpu.memory_space<vmem>>, vector<1x1x96xf32>
    %get3A_136 = vector.shape_cast %get3A_135 : vector<1x1x96xf32> to vector<1x96xf32>
    %reduce_sum3A_137 = arith.constant dense<0.000000e+00> : vector<400xf32>
    %reduce_sum3A_138 = vector.multi_reduction <add>, %add3A_126, %reduce_sum3A_137 [1] : vector<400x96xf32> to vector<400xf32>
    %broadcast_in_dim3A_139 = vector.shape_cast %reduce_sum3A_138 : vector<400xf32> to vector<400x1xf32>
    %div3A_140 = arith.constant 9.600000e+01 : f32
    %div3A_141 = vector.broadcast %div3A_140 : f32 to vector<400x1xf32>
    %div3A_142 = arith.divf %broadcast_in_dim3A_139, %div3A_141 : vector<400x1xf32>
    %sub3A_143 = vector.broadcast %div3A_142 : vector<400x1xf32> to vector<400x96xf32>
    %sub3A_144 = arith.subf %add3A_126, %sub3A_143 : vector<400x96xf32>
    %integer_pow3A_145 = arith.mulf %sub3A_144, %sub3A_144 : vector<400x96xf32>
    %reduce_sum3A_146 = arith.constant dense<0.000000e+00> : vector<400xf32>
    %reduce_sum3A_147 = vector.multi_reduction <add>, %integer_pow3A_145, %reduce_sum3A_146 [1] : vector<400x96xf32> to vector<400xf32>
    %broadcast_in_dim3A_148 = vector.shape_cast %reduce_sum3A_147 : vector<400xf32> to vector<400x1xf32>
    %div3A_149 = arith.constant 9.600000e+01 : f32
    %div3A_150 = vector.broadcast %div3A_149 : f32 to vector<400x1xf32>
    %div3A_151 = arith.divf %broadcast_in_dim3A_148, %div3A_150 : vector<400x1xf32>
    %sub3A_152 = vector.broadcast %div3A_142 : vector<400x1xf32> to vector<400x96xf32>
    %sub3A_153 = arith.subf %add3A_126, %sub3A_152 : vector<400x96xf32>
    %add3A_154 = arith.constant 9.99999974E-6 : f32
    %add3A_155 = vector.broadcast %add3A_154 : f32 to vector<400x1xf32>
    %add3A_156 = arith.addf %div3A_151, %add3A_155 : vector<400x1xf32>
    %sqrt3A_157 = math.sqrt %add3A_156 : vector<400x1xf32>
    %div3A_158 = vector.broadcast %sqrt3A_157 : vector<400x1xf32> to vector<400x96xf32>
    %div3A_159 = arith.divf %sub3A_153, %div3A_158 : vector<400x96xf32>
    %mul3A_160 = vector.broadcast %get3A_131 : vector<1x96xf32> to vector<400x96xf32>
    %mul3A_161 = arith.mulf %div3A_159, %mul3A_160 : vector<400x96xf32>
    %add3A_162 = vector.broadcast %get3A_136 : vector<1x96xf32> to vector<400x96xf32>
    %add3A_163 = arith.addf %mul3A_161, %add3A_162 : vector<400x96xf32>
    %max3A_164 = arith.constant 0.000000e+00 : f32
    %max3A_165 = vector.broadcast %max3A_164 : f32 to vector<400x96xf32>
    %max3A_166 = arith.maximumf %add3A_163, %max3A_165 : vector<400x96xf32>
    %get3A_167 = arith.constant 1 : index
    %get3A_168 = arith.constant 0 : index
    %get3A_169 = arith.constant 0 : index
    %get3A_170 = vector.load %arg9[%get3A_167, %get3A_168, %get3A_169] : memref<3x96x96xf32, #tpu.memory_space<vmem>>, vector<1x96x96xf32>
    %get3A_171 = vector.shape_cast %get3A_170 : vector<1x96x96xf32> to vector<96x96xf32>
    %dot_general3A_172 = arith.constant dense<0.000000e+00> : vector<400x96xf32>
    %dot_general3A_173 = tpu.matmul %max3A_166, %get3A_171, %dot_general3A_172 {dimension_numbers = #tpu.dot_dimension_numbers<[1], [0], [0], [1], [0, 0, 1, 1], [], []>, transpose_lhs_hint = false} : vector<400x96xf32>, vector<96x96xf32>, vector<400x96xf32> -> vector<400x96xf32>
    %get3A_174 = arith.constant 1 : index
    %get3A_175 = arith.constant 0 : index
    %get3A_176 = arith.constant 0 : index
    %get3A_177 = vector.load %arg10[%get3A_174, %get3A_175, %get3A_176] : memref<3x1x96xf32, #tpu.memory_space<vmem>>, vector<1x1x96xf32>
    %get3A_178 = vector.shape_cast %get3A_177 : vector<1x1x96xf32> to vector<1x96xf32>
    %add3A_179 = vector.broadcast %get3A_178 : vector<1x96xf32> to vector<400x96xf32>
    %add3A_180 = arith.addf %dot_general3A_173, %add3A_179 : vector<400x96xf32>
    %get3A_181 = arith.constant 1 : index
    %get3A_182 = arith.constant 0 : index
    %get3A_183 = arith.constant 0 : index
    %get3A_184 = vector.load %arg11[%get3A_181, %get3A_182, %get3A_183] : memref<3x1x96xf32, #tpu.memory_space<vmem>>, vector<1x1x96xf32>
    %get3A_185 = vector.shape_cast %get3A_184 : vector<1x1x96xf32> to vector<1x96xf32>
    %get3A_186 = arith.constant 1 : index
    %get3A_187 = arith.constant 0 : index
    %get3A_188 = arith.constant 0 : index
    %get3A_189 = vector.load %arg12[%get3A_186, %get3A_187, %get3A_188] : memref<3x1x96xf32, #tpu.memory_space<vmem>>, vector<1x1x96xf32>
    %get3A_190 = vector.shape_cast %get3A_189 : vector<1x1x96xf32> to vector<1x96xf32>
    %reduce_sum3A_191 = arith.constant dense<0.000000e+00> : vector<400xf32>
    %reduce_sum3A_192 = vector.multi_reduction <add>, %add3A_180, %reduce_sum3A_191 [1] : vector<400x96xf32> to vector<400xf32>
    %broadcast_in_dim3A_193 = vector.shape_cast %reduce_sum3A_192 : vector<400xf32> to vector<400x1xf32>
    %div3A_194 = arith.constant 9.600000e+01 : f32
    %div3A_195 = vector.broadcast %div3A_194 : f32 to vector<400x1xf32>
    %div3A_196 = arith.divf %broadcast_in_dim3A_193, %div3A_195 : vector<400x1xf32>
    %sub3A_197 = vector.broadcast %div3A_196 : vector<400x1xf32> to vector<400x96xf32>
    %sub3A_198 = arith.subf %add3A_180, %sub3A_197 : vector<400x96xf32>
    %integer_pow3A_199 = arith.mulf %sub3A_198, %sub3A_198 : vector<400x96xf32>
    %reduce_sum3A_200 = arith.constant dense<0.000000e+00> : vector<400xf32>
    %reduce_sum3A_201 = vector.multi_reduction <add>, %integer_pow3A_199, %reduce_sum3A_200 [1] : vector<400x96xf32> to vector<400xf32>
    %broadcast_in_dim3A_202 = vector.shape_cast %reduce_sum3A_201 : vector<400xf32> to vector<400x1xf32>
    %div3A_203 = arith.constant 9.600000e+01 : f32
    %div3A_204 = vector.broadcast %div3A_203 : f32 to vector<400x1xf32>
    %div3A_205 = arith.divf %broadcast_in_dim3A_202, %div3A_204 : vector<400x1xf32>
    %sub3A_206 = vector.broadcast %div3A_196 : vector<400x1xf32> to vector<400x96xf32>
    %sub3A_207 = arith.subf %add3A_180, %sub3A_206 : vector<400x96xf32>
    %add3A_208 = arith.constant 9.99999974E-6 : f32
    %add3A_209 = vector.broadcast %add3A_208 : f32 to vector<400x1xf32>
    %add3A_210 = arith.addf %div3A_205, %add3A_209 : vector<400x1xf32>
    %sqrt3A_211 = math.sqrt %add3A_210 : vector<400x1xf32>
    %div3A_212 = vector.broadcast %sqrt3A_211 : vector<400x1xf32> to vector<400x96xf32>
    %div3A_213 = arith.divf %sub3A_207, %div3A_212 : vector<400x96xf32>
    %mul3A_214 = vector.broadcast %get3A_185 : vector<1x96xf32> to vector<400x96xf32>
    %mul3A_215 = arith.mulf %div3A_213, %mul3A_214 : vector<400x96xf32>
    %add3A_216 = vector.broadcast %get3A_190 : vector<1x96xf32> to vector<400x96xf32>
    %add3A_217 = arith.addf %mul3A_215, %add3A_216 : vector<400x96xf32>
    %max3A_218 = arith.constant 0.000000e+00 : f32
    %max3A_219 = vector.broadcast %max3A_218 : f32 to vector<400x96xf32>
    %max3A_220 = arith.maximumf %add3A_217, %max3A_219 : vector<400x96xf32>
    %get3A_221 = arith.constant 2 : index
    %get3A_222 = arith.constant 0 : index
    %get3A_223 = arith.constant 0 : index
    %get3A_224 = vector.load %arg5[%get3A_221, %get3A_222, %get3A_223] : memref<3x96x96xf32, #tpu.memory_space<vmem>>, vector<1x96x96xf32>
    %get3A_225 = vector.shape_cast %get3A_224 : vector<1x96x96xf32> to vector<96x96xf32>
    %dot_general3A_226 = arith.constant dense<0.000000e+00> : vector<400x96xf32>
    %dot_general3A_227 = tpu.matmul %max3A_220, %get3A_225, %dot_general3A_226 {dimension_numbers = #tpu.dot_dimension_numbers<[1], [0], [0], [1], [0, 0, 1, 1], [], []>, transpose_lhs_hint = false} : vector<400x96xf32>, vector<96x96xf32>, vector<400x96xf32> -> vector<400x96xf32>
    %get3A_228 = arith.constant 2 : index
    %get3A_229 = arith.constant 0 : index
    %get3A_230 = arith.constant 0 : index
    %get3A_231 = vector.load %arg6[%get3A_228, %get3A_229, %get3A_230] : memref<3x1x96xf32, #tpu.memory_space<vmem>>, vector<1x1x96xf32>
    %get3A_232 = vector.shape_cast %get3A_231 : vector<1x1x96xf32> to vector<1x96xf32>
    %add3A_233 = vector.broadcast %get3A_232 : vector<1x96xf32> to vector<400x96xf32>
    %add3A_234 = arith.addf %dot_general3A_227, %add3A_233 : vector<400x96xf32>
    %get3A_235 = arith.constant 2 : index
    %get3A_236 = arith.constant 0 : index
    %get3A_237 = arith.constant 0 : index
    %get3A_238 = vector.load %arg7[%get3A_235, %get3A_236, %get3A_237] : memref<3x1x96xf32, #tpu.memory_space<vmem>>, vector<1x1x96xf32>
    %get3A_239 = vector.shape_cast %get3A_238 : vector<1x1x96xf32> to vector<1x96xf32>
    %get3A_240 = arith.constant 2 : index
    %get3A_241 = arith.constant 0 : index
    %get3A_242 = arith.constant 0 : index
    %get3A_243 = vector.load %arg8[%get3A_240, %get3A_241, %get3A_242] : memref<3x1x96xf32, #tpu.memory_space<vmem>>, vector<1x1x96xf32>
    %get3A_244 = vector.shape_cast %get3A_243 : vector<1x1x96xf32> to vector<1x96xf32>
    %reduce_sum3A_245 = arith.constant dense<0.000000e+00> : vector<400xf32>
    %reduce_sum3A_246 = vector.multi_reduction <add>, %add3A_234, %reduce_sum3A_245 [1] : vector<400x96xf32> to vector<400xf32>
    %broadcast_in_dim3A_247 = vector.shape_cast %reduce_sum3A_246 : vector<400xf32> to vector<400x1xf32>
    %div3A_248 = arith.constant 9.600000e+01 : f32
    %div3A_249 = vector.broadcast %div3A_248 : f32 to vector<400x1xf32>
    %div3A_250 = arith.divf %broadcast_in_dim3A_247, %div3A_249 : vector<400x1xf32>
    %sub3A_251 = vector.broadcast %div3A_250 : vector<400x1xf32> to vector<400x96xf32>
    %sub3A_252 = arith.subf %add3A_234, %sub3A_251 : vector<400x96xf32>
    %integer_pow3A_253 = arith.mulf %sub3A_252, %sub3A_252 : vector<400x96xf32>
    %reduce_sum3A_254 = arith.constant dense<0.000000e+00> : vector<400xf32>
    %reduce_sum3A_255 = vector.multi_reduction <add>, %integer_pow3A_253, %reduce_sum3A_254 [1] : vector<400x96xf32> to vector<400xf32>
    %broadcast_in_dim3A_256 = vector.shape_cast %reduce_sum3A_255 : vector<400xf32> to vector<400x1xf32>
    %div3A_257 = arith.constant 9.600000e+01 : f32
    %div3A_258 = vector.broadcast %div3A_257 : f32 to vector<400x1xf32>
    %div3A_259 = arith.divf %broadcast_in_dim3A_256, %div3A_258 : vector<400x1xf32>
    %sub3A_260 = vector.broadcast %div3A_250 : vector<400x1xf32> to vector<400x96xf32>
    %sub3A_261 = arith.subf %add3A_234, %sub3A_260 : vector<400x96xf32>
    %add3A_262 = arith.constant 9.99999974E-6 : f32
    %add3A_263 = vector.broadcast %add3A_262 : f32 to vector<400x1xf32>
    %add3A_264 = arith.addf %div3A_259, %add3A_263 : vector<400x1xf32>
    %sqrt3A_265 = math.sqrt %add3A_264 : vector<400x1xf32>
    %div3A_266 = vector.broadcast %sqrt3A_265 : vector<400x1xf32> to vector<400x96xf32>
    %div3A_267 = arith.divf %sub3A_261, %div3A_266 : vector<400x96xf32>
    %mul3A_268 = vector.broadcast %get3A_239 : vector<1x96xf32> to vector<400x96xf32>
    %mul3A_269 = arith.mulf %div3A_267, %mul3A_268 : vector<400x96xf32>
    %add3A_270 = vector.broadcast %get3A_244 : vector<1x96xf32> to vector<400x96xf32>
    %add3A_271 = arith.addf %mul3A_269, %add3A_270 : vector<400x96xf32>
    %max3A_272 = arith.constant 0.000000e+00 : f32
    %max3A_273 = vector.broadcast %max3A_272 : f32 to vector<400x96xf32>
    %max3A_274 = arith.maximumf %add3A_271, %max3A_273 : vector<400x96xf32>
    %get3A_275 = arith.constant 2 : index
    %get3A_276 = arith.constant 0 : index
    %get3A_277 = arith.constant 0 : index
    %get3A_278 = vector.load %arg9[%get3A_275, %get3A_276, %get3A_277] : memref<3x96x96xf32, #tpu.memory_space<vmem>>, vector<1x96x96xf32>
    %get3A_279 = vector.shape_cast %get3A_278 : vector<1x96x96xf32> to vector<96x96xf32>
    %dot_general3A_280 = arith.constant dense<0.000000e+00> : vector<400x96xf32>
    %dot_general3A_281 = tpu.matmul %max3A_274, %get3A_279, %dot_general3A_280 {dimension_numbers = #tpu.dot_dimension_numbers<[1], [0], [0], [1], [0, 0, 1, 1], [], []>, transpose_lhs_hint = false} : vector<400x96xf32>, vector<96x96xf32>, vector<400x96xf32> -> vector<400x96xf32>
    %get3A_282 = arith.constant 2 : index
    %get3A_283 = arith.constant 0 : index
    %get3A_284 = arith.constant 0 : index
    %get3A_285 = vector.load %arg10[%get3A_282, %get3A_283, %get3A_284] : memref<3x1x96xf32, #tpu.memory_space<vmem>>, vector<1x1x96xf32>
    %get3A_286 = vector.shape_cast %get3A_285 : vector<1x1x96xf32> to vector<1x96xf32>
    %add3A_287 = vector.broadcast %get3A_286 : vector<1x96xf32> to vector<400x96xf32>
    %add3A_288 = arith.addf %dot_general3A_281, %add3A_287 : vector<400x96xf32>
    %get3A_289 = arith.constant 2 : index
    %get3A_290 = arith.constant 0 : index
    %get3A_291 = arith.constant 0 : index
    %get3A_292 = vector.load %arg11[%get3A_289, %get3A_290, %get3A_291] : memref<3x1x96xf32, #tpu.memory_space<vmem>>, vector<1x1x96xf32>
    %get3A_293 = vector.shape_cast %get3A_292 : vector<1x1x96xf32> to vector<1x96xf32>
    %get3A_294 = arith.constant 2 : index
    %get3A_295 = arith.constant 0 : index
    %get3A_296 = arith.constant 0 : index
    %get3A_297 = vector.load %arg12[%get3A_294, %get3A_295, %get3A_296] : memref<3x1x96xf32, #tpu.memory_space<vmem>>, vector<1x1x96xf32>
    %get3A_298 = vector.shape_cast %get3A_297 : vector<1x1x96xf32> to vector<1x96xf32>
    %reduce_sum3A_299 = arith.constant dense<0.000000e+00> : vector<400xf32>
    %reduce_sum3A_300 = vector.multi_reduction <add>, %add3A_288, %reduce_sum3A_299 [1] : vector<400x96xf32> to vector<400xf32>
    %broadcast_in_dim3A_301 = vector.shape_cast %reduce_sum3A_300 : vector<400xf32> to vector<400x1xf32>
    %div3A_302 = arith.constant 9.600000e+01 : f32
    %div3A_303 = vector.broadcast %div3A_302 : f32 to vector<400x1xf32>
    %div3A_304 = arith.divf %broadcast_in_dim3A_301, %div3A_303 : vector<400x1xf32>
    %sub3A_305 = vector.broadcast %div3A_304 : vector<400x1xf32> to vector<400x96xf32>
    %sub3A_306 = arith.subf %add3A_288, %sub3A_305 : vector<400x96xf32>
    %integer_pow3A_307 = arith.mulf %sub3A_306, %sub3A_306 : vector<400x96xf32>
    %reduce_sum3A_308 = arith.constant dense<0.000000e+00> : vector<400xf32>
    %reduce_sum3A_309 = vector.multi_reduction <add>, %integer_pow3A_307, %reduce_sum3A_308 [1] : vector<400x96xf32> to vector<400xf32>
    %broadcast_in_dim3A_310 = vector.shape_cast %reduce_sum3A_309 : vector<400xf32> to vector<400x1xf32>
    %div3A_311 = arith.constant 9.600000e+01 : f32
    %div3A_312 = vector.broadcast %div3A_311 : f32 to vector<400x1xf32>
    %div3A_313 = arith.divf %broadcast_in_dim3A_310, %div3A_312 : vector<400x1xf32>
    %sub3A_314 = vector.broadcast %div3A_304 : vector<400x1xf32> to vector<400x96xf32>
    %sub3A_315 = arith.subf %add3A_288, %sub3A_314 : vector<400x96xf32>
    %add3A_316 = arith.constant 9.99999974E-6 : f32
    %add3A_317 = vector.broadcast %add3A_316 : f32 to vector<400x1xf32>
    %add3A_318 = arith.addf %div3A_313, %add3A_317 : vector<400x1xf32>
    %sqrt3A_319 = math.sqrt %add3A_318 : vector<400x1xf32>
    %div3A_320 = vector.broadcast %sqrt3A_319 : vector<400x1xf32> to vector<400x96xf32>
    %div3A_321 = arith.divf %sub3A_315, %div3A_320 : vector<400x96xf32>
    %mul3A_322 = vector.broadcast %get3A_293 : vector<1x96xf32> to vector<400x96xf32>
    %mul3A_323 = arith.mulf %div3A_321, %mul3A_322 : vector<400x96xf32>
    %add3A_324 = vector.broadcast %get3A_298 : vector<1x96xf32> to vector<400x96xf32>
    %add3A_325 = arith.addf %mul3A_323, %add3A_324 : vector<400x96xf32>
    %max3A_326 = arith.constant 0.000000e+00 : f32
    %max3A_327 = vector.broadcast %max3A_326 : f32 to vector<400x96xf32>
    %max3A_328 = arith.maximumf %add3A_325, %max3A_327 : vector<400x96xf32>
    %get3A_329 = arith.constant 0 : index
    %get3A_330 = arith.constant 0 : index
    %get3A_331 = vector.load %arg13[%get3A_329, %get3A_330] : memref<96x512xf32, #tpu.memory_space<vmem>>, vector<96x512xf32>
    %dot_general3A_332 = arith.constant dense<0.000000e+00> : vector<400x512xf32>
    %dot_general3A_333 = tpu.matmul %max3A_328, %get3A_331, %dot_general3A_332 {dimension_numbers = #tpu.dot_dimension_numbers<[1], [0], [0], [1], [0, 0, 1, 1], [], []>, transpose_lhs_hint = false} : vector<400x96xf32>, vector<96x512xf32>, vector<400x512xf32> -> vector<400x512xf32>
    %get3A_334 = arith.constant 0 : index
    %get3A_335 = arith.constant 0 : index
    %get3A_336 = vector.load %arg14[%get3A_334, %get3A_335] : memref<1x512xf32, #tpu.memory_space<vmem>>, vector<1x512xf32>
    %add3A_337 = vector.broadcast %get3A_336 : vector<1x512xf32> to vector<400x512xf32>
    %add3A_338 = arith.addf %dot_general3A_333, %add3A_337 : vector<400x512xf32>
    %get3A_339 = arith.constant 0 : index
    %get3A_340 = arith.constant 0 : index
    %get3A_341 = vector.load %arg15[%get3A_339, %get3A_340] : memref<512x512xf32, #tpu.memory_space<vmem>>, vector<512x512xf32>
    %dot_general3A_342 = arith.constant dense<0.000000e+00> : vector<400x512xf32>
    %dot_general3A_343 = tpu.matmul %add3A_338, %get3A_341, %dot_general3A_342 {dimension_numbers = #tpu.dot_dimension_numbers<[1], [0], [0], [1], [0, 0, 1, 1], [], []>, transpose_lhs_hint = false} : vector<400x512xf32>, vector<512x512xf32>, vector<400x512xf32> -> vector<400x512xf32>
    %get3A_344 = arith.constant 0 : index
    %get3A_345 = arith.constant 0 : index
    %get3A_346 = vector.load %arg16[%get3A_344, %get3A_345] : memref<1x512xf32, #tpu.memory_space<vmem>>, vector<1x512xf32>
    %add3A_347 = vector.broadcast %get3A_346 : vector<1x512xf32> to vector<400x512xf32>
    %add3A_348 = arith.addf %dot_general3A_343, %add3A_347 : vector<400x512xf32>
    %swap3A = arith.constant 0 : index
    %swap3A_349 = arith.constant 0 : index
    %swap3A_350 = vector.load %arg19[%swap3A, %swap3A_349] : memref<400x512xf32, #tpu.memory_space<vmem>>, vector<400x512xf32>
    tpu.vector_store %arg19[%swap3A, %swap3A_349], %add3A_338 {strides = array<i32>} : memref<400x512xf32, #tpu.memory_space<vmem>>, vector<400x512xf32>,
    %swap3A_351 = arith.constant 0 : index
    %swap3A_352 = arith.constant 0 : index
    %swap3A_353 = vector.load %arg20[%swap3A_351, %swap3A_352] : memref<400x512xf32, #tpu.memory_space<vmem>>, vector<400x512xf32>
    tpu.vector_store %arg20[%swap3A_351, %swap3A_352], %add3A_348 {strides = array<i32>} : memref<400x512xf32, #tpu.memory_space<vmem>>, vector<400x512xf32>,
    %get3A_354 = arith.constant 0 : index
    %get3A_355 = arith.constant 0 : index
    %get3A_356 = vector.load %arg17[%get3A_354, %get3A_355] : memref<512x512xf32, #tpu.memory_space<vmem>>, vector<512x512xf32>
    %dot_general3A_357 = arith.constant dense<0.000000e+00> : vector<400x512xf32>
    %dot_general3A_358 = tpu.matmul %add3A_348, %get3A_356, %dot_general3A_357 {dimension_numbers = #tpu.dot_dimension_numbers<[1], [0], [0], [1], [0, 0, 1, 1], [], []>, transpose_lhs_hint = false} : vector<400x512xf32>, vector<512x512xf32>, vector<400x512xf32> -> vector<400x512xf32>
    %get3A_359 = arith.constant 0 : index
    %get3A_360 = arith.constant 0 : index
    %get3A_361 = vector.load %arg18[%get3A_359, %get3A_360] : memref<1x512xf32, #tpu.memory_space<vmem>>, vector<1x512xf32>
    %add3A_362 = vector.broadcast %get3A_361 : vector<1x512xf32> to vector<400x512xf32>
    %add3A_363 = arith.addf %dot_general3A_358, %add3A_362 : vector<400x512xf32>
    %swap3A_364 = arith.constant 0 : index
    %swap3A_365 = arith.constant 0 : index
    %swap3A_366 = vector.load %arg21[%swap3A_364, %swap3A_365] : memref<400x512xf32, #tpu.memory_space<vmem>>, vector<400x512xf32>
    tpu.vector_store %arg21[%swap3A_364, %swap3A_365], %add3A_363 {strides = array<i32>} : memref<400x512xf32, #tpu.memory_space<vmem>>, vector<400x512xf32>,
    return
  }
  func.func @transform_0(%arg0: i32) -> (i32, i32) {
    %c0_i32 = arith.constant 0 : i32
    %c0_i32_0 = arith.constant 0 : i32
    return %arg0, %c0_i32 : i32, i32
  }
  func.func @transform_1(%arg0: i32) -> (i32, i32) {
    %c0_i32 = arith.constant 0 : i32
    %c0_i32_0 = arith.constant 0 : i32
    return %arg0, %c0_i32 : i32, i32
  }
  func.func @transform_2(%arg0: i32) -> (i32, i32) {
    %c0_i32 = arith.constant 0 : i32
    %c0_i32_0 = arith.constant 0 : i32
    %c0_i32_1 = arith.constant 0 : i32
    return %c0_i32, %c0_i32_0 : i32, i32
  }
  func.func @transform_3(%arg0: i32) -> (i32, i32) {
    %c0_i32 = arith.constant 0 : i32
    %c0_i32_0 = arith.constant 0 : i32
    %c0_i32_1 = arith.constant 0 : i32
    return %c0_i32, %c0_i32_0 : i32, i32
  }
  func.func @transform_4(%arg0: i32) -> (i32, i32, i32) {
    %c0_i32 = arith.constant 0 : i32
    %c0_i32_0 = arith.constant 0 : i32
    %c0_i32_1 = arith.constant 0 : i32
    %c0_i32_2 = arith.constant 0 : i32
    return %c0_i32, %c0_i32_0, %c0_i32_1 : i32, i32, i32
  }
  func.func @transform_5(%arg0: i32) -> (i32, i32, i32) {
    %c0_i32 = arith.constant 0 : i32
    %c0_i32_0 = arith.constant 0 : i32
    %c0_i32_1 = arith.constant 0 : i32
    %c0_i32_2 = arith.constant 0 : i32
    return %c0_i32, %c0_i32_0, %c0_i32_1 : i32, i32, i32
  }
  func.func @transform_6(%arg0: i32) -> (i32, i32, i32) {
    %c0_i32 = arith.constant 0 : i32
    %c0_i32_0 = arith.constant 0 : i32
    %c0_i32_1 = arith.constant 0 : i32
    %c0_i32_2 = arith.constant 0 : i32
    return %c0_i32, %c0_i32_0, %c0_i32_1 : i32, i32, i32
  }
  func.func @transform_7(%arg0: i32) -> (i32, i32, i32) {
    %c0_i32 = arith.constant 0 : i32
    %c0_i32_0 = arith.constant 0 : i32
    %c0_i32_1 = arith.constant 0 : i32
    %c0_i32_2 = arith.constant 0 : i32
    return %c0_i32, %c0_i32_0, %c0_i32_1 : i32, i32, i32
  }
  func.func @transform_8(%arg0: i32) -> (i32, i32, i32) {
    %c0_i32 = arith.constant 0 : i32
    %c0_i32_0 = arith.constant 0 : i32
    %c0_i32_1 = arith.constant 0 : i32
    %c0_i32_2 = arith.constant 0 : i32
    return %c0_i32, %c0_i32_0, %c0_i32_1 : i32, i32, i32
  }
  func.func @transform_9(%arg0: i32) -> (i32, i32, i32) {
    %c0_i32 = arith.constant 0 : i32
    %c0_i32_0 = arith.constant 0 : i32
    %c0_i32_1 = arith.constant 0 : i32
    %c0_i32_2 = arith.constant 0 : i32
    return %c0_i32, %c0_i32_0, %c0_i32_1 : i32, i32, i32
  }
  func.func @transform_10(%arg0: i32) -> (i32, i32, i32) {
    %c0_i32 = arith.constant 0 : i32
    %c0_i32_0 = arith.constant 0 : i32
    %c0_i32_1 = arith.constant 0 : i32
    %c0_i32_2 = arith.constant 0 : i32
    return %c0_i32, %c0_i32_0, %c0_i32_1 : i32, i32, i32
  }
  func.func @transform_11(%arg0: i32) -> (i32, i32, i32) {
    %c0_i32 = arith.constant 0 : i32
    %c0_i32_0 = arith.constant 0 : i32
    %c0_i32_1 = arith.constant 0 : i32
    %c0_i32_2 = arith.constant 0 : i32
    return %c0_i32, %c0_i32_0, %c0_i32_1 : i32, i32, i32
  }
  func.func @transform_12(%arg0: i32) -> (i32, i32) {
    %c0_i32 = arith.constant 0 : i32
    %c0_i32_0 = arith.constant 0 : i32
    %c0_i32_1 = arith.constant 0 : i32
    return %c0_i32, %c0_i32_0 : i32, i32
  }
  func.func @transform_13(%arg0: i32) -> (i32, i32) {
    %c0_i32 = arith.constant 0 : i32
    %c0_i32_0 = arith.constant 0 : i32
    %c0_i32_1 = arith.constant 0 : i32
    return %c0_i32, %c0_i32_0 : i32, i32
  }
  func.func @transform_14(%arg0: i32) -> (i32, i32) {
    %c0_i32 = arith.constant 0 : i32
    %c0_i32_0 = arith.constant 0 : i32
    %c0_i32_1 = arith.constant 0 : i32
    return %c0_i32, %c0_i32_0 : i32, i32
  }
  func.func @transform_15(%arg0: i32) -> (i32, i32) {
    %c0_i32 = arith.constant 0 : i32
    %c0_i32_0 = arith.constant 0 : i32
    %c0_i32_1 = arith.constant 0 : i32
    return %c0_i32, %c0_i32_0 : i32, i32
  }
  func.func @transform_16(%arg0: i32) -> (i32, i32) {
    %c0_i32 = arith.constant 0 : i32
    %c0_i32_0 = arith.constant 0 : i32
    %c0_i32_1 = arith.constant 0 : i32
    return %c0_i32, %c0_i32_0 : i32, i32
  }
  func.func @transform_17(%arg0: i32) -> (i32, i32) {
    %c0_i32 = arith.constant 0 : i32
    %c0_i32_0 = arith.constant 0 : i32
    %c0_i32_1 = arith.constant 0 : i32
    return %c0_i32, %c0_i32_0 : i32, i32
  }
  func.func @transform_18(%arg0: i32) -> (i32, i32) {
    %c0_i32 = arith.constant 0 : i32
    %c0_i32_0 = arith.constant 0 : i32
    return %arg0, %c0_i32 : i32, i32
  }
  func.func @transform_19(%arg0: i32) -> (i32, i32) {
    %c0_i32 = arith.constant 0 : i32
    %c0_i32_0 = arith.constant 0 : i32
    return %arg0, %c0_i32 : i32, i32
  }
  func.func @transform_20(%arg0: i32) -> (i32, i32) {
    %c0_i32 = arith.constant 0 : i32
    %c0_i32_0 = arith.constant 0 : i32
    return %arg0, %c0_i32 : i32, i32
  }
}

module attributes {stable_mosaic.version = 14 : i64} {
  func.func @_topk_body(%arg0: i32, %arg1: memref<200x512xf32, #tpu.memory_space<vmem>>, %arg2: memref<4096x512xf32, #tpu.memory_space<vmem>>, %arg3: memref<200x8xi32, #tpu.memory_space<vmem>>) attributes {dimension_semantics = [#tpu.dimension_semantics<arbitrary>], iteration_bounds = array<i64: 26>, scalar_prefetch = 0 : i64, scratch_operands = 0 : i64, tpu.core_type = #tpu.core_type<tc>, window_params = [{transform_indices = @transform_0, window_bounds = array<i64: 200, 512>}, {pipeline_mode = #tpu.pipeline_mode<synchronous>, transform_indices = @transform_1, window_bounds = array<i64: 4096, 512>}, {transform_indices = @transform_2, window_bounds = array<i64: 200, 8>}]} {
    %get3A = arith.constant 0 : index
    %get3A_0 = arith.constant 0 : index
    %get3A_1 = vector.load %arg1[%get3A, %get3A_0] : memref<200x512xf32, #tpu.memory_space<vmem>>, vector<200x512xf32>
    %get3A_2 = arith.constant 0 : index
    %get3A_3 = arith.constant 0 : index
    %get3A_4 = vector.load %arg2[%get3A_2, %get3A_3] : memref<4096x512xf32, #tpu.memory_space<vmem>>, vector<4096x512xf32>
    %dot_general3A = arith.constant dense<0.000000e+00> : vector<200x4096xf32>
    %dot_general3A_5 = tpu.matmul %get3A_1, %get3A_4, %dot_general3A {dimension_numbers = #tpu.dot_dimension_numbers<[1], [1], [0], [0], [0, 0, 1, 0], [], []>, transpose_lhs_hint = false} : vector<200x512xf32>, vector<4096x512xf32>, vector<200x4096xf32> -> vector<200x4096xf32>
    %iota3A = tpu.iota {dimensions = array<i32: 1>} : vector<200x4096xi32>
    %reduce_max3A = arith.constant dense<0xFF800000> : vector<200xf32>
    %reduce_max3A_6 = vector.multi_reduction <maximumf>, %dot_general3A_5, %reduce_max3A [1] : vector<200x4096xf32> to vector<200xf32>
    %broadcast_in_dim3A = vector.shape_cast %reduce_max3A_6 : vector<200xf32> to vector<200x1xf32>
    %eq3A = vector.broadcast %broadcast_in_dim3A : vector<200x1xf32> to vector<200x4096xf32>
    %eq3A_7 = arith.cmpf oeq, %dot_general3A_5, %eq3A : vector<200x4096xf32>
    %jit3A = arith.constant 4096 : i32
    %broadcast_in_dim3A_8 = vector.broadcast %jit3A : i32 to vector<200x4096xi32>
    %select_n3A = arith.select %eq3A_7, %iota3A, %broadcast_in_dim3A_8 : vector<200x4096xi1>, vector<200x4096xi32>
    %reduce_min3A = arith.constant dense<2147483647> : vector<200xi32>
    %reduce_min3A_9 = vector.multi_reduction <minsi>, %select_n3A, %reduce_min3A [1] : vector<200x4096xi32> to vector<200xi32>
    %broadcast_in_dim3A_10 = vector.shape_cast %reduce_min3A_9 : vector<200xi32> to vector<200x1xi32>
    %jit3A_11 = arith.constant 0xFF800000 : f32
    %broadcast_in_dim3A_12 = vector.broadcast %jit3A_11 : f32 to vector<200x4096xf32>
    %select_n3A_13 = arith.select %eq3A_7, %broadcast_in_dim3A_12, %dot_general3A_5 : vector<200x4096xi1>, vector<200x4096xf32>
    %reduce_max3A_14 = arith.constant dense<0xFF800000> : vector<200xf32>
    %reduce_max3A_15 = vector.multi_reduction <maximumf>, %select_n3A_13, %reduce_max3A_14 [1] : vector<200x4096xf32> to vector<200xf32>
    %broadcast_in_dim3A_16 = vector.shape_cast %reduce_max3A_15 : vector<200xf32> to vector<200x1xf32>
    %eq3A_17 = vector.broadcast %broadcast_in_dim3A_16 : vector<200x1xf32> to vector<200x4096xf32>
    %eq3A_18 = arith.cmpf oeq, %select_n3A_13, %eq3A_17 : vector<200x4096xf32>
    %jit3A_19 = arith.constant 4096 : i32
    %broadcast_in_dim3A_20 = vector.broadcast %jit3A_19 : i32 to vector<200x4096xi32>
    %select_n3A_21 = arith.select %eq3A_18, %iota3A, %broadcast_in_dim3A_20 : vector<200x4096xi1>, vector<200x4096xi32>
    %reduce_min3A_22 = arith.constant dense<2147483647> : vector<200xi32>
    %reduce_min3A_23 = vector.multi_reduction <minsi>, %select_n3A_21, %reduce_min3A_22 [1] : vector<200x4096xi32> to vector<200xi32>
    %broadcast_in_dim3A_24 = vector.shape_cast %reduce_min3A_23 : vector<200xi32> to vector<200x1xi32>
    %jit3A_25 = arith.constant 0xFF800000 : f32
    %broadcast_in_dim3A_26 = vector.broadcast %jit3A_25 : f32 to vector<200x4096xf32>
    %select_n3A_27 = arith.select %eq3A_18, %broadcast_in_dim3A_26, %select_n3A_13 : vector<200x4096xi1>, vector<200x4096xf32>
    %reduce_max3A_28 = arith.constant dense<0xFF800000> : vector<200xf32>
    %reduce_max3A_29 = vector.multi_reduction <maximumf>, %select_n3A_27, %reduce_max3A_28 [1] : vector<200x4096xf32> to vector<200xf32>
    %broadcast_in_dim3A_30 = vector.shape_cast %reduce_max3A_29 : vector<200xf32> to vector<200x1xf32>
    %eq3A_31 = vector.broadcast %broadcast_in_dim3A_30 : vector<200x1xf32> to vector<200x4096xf32>
    %eq3A_32 = arith.cmpf oeq, %select_n3A_27, %eq3A_31 : vector<200x4096xf32>
    %jit3A_33 = arith.constant 4096 : i32
    %broadcast_in_dim3A_34 = vector.broadcast %jit3A_33 : i32 to vector<200x4096xi32>
    %select_n3A_35 = arith.select %eq3A_32, %iota3A, %broadcast_in_dim3A_34 : vector<200x4096xi1>, vector<200x4096xi32>
    %reduce_min3A_36 = arith.constant dense<2147483647> : vector<200xi32>
    %reduce_min3A_37 = vector.multi_reduction <minsi>, %select_n3A_35, %reduce_min3A_36 [1] : vector<200x4096xi32> to vector<200xi32>
    %broadcast_in_dim3A_38 = vector.shape_cast %reduce_min3A_37 : vector<200xi32> to vector<200x1xi32>
    %jit3A_39 = arith.constant 0xFF800000 : f32
    %broadcast_in_dim3A_40 = vector.broadcast %jit3A_39 : f32 to vector<200x4096xf32>
    %select_n3A_41 = arith.select %eq3A_32, %broadcast_in_dim3A_40, %select_n3A_27 : vector<200x4096xi1>, vector<200x4096xf32>
    %reduce_max3A_42 = arith.constant dense<0xFF800000> : vector<200xf32>
    %reduce_max3A_43 = vector.multi_reduction <maximumf>, %select_n3A_41, %reduce_max3A_42 [1] : vector<200x4096xf32> to vector<200xf32>
    %broadcast_in_dim3A_44 = vector.shape_cast %reduce_max3A_43 : vector<200xf32> to vector<200x1xf32>
    %eq3A_45 = vector.broadcast %broadcast_in_dim3A_44 : vector<200x1xf32> to vector<200x4096xf32>
    %eq3A_46 = arith.cmpf oeq, %select_n3A_41, %eq3A_45 : vector<200x4096xf32>
    %jit3A_47 = arith.constant 4096 : i32
    %broadcast_in_dim3A_48 = vector.broadcast %jit3A_47 : i32 to vector<200x4096xi32>
    %select_n3A_49 = arith.select %eq3A_46, %iota3A, %broadcast_in_dim3A_48 : vector<200x4096xi1>, vector<200x4096xi32>
    %reduce_min3A_50 = arith.constant dense<2147483647> : vector<200xi32>
    %reduce_min3A_51 = vector.multi_reduction <minsi>, %select_n3A_49, %reduce_min3A_50 [1] : vector<200x4096xi32> to vector<200xi32>
    %broadcast_in_dim3A_52 = vector.shape_cast %reduce_min3A_51 : vector<200xi32> to vector<200x1xi32>
    %jit3A_53 = arith.constant 0xFF800000 : f32
    %broadcast_in_dim3A_54 = vector.broadcast %jit3A_53 : f32 to vector<200x4096xf32>
    %select_n3A_55 = arith.select %eq3A_46, %broadcast_in_dim3A_54, %select_n3A_41 : vector<200x4096xi1>, vector<200x4096xf32>
    %reduce_max3A_56 = arith.constant dense<0xFF800000> : vector<200xf32>
    %reduce_max3A_57 = vector.multi_reduction <maximumf>, %select_n3A_55, %reduce_max3A_56 [1] : vector<200x4096xf32> to vector<200xf32>
    %broadcast_in_dim3A_58 = vector.shape_cast %reduce_max3A_57 : vector<200xf32> to vector<200x1xf32>
    %eq3A_59 = vector.broadcast %broadcast_in_dim3A_58 : vector<200x1xf32> to vector<200x4096xf32>
    %eq3A_60 = arith.cmpf oeq, %select_n3A_55, %eq3A_59 : vector<200x4096xf32>
    %jit3A_61 = arith.constant 4096 : i32
    %broadcast_in_dim3A_62 = vector.broadcast %jit3A_61 : i32 to vector<200x4096xi32>
    %select_n3A_63 = arith.select %eq3A_60, %iota3A, %broadcast_in_dim3A_62 : vector<200x4096xi1>, vector<200x4096xi32>
    %reduce_min3A_64 = arith.constant dense<2147483647> : vector<200xi32>
    %reduce_min3A_65 = vector.multi_reduction <minsi>, %select_n3A_63, %reduce_min3A_64 [1] : vector<200x4096xi32> to vector<200xi32>
    %broadcast_in_dim3A_66 = vector.shape_cast %reduce_min3A_65 : vector<200xi32> to vector<200x1xi32>
    %jit3A_67 = arith.constant 0xFF800000 : f32
    %broadcast_in_dim3A_68 = vector.broadcast %jit3A_67 : f32 to vector<200x4096xf32>
    %select_n3A_69 = arith.select %eq3A_60, %broadcast_in_dim3A_68, %select_n3A_55 : vector<200x4096xi1>, vector<200x4096xf32>
    %reduce_max3A_70 = arith.constant dense<0xFF800000> : vector<200xf32>
    %reduce_max3A_71 = vector.multi_reduction <maximumf>, %select_n3A_69, %reduce_max3A_70 [1] : vector<200x4096xf32> to vector<200xf32>
    %broadcast_in_dim3A_72 = vector.shape_cast %reduce_max3A_71 : vector<200xf32> to vector<200x1xf32>
    %eq3A_73 = vector.broadcast %broadcast_in_dim3A_72 : vector<200x1xf32> to vector<200x4096xf32>
    %eq3A_74 = arith.cmpf oeq, %select_n3A_69, %eq3A_73 : vector<200x4096xf32>
    %jit3A_75 = arith.constant 4096 : i32
    %broadcast_in_dim3A_76 = vector.broadcast %jit3A_75 : i32 to vector<200x4096xi32>
    %select_n3A_77 = arith.select %eq3A_74, %iota3A, %broadcast_in_dim3A_76 : vector<200x4096xi1>, vector<200x4096xi32>
    %reduce_min3A_78 = arith.constant dense<2147483647> : vector<200xi32>
    %reduce_min3A_79 = vector.multi_reduction <minsi>, %select_n3A_77, %reduce_min3A_78 [1] : vector<200x4096xi32> to vector<200xi32>
    %broadcast_in_dim3A_80 = vector.shape_cast %reduce_min3A_79 : vector<200xi32> to vector<200x1xi32>
    %jit3A_81 = arith.constant 0xFF800000 : f32
    %broadcast_in_dim3A_82 = vector.broadcast %jit3A_81 : f32 to vector<200x4096xf32>
    %select_n3A_83 = arith.select %eq3A_74, %broadcast_in_dim3A_82, %select_n3A_69 : vector<200x4096xi1>, vector<200x4096xf32>
    %reduce_max3A_84 = arith.constant dense<0xFF800000> : vector<200xf32>
    %reduce_max3A_85 = vector.multi_reduction <maximumf>, %select_n3A_83, %reduce_max3A_84 [1] : vector<200x4096xf32> to vector<200xf32>
    %broadcast_in_dim3A_86 = vector.shape_cast %reduce_max3A_85 : vector<200xf32> to vector<200x1xf32>
    %eq3A_87 = vector.broadcast %broadcast_in_dim3A_86 : vector<200x1xf32> to vector<200x4096xf32>
    %eq3A_88 = arith.cmpf oeq, %select_n3A_83, %eq3A_87 : vector<200x4096xf32>
    %jit3A_89 = arith.constant 4096 : i32
    %broadcast_in_dim3A_90 = vector.broadcast %jit3A_89 : i32 to vector<200x4096xi32>
    %select_n3A_91 = arith.select %eq3A_88, %iota3A, %broadcast_in_dim3A_90 : vector<200x4096xi1>, vector<200x4096xi32>
    %reduce_min3A_92 = arith.constant dense<2147483647> : vector<200xi32>
    %reduce_min3A_93 = vector.multi_reduction <minsi>, %select_n3A_91, %reduce_min3A_92 [1] : vector<200x4096xi32> to vector<200xi32>
    %broadcast_in_dim3A_94 = vector.shape_cast %reduce_min3A_93 : vector<200xi32> to vector<200x1xi32>
    %jit3A_95 = arith.constant 0xFF800000 : f32
    %broadcast_in_dim3A_96 = vector.broadcast %jit3A_95 : f32 to vector<200x4096xf32>
    %select_n3A_97 = arith.select %eq3A_88, %broadcast_in_dim3A_96, %select_n3A_83 : vector<200x4096xi1>, vector<200x4096xf32>
    %reduce_max3A_98 = arith.constant dense<0xFF800000> : vector<200xf32>
    %reduce_max3A_99 = vector.multi_reduction <maximumf>, %select_n3A_97, %reduce_max3A_98 [1] : vector<200x4096xf32> to vector<200xf32>
    %broadcast_in_dim3A_100 = vector.shape_cast %reduce_max3A_99 : vector<200xf32> to vector<200x1xf32>
    %eq3A_101 = vector.broadcast %broadcast_in_dim3A_100 : vector<200x1xf32> to vector<200x4096xf32>
    %eq3A_102 = arith.cmpf oeq, %select_n3A_97, %eq3A_101 : vector<200x4096xf32>
    %jit3A_103 = arith.constant 4096 : i32
    %broadcast_in_dim3A_104 = vector.broadcast %jit3A_103 : i32 to vector<200x4096xi32>
    %select_n3A_105 = arith.select %eq3A_102, %iota3A, %broadcast_in_dim3A_104 : vector<200x4096xi1>, vector<200x4096xi32>
    %reduce_min3A_106 = arith.constant dense<2147483647> : vector<200xi32>
    %reduce_min3A_107 = vector.multi_reduction <minsi>, %select_n3A_105, %reduce_min3A_106 [1] : vector<200x4096xi32> to vector<200xi32>
    %broadcast_in_dim3A_108 = vector.shape_cast %reduce_min3A_107 : vector<200xi32> to vector<200x1xi32>
    %concatenate3A = tpu.concatenate %broadcast_in_dim3A_10, %broadcast_in_dim3A_24, %broadcast_in_dim3A_38, %broadcast_in_dim3A_52, %broadcast_in_dim3A_66, %broadcast_in_dim3A_80, %broadcast_in_dim3A_94, %broadcast_in_dim3A_108 in 1 : vector<200x1xi32>, vector<200x1xi32>, vector<200x1xi32>, vector<200x1xi32>, vector<200x1xi32>, vector<200x1xi32>, vector<200x1xi32>, vector<200x1xi32> -> vector<200x8xi32>
    %swap3A = arith.constant 0 : index
    %swap3A_109 = arith.constant 0 : index
    %swap3A_110 = vector.load %arg3[%swap3A, %swap3A_109] : memref<200x8xi32, #tpu.memory_space<vmem>>, vector<200x8xi32>
    tpu.vector_store %arg3[%swap3A, %swap3A_109], %concatenate3A {strides = array<i32>} : memref<200x8xi32, #tpu.memory_space<vmem>>, vector<200x8xi32>,
    return
  }
  func.func @transform_0(%arg0: i32) -> (i32, i32) {
    %c0_i32 = arith.constant 0 : i32
    %c0_i32_0 = arith.constant 0 : i32
    return %arg0, %c0_i32 : i32, i32
  }
  func.func @transform_1(%arg0: i32) -> (i32, i32) {
    %c0_i32 = arith.constant 0 : i32
    %c0_i32_0 = arith.constant 0 : i32
    %c0_i32_1 = arith.constant 0 : i32
    return %c0_i32, %c0_i32_0 : i32, i32
  }
  func.func @transform_2(%arg0: i32) -> (i32, i32) {
    %c0_i32 = arith.constant 0 : i32
    %c0_i32_0 = arith.constant 0 : i32
    return %arg0, %c0_i32 : i32, i32
  }
}

module attributes {stable_mosaic.version = 14 : i64} {
  func.func @_kv_body(%arg0: i32, %arg1: memref<512x512xf32, #tpu.memory_space<vmem>>, %arg2: memref<512x512xf32, #tpu.memory_space<vmem>>, %arg3: memref<1x512xf32, #tpu.memory_space<vmem>>, %arg4: memref<512x512xf32, #tpu.memory_space<vmem>>, %arg5: memref<1x512xf32, #tpu.memory_space<vmem>>, %arg6: memref<512x512xf32, #tpu.memory_space<vmem>>, %arg7: memref<1x512xf32, #tpu.memory_space<vmem>>, %arg8: memref<512x512xf32, #tpu.memory_space<vmem>>, %arg9: memref<1x512xf32, #tpu.memory_space<vmem>>, %arg10: memref<512x512xi32, #tpu.memory_space<vmem>>) attributes {dimension_semantics = [#tpu.dimension_semantics<arbitrary>], iteration_bounds = array<i64: 8>, scalar_prefetch = 0 : i64, scratch_operands = 0 : i64, tpu.core_type = #tpu.core_type<tc>, window_params = [{transform_indices = @transform_0, window_bounds = array<i64: 512, 512>}, {pipeline_mode = #tpu.pipeline_mode<synchronous>, transform_indices = @transform_1, window_bounds = array<i64: 512, 512>}, {pipeline_mode = #tpu.pipeline_mode<synchronous>, transform_indices = @transform_2, window_bounds = array<i64: 1, 512>}, {pipeline_mode = #tpu.pipeline_mode<synchronous>, transform_indices = @transform_3, window_bounds = array<i64: 512, 512>}, {pipeline_mode = #tpu.pipeline_mode<synchronous>, transform_indices = @transform_4, window_bounds = array<i64: 1, 512>}, {pipeline_mode = #tpu.pipeline_mode<synchronous>, transform_indices = @transform_5, window_bounds = array<i64: 512, 512>}, {pipeline_mode = #tpu.pipeline_mode<synchronous>, transform_indices = @transform_6, window_bounds = array<i64: 1, 512>}, {pipeline_mode = #tpu.pipeline_mode<synchronous>, transform_indices = @transform_7, window_bounds = array<i64: 512, 512>}, {pipeline_mode = #tpu.pipeline_mode<synchronous>, transform_indices = @transform_8, window_bounds = array<i64: 1, 512>}, {transform_indices = @transform_9, window_bounds = array<i64: 512, 512>}]} {
    %get3A = arith.constant 0 : index
    %get3A_0 = arith.constant 0 : index
    %get3A_1 = vector.load %arg1[%get3A, %get3A_0] : memref<512x512xf32, #tpu.memory_space<vmem>>, vector<512x512xf32>
    %get3A_2 = arith.constant 0 : index
    %get3A_3 = arith.constant 0 : index
    %get3A_4 = vector.load %arg2[%get3A_2, %get3A_3] : memref<512x512xf32, #tpu.memory_space<vmem>>, vector<512x512xf32>
    %dot_general3A = arith.constant dense<0.000000e+00> : vector<512x512xf32>
    %dot_general3A_5 = tpu.matmul %get3A_1, %get3A_4, %dot_general3A {dimension_numbers = #tpu.dot_dimension_numbers<[1], [0], [0], [1], [0, 0, 1, 1], [], []>, transpose_lhs_hint = false} : vector<512x512xf32>, vector<512x512xf32>, vector<512x512xf32> -> vector<512x512xf32>
    %get3A_6 = arith.constant 0 : index
    %get3A_7 = arith.constant 0 : index
    %get3A_8 = vector.load %arg3[%get3A_6, %get3A_7] : memref<1x512xf32, #tpu.memory_space<vmem>>, vector<1x512xf32>
    %add3A = vector.broadcast %get3A_8 : vector<1x512xf32> to vector<512x512xf32>
    %add3A_9 = arith.addf %dot_general3A_5, %add3A : vector<512x512xf32>
    %get3A_10 = arith.constant 0 : index
    %get3A_11 = arith.constant 0 : index
    %get3A_12 = vector.load %arg4[%get3A_10, %get3A_11] : memref<512x512xf32, #tpu.memory_space<vmem>>, vector<512x512xf32>
    %dot_general3A_13 = arith.constant dense<0.000000e+00> : vector<512x512xf32>
    %dot_general3A_14 = tpu.matmul %add3A_9, %get3A_12, %dot_general3A_13 {dimension_numbers = #tpu.dot_dimension_numbers<[1], [0], [0], [1], [0, 0, 1, 1], [], []>, transpose_lhs_hint = false} : vector<512x512xf32>, vector<512x512xf32>, vector<512x512xf32> -> vector<512x512xf32>
    %get3A_15 = arith.constant 0 : index
    %get3A_16 = arith.constant 0 : index
    %get3A_17 = vector.load %arg5[%get3A_15, %get3A_16] : memref<1x512xf32, #tpu.memory_space<vmem>>, vector<1x512xf32>
    %add3A_18 = vector.broadcast %get3A_17 : vector<1x512xf32> to vector<512x512xf32>
    %add3A_19 = arith.addf %dot_general3A_14, %add3A_18 : vector<512x512xf32>
    %get3A_20 = arith.constant 0 : index
    %get3A_21 = arith.constant 0 : index
    %get3A_22 = vector.load %arg6[%get3A_20, %get3A_21] : memref<512x512xf32, #tpu.memory_space<vmem>>, vector<512x512xf32>
    %dot_general3A_23 = arith.constant dense<0.000000e+00> : vector<512x512xf32>
    %dot_general3A_24 = tpu.matmul %get3A_1, %get3A_22, %dot_general3A_23 {dimension_numbers = #tpu.dot_dimension_numbers<[1], [0], [0], [1], [0, 0, 1, 1], [], []>, transpose_lhs_hint = false} : vector<512x512xf32>, vector<512x512xf32>, vector<512x512xf32> -> vector<512x512xf32>
    %get3A_25 = arith.constant 0 : index
    %get3A_26 = arith.constant 0 : index
    %get3A_27 = vector.load %arg7[%get3A_25, %get3A_26] : memref<1x512xf32, #tpu.memory_space<vmem>>, vector<1x512xf32>
    %add3A_28 = vector.broadcast %get3A_27 : vector<1x512xf32> to vector<512x512xf32>
    %add3A_29 = arith.addf %dot_general3A_24, %add3A_28 : vector<512x512xf32>
    %get3A_30 = arith.constant 0 : index
    %get3A_31 = arith.constant 0 : index
    %get3A_32 = vector.load %arg8[%get3A_30, %get3A_31] : memref<512x512xf32, #tpu.memory_space<vmem>>, vector<512x512xf32>
    %dot_general3A_33 = arith.constant dense<0.000000e+00> : vector<512x512xf32>
    %dot_general3A_34 = tpu.matmul %add3A_29, %get3A_32, %dot_general3A_33 {dimension_numbers = #tpu.dot_dimension_numbers<[1], [0], [0], [1], [0, 0, 1, 1], [], []>, transpose_lhs_hint = false} : vector<512x512xf32>, vector<512x512xf32>, vector<512x512xf32> -> vector<512x512xf32>
    %get3A_35 = arith.constant 0 : index
    %get3A_36 = arith.constant 0 : index
    %get3A_37 = vector.load %arg9[%get3A_35, %get3A_36] : memref<1x512xf32, #tpu.memory_space<vmem>>, vector<1x512xf32>
    %add3A_38 = vector.broadcast %get3A_37 : vector<1x512xf32> to vector<512x512xf32>
    %add3A_39 = arith.addf %dot_general3A_34, %add3A_38 : vector<512x512xf32>
    %convert_element_type3A = arith.truncf %add3A_19 : vector<512x512xf32> to vector<512x512xbf16>
    %bitcast_convert_type3A = tpu.bitcast %convert_element_type3A : vector<512x512xbf16> -> vector<512x512xi16>
    %convert_element_type3A_40 = arith.extui %bitcast_convert_type3A : vector<512x512xi16> to vector<512x512xi32>
    %convert_element_type3A_41 = arith.truncf %add3A_39 : vector<512x512xf32> to vector<512x512xbf16>
    %bitcast_convert_type3A_42 = tpu.bitcast %convert_element_type3A_41 : vector<512x512xbf16> -> vector<512x512xi16>
    %convert_element_type3A_43 = arith.extui %bitcast_convert_type3A_42 : vector<512x512xi16> to vector<512x512xi32>
    %shift_left3A = arith.constant 16 : i32
    %shift_left3A_44 = vector.broadcast %shift_left3A : i32 to vector<512x512xi32>
    %shift_left3A_45 = arith.shli %convert_element_type3A_43, %shift_left3A_44 : vector<512x512xi32>
    %or3A = arith.ori %convert_element_type3A_40, %shift_left3A_45 : vector<512x512xi32>
    %bitcast_convert_type3A_46 = tpu.bitcast %or3A : vector<512x512xi32> -> vector<512x512xi32>
    %swap3A = arith.constant 0 : index
    %swap3A_47 = arith.constant 0 : index
    %swap3A_48 = vector.load %arg10[%swap3A, %swap3A_47] : memref<512x512xi32, #tpu.memory_space<vmem>>, vector<512x512xi32>
    tpu.vector_store %arg10[%swap3A, %swap3A_47], %bitcast_convert_type3A_46 {strides = array<i32>} : memref<512x512xi32, #tpu.memory_space<vmem>>, vector<512x512xi32>,
    return
  }
  func.func @transform_0(%arg0: i32) -> (i32, i32) {
    %c0_i32 = arith.constant 0 : i32
    %c0_i32_0 = arith.constant 0 : i32
    return %arg0, %c0_i32 : i32, i32
  }
  func.func @transform_1(%arg0: i32) -> (i32, i32) {
    %c0_i32 = arith.constant 0 : i32
    %c0_i32_0 = arith.constant 0 : i32
    %c0_i32_1 = arith.constant 0 : i32
    return %c0_i32, %c0_i32_0 : i32, i32
  }
  func.func @transform_2(%arg0: i32) -> (i32, i32) {
    %c0_i32 = arith.constant 0 : i32
    %c0_i32_0 = arith.constant 0 : i32
    %c0_i32_1 = arith.constant 0 : i32
    return %c0_i32, %c0_i32_0 : i32, i32
  }
  func.func @transform_3(%arg0: i32) -> (i32, i32) {
    %c0_i32 = arith.constant 0 : i32
    %c0_i32_0 = arith.constant 0 : i32
    %c0_i32_1 = arith.constant 0 : i32
    return %c0_i32, %c0_i32_0 : i32, i32
  }
  func.func @transform_4(%arg0: i32) -> (i32, i32) {
    %c0_i32 = arith.constant 0 : i32
    %c0_i32_0 = arith.constant 0 : i32
    %c0_i32_1 = arith.constant 0 : i32
    return %c0_i32, %c0_i32_0 : i32, i32
  }
  func.func @transform_5(%arg0: i32) -> (i32, i32) {
    %c0_i32 = arith.constant 0 : i32
    %c0_i32_0 = arith.constant 0 : i32
    %c0_i32_1 = arith.constant 0 : i32
    return %c0_i32, %c0_i32_0 : i32, i32
  }
  func.func @transform_6(%arg0: i32) -> (i32, i32) {
    %c0_i32 = arith.constant 0 : i32
    %c0_i32_0 = arith.constant 0 : i32
    %c0_i32_1 = arith.constant 0 : i32
    return %c0_i32, %c0_i32_0 : i32, i32
  }
  func.func @transform_7(%arg0: i32) -> (i32, i32) {
    %c0_i32 = arith.constant 0 : i32
    %c0_i32_0 = arith.constant 0 : i32
    %c0_i32_1 = arith.constant 0 : i32
    return %c0_i32, %c0_i32_0 : i32, i32
  }
  func.func @transform_8(%arg0: i32) -> (i32, i32) {
    %c0_i32 = arith.constant 0 : i32
    %c0_i32_0 = arith.constant 0 : i32
    %c0_i32_1 = arith.constant 0 : i32
    return %c0_i32, %c0_i32_0 : i32, i32
  }
  func.func @transform_9(%arg0: i32) -> (i32, i32) {
    %c0_i32 = arith.constant 0 : i32
    %c0_i32_0 = arith.constant 0 : i32
    return %arg0, %c0_i32 : i32, i32
  }
}

module attributes {stable_mosaic.version = 14 : i64} {
  func.func @_att_body(%arg0: i32, %arg1: memref<200x512xf32, #tpu.memory_space<vmem>>, %arg2: memref<200x512xf32, #tpu.memory_space<vmem>>, %arg3: memref<200x8x512xi32, #tpu.memory_space<vmem>>, %arg4: memref<512x512xf32, #tpu.memory_space<vmem>>, %arg5: memref<1x512xf32, #tpu.memory_space<vmem>>, %arg6: memref<1024x1024xf32, #tpu.memory_space<vmem>>, %arg7: memref<1x1024xf32, #tpu.memory_space<vmem>>, %arg8: memref<1x1024xf32, #tpu.memory_space<vmem>>, %arg9: memref<1x1024xf32, #tpu.memory_space<vmem>>, %arg10: memref<1024x12xf32, #tpu.memory_space<vmem>>, %arg11: memref<1x12xf32, #tpu.memory_space<vmem>>, %arg12: memref<200x12xf32, #tpu.memory_space<vmem>>) attributes {dimension_semantics = [#tpu.dimension_semantics<arbitrary>], iteration_bounds = array<i64: 26>, scalar_prefetch = 0 : i64, scratch_operands = 0 : i64, tpu.core_type = #tpu.core_type<tc>, window_params = [{transform_indices = @transform_0, window_bounds = array<i64: 200, 512>}, {transform_indices = @transform_1, window_bounds = array<i64: 200, 512>}, {transform_indices = @transform_2, window_bounds = array<i64: 200, 8, 512>}, {pipeline_mode = #tpu.pipeline_mode<synchronous>, transform_indices = @transform_3, window_bounds = array<i64: 512, 512>}, {pipeline_mode = #tpu.pipeline_mode<synchronous>, transform_indices = @transform_4, window_bounds = array<i64: 1, 512>}, {pipeline_mode = #tpu.pipeline_mode<synchronous>, transform_indices = @transform_5, window_bounds = array<i64: 1024, 1024>}, {pipeline_mode = #tpu.pipeline_mode<synchronous>, transform_indices = @transform_6, window_bounds = array<i64: 1, 1024>}, {pipeline_mode = #tpu.pipeline_mode<synchronous>, transform_indices = @transform_7, window_bounds = array<i64: 1, 1024>}, {pipeline_mode = #tpu.pipeline_mode<synchronous>, transform_indices = @transform_8, window_bounds = array<i64: 1, 1024>}, {pipeline_mode = #tpu.pipeline_mode<synchronous>, transform_indices = @transform_9, window_bounds = array<i64: 1024, 12>}, {pipeline_mode = #tpu.pipeline_mode<synchronous>, transform_indices = @transform_10, window_bounds = array<i64: 1, 12>}, {transform_indices = @transform_11, window_bounds = array<i64: 200, 12>}]} {
    %get3A = arith.constant 0 : index
    %get3A_0 = arith.constant 0 : index
    %get3A_1 = vector.load %arg2[%get3A, %get3A_0] : memref<200x512xf32, #tpu.memory_space<vmem>>, vector<200x512xf32>
    %get3A_2 = arith.constant 0 : index
    %get3A_3 = arith.constant 0 : index
    %get3A_4 = arith.constant 0 : index
    %get3A_5 = vector.load %arg3[%get3A_2, %get3A_3, %get3A_4] : memref<200x8x512xi32, #tpu.memory_space<vmem>>, vector<200x8x512xi32>
    %bitcast_convert_type3A = tpu.bitcast %get3A_5 : vector<200x8x512xi32> -> vector<200x8x512xi32>
    %and3A = arith.constant 65535 : i32
    %and3A_6 = vector.broadcast %and3A : i32 to vector<200x8x512xi32>
    %and3A_7 = arith.andi %bitcast_convert_type3A, %and3A_6 : vector<200x8x512xi32>
    %convert_element_type3A = arith.trunci %and3A_7 : vector<200x8x512xi32> to vector<200x8x512xi16>
    %bitcast_convert_type3A_8 = tpu.bitcast %convert_element_type3A : vector<200x8x512xi16> -> vector<200x8x512xbf16>
    %convert_element_type3A_9 = arith.extf %bitcast_convert_type3A_8 : vector<200x8x512xbf16> to vector<200x8x512xf32>
    %shift_right_logical3A = arith.constant 16 : i32
    %shift_right_logical3A_10 = vector.broadcast %shift_right_logical3A : i32 to vector<200x8x512xi32>
    %shift_right_logical3A_11 = arith.shrui %bitcast_convert_type3A, %shift_right_logical3A_10 : vector<200x8x512xi32>
    %convert_element_type3A_12 = arith.trunci %shift_right_logical3A_11 : vector<200x8x512xi32> to vector<200x8x512xi16>
    %bitcast_convert_type3A_13 = tpu.bitcast %convert_element_type3A_12 : vector<200x8x512xi16> -> vector<200x8x512xbf16>
    %convert_element_type3A_14 = arith.extf %bitcast_convert_type3A_13 : vector<200x8x512xbf16> to vector<200x8x512xf32>
    %broadcast_in_dim3A = vector.shape_cast %get3A_1 : vector<200x512xf32> to vector<200x1x512xf32>
    %mul3A = vector.broadcast %broadcast_in_dim3A : vector<200x1x512xf32> to vector<200x8x512xf32>
    %mul3A_15 = arith.mulf %convert_element_type3A_9, %mul3A : vector<200x8x512xf32>
    %iota3A = tpu.iota {dimensions = array<i32: 0>} : vector<8x512xi32>
    %iota3A_16 = tpu.iota {dimensions = array<i32: 1>} : vector<8x512xi32>
    %jit3A = arith.constant 64 : i32
    %div3A = vector.broadcast %jit3A : i32 to vector<8x512xi32>
    %div3A_17 = arith.divsi %iota3A_16, %div3A : vector<8x512xi32>
    %sign3A = arith.constant 0 : i32
    %sign3A_18 = vector.broadcast %sign3A : i32 to vector<8x512xi32>
    %sign3A_19 = arith.cmpi sgt, %iota3A_16, %sign3A_18 : vector<8x512xi32>
    %sign3A_20 = arith.extui %sign3A_19 : vector<8x512xi1> to vector<8x512xi32>
    %sign3A_21 = arith.constant 0 : i32
    %sign3A_22 = vector.broadcast %sign3A_21 : i32 to vector<8x512xi32>
    %sign3A_23 = arith.cmpi slt, %iota3A_16, %sign3A_22 : vector<8x512xi32>
    %sign3A_24 = arith.extui %sign3A_23 : vector<8x512xi1> to vector<8x512xi32>
    %sign3A_25 = arith.subi %sign3A_20, %sign3A_24 : vector<8x512xi32>
    %sign3A_26 = arith.constant 0 : i32
    %sign3A_27 = arith.cmpi sgt, %jit3A, %sign3A_26 : i32
    %sign3A_28 = arith.extui %sign3A_27 : i1 to i32
    %sign3A_29 = arith.constant 0 : i32
    %sign3A_30 = arith.cmpi slt, %jit3A, %sign3A_29 : i32
    %sign3A_31 = arith.extui %sign3A_30 : i1 to i32
    %sign3A_32 = arith.subi %sign3A_28, %sign3A_31 : i32
    %ne3A = vector.broadcast %sign3A_32 : i32 to vector<8x512xi32>
    %ne3A_33 = arith.cmpi ne, %sign3A_25, %ne3A : vector<8x512xi32>
    %rem3A = vector.broadcast %jit3A : i32 to vector<8x512xi32>
    %rem3A_34 = arith.remsi %iota3A_16, %rem3A : vector<8x512xi32>
    %ne3A_35 = arith.constant 0 : i32
    %ne3A_36 = vector.broadcast %ne3A_35 : i32 to vector<8x512xi32>
    %ne3A_37 = arith.cmpi ne, %rem3A_34, %ne3A_36 : vector<8x512xi32>
    %and3A_38 = arith.andi %ne3A_33, %ne3A_37 : vector<8x512xi1>
    %sub3A = arith.constant 1 : i32
    %sub3A_39 = vector.broadcast %sub3A : i32 to vector<8x512xi32>
    %sub3A_40 = arith.subi %div3A_17, %sub3A_39 : vector<8x512xi32>
    %select_n3A = arith.select %and3A_38, %sub3A_40, %div3A_17 : vector<8x512xi1>, vector<8x512xi32>
    %eq3A = arith.cmpi eq, %iota3A, %select_n3A : vector<8x512xi32>
    %convert_element_type3A_41 = arith.extui %eq3A : vector<8x512xi1> to vector<8x512xi32>
    %convert_element_type3A_42 = arith.sitofp %convert_element_type3A_41 : vector<8x512xi32> to vector<8x512xf32>
    %iota3A_43 = tpu.iota {dimensions = array<i32: 0>} : vector<512x8xi32>
    %jit3A_44 = arith.constant 64 : i32
    %div3A_45 = vector.broadcast %jit3A_44 : i32 to vector<512x8xi32>
    %div3A_46 = arith.divsi %iota3A_43, %div3A_45 : vector<512x8xi32>
    %sign3A_47 = arith.constant 0 : i32
    %sign3A_48 = vector.broadcast %sign3A_47 : i32 to vector<512x8xi32>
    %sign3A_49 = arith.cmpi sgt, %iota3A_43, %sign3A_48 : vector<512x8xi32>
    %sign3A_50 = arith.extui %sign3A_49 : vector<512x8xi1> to vector<512x8xi32>
    %sign3A_51 = arith.constant 0 : i32
    %sign3A_52 = vector.broadcast %sign3A_51 : i32 to vector<512x8xi32>
    %sign3A_53 = arith.cmpi slt, %iota3A_43, %sign3A_52 : vector<512x8xi32>
    %sign3A_54 = arith.extui %sign3A_53 : vector<512x8xi1> to vector<512x8xi32>
    %sign3A_55 = arith.subi %sign3A_50, %sign3A_54 : vector<512x8xi32>
    %sign3A_56 = arith.constant 0 : i32
    %sign3A_57 = arith.cmpi sgt, %jit3A_44, %sign3A_56 : i32
    %sign3A_58 = arith.extui %sign3A_57 : i1 to i32
    %sign3A_59 = arith.constant 0 : i32
    %sign3A_60 = arith.cmpi slt, %jit3A_44, %sign3A_59 : i32
    %sign3A_61 = arith.extui %sign3A_60 : i1 to i32
    %sign3A_62 = arith.subi %sign3A_58, %sign3A_61 : i32
    %ne3A_63 = vector.broadcast %sign3A_62 : i32 to vector<512x8xi32>
    %ne3A_64 = arith.cmpi ne, %sign3A_55, %ne3A_63 : vector<512x8xi32>
    %rem3A_65 = vector.broadcast %jit3A_44 : i32 to vector<512x8xi32>
    %rem3A_66 = arith.remsi %iota3A_43, %rem3A_65 : vector<512x8xi32>
    %ne3A_67 = arith.constant 0 : i32
    %ne3A_68 = vector.broadcast %ne3A_67 : i32 to vector<512x8xi32>
    %ne3A_69 = arith.cmpi ne, %rem3A_66, %ne3A_68 : vector<512x8xi32>
    %and3A_70 = arith.andi %ne3A_64, %ne3A_69 : vector<512x8xi1>
    %sub3A_71 = arith.constant 1 : i32
    %sub3A_72 = vector.broadcast %sub3A_71 : i32 to vector<512x8xi32>
    %sub3A_73 = arith.subi %div3A_46, %sub3A_72 : vector<512x8xi32>
    %select_n3A_74 = arith.select %and3A_70, %sub3A_73, %div3A_46 : vector<512x8xi1>, vector<512x8xi32>
    %iota3A_75 = tpu.iota {dimensions = array<i32: 1>} : vector<512x8xi32>
    %eq3A_76 = arith.cmpi eq, %select_n3A_74, %iota3A_75 : vector<512x8xi32>
    %convert_element_type3A_77 = arith.extui %eq3A_76 : vector<512x8xi1> to vector<512x8xi32>
    %convert_element_type3A_78 = arith.sitofp %convert_element_type3A_77 : vector<512x8xi32> to vector<512x8xf32>
    %reshape3A = vector.shape_cast %mul3A_15 : vector<200x8x512xf32> to vector<1600x512xf32>
    %dot_general3A = arith.constant dense<0.000000e+00> : vector<1600x8xf32>
    %dot_general3A_79 = tpu.matmul %reshape3A, %convert_element_type3A_78, %dot_general3A {dimension_numbers = #tpu.dot_dimension_numbers<[1], [0], [0], [1], [0, 0, 1, 1], [], []>, transpose_lhs_hint = false} : vector<1600x512xf32>, vector<512x8xf32>, vector<1600x8xf32> -> vector<1600x8xf32>
    %reshape3A_80 = vector.shape_cast %dot_general3A_79 : vector<1600x8xf32> to vector<200x8x8xf32>
    %mul3A_81 = arith.constant 1.250000e-01 : f32
    %mul3A_82 = vector.broadcast %mul3A_81 : f32 to vector<200x8x8xf32>
    %mul3A_83 = arith.mulf %reshape3A_80, %mul3A_82 : vector<200x8x8xf32>
    %reduce_max3A = arith.constant dense<0xFF800000> : vector<200x8xf32>
    %reduce_max3A_84 = vector.multi_reduction <maximumf>, %mul3A_83, %reduce_max3A [1] : vector<200x8x8xf32> to vector<200x8xf32>
    %broadcast_in_dim3A_85 = vector.shape_cast %reduce_max3A_84 : vector<200x8xf32> to vector<200x1x8xf32>
    %sub3A_86 = vector.broadcast %broadcast_in_dim3A_85 : vector<200x1x8xf32> to vector<200x8x8xf32>
    %sub3A_87 = arith.subf %mul3A_83, %sub3A_86 : vector<200x8x8xf32>
    %exp3A = math.exp %sub3A_87 : vector<200x8x8xf32>
    %reduce_sum3A = arith.constant dense<0.000000e+00> : vector<200x8xf32>
    %reduce_sum3A_88 = vector.multi_reduction <add>, %exp3A, %reduce_sum3A [1] : vector<200x8x8xf32> to vector<200x8xf32>
    %broadcast_in_dim3A_89 = vector.shape_cast %reduce_sum3A_88 : vector<200x8xf32> to vector<200x1x8xf32>
    %div3A_90 = vector.broadcast %broadcast_in_dim3A_89 : vector<200x1x8xf32> to vector<200x8x8xf32>
    %div3A_91 = arith.divf %exp3A, %div3A_90 : vector<200x8x8xf32>
    %reshape3A_92 = vector.shape_cast %div3A_91 : vector<200x8x8xf32> to vector<1600x8xf32>
    %dot_general3A_93 = arith.constant dense<0.000000e+00> : vector<1600x512xf32>
    %dot_general3A_94 = tpu.matmul %reshape3A_92, %convert_element_type3A_42, %dot_general3A_93 {dimension_numbers = #tpu.dot_dimension_numbers<[1], [0], [0], [1], [0, 0, 1, 1], [], []>, transpose_lhs_hint = false} : vector<1600x8xf32>, vector<8x512xf32>, vector<1600x512xf32> -> vector<1600x512xf32>
    %reshape3A_95 = vector.shape_cast %dot_general3A_94 : vector<1600x512xf32> to vector<200x8x512xf32>
    %mul3A_96 = arith.mulf %reshape3A_95, %convert_element_type3A_14 : vector<200x8x512xf32>
    %reduce_sum3A_97 = arith.constant dense<0.000000e+00> : vector<200x512xf32>
    %reduce_sum3A_98 = vector.multi_reduction <add>, %mul3A_96, %reduce_sum3A_97 [1] : vector<200x8x512xf32> to vector<200x512xf32>
    %get3A_99 = arith.constant 0 : index
    %get3A_100 = arith.constant 0 : index
    %get3A_101 = vector.load %arg4[%get3A_99, %get3A_100] : memref<512x512xf32, #tpu.memory_space<vmem>>, vector<512x512xf32>
    %dot_general3A_102 = arith.constant dense<0.000000e+00> : vector<200x512xf32>
    %dot_general3A_103 = tpu.matmul %reduce_sum3A_98, %get3A_101, %dot_general3A_102 {dimension_numbers = #tpu.dot_dimension_numbers<[1], [0], [0], [1], [0, 0, 1, 1], [], []>, transpose_lhs_hint = false} : vector<200x512xf32>, vector<512x512xf32>, vector<200x512xf32> -> vector<200x512xf32>
    %get3A_104 = arith.constant 0 : index
    %get3A_105 = arith.constant 0 : index
    %get3A_106 = vector.load %arg5[%get3A_104, %get3A_105] : memref<1x512xf32, #tpu.memory_space<vmem>>, vector<1x512xf32>
    %add3A = vector.broadcast %get3A_106 : vector<1x512xf32> to vector<200x512xf32>
    %add3A_107 = arith.addf %dot_general3A_103, %add3A : vector<200x512xf32>
    %get3A_108 = arith.constant 0 : index
    %get3A_109 = arith.constant 0 : index
    %get3A_110 = vector.load %arg1[%get3A_108, %get3A_109] : memref<200x512xf32, #tpu.memory_space<vmem>>, vector<200x512xf32>
    %concatenate3A = tpu.concatenate %get3A_110, %add3A_107 in 1 : vector<200x512xf32>, vector<200x512xf32> -> vector<200x1024xf32>
    %get3A_111 = arith.constant 0 : index
    %get3A_112 = arith.constant 0 : index
    %get3A_113 = vector.load %arg6[%get3A_111, %get3A_112] : memref<1024x1024xf32, #tpu.memory_space<vmem>>, vector<1024x1024xf32>
    %dot_general3A_114 = arith.constant dense<0.000000e+00> : vector<200x1024xf32>
    %dot_general3A_115 = tpu.matmul %concatenate3A, %get3A_113, %dot_general3A_114 {dimension_numbers = #tpu.dot_dimension_numbers<[1], [0], [0], [1], [0, 0, 1, 1], [], []>, transpose_lhs_hint = false} : vector<200x1024xf32>, vector<1024x1024xf32>, vector<200x1024xf32> -> vector<200x1024xf32>
    %get3A_116 = arith.constant 0 : index
    %get3A_117 = arith.constant 0 : index
    %get3A_118 = vector.load %arg7[%get3A_116, %get3A_117] : memref<1x1024xf32, #tpu.memory_space<vmem>>, vector<1x1024xf32>
    %add3A_119 = vector.broadcast %get3A_118 : vector<1x1024xf32> to vector<200x1024xf32>
    %add3A_120 = arith.addf %dot_general3A_115, %add3A_119 : vector<200x1024xf32>
    %get3A_121 = arith.constant 0 : index
    %get3A_122 = arith.constant 0 : index
    %get3A_123 = vector.load %arg8[%get3A_121, %get3A_122] : memref<1x1024xf32, #tpu.memory_space<vmem>>, vector<1x1024xf32>
    %get3A_124 = arith.constant 0 : index
    %get3A_125 = arith.constant 0 : index
    %get3A_126 = vector.load %arg9[%get3A_124, %get3A_125] : memref<1x1024xf32, #tpu.memory_space<vmem>>, vector<1x1024xf32>
    %reduce_sum3A_127 = arith.constant dense<0.000000e+00> : vector<200xf32>
    %reduce_sum3A_128 = vector.multi_reduction <add>, %add3A_120, %reduce_sum3A_127 [1] : vector<200x1024xf32> to vector<200xf32>
    %broadcast_in_dim3A_129 = vector.shape_cast %reduce_sum3A_128 : vector<200xf32> to vector<200x1xf32>
    %div3A_130 = arith.constant 1.024000e+03 : f32
    %div3A_131 = vector.broadcast %div3A_130 : f32 to vector<200x1xf32>
    %div3A_132 = arith.divf %broadcast_in_dim3A_129, %div3A_131 : vector<200x1xf32>
    %sub3A_133 = vector.broadcast %div3A_132 : vector<200x1xf32> to vector<200x1024xf32>
    %sub3A_134 = arith.subf %add3A_120, %sub3A_133 : vector<200x1024xf32>
    %integer_pow3A = arith.mulf %sub3A_134, %sub3A_134 : vector<200x1024xf32>
    %reduce_sum3A_135 = arith.constant dense<0.000000e+00> : vector<200xf32>
    %reduce_sum3A_136 = vector.multi_reduction <add>, %integer_pow3A, %reduce_sum3A_135 [1] : vector<200x1024xf32> to vector<200xf32>
    %broadcast_in_dim3A_137 = vector.shape_cast %reduce_sum3A_136 : vector<200xf32> to vector<200x1xf32>
    %div3A_138 = arith.constant 1.024000e+03 : f32
    %div3A_139 = vector.broadcast %div3A_138 : f32 to vector<200x1xf32>
    %div3A_140 = arith.divf %broadcast_in_dim3A_137, %div3A_139 : vector<200x1xf32>
    %sub3A_141 = vector.broadcast %div3A_132 : vector<200x1xf32> to vector<200x1024xf32>
    %sub3A_142 = arith.subf %add3A_120, %sub3A_141 : vector<200x1024xf32>
    %add3A_143 = arith.constant 9.99999974E-6 : f32
    %add3A_144 = vector.broadcast %add3A_143 : f32 to vector<200x1xf32>
    %add3A_145 = arith.addf %div3A_140, %add3A_144 : vector<200x1xf32>
    %sqrt3A = math.sqrt %add3A_145 : vector<200x1xf32>
    %div3A_146 = vector.broadcast %sqrt3A : vector<200x1xf32> to vector<200x1024xf32>
    %div3A_147 = arith.divf %sub3A_142, %div3A_146 : vector<200x1024xf32>
    %mul3A_148 = vector.broadcast %get3A_123 : vector<1x1024xf32> to vector<200x1024xf32>
    %mul3A_149 = arith.mulf %div3A_147, %mul3A_148 : vector<200x1024xf32>
    %add3A_150 = vector.broadcast %get3A_126 : vector<1x1024xf32> to vector<200x1024xf32>
    %add3A_151 = arith.addf %mul3A_149, %add3A_150 : vector<200x1024xf32>
    %max3A = arith.constant 0.000000e+00 : f32
    %max3A_152 = vector.broadcast %max3A : f32 to vector<200x1024xf32>
    %max3A_153 = arith.maximumf %add3A_151, %max3A_152 : vector<200x1024xf32>
    %get3A_154 = arith.constant 0 : index
    %get3A_155 = arith.constant 0 : index
    %get3A_156 = vector.load %arg10[%get3A_154, %get3A_155] : memref<1024x12xf32, #tpu.memory_space<vmem>>, vector<1024x12xf32>
    %dot_general3A_157 = arith.constant dense<0.000000e+00> : vector<200x12xf32>
    %dot_general3A_158 = tpu.matmul %max3A_153, %get3A_156, %dot_general3A_157 {dimension_numbers = #tpu.dot_dimension_numbers<[1], [0], [0], [1], [0, 0, 1, 1], [], []>, transpose_lhs_hint = false} : vector<200x1024xf32>, vector<1024x12xf32>, vector<200x12xf32> -> vector<200x12xf32>
    %get3A_159 = arith.constant 0 : index
    %get3A_160 = arith.constant 0 : index
    %get3A_161 = vector.load %arg11[%get3A_159, %get3A_160] : memref<1x12xf32, #tpu.memory_space<vmem>>, vector<1x12xf32>
    %add3A_162 = vector.broadcast %get3A_161 : vector<1x12xf32> to vector<200x12xf32>
    %add3A_163 = arith.addf %dot_general3A_158, %add3A_162 : vector<200x12xf32>
    %swap3A = arith.constant 0 : index
    %swap3A_164 = arith.constant 0 : index
    %swap3A_165 = vector.load %arg12[%swap3A, %swap3A_164] : memref<200x12xf32, #tpu.memory_space<vmem>>, vector<200x12xf32>
    tpu.vector_store %arg12[%swap3A, %swap3A_164], %add3A_163 {strides = array<i32>} : memref<200x12xf32, #tpu.memory_space<vmem>>, vector<200x12xf32>,
    return
  }
  func.func @transform_0(%arg0: i32) -> (i32, i32) {
    %c0_i32 = arith.constant 0 : i32
    %c0_i32_0 = arith.constant 0 : i32
    return %arg0, %c0_i32 : i32, i32
  }
  func.func @transform_1(%arg0: i32) -> (i32, i32) {
    %c0_i32 = arith.constant 0 : i32
    %c0_i32_0 = arith.constant 0 : i32
    return %arg0, %c0_i32 : i32, i32
  }
  func.func @transform_2(%arg0: i32) -> (i32, i32, i32) {
    %c0_i32 = arith.constant 0 : i32
    %c0_i32_0 = arith.constant 0 : i32
    %c0_i32_1 = arith.constant 0 : i32
    return %arg0, %c0_i32, %c0_i32_0 : i32, i32, i32
  }
  func.func @transform_3(%arg0: i32) -> (i32, i32) {
    %c0_i32 = arith.constant 0 : i32
    %c0_i32_0 = arith.constant 0 : i32
    %c0_i32_1 = arith.constant 0 : i32
    return %c0_i32, %c0_i32_0 : i32, i32
  }
  func.func @transform_4(%arg0: i32) -> (i32, i32) {
    %c0_i32 = arith.constant 0 : i32
    %c0_i32_0 = arith.constant 0 : i32
    %c0_i32_1 = arith.constant 0 : i32
    return %c0_i32, %c0_i32_0 : i32, i32
  }
  func.func @transform_5(%arg0: i32) -> (i32, i32) {
    %c0_i32 = arith.constant 0 : i32
    %c0_i32_0 = arith.constant 0 : i32
    %c0_i32_1 = arith.constant 0 : i32
    return %c0_i32, %c0_i32_0 : i32, i32
  }
  func.func @transform_6(%arg0: i32) -> (i32, i32) {
    %c0_i32 = arith.constant 0 : i32
    %c0_i32_0 = arith.constant 0 : i32
    %c0_i32_1 = arith.constant 0 : i32
    return %c0_i32, %c0_i32_0 : i32, i32
  }
  func.func @transform_7(%arg0: i32) -> (i32, i32) {
    %c0_i32 = arith.constant 0 : i32
    %c0_i32_0 = arith.constant 0 : i32
    %c0_i32_1 = arith.constant 0 : i32
    return %c0_i32, %c0_i32_0 : i32, i32
  }
  func.func @transform_8(%arg0: i32) -> (i32, i32) {
    %c0_i32 = arith.constant 0 : i32
    %c0_i32_0 = arith.constant 0 : i32
    %c0_i32_1 = arith.constant 0 : i32
    return %c0_i32, %c0_i32_0 : i32, i32
  }
  func.func @transform_9(%arg0: i32) -> (i32, i32) {
    %c0_i32 = arith.constant 0 : i32
    %c0_i32_0 = arith.constant 0 : i32
    %c0_i32_1 = arith.constant 0 : i32
    return %c0_i32, %c0_i32_0 : i32, i32
  }
  func.func @transform_10(%arg0: i32) -> (i32, i32) {
    %c0_i32 = arith.constant 0 : i32
    %c0_i32_0 = arith.constant 0 : i32
    %c0_i32_1 = arith.constant 0 : i32
    return %c0_i32, %c0_i32_0 : i32, i32
  }
  func.func @transform_11(%arg0: i32) -> (i32, i32) {
    %c0_i32 = arith.constant 0 : i32
    %c0_i32_0 = arith.constant 0 : i32
    return %arg0, %c0_i32 : i32, i32
  }
}

</mosaic_0001>

<sc_bundles>
// kernel: kernel.10.cloned.1.call-start
scs
__scs_entry_jumppad:
0x0: {  	(pc) =	sbr.rel $0x88, $3  }
0x1: {  	(tag) =	ssettag $0x0;
	lr =	simm.s32 $0x1  }
0x2: {  	[smem:$0x3F7E] =	sst lr;
	_ =	strace $0xD0000000  }
0x3: {  	_ = 	snop  }
0x4: {  	_ = 	snop  }
0x5: {  	_ = 	snop  }
0x6: {  	_ = 	snop  }
0x7: {  	_ = 	snop  }
__scs_overlays_trampoline_lowered:
0x8: {  	[smem:$0x3F8D] =	sst s0  }
0x9: {  	[smem:$0x3F8E] =	sst s1  }
0xa: {  	[smem:$0x3F8F] =	sst s2  }
0xb: {  	[smem:$0x3F90] =	sst s3  }
0xc: {  	[smem:$0x3F91] =	sst s4  }
0xd: {  	[smem:$0x3F92] =	sst s5  }
0xe: {  	[smem:$0x3F93] =	sst s6  }
0xf: {  	[smem:$0x3F94] =	sst s7  }
0x10: {  	[smem:$0x3F95] =	sst s8  }
0x11: {  	[smem:$0x3F96] =	sst s9;
	s0 =	simm.s32 @!p0 $0x0  }
0x12: {  	s1 =	sld [smem:$0x3F7C];
	s0 =	simm.s32 @p0 $0x1  }
0x13: {  	[smem:$0x3F97] =	sst s0;
	s0 =	simm.s32 @!p1 $0x0  }
0x14: {  	s2 =	sld [smem:$0x3F7B];
	s0 =	simm.s32 @p1 $0x1  }
0x15: {  	[smem:$0x3F98] =	sst s0;
	s0 =	simm.s32 @!p2 $0x0  }
0x16: {  	s3 =	sld [smem:$0x3FDB];
	s0 =	simm.s32 @p2 $0x1  }
0x17: {  	s4 =	simm.s32 $0x1BF5;
	[smem:$0x3F9A] =	sst s0  }
0x18: {  	s0 =	sld [smem:$0x3F7D];
	_ =	swait.ge [sflag:s4], $0x0  }
0x19: {  	s7 =	sld [smem:$0x3F7E]  }
0x1a: {  	s8 =	sadd.s32 $0xFFFFE003, lr  }
0x1b: {  	s9 =	sadd.s32 $0xFFFFFEF7, lr;
	s5 =	simm.s32 $0xFFFFFFFF;
	p2 =	slt.u32 s8, $0xFFFFF086  }
0x1c: {  	p1 =	slt.u32 s9, $0xF7A;
	s5 =	simm.s32 @!p2 $0x0  }
0x1d: {  	s5 =	simm.s32 @p1 $0x1;
	p0 =	seq.s32 s7, s2  }
0x1e: {  	s7 =	smul.u32 @!p0 $0xF7A, s2;
	p2 =	seq.s32 @!p0 s5, $0x0  }
0x1f: {  	s9 =	smul.u32 $0xF7A, s1;
	s8 =	simm.s32 @!p0 $0x1BF5;
	p2 =	por !p2, p0  }
0x20: {  	[sflag:s8] =	ssyncset.s32 @!p0 $0xFFFFF086;
	s6 =	sadd.s32 @!p0 s3, s7;
	s7 =	simm.s32 @!p0 $0x108  }
0x21: {  	s3 =	sadd.s32 s3, s9;
	s6 =	sadd.s32 @!p0 $0x88, s6;
	s7 =	simm.s32 @p2 $0x1082  }
0x22: {  	[simem:s7], [sflag:s8] =	dma.local @!p0 [hbm:s6], $0xF7A  }
0x23: {  	s9 =	sor.u32 $0xD0000000, s2;
	s6 =	simm.s32 $0x108;
	_ =	swait.ge @!p0 [sflag:s8], $0x0  }
0x24: {  	s3 =	sadd.s32 $0x88, s3;
	s6 =	simm.s32 @!p1 $0x1082;
	[sflag:s4] =	ssyncset.s32 $0xFFFFF086  }
0x25: {  	[simem:s6], [sflag:s4] =	dma.local [hbm:s3], $0xF7A  }
0x26: {  	[smem:$0x3F7E] =	sst s1;
	(tag) =	ssettag s2;
	_ =	strace s9  }
0x27: {  	s1 =	sld [smem:$0x3F8E]  }
0x28: {  	s2 =	sld [smem:$0x3F8F]  }
0x29: {  	s4 =	sld [smem:$0x3F91]  }
0x2a: {  	p0 =	seq.s32 s5, $0x0;
	s5 =	sld [smem:$0x3F92]  }
0x2b: {  	s6 =	sld [smem:$0x3F93]  }
0x2c: {  	s7 =	sld [smem:$0x3F94]  }
0x2d: {  	s3 =	simm.s32 $0x108;
	s8 =	sld [smem:$0x3F95]  }
0x2e: {  	s3 =	simm.s32 @!p0 $0x1082;
	s9 =	sld [smem:$0x3F96]  }
0x2f: {  	lr =	sadd.s32 s0, s3;
	s0 =	sld [smem:$0x3F8D]  }
0x30: {  	s3 =	sld [smem:$0x3F90]  }
0x31: {  	[smem:$0x3F99] =	sst s10  }
0x32: {  	s10 =	sld [smem:$0x3F97];
	_ =	sdelay $0x3  }
0x33: {  	p0 =	seq.s32 s10, $0x1;
	s10 =	sld [smem:$0x3F99];
	_ =	sdelay $0x3  }
0x34: {  	[smem:$0x3F99] =	sst s10  }
0x35: {  	s10 =	sld [smem:$0x3F98];
	_ =	sdelay $0x3  }
0x36: {  	p1 =	seq.s32 s10, $0x1;
	s10 =	sld [smem:$0x3F99];
	_ =	sdelay $0x3  }
0x37: {  	[smem:$0x3F99] =	sst s10  }
0x38: {  	s10 =	sld [smem:$0x3F9A]  }
0x39: {  	_ = 	snop;
	(pc) =	sbr.ind lr, $3  }
0x3a: {  	_ = 	snop  }
0x3b: {  	_ = 	snop  }
0x3c: {  	p2 =	seq.s32 s10, $0x1;
	s10 =	sld [smem:$0x3F99]  }
0x3d: {  	_ =	shalt  }
0x3e: {  	_ =	shalt  }
0x3f: {  	_ =	shalt  }
0x40: {  	_ =	shalt  }
0x41: {  	_ =	shalt  }
0x42: {  	_ =	shalt  }
0x43: {  	_ =	shalt  }
0x44: {  	_ =	shalt  }
0x45: {  	_ =	shalt  }
0x46: {  	_ =	shalt  }
0x47: {  	_ =	shalt  }
0x48: {  	_ =	shalt  }
0x49: {  	_ =	shalt  }
0x4a: {  	_ =	shalt  }
0x4b: {  	_ =	shalt  }
0x4c: {  	_ =	shalt  }
0x4d: {  	_ =	shalt  }
0x4e: {  	_ =	shalt  }
0x4f: {  	_ =	shalt  }
0x50: {  	_ =	shalt  }
0x51: {  	_ =	shalt  }
0x52: {  	_ =	shalt  }
0x53: {  	_ =	shalt  }
0x54: {  	_ =	shalt  }
0x55: {  	_ =	shalt  }
0x56: {  	_ =	shalt  }
0x57: {  	_ =	shalt  }
0x58: {  	_ =	shalt  }
0x59: {  	_ =	shalt  }
0x5a: {  	_ =	shalt  }
0x5b: {  	_ =	shalt  }
0x5c: {  	_ =	shalt  }
0x5d: {  	_ =	shalt  }
0x5e: {  	_ =	shalt  }
0x5f: {  	_ =	shalt  }
0x60: {  	_ =	shalt  }
0x61: {  	_ =	shalt  }
0x62: {  	_ =	shalt  }
0x63: {  	_ =	shalt  }
0x64: {  	_ =	shalt  }
0x65: {  	_ =	shalt  }
0x66: {  	_ =	shalt  }
0x67: {  	_ =	shalt  }
0x68: {  	_ =	shalt  }
0x69: {  	_ =	shalt  }
0x6a: {  	_ =	shalt  }
0x6b: {  	_ =	shalt  }
0x6c: {  	_ =	shalt  }
0x6d: {  	_ =	shalt  }
0x6e: {  	_ =	shalt  }
0x6f: {  	_ =	shalt  }
0x70: {  	_ =	shalt  }
0x71: {  	_ =	shalt  }
0x72: {  	_ =	shalt  }
0x73: {  	_ =	shalt  }
0x74: {  	_ =	shalt  }
0x75: {  	_ =	shalt  }
0x76: {  	_ =	shalt  }
0x77: {  	_ =	shalt  }
0x78: {  	_ =	shalt  }
0x79: {  	_ =	shalt  }
0x7a: {  	_ =	shalt  }
0x7b: {  	_ =	shalt  }
0x7c: {  	_ =	shalt  }
0x7d: {  	_ =	shalt  }
0x7e: {  	_ =	shalt  }
0x7f: {  	_ =	shalt  }
0x80: {  	_ =	shalt  }
0x81: {  	_ =	shalt  }
0x82: {  	_ =	shalt  }
0x83: {  	_ =	shalt  }
0x84: {  	_ =	shalt  }
0x85: {  	_ =	shalt  }
0x86: {  	_ =	shalt  }
0x87: {  	_ =	shalt  }
.Lfunc_end0:
.L_simem_size_0:
called_computation_lowered:
.L_overlay_start_0:
0x88: {  	s2 =	sld [smem:$0x3FD9]  }
0x89: {  	s3 =	sld [smem:$0x3FFE];
	_ =	sdelay $0x1  }
0x8a: {  	s1 =	srdreg.scid  }
0x8b: {  	s0 =	sand.u32 $0x1, s1  }
0x8c: {  	s17 =	sshll.u32 s0, $0xA;
	s2 =	sadd.s32 s3, s2  }
0x8d: {  	s2 =	sadd.s32 s2, s17  }
0x8e: {  	[smem:$0x3FA5] =	sst s2  }
0x8f: {  	_ = 	snop  }
0x90: {  	(tm) =	ssettm $0x1  }
0x91: {  	s18 =	sld [smem:$0x3FFB];
	_ =	sdelay $0x3  }
0x92: {  	_ =	strace s18  }
0x93: {  	s2 =	sld [smem:$0x3FFC];
	_ =	sdelay $0x3  }
0x94: {  	_ =	strace s2  }
0x95: {  	s2 =	sld [smem:$0x3FFD];
	_ =	sdelay $0x3  }
0x96: {  	_ =	strace s2  }
0x97: {  	_ =	strace $0x8FFFFFFF  }
0x98: {  	s19 =	sld [smem:$0x3FDB];
	_ =	sdelay $0x1  }
0x99: {  	s20 =	simm.s32 $_scs_section_size  }
0x9a: {  	s4 =	simm.s32 $_size__tile_overlayer_lowered;
	s5 =	simm.s32 $_tile_overlayer_lowered  }
0x9b: {  	s6 =	simm.s32 $0x1BFF;
	s21 =	sshll.u32 s5, $0x1;
	s3 =	sadd.s32 s20, s19  }
0x9c: {  	s22 =	simm.s32 $0x0;
	s4 =	sshll.u32 s4, $0x1;
	s5 =	sadd.s32 s21, s3  }
0x9d: {  	[timem:s22], [sflag:s6] =	dma.local [hbm:s5], s4  }
0x9e: {  	_ =	swait.ge [sflag:s6], s4  }
0x9f: {  	s4 =	ssub.s32 $0x0, s4;
	[sflag:s6] =	ssyncset.done $0x0  }
0xa0: {  	[sflag:s6] =	ssyncadd.s32 s4;
	_ =	sdelay $0x1  }
0xa1: {  	s23 =	simm.s32 $0x1B8B  }
0xa2: {  	_ =	swait.ge [sflag:s23], $0x1  }
0xa3: {  	[sflag:s23] =	ssyncset.done $0x0  }
0xa4: {  	[sflag:s23] =	ssyncadd.s32 $0xFFFFFFFF  }
0xa5: {  	s4 =	sld [smem:$0x0]  }
0xa6: {  	s5 =	sand.u32 $0xFFFFFFFE, s1  }
0xa7: {  	p0 =	sne.s32 s1, s5  }
0xa8: {  	s5 =	sshll.u32 @p0 s5, $0xE  }
0xa9: {  	s5 =	sadd.s32 @p0 $0x11B8D, s5;
	s6 =	sshll.u32 @p0 s4, $0x11  }
0xaa: {  	s5 =	sor.u32 @p0 s6, s5  }
0xab: {  	[sflag:s5] =	ssyncadd.remote.s32 @p0 $0x1;
	_ =	sdelay $0x1  }
0xac: {  	s5 =	simm.s32 @p0 $0x1B8D  }
0xad: {  	_ =	swait.eq @p0 [sflag:s5], $0x1  }
0xae: {  	[sflag:s5] =	ssyncadd.s32 @p0 $0xFFFFFFFF  }
0xaf: {  	s6 =	sshll.u32 @!p0 s1, $0xE  }
0xb0: {  	s6 =	sor.u32 @!p0 $0x4000, s6;
	s5 =	simm.s32 @!p0 $0x1B8D  }
0xb1: {  	s4 =	sshll.u32 @!p0 s4, $0x11;
	s6 =	sadd.s32 @!p0 $0x11B8D, s6;
	_ =	swait.eq @!p0 [sflag:s5], $0x1  }
0xb2: {  	s4 =	sor.u32 @!p0 s4, s6;
	[sflag:s5] =	ssyncadd.s32 @!p0 $0xFFFFFFFF  }
0xb3: {  	s25 =	simm.s32 $0x1B8E;
	s24 =	sld [smem:$0x3FFE];
	[sflag:s4] =	ssyncadd.remote.s32 @!p0 $0x1  }
0xb4: {  	s26 =	simm.s32 $execute0_lowered;
	[smem:$0x3FD2] =	sst s25  }
0xb5: {  	s5 =	sshll.u32 s26, $0x1;
	_ =	strace $0x80000049;
	[dreg:$0x1] =	wrdreg $0xFFFFFFFF  }
0xb6: {  	s28 =	simm.s32 $_size_execute0_lowered;
	s3 =	sadd.s32 s3, s5;
	[dreg:$0x0] =	wrdreg $0x0  }
0xb7: {  	s5 =	sshll.u32 s28, $0x1;
	[dreg:$0x2] =	wrdreg s3  }
0xb8: {  	[dreg:$0x3] =	wrdreg s5  }
0xb9: {  	[dreg:$0x4] =	wrdreg $0xC0  }
0xba: {  	_ =	task [dreg:s22], $0x5FFFF  }
0xbb: {  	[dreg:$0x1] =	wrdreg $0xFFFFFFFF  }
0xbc: {  	[dreg:$0x0] =	wrdreg $0x60  }
0xbd: {  	[dreg:$0x2] =	wrdreg s24  }
0xbe: {  	[dreg:$0x3] =	wrdreg $0x9  }
0xbf: {  	_ =	task.clear_ibuf [dreg:s22], $0x4FFFF;
	_ =	strace $0x90000049  }
0xc0: {  	s29 =	simm.s32 $0x9;
	_ =	strace $0x8000004B  }
0xc1: {  	_ =	swait.ge [sflag:s29], $0x1  }
0xc2: {  	[sflag:s29] =	ssyncadd.s32 $0xFFFFFFFF  }
0xc3: {  	_ =	strace $0x9000004B  }
0xc4: {  	_ =	sfence  }
0xc5: {  	s30 =	sld [smem:$0x0];
	_ =	sdelay $0x2  }
0xc6: {  	s31 =	sshll.u32 s1, $0xD;
	s1 =	sshrl.u32 s1, $0x2  }
0xc7: {  	s4 =	sand.u32 $0x4000, s31;
	s1 =	sadd.s32 s1, s30  }
0xc8: {  	s0 =	sor.u32 s4, s0;
	s1 =	sshll.u32 s1, $0x11  }
0xc9: {  	s0 =	sor.u32 s1, s0  }
0xca: {  	s0 =	sadd.s32 $0x8F2B, s0  }
0xcb: {  	[sflag:s0] =	ssyncadd.remote.s32 $0x1  }
0xcc: {  	_ =	sfence.sel $0xFFFF  }
0xcd: {  	[dreg:$0x0] =	wrdreg $0xFFFFFFFF;
	(pc) =	sbr.abs _section_cstart, $3  }
0xce: {  	[dreg:$0x1] =	wrdreg $0xFFFFFFFF  }
0xcf: {  	_ =	task.clear_ibuf [dreg:s22], $0x2FFFF;
	_ =	strace $0x9FFFFFFF  }
0xd0: {  	(tm) =	ssettm $0x7FFFFFFF  }
0xd1: {  	_ =	shalt  }
tec
execute0_lowered:
.L_overlay_start_1:
0x0: {  	(tag) =	ssettag $0x1  }
0x1: {  	s0 =	srdreg.scid  }
0x2: {  	s9 =	stileid.u32;
	s1 =	rddreg [dreg:$0x0];
	s2 =	simm.s32 $0x0  }
0x3: {  	s12 =	simm.s32 $0x580;
	s19 =	simm.s32 $0xD80;
	s20 =	simm.s32 $0x1580  }
0x4: {  	s21 =	simm.s32 $0x1D80;
	s22 =	simm.s32 $0x2580;
	s28 =	simm.s32 $0x4D80  }
0x5: {  	s30 =	simm.s32 $0x5580;
	s10 =	simm.s32 $0x8D80;
	s13 =	simm.s32 $0x9580  }
0x6: {  	s11 =	simm.s32 $0x9D80;
	s29 =	simm.s32 $0xA580;
	s31 =	simm.s32 $0xB580  }
0x7: {  	s14 =	simm.s32 $0x1;
	s15 =	simm.s32 $0x3;
	s16 =	simm.s32 $0x2  }
0x8: {  	s17 =	simm.s32 $0x4;
	s18 =	simm.s32 $0x0;
	s0 =	sand.u32 $0x1, s0  }
0x9: {  	s3 =	sshll.u32 s9, $0x1;
	[smem:$0x7FF] =	sst s2;
	s7 =	sadd.s32 $0x580C00, s1  }
0xa: {  	s23 =	smul.u32 $0x2A000, s9;
	s9 =	simm.s32 $0x8580;
	s4 =	sor.u32 s0, s3  }
0xb: {  	_ =	strace $0x8000004A;
	s6 =	ssub.s32 $0x2, s0;
	s0 =	smul.u32 $0x15000, s0  }
0xc: {  	s3 =	sadd.s32 $0x5800, s1;
	[dreg:$0x7] =	wrdreg s18;
	s5 =	smul.u32 $0x540, s4  }
0xd: {  	s4 =	smul.u32 $0xA8000, s4;
	s8 =	sshrl.u32 s6, $0x1;
	s25 =	sadd.s32 s23, s7  }
0xe: {  	s23 =	simm.s32 $0x2D80;
	s6 =	ssub.s32 s6, s8;
	s0 =	sadd.s32 s0, s25  }
0xf: {  	s25 =	simm.s32 $0x3D80;
	s8 =	simm.s32 $0x7D80;
	s5 =	sshrl.u32 s5, $0x3  }
0x10: {  	s4 =	sshrl.u32 s4, $0x3;
	s26 =	smax.u32 s6, $0x1;
	s0 =	sadd.s32 $0x1C00, s0  }
0x11: {  	s6 =	simm.s32 $0x6D80;
	s5 =	sadd.s32 s5, s1;
	[dreg:$0x5] =	wrdreg s26  }
0x12: {  	s4 =	sadd.s32 s7, s4;
	[dreg:$0x6] =	wrdreg s0;
	s5 =	sadd.s32 $0x1ED000, s5  }
0x13: {  	s26 =	simm.s32 $0x4580;
	s24 =	sadd.s32 $0x11800, s4;
	[dreg:$0x2] =	wrdreg s5  }
0x14: {  	v2 =	vlaneseq.u32;
	s0 =	simm.s32 $0x5D80;
	s4 =	sadd.s32 $0x13400, s4;
	[dreg:$0x3] =	wrdreg s24  }
0x15: {  	vm0 =	vmmov $0xffff;
	v1 =	vshrl.u32 v2, $0x3;
	s7 =	simm.s32 $0x7580;
	s5 =	sadd.s32 $0x5900, s1;
	[dreg:$0x4] =	wrdreg s4  }
0x16: {  	v0 =	vand.u32 $0x7, v2;
	v2 =	vor.u32 $0x8, v2;
	v1 =	vmul.u32 $0x8, v1;
	s24 =	simm.s32 $0x3580;
	s4 =	simm.s32 $0x6580;
	s1 =	simm.s32 $0xE580  }
.LBB2_1:
0x17: {  	s18 =	rddreg [dreg:$0x2]  }
0x18: {  	[tilespmem:s2], [sflag:$0x5] =	stream.linear.gather [hbm4b:s18+s2], $0x540, $0x38;
	[tilespmem:$0x1C580] =	vst v63  }
0x19: {  	s18 =	simm.s32 $0x5  }
0x1a: {  	_ =	swait.ge [sflag:s18], $0x540  }
0x1b: {  	[sflag:s18] =	ssyncset.done $0x0  }
0x1c: {  	[sflag:s18] =	ssyncadd.s32 $0xFFFFFAC0  }
0x1d: {  	v3 =	vld [tilespmem:$0x0];
	_ =	sdelay $0x4  }
0x1e: {  	v4 =	vshll.u32 v3, $0x2  }
0x1f: {  	v3 =	vand.u32 $0x7, v3;
	v4 =	vand.u32 $0xFFFFFFE0, v4  }
0x20: {  	v3 =	vor.u32 v3, v4  }
0x21: {  	v4 =	vperm.xlane v3, v0;
	_ =	sdelay $0x1  }
0x22: {  	v4 =	vadd.s32 v1, v4;
	_ =	sdelay $0x1  }
0x23: {  	v3 =	vperm.xlane v3, v2;
	_ =	sdelay $0x1  }
0x24: {  	v3 =	vadd.s32 v1, v3  }
0x25: {  	[tilespmem:s12], [sflag:$0x1] =	stream.indirect_vreg.gather [hbm4b:s3+s2], $0x80, v4, vm0, $0xb8;
	[tilespmem:$0x1C580] =	vst v63  }
0x26: {  	_ = 	snop  }
0x27: {  	[tilespmem:s19], [sflag:$0x1] =	stream.indirect_vreg.gather [hbm4b:s5+s2], $0x80, v4, vm0, $0xb8;
	[tilespmem:$0x1C580] =	vst v63  }
0x28: {  	_ = 	snop  }
0x29: {  	[tilespmem:s20], [sflag:$0x1] =	stream.indirect_vreg.gather [hbm4b:s3+s2], $0x80, v3, vm0, $0xb8;
	[tilespmem:$0x1C580] =	vst v63  }
0x2a: {  	_ = 	snop  }
0x2b: {  	[tilespmem:s21], [sflag:$0x1] =	stream.indirect_vreg.gather [hbm4b:s5+s2], $0x80, v3, vm0, $0xb8;
	[tilespmem:$0x1C580] =	vst v63  }
0x2c: {  	v3 =	vld [tilespmem:$0x10];
	_ =	sdelay $0x4  }
0x2d: {  	v51 =	vshll.u32 v3, $0x2  }
0x2e: {  	v3 =	vand.u32 $0x7, v3;
	v4 =	vand.u32 $0xFFFFFFE0, v51  }
0x2f: {  	v3 =	vor.u32 v3, v4  }
0x30: {  	v4 =	vperm.xlane v3, v0;
	_ =	sdelay $0x1  }
0x31: {  	v4 =	vadd.s32 v1, v4;
	_ =	sdelay $0x1  }
0x32: {  	v3 =	vperm.xlane v3, v2;
	_ =	sdelay $0x1  }
0x33: {  	v3 =	vadd.s32 v1, v3  }
0x34: {  	[tilespmem:s22], [sflag:$0x1] =	stream.indirect_vreg.gather [hbm4b:s3+s2], $0x80, v4, vm0, $0xb8;
	[tilespmem:$0x1C580] =	vst v63  }
0x35: {  	_ = 	snop  }
0x36: {  	[tilespmem:s23], [sflag:$0x1] =	stream.indirect_vreg.gather [hbm4b:s5+s2], $0x80, v4, vm0, $0xb8;
	[tilespmem:$0x1C580] =	vst v63  }
0x37: {  	_ = 	snop  }
0x38: {  	[tilespmem:s24], [sflag:$0x1] =	stream.indirect_vreg.gather [hbm4b:s3+s2], $0x80, v3, vm0, $0xb8;
	[tilespmem:$0x1C580] =	vst v63  }
0x39: {  	_ = 	snop  }
0x3a: {  	[tilespmem:s25], [sflag:$0x1] =	stream.indirect_vreg.gather [hbm4b:s5+s2], $0x80, v3, vm0, $0xb8;
	[tilespmem:$0x1C580] =	vst v63  }
0x3b: {  	v3 =	vld [tilespmem:$0x20];
	_ =	sdelay $0x4  }
0x3c: {  	v52 =	vshll.u32 v3, $0x2  }
0x3d: {  	v3 =	vand.u32 $0x7, v3;
	v4 =	vand.u32 $0xFFFFFFE0, v52  }
0x3e: {  	v3 =	vor.u32 v3, v4  }
0x3f: {  	v4 =	vperm.xlane v3, v0;
	_ =	sdelay $0x1  }
0x40: {  	v4 =	vadd.s32 v1, v4;
	_ =	sdelay $0x1  }
0x41: {  	v3 =	vperm.xlane v3, v2;
	_ =	sdelay $0x1  }
0x42: {  	v3 =	vadd.s32 v1, v3  }
0x43: {  	[tilespmem:s26], [sflag:$0x1] =	stream.indirect_vreg.gather [hbm4b:s3+s2], $0x80, v4, vm0, $0xb8;
	[tilespmem:$0x1C580] =	vst v63  }
0x44: {  	_ = 	snop  }
0x45: {  	[tilespmem:s28], [sflag:$0x1] =	stream.indirect_vreg.gather [hbm4b:s5+s2], $0x80, v4, vm0, $0xb8;
	[tilespmem:$0x1C580] =	vst v63  }
0x46: {  	_ = 	snop  }
0x47: {  	[tilespmem:s30], [sflag:$0x1] =	stream.indirect_vreg.gather [hbm4b:s3+s2], $0x80, v3, vm0, $0xb8;
	[tilespmem:$0x1C580] =	vst v63  }
0x48: {  	_ = 	snop  }
0x49: {  	[tilespmem:s0], [sflag:$0x1] =	stream.indirect_vreg.gather [hbm4b:s5+s2], $0x80, v3, vm0, $0xb8;
	[tilespmem:$0x1C580] =	vst v63  }
0x4a: {  	v3 =	vld [tilespmem:$0x30];
	_ =	sdelay $0x4  }
0x4b: {  	v53 =	vshll.u32 v3, $0x2  }
0x4c: {  	v3 =	vand.u32 $0x7, v3;
	v4 =	vand.u32 $0xFFFFFFE0, v53  }
0x4d: {  	v3 =	vor.u32 v3, v4  }
0x4e: {  	v4 =	vperm.xlane v3, v0;
	_ =	sdelay $0x1  }
0x4f: {  	v4 =	vadd.s32 v1, v4;
	_ =	sdelay $0x1  }
0x50: {  	v3 =	vperm.xlane v3, v2;
	_ =	sdelay $0x1  }
0x51: {  	v3 =	vadd.s32 v1, v3  }
0x52: {  	[tilespmem:s4], [sflag:$0x1] =	stream.indirect_vreg.gather [hbm4b:s3+s2], $0x80, v4, vm0, $0xb8;
	[tilespmem:$0x1C580] =	vst v63  }
0x53: {  	_ = 	snop  }
0x54: {  	[tilespmem:s6], [sflag:$0x1] =	stream.indirect_vreg.gather [hbm4b:s5+s2], $0x80, v4, vm0, $0xb8;
	[tilespmem:$0x1C580] =	vst v63  }
0x55: {  	_ = 	snop  }
0x56: {  	[tilespmem:s7], [sflag:$0x1] =	stream.indirect_vreg.gather [hbm4b:s3+s2], $0x80, v3, vm0, $0xb8;
	[tilespmem:$0x1C580] =	vst v63  }
0x57: {  	_ = 	snop  }
0x58: {  	[tilespmem:s8], [sflag:$0x1] =	stream.indirect_vreg.gather [hbm4b:s5+s2], $0x80, v3, vm0, $0xb8;
	[tilespmem:$0x1C580] =	vst v63  }
0x59: {  	v3 =	vld [tilespmem:$0x40];
	_ =	sdelay $0x4  }
0x5a: {  	v54 =	vshll.u32 v3, $0x2  }
0x5b: {  	v3 =	vand.u32 $0x7, v3;
	v4 =	vand.u32 $0xFFFFFFE0, v54  }
0x5c: {  	v3 =	vor.u32 v3, v4  }
0x5d: {  	v4 =	vperm.xlane v3, v0;
	_ =	sdelay $0x1  }
0x5e: {  	v4 =	vadd.s32 v1, v4;
	_ =	sdelay $0x1  }
0x5f: {  	v3 =	vperm.xlane v3, v2;
	_ =	sdelay $0x1  }
0x60: {  	v3 =	vadd.s32 v1, v3  }
0x61: {  	[tilespmem:s9], [sflag:$0x1] =	stream.indirect_vreg.gather [hbm4b:s3+s2], $0x80, v4, vm0, $0xb8;
	[tilespmem:$0x1C580] =	vst v63  }
0x62: {  	_ = 	snop  }
0x63: {  	[tilespmem:s10], [sflag:$0x1] =	stream.indirect_vreg.gather [hbm4b:s5+s2], $0x80, v4, vm0, $0xb8;
	[tilespmem:$0x1C580] =	vst v63  }
0x64: {  	_ = 	snop  }
0x65: {  	[tilespmem:s13], [sflag:$0x1] =	stream.indirect_vreg.gather [hbm4b:s3+s2], $0x80, v3, vm0, $0xb8;
	[tilespmem:$0x1C580] =	vst v63  }
0x66: {  	_ = 	snop  }
0x67: {  	[tilespmem:s11], [sflag:$0x1] =	stream.indirect_vreg.gather [hbm4b:s5+s2], $0x80, v3, vm0, $0xb8;
	[tilespmem:$0x1C580] =	vst v63  }
0x68: {  	v3 =	vld [tilespmem:$0x50];
	_ =	sdelay $0x4  }
0x69: {  	v55 =	vshll.u32 v3, $0x2  }
0x6a: {  	v3 =	vand.u32 $0x7, v3;
	v4 =	vand.u32 $0xFFFFFFE0, v55  }
0x6b: {  	v3 =	vor.u32 v3, v4  }
0x6c: {  	v4 =	vperm.xlane v3, v0;
	_ =	sdelay $0x1  }
0x6d: {  	v4 =	vadd.s32 v1, v4;
	_ =	sdelay $0x1  }
0x6e: {  	v3 =	vperm.xlane v3, v2;
	_ =	sdelay $0x1  }
0x6f: {  	v3 =	vadd.s32 v1, v3  }
0x70: {  	[tilespmem:s29], [sflag:$0x1] =	stream.indirect_vreg.gather [hbm4b:s3+s2], $0x80, v4, vm0, $0xb8;
	[tilespmem:$0x1C580] =	vst v63  }
0x71: {  	s13 =	simm.s32 $0xAD80  }
0x72: {  	[tilespmem:s13], [sflag:$0x1] =	stream.indirect_vreg.gather [hbm4b:s5+s2], $0x80, v4, vm0, $0xb8;
	[tilespmem:$0x1C580] =	vst v63  }
0x73: {  	_ = 	snop  }
0x74: {  	[tilespmem:s31], [sflag:$0x1] =	stream.indirect_vreg.gather [hbm4b:s3+s2], $0x80, v3, vm0, $0xb8;
	[tilespmem:$0x1C580] =	vst v63  }
0x75: {  	s18 =	simm.s32 $0xBD80  }
0x76: {  	[tilespmem:s18], [sflag:$0x1] =	stream.indirect_vreg.gather [hbm4b:s5+s2], $0x80, v3, vm0, $0xb8;
	[tilespmem:$0x1C580] =	vst v63  }
0x77: {  	v3 =	vld [tilespmem:$0x60];
	_ =	sdelay $0x4  }
0x78: {  	v56 =	vshll.u32 v3, $0x2  }
0x79: {  	v3 =	vand.u32 $0x7, v3;
	v4 =	vand.u32 $0xFFFFFFE0, v56  }
0x7a: {  	v3 =	vor.u32 v3, v4  }
0x7b: {  	v4 =	vperm.xlane v3, v0;
	_ =	sdelay $0x1  }
0x7c: {  	v4 =	vadd.s32 v1, v4;
	_ =	sdelay $0x1  }
0x7d: {  	v3 =	vperm.xlane v3, v2;
	_ =	sdelay $0x1  }
0x7e: {  	s19 =	simm.s32 $0xC580;
	v3 =	vadd.s32 v1, v3  }
0x7f: {  	[tilespmem:s19], [sflag:$0x1] =	stream.indirect_vreg.gather [hbm4b:s3+s2], $0x80, v4, vm0, $0xb8;
	[tilespmem:$0x1C580] =	vst v63  }
0x80: {  	s20 =	simm.s32 $0xCD80  }
0x81: {  	[tilespmem:s20], [sflag:$0x1] =	stream.indirect_vreg.gather [hbm4b:s5+s2], $0x80, v4, vm0, $0xb8;
	[tilespmem:$0x1C580] =	vst v63  }
0x82: {  	s21 =	simm.s32 $0xD580  }
0x83: {  	[tilespmem:s21], [sflag:$0x1] =	stream.indirect_vreg.gather [hbm4b:s3+s2], $0x80, v3, vm0, $0xb8;
	[tilespmem:$0x1C580] =	vst v63  }
0x84: {  	s22 =	simm.s32 $0xDD80  }
0x85: {  	[tilespmem:s22], [sflag:$0x1] =	stream.indirect_vreg.gather [hbm4b:s5+s2], $0x80, v3, vm0, $0xb8;
	[tilespmem:$0x1C580] =	vst v63  }
0x86: {  	v3 =	vld [tilespmem:$0x70];
	_ =	sdelay $0x4  }
0x87: {  	v57 =	vshll.u32 v3, $0x2  }
0x88: {  	v3 =	vand.u32 $0x7, v3;
	v4 =	vand.u32 $0xFFFFFFE0, v57  }
0x89: {  	v3 =	vor.u32 v3, v4  }
0x8a: {  	v4 =	vperm.xlane v3, v0;
	_ =	sdelay $0x1  }
0x8b: {  	v4 =	vadd.s32 v1, v4;
	_ =	sdelay $0x1  }
0x8c: {  	v3 =	vperm.xlane v3, v2;
	_ =	sdelay $0x1  }
0x8d: {  	v3 =	vadd.s32 v1, v3  }
0x8e: {  	[tilespmem:s1], [sflag:$0x2] =	stream.indirect_vreg.gather [hbm4b:s3+s2], $0x80, v4, vm0, $0xb8;
	[tilespmem:$0x1C580] =	vst v63  }
0x8f: {  	s23 =	simm.s32 $0xED80  }
0x90: {  	[tilespmem:s23], [sflag:$0x2] =	stream.indirect_vreg.gather [hbm4b:s5+s2], $0x80, v4, vm0, $0xb8;
	[tilespmem:$0x1C580] =	vst v63  }
0x91: {  	s24 =	simm.s32 $0xF580  }
0x92: {  	[tilespmem:s24], [sflag:$0x2] =	stream.indirect_vreg.gather [hbm4b:s3+s2], $0x80, v3, vm0, $0xb8;
	[tilespmem:$0x1C580] =	vst v63  }
0x93: {  	s25 =	simm.s32 $0xFD80  }
0x94: {  	[tilespmem:s25], [sflag:$0x2] =	stream.indirect_vreg.gather [hbm4b:s5+s2], $0x80, v3, vm0, $0xb8;
	[tilespmem:$0x1C580] =	vst v63  }
0x95: {  	v3 =	vld [tilespmem:$0x80];
	_ =	sdelay $0x4  }
0x96: {  	v58 =	vshll.u32 v3, $0x2  }
0x97: {  	v3 =	vand.u32 $0x7, v3;
	v4 =	vand.u32 $0xFFFFFFE0, v58  }
0x98: {  	v3 =	vor.u32 v3, v4  }
0x99: {  	v4 =	vperm.xlane v3, v0;
	_ =	sdelay $0x1  }
0x9a: {  	v4 =	vadd.s32 v1, v4;
	_ =	sdelay $0x1  }
0x9b: {  	v3 =	vperm.xlane v3, v2;
	_ =	sdelay $0x1  }
0x9c: {  	s26 =	simm.s32 $0x10580;
	v3 =	vadd.s32 v1, v3  }
0x9d: {  	[tilespmem:s26], [sflag:$0x2] =	stream.indirect_vreg.gather [hbm4b:s3+s2], $0x80, v4, vm0, $0xb8;
	[tilespmem:$0x1C580] =	vst v63  }
0x9e: {  	s1 =	simm.s32 $0x10D80  }
0x9f: {  	[tilespmem:s1], [sflag:$0x2] =	stream.indirect_vreg.gather [hbm4b:s5+s2], $0x80, v4, vm0, $0xb8;
	[tilespmem:$0x1C580] =	vst v63  }
0xa0: {  	s4 =	simm.s32 $0x11580  }
0xa1: {  	[tilespmem:s4], [sflag:$0x2] =	stream.indirect_vreg.gather [hbm4b:s3+s2], $0x80, v3, vm0, $0xb8;
	[tilespmem:$0x1C580] =	vst v63  }
0xa2: {  	s6 =	simm.s32 $0x11D80  }
0xa3: {  	[tilespmem:s6], [sflag:$0x2] =	stream.indirect_vreg.gather [hbm4b:s5+s2], $0x80, v3, vm0, $0xb8;
	[tilespmem:$0x1C580] =	vst v63  }
0xa4: {  	v3 =	vld [tilespmem:$0x90];
	_ =	sdelay $0x4  }
0xa5: {  	v59 =	vshll.u32 v3, $0x2  }
0xa6: {  	v3 =	vand.u32 $0x7, v3;
	v4 =	vand.u32 $0xFFFFFFE0, v59  }
0xa7: {  	v3 =	vor.u32 v3, v4  }
0xa8: {  	v4 =	vperm.xlane v3, v0;
	_ =	sdelay $0x1  }
0xa9: {  	v4 =	vadd.s32 v1, v4;
	_ =	sdelay $0x1  }
0xaa: {  	v3 =	vperm.xlane v3, v2;
	_ =	sdelay $0x1  }
0xab: {  	s7 =	simm.s32 $0x12580;
	v3 =	vadd.s32 v1, v3  }
0xac: {  	[tilespmem:s7], [sflag:$0x2] =	stream.indirect_vreg.gather [hbm4b:s3+s2], $0x80, v4, vm0, $0xb8;
	[tilespmem:$0x1C580] =	vst v63  }
0xad: {  	s8 =	simm.s32 $0x12D80  }
0xae: {  	[tilespmem:s8], [sflag:$0x2] =	stream.indirect_vreg.gather [hbm4b:s5+s2], $0x80, v4, vm0, $0xb8;
	[tilespmem:$0x1C580] =	vst v63  }
0xaf: {  	s9 =	simm.s32 $0x13580  }
0xb0: {  	[tilespmem:s9], [sflag:$0x2] =	stream.indirect_vreg.gather [hbm4b:s3+s2], $0x80, v3, vm0, $0xb8;
	[tilespmem:$0x1C580] =	vst v63  }
0xb1: {  	s10 =	simm.s32 $0x13D80  }
0xb2: {  	[tilespmem:s10], [sflag:$0x2] =	stream.indirect_vreg.gather [hbm4b:s5+s2], $0x80, v3, vm0, $0xb8;
	[tilespmem:$0x1C580] =	vst v63  }
0xb3: {  	v3 =	vld [tilespmem:$0xA0];
	_ =	sdelay $0x4  }
0xb4: {  	v60 =	vshll.u32 v3, $0x2  }
0xb5: {  	v3 =	vand.u32 $0x7, v3;
	v4 =	vand.u32 $0xFFFFFFE0, v60  }
0xb6: {  	v3 =	vor.u32 v3, v4  }
0xb7: {  	v4 =	vperm.xlane v3, v0;
	_ =	sdelay $0x1  }
0xb8: {  	v4 =	vadd.s32 v1, v4;
	_ =	sdelay $0x1  }
0xb9: {  	v3 =	vperm.xlane v3, v2;
	_ =	sdelay $0x1  }
0xba: {  	s11 =	simm.s32 $0x14580;
	v3 =	vadd.s32 v1, v3  }
0xbb: {  	[tilespmem:s11], [sflag:$0x2] =	stream.indirect_vreg.gather [hbm4b:s3+s2], $0x80, v4, vm0, $0xb8;
	[tilespmem:$0x1C580] =	vst v63  }
0xbc: {  	s12 =	simm.s32 $0x14D80  }
0xbd: {  	[tilespmem:s12], [sflag:$0x2] =	stream.indirect_vreg.gather [hbm4b:s5+s2], $0x80, v4, vm0, $0xb8;
	[tilespmem:$0x1C580] =	vst v63  }
0xbe: {  	s13 =	simm.s32 $0x15580  }
0xbf: {  	[tilespmem:s13], [sflag:$0x2] =	stream.indirect_vreg.gather [hbm4b:s3+s2], $0x80, v3, vm0, $0xb8;
	[tilespmem:$0x1C580] =	vst v63  }
0xc0: {  	s18 =	simm.s32 $0x15D80  }
0xc1: {  	[tilespmem:s18], [sflag:$0x2] =	stream.indirect_vreg.gather [hbm4b:s5+s2], $0x80, v3, vm0, $0xb8;
	[tilespmem:$0x1C580] =	vst v63  }
0xc2: {  	v3 =	vld [tilespmem:$0xB0];
	_ =	sdelay $0x4  }
0xc3: {  	v61 =	vshll.u32 v3, $0x2  }
0xc4: {  	v3 =	vand.u32 $0x7, v3;
	v4 =	vand.u32 $0xFFFFFFE0, v61  }
0xc5: {  	v3 =	vor.u32 v3, v4  }
0xc6: {  	v4 =	vperm.xlane v3, v0;
	_ =	sdelay $0x1  }
0xc7: {  	v4 =	vadd.s32 v1, v4;
	_ =	sdelay $0x1  }
0xc8: {  	v3 =	vperm.xlane v3, v2;
	_ =	sdelay $0x1  }
0xc9: {  	s19 =	simm.s32 $0x16580;
	v3 =	vadd.s32 v1, v3  }
0xca: {  	[tilespmem:s19], [sflag:$0x2] =	stream.indirect_vreg.gather [hbm4b:s3+s2], $0x80, v4, vm0, $0xb8;
	[tilespmem:$0x1C580] =	vst v63  }
0xcb: {  	s20 =	simm.s32 $0x16D80  }
0xcc: {  	[tilespmem:s20], [sflag:$0x2] =	stream.indirect_vreg.gather [hbm4b:s5+s2], $0x80, v4, vm0, $0xb8;
	[tilespmem:$0x1C580] =	vst v63  }
0xcd: {  	s21 =	simm.s32 $0x17580  }
0xce: {  	[tilespmem:s21], [sflag:$0x2] =	stream.indirect_vreg.gather [hbm4b:s3+s2], $0x80, v3, vm0, $0xb8;
	[tilespmem:$0x1C580] =	vst v63  }
0xcf: {  	s22 =	simm.s32 $0x17D80  }
0xd0: {  	[tilespmem:s22], [sflag:$0x2] =	stream.indirect_vreg.gather [hbm4b:s5+s2], $0x80, v3, vm0, $0xb8;
	[tilespmem:$0x1C580] =	vst v63  }
0xd1: {  	v3 =	vld [tilespmem:$0xC0];
	_ =	sdelay $0x4  }
0xd2: {  	v62 =	vshll.u32 v3, $0x2  }
0xd3: {  	v3 =	vand.u32 $0x7, v3;
	v4 =	vand.u32 $0xFFFFFFE0, v62  }
0xd4: {  	v3 =	vor.u32 v3, v4  }
0xd5: {  	v4 =	vperm.xlane v3, v0;
	_ =	sdelay $0x1  }
0xd6: {  	v4 =	vadd.s32 v1, v4;
	_ =	sdelay $0x1  }
0xd7: {  	v3 =	vperm.xlane v3, v2;
	_ =	sdelay $0x1  }
0xd8: {  	s23 =	simm.s32 $0x18580;
	v3 =	vadd.s32 v1, v3  }
0xd9: {  	[tilespmem:s23], [sflag:$0x2] =	stream.indirect_vreg.gather [hbm4b:s3+s2], $0x80, v4, vm0, $0xb8;
	[tilespmem:$0x1C580] =	vst v63  }
0xda: {  	s24 =	simm.s32 $0x18D80  }
0xdb: {  	[tilespmem:s24], [sflag:$0x2] =	stream.indirect_vreg.gather [hbm4b:s5+s2], $0x80, v4, vm0, $0xb8;
	[tilespmem:$0x1C580] =	vst v63  }
0xdc: {  	s25 =	simm.s32 $0x19580  }
0xdd: {  	[tilespmem:s25], [sflag:$0x2] =	stream.indirect_vreg.gather [hbm4b:s3+s2], $0x80, v3, vm0, $0xb8;
	[tilespmem:$0x1C580] =	vst v63  }
0xde: {  	s26 =	simm.s32 $0x19D80  }
0xdf: {  	[tilespmem:s26], [sflag:$0x2] =	stream.indirect_vreg.gather [hbm4b:s5+s2], $0x80, v3, vm0, $0xb8;
	[tilespmem:$0x1C580] =	vst v63  }
0xe0: {  	v3 =	vld [tilespmem:$0xD0];
	_ =	sdelay $0x4  }
0xe1: {  	v63 =	vshll.u32 v3, $0x2  }
0xe2: {  	v3 =	vand.u32 $0x7, v3;
	v4 =	vand.u32 $0xFFFFFFE0, v63  }
0xe3: {  	v3 =	vor.u32 v3, v4  }
0xe4: {  	v4 =	vperm.xlane v3, v0;
	_ =	sdelay $0x1  }
0xe5: {  	v4 =	vadd.s32 v1, v4  }
0xe6: {  	s28 =	simm.s32 $0x3580;
	s30 =	simm.s32 $0x4580  }
0xe7: {  	s29 =	simm.s32 $0xB580;
	s31 =	simm.s32 $0x4D80;
	s4 =	simm.s32 $0x1A580;
	v3 =	vperm.xlane v3, v2  }
0xe8: {  	s6 =	simm.s32 $0x1B580;
	s7 =	simm.s32 $0x7580;
	s8 =	simm.s32 $0x7D80  }
0xe9: {  	s9 =	simm.s32 $0x8580;
	s10 =	simm.s32 $0x8D80;
	s11 =	simm.s32 $0x9D80;
	v3 =	vadd.s32 v1, v3  }
0xea: {  	[tilespmem:s4], [sflag:$0x2] =	stream.indirect_vreg.gather [hbm4b:s3+s2], $0x80, v4, vm0, $0xb8;
	[tilespmem:$0x1C580] =	vst v63  }
0xeb: {  	s13 =	simm.s32 $0x9580;
	s18 =	simm.s32 $0x1B0;
	s26 =	simm.s32 $0x1AD80  }
0xec: {  	[tilespmem:s26], [sflag:$0x2] =	stream.indirect_vreg.gather [hbm4b:s5+s2], $0x80, v4, vm0, $0xb8;
	[tilespmem:$0x1C580] =	vst v63  }
0xed: {  	s19 =	rddreg [dreg:$0x6];
	s20 =	simm.s32 $0x0;
	s22 =	simm.s32 $0xAD80  }
0xee: {  	[tilespmem:s6], [sflag:$0x2] =	stream.indirect_vreg.gather [hbm4b:s3+s2], $0x80, v3, vm0, $0xb8;
	[tilespmem:$0x1C580] =	vst v63  }
0xef: {  	s23 =	simm.s32 $0x1BD80;
	s24 =	simm.s32 $0x1D80;
	s25 =	simm.s32 $0xA580  }
0xf0: {  	[tilespmem:s23], [sflag:$0x2] =	stream.indirect_vreg.gather [hbm4b:s5+s2], $0x80, v3, vm0, $0xb8;
	[tilespmem:$0x1C580] =	vst v63  }
.LBB2_2:
0xf1: {  	_ =	swait.ge [sflag:s14], $0x2000  }
0xf2: {  	[sflag:s14] =	ssyncset.done $0x0  }
0xf3: {  	[sflag:s14] =	ssyncadd.s32 $0xFFFFE000  }
0xf4: {  	_ =	swait.ge [sflag:s14], $0x2000  }
0xf5: {  	[sflag:s14] =	ssyncset.done $0x0  }
0xf6: {  	[sflag:s14] =	ssyncadd.s32 $0xFFFFE000  }
0xf7: {  	_ =	swait.ge [sflag:s14], $0x2000  }
0xf8: {  	[sflag:s14] =	ssyncset.done $0x0  }
0xf9: {  	[sflag:s14] =	ssyncadd.s32 $0xFFFFE000  }
0xfa: {  	_ =	swait.ge [sflag:s14], $0x2000  }
0xfb: {  	[sflag:s14] =	ssyncset.done $0x0  }
0xfc: {  	[sflag:s14] =	ssyncadd.s32 $0xFFFFE000  }
0xfd: {  	_ =	swait.ge [sflag:s14], $0x2000  }
0xfe: {  	[sflag:s14] =	ssyncset.done $0x0  }
0xff: {  	[sflag:s14] =	ssyncadd.s32 $0xFFFFE000  }
0x100: {  	_ =	swait.ge [sflag:s14], $0x2000  }
0x101: {  	[sflag:s14] =	ssyncset.done $0x0  }
0x102: {  	[sflag:s14] =	ssyncadd.s32 $0xFFFFE000  }
0x103: {  	_ =	swait.ge [sflag:s14], $0x2000  }
0x104: {  	[sflag:s14] =	ssyncset.done $0x0  }
0x105: {  	s21 =	sadd.s32 $0xFFFFE400, s19;
	s1 =	simm.s32 $0x580;
	[sflag:s14] =	ssyncadd.s32 $0xFFFFE000  }
0x106: {  	[hbm4b:s21+s2] =	stream.linear.scatter [tilespmem:s1], [sflag:$0x3], $0xE000, $0x38;
	[tilespmem:$0x1C580] =	vst v63  }
0x107: {  	_ =	swait.ge [sflag:s15], $0xE000  }
0x108: {  	[sflag:s15] =	ssyncset.done $0x0  }
0x109: {  	[sflag:s15] =	ssyncadd.s32 $0xFFFF2000  }
0x10a: {  	v3 =	vld [tilespmem:s18+$0xFFFFFF30];
	_ =	sdelay $0x4  }
0x10b: {  	v4 =	vshll.u32 v3, $0x2  }
0x10c: {  	v3 =	vand.u32 $0x7, v3;
	v4 =	vand.u32 $0xFFFFFFE0, v4  }
0x10d: {  	v3 =	vor.u32 v3, v4  }
0x10e: {  	v4 =	vperm.xlane v3, v0;
	_ =	sdelay $0x1  }
0x10f: {  	v4 =	vadd.s32 v1, v4;
	_ =	sdelay $0x1  }
0x110: {  	v3 =	vperm.xlane v3, v2;
	_ =	sdelay $0x1  }
0x111: {  	v3 =	vadd.s32 v1, v3  }
0x112: {  	[tilespmem:s1], [sflag:$0x1] =	stream.indirect_vreg.gather [hbm4b:s3+s2], $0x80, v4, vm0, $0xb8;
	[tilespmem:$0x1C580] =	vst v63  }
0x113: {  	s0 =	simm.s32 $0xD80  }
0x114: {  	[tilespmem:s0], [sflag:$0x1] =	stream.indirect_vreg.gather [hbm4b:s5+s2], $0x80, v4, vm0, $0xb8;
	[tilespmem:$0x1C580] =	vst v63  }
0x115: {  	s1 =	simm.s32 $0x1580  }
0x116: {  	[tilespmem:s1], [sflag:$0x1] =	stream.indirect_vreg.gather [hbm4b:s3+s2], $0x80, v3, vm0, $0xb8;
	[tilespmem:$0x1C580] =	vst v63  }
0x117: {  	_ = 	snop  }
0x118: {  	[tilespmem:s24], [sflag:$0x1] =	stream.indirect_vreg.gather [hbm4b:s5+s2], $0x80, v3, vm0, $0xb8;
	[tilespmem:$0x1C580] =	vst v63  }
0x119: {  	v3 =	vld [tilespmem:s18+$0xFFFFFF40];
	_ =	sdelay $0x4  }
0x11a: {  	v51 =	vshll.u32 v3, $0x2  }
0x11b: {  	v3 =	vand.u32 $0x7, v3;
	v4 =	vand.u32 $0xFFFFFFE0, v51  }
0x11c: {  	v3 =	vor.u32 v3, v4  }
0x11d: {  	v4 =	vperm.xlane v3, v0;
	_ =	sdelay $0x1  }
0x11e: {  	v4 =	vadd.s32 v1, v4;
	_ =	sdelay $0x1  }
0x11f: {  	v3 =	vperm.xlane v3, v2;
	_ =	sdelay $0x1  }
0x120: {  	s21 =	simm.s32 $0x2580;
	v3 =	vadd.s32 v1, v3  }
0x121: {  	[tilespmem:s21], [sflag:$0x1] =	stream.indirect_vreg.gather [hbm4b:s3+s2], $0x80, v4, vm0, $0xb8;
	[tilespmem:$0x1C580] =	vst v63  }
0x122: {  	s1 =	simm.s32 $0x2D80  }
0x123: {  	[tilespmem:s1], [sflag:$0x1] =	stream.indirect_vreg.gather [hbm4b:s5+s2], $0x80, v4, vm0, $0xb8;
	[tilespmem:$0x1C580] =	vst v63  }
0x124: {  	_ = 	snop  }
0x125: {  	[tilespmem:s28], [sflag:$0x1] =	stream.indirect_vreg.gather [hbm4b:s3+s2], $0x80, v3, vm0, $0xb8;
	[tilespmem:$0x1C580] =	vst v63  }
0x126: {  	s21 =	simm.s32 $0x3D80  }
0x127: {  	[tilespmem:s21], [sflag:$0x1] =	stream.indirect_vreg.gather [hbm4b:s5+s2], $0x80, v3, vm0, $0xb8;
	[tilespmem:$0x1C580] =	vst v63  }
0x128: {  	s21 =	sand.u32 $0x7E0, s20  }
0x129: {  	v3 =	vld [tilespmem:s21+$0x100];
	_ =	sdelay $0x4  }
0x12a: {  	v52 =	vshll.u32 v3, $0x2  }
0x12b: {  	v3 =	vand.u32 $0x7, v3;
	v4 =	vand.u32 $0xFFFFFFE0, v52  }
0x12c: {  	v3 =	vor.u32 v3, v4  }
0x12d: {  	v4 =	vperm.xlane v3, v0;
	_ =	sdelay $0x1  }
0x12e: {  	v4 =	vadd.s32 v1, v4;
	_ =	sdelay $0x1  }
0x12f: {  	v3 =	vperm.xlane v3, v2;
	_ =	sdelay $0x1  }
0x130: {  	v3 =	vadd.s32 v1, v3  }
0x131: {  	[tilespmem:s30], [sflag:$0x1] =	stream.indirect_vreg.gather [hbm4b:s3+s2], $0x80, v4, vm0, $0xb8;
	[tilespmem:$0x1C580] =	vst v63  }
0x132: {  	_ = 	snop  }
0x133: {  	[tilespmem:s31], [sflag:$0x1] =	stream.indirect_vreg.gather [hbm4b:s5+s2], $0x80, v4, vm0, $0xb8;
	[tilespmem:$0x1C580] =	vst v63  }
0x134: {  	s1 =	simm.s32 $0x5580  }
0x135: {  	[tilespmem:s1], [sflag:$0x1] =	stream.indirect_vreg.gather [hbm4b:s3+s2], $0x80, v3, vm0, $0xb8;
	[tilespmem:$0x1C580] =	vst v63  }
0x136: {  	s1 =	simm.s32 $0x5D80  }
0x137: {  	[tilespmem:s1], [sflag:$0x1] =	stream.indirect_vreg.gather [hbm4b:s5+s2], $0x80, v3, vm0, $0xb8;
	[tilespmem:$0x1C580] =	vst v63  }
0x138: {  	v3 =	vld [tilespmem:s18+$0xFFFFFF60];
	_ =	sdelay $0x4  }
0x139: {  	v53 =	vshll.u32 v3, $0x2  }
0x13a: {  	v3 =	vand.u32 $0x7, v3;
	v4 =	vand.u32 $0xFFFFFFE0, v53  }
0x13b: {  	v3 =	vor.u32 v3, v4  }
0x13c: {  	v4 =	vperm.xlane v3, v0;
	_ =	sdelay $0x1  }
0x13d: {  	v4 =	vadd.s32 v1, v4;
	_ =	sdelay $0x1  }
0x13e: {  	v3 =	vperm.xlane v3, v2;
	_ =	sdelay $0x1  }
0x13f: {  	s1 =	simm.s32 $0x6580;
	v3 =	vadd.s32 v1, v3  }
0x140: {  	[tilespmem:s1], [sflag:$0x1] =	stream.indirect_vreg.gather [hbm4b:s3+s2], $0x80, v4, vm0, $0xb8;
	[tilespmem:$0x1C580] =	vst v63  }
0x141: {  	s1 =	simm.s32 $0x6D80  }
0x142: {  	[tilespmem:s1], [sflag:$0x1] =	stream.indirect_vreg.gather [hbm4b:s5+s2], $0x80, v4, vm0, $0xb8;
	[tilespmem:$0x1C580] =	vst v63  }
0x143: {  	_ = 	snop  }
0x144: {  	[tilespmem:s7], [sflag:$0x1] =	stream.indirect_vreg.gather [hbm4b:s3+s2], $0x80, v3, vm0, $0xb8;
	[tilespmem:$0x1C580] =	vst v63  }
0x145: {  	_ = 	snop  }
0x146: {  	[tilespmem:s8], [sflag:$0x1] =	stream.indirect_vreg.gather [hbm4b:s5+s2], $0x80, v3, vm0, $0xb8;
	[tilespmem:$0x1C580] =	vst v63  }
0x147: {  	v3 =	vld [tilespmem:s18+$0xFFFFFF70];
	_ =	sdelay $0x4  }
0x148: {  	v54 =	vshll.u32 v3, $0x2  }
0x149: {  	v3 =	vand.u32 $0x7, v3;
	v4 =	vand.u32 $0xFFFFFFE0, v54  }
0x14a: {  	v3 =	vor.u32 v3, v4  }
0x14b: {  	v4 =	vperm.xlane v3, v0;
	_ =	sdelay $0x1  }
0x14c: {  	v4 =	vadd.s32 v1, v4;
	_ =	sdelay $0x1  }
0x14d: {  	v3 =	vperm.xlane v3, v2;
	_ =	sdelay $0x1  }
0x14e: {  	v3 =	vadd.s32 v1, v3  }
0x14f: {  	[tilespmem:s9], [sflag:$0x1] =	stream.indirect_vreg.gather [hbm4b:s3+s2], $0x80, v4, vm0, $0xb8;
	[tilespmem:$0x1C580] =	vst v63  }
0x150: {  	_ = 	snop  }
0x151: {  	[tilespmem:s10], [sflag:$0x1] =	stream.indirect_vreg.gather [hbm4b:s5+s2], $0x80, v4, vm0, $0xb8;
	[tilespmem:$0x1C580] =	vst v63  }
0x152: {  	_ = 	snop  }
0x153: {  	[tilespmem:s13], [sflag:$0x1] =	stream.indirect_vreg.gather [hbm4b:s3+s2], $0x80, v3, vm0, $0xb8;
	[tilespmem:$0x1C580] =	vst v63  }
0x154: {  	_ = 	snop  }
0x155: {  	[tilespmem:s11], [sflag:$0x1] =	stream.indirect_vreg.gather [hbm4b:s5+s2], $0x80, v3, vm0, $0xb8;
	[tilespmem:$0x1C580] =	vst v63  }
0x156: {  	v3 =	vld [tilespmem:s18+$0xFFFFFF80];
	_ =	sdelay $0x4  }
0x157: {  	v55 =	vshll.u32 v3, $0x2  }
0x158: {  	v3 =	vand.u32 $0x7, v3;
	v4 =	vand.u32 $0xFFFFFFE0, v55  }
0x159: {  	v3 =	vor.u32 v3, v4  }
0x15a: {  	v4 =	vperm.xlane v3, v0;
	_ =	sdelay $0x1  }
0x15b: {  	v4 =	vadd.s32 v1, v4;
	_ =	sdelay $0x1  }
0x15c: {  	v3 =	vperm.xlane v3, v2;
	_ =	sdelay $0x1  }
0x15d: {  	v3 =	vadd.s32 v1, v3  }
0x15e: {  	[tilespmem:s25], [sflag:$0x1] =	stream.indirect_vreg.gather [hbm4b:s3+s2], $0x80, v4, vm0, $0xb8;
	[tilespmem:$0x1C580] =	vst v63  }
0x15f: {  	_ = 	snop  }
0x160: {  	[tilespmem:s22], [sflag:$0x1] =	stream.indirect_vreg.gather [hbm4b:s5+s2], $0x80, v4, vm0, $0xb8;
	[tilespmem:$0x1C580] =	vst v63  }
0x161: {  	_ = 	snop  }
0x162: {  	[tilespmem:s29], [sflag:$0x1] =	stream.indirect_vreg.gather [hbm4b:s3+s2], $0x80, v3, vm0, $0xb8;
	[tilespmem:$0x1C580] =	vst v63  }
0x163: {  	s1 =	simm.s32 $0xBD80  }
0x164: {  	[tilespmem:s1], [sflag:$0x1] =	stream.indirect_vreg.gather [hbm4b:s5+s2], $0x80, v3, vm0, $0xb8;
	[tilespmem:$0x1C580] =	vst v63  }
0x165: {  	v3 =	vld [tilespmem:s18+$0xFFFFFF90];
	_ =	sdelay $0x4  }
0x166: {  	v56 =	vshll.u32 v3, $0x2  }
0x167: {  	v3 =	vand.u32 $0x7, v3;
	v4 =	vand.u32 $0xFFFFFFE0, v56  }
0x168: {  	v3 =	vor.u32 v3, v4  }
0x169: {  	v4 =	vperm.xlane v3, v0;
	_ =	sdelay $0x1  }
0x16a: {  	v4 =	vadd.s32 v1, v4;
	_ =	sdelay $0x1  }
0x16b: {  	v3 =	vperm.xlane v3, v2;
	_ =	sdelay $0x1  }
0x16c: {  	s1 =	simm.s32 $0xC580;
	v3 =	vadd.s32 v1, v3  }
0x16d: {  	[tilespmem:s1], [sflag:$0x1] =	stream.indirect_vreg.gather [hbm4b:s3+s2], $0x80, v4, vm0, $0xb8;
	[tilespmem:$0x1C580] =	vst v63  }
0x16e: {  	s1 =	simm.s32 $0xCD80  }
0x16f: {  	[tilespmem:s1], [sflag:$0x1] =	stream.indirect_vreg.gather [hbm4b:s5+s2], $0x80, v4, vm0, $0xb8;
	[tilespmem:$0x1C580] =	vst v63  }
0x170: {  	s1 =	simm.s32 $0xD580  }
0x171: {  	[tilespmem:s1], [sflag:$0x1] =	stream.indirect_vreg.gather [hbm4b:s3+s2], $0x80, v3, vm0, $0xb8;
	[tilespmem:$0x1C580] =	vst v63  }
0x172: {  	s1 =	simm.s32 $0xDD80  }
0x173: {  	[tilespmem:s1], [sflag:$0x1] =	stream.indirect_vreg.gather [hbm4b:s5+s2], $0x80, v3, vm0, $0xb8;
	[tilespmem:$0x1C580] =	vst v63  }
0x174: {  	_ =	swait.ge [sflag:s16], $0x2000  }
0x175: {  	[sflag:s16] =	ssyncset.done $0x0  }
0x176: {  	[sflag:s16] =	ssyncadd.s32 $0xFFFFE000  }
0x177: {  	_ =	swait.ge [sflag:s16], $0x2000  }
0x178: {  	[sflag:s16] =	ssyncset.done $0x0  }
0x179: {  	[sflag:s16] =	ssyncadd.s32 $0xFFFFE000  }
0x17a: {  	_ =	swait.ge [sflag:s16], $0x2000  }
0x17b: {  	[sflag:s16] =	ssyncset.done $0x0  }
0x17c: {  	[sflag:s16] =	ssyncadd.s32 $0xFFFFE000  }
0x17d: {  	_ =	swait.ge [sflag:s16], $0x2000  }
0x17e: {  	[sflag:s16] =	ssyncset.done $0x0  }
0x17f: {  	[sflag:s16] =	ssyncadd.s32 $0xFFFFE000  }
0x180: {  	_ =	swait.ge [sflag:s16], $0x2000  }
0x181: {  	[sflag:s16] =	ssyncset.done $0x0  }
0x182: {  	[sflag:s16] =	ssyncadd.s32 $0xFFFFE000  }
0x183: {  	_ =	swait.ge [sflag:s16], $0x2000  }
0x184: {  	[sflag:s16] =	ssyncset.done $0x0  }
0x185: {  	[sflag:s16] =	ssyncadd.s32 $0xFFFFE000  }
0x186: {  	_ =	swait.ge [sflag:s16], $0x2000  }
0x187: {  	[sflag:s16] =	ssyncset.done $0x0  }
0x188: {  	s0 =	simm.s32 $0xE580;
	[sflag:s16] =	ssyncadd.s32 $0xFFFFE000  }
0x189: {  	[hbm4b:s19+s2] =	stream.linear.scatter [tilespmem:s0], [sflag:$0x4], $0xE000, $0x38;
	[tilespmem:$0x1C580] =	vst v63  }
0x18a: {  	_ =	swait.ge [sflag:s17], $0xE000  }
0x18b: {  	[sflag:s17] =	ssyncset.done $0x0  }
0x18c: {  	[sflag:s17] =	ssyncadd.s32 $0xFFFF2000  }
0x18d: {  	v3 =	vld [tilespmem:s18+$0xFFFFFFA0];
	_ =	sdelay $0x4  }
0x18e: {  	v57 =	vshll.u32 v3, $0x2  }
0x18f: {  	v3 =	vand.u32 $0x7, v3;
	v4 =	vand.u32 $0xFFFFFFE0, v57  }
0x190: {  	v3 =	vor.u32 v3, v4  }
0x191: {  	v4 =	vperm.xlane v3, v0;
	_ =	sdelay $0x1  }
0x192: {  	v4 =	vadd.s32 v1, v4;
	_ =	sdelay $0x1  }
0x193: {  	v3 =	vperm.xlane v3, v2;
	_ =	sdelay $0x1  }
0x194: {  	v3 =	vadd.s32 v1, v3  }
0x195: {  	[tilespmem:s0], [sflag:$0x2] =	stream.indirect_vreg.gather [hbm4b:s3+s2], $0x80, v4, vm0, $0xb8;
	[tilespmem:$0x1C580] =	vst v63  }
0x196: {  	s0 =	simm.s32 $0xED80  }
0x197: {  	[tilespmem:s0], [sflag:$0x2] =	stream.indirect_vreg.gather [hbm4b:s5+s2], $0x80, v4, vm0, $0xb8;
	[tilespmem:$0x1C580] =	vst v63  }
0x198: {  	s0 =	simm.s32 $0xF580  }
0x199: {  	[tilespmem:s0], [sflag:$0x2] =	stream.indirect_vreg.gather [hbm4b:s3+s2], $0x80, v3, vm0, $0xb8;
	[tilespmem:$0x1C580] =	vst v63  }
0x19a: {  	s0 =	simm.s32 $0xFD80  }
0x19b: {  	[tilespmem:s0], [sflag:$0x2] =	stream.indirect_vreg.gather [hbm4b:s5+s2], $0x80, v3, vm0, $0xb8;
	[tilespmem:$0x1C580] =	vst v63  }
0x19c: {  	v3 =	vld [tilespmem:s18+$0xFFFFFFB0];
	_ =	sdelay $0x4  }
0x19d: {  	v58 =	vshll.u32 v3, $0x2  }
0x19e: {  	v3 =	vand.u32 $0x7, v3;
	v4 =	vand.u32 $0xFFFFFFE0, v58  }
0x19f: {  	v3 =	vor.u32 v3, v4  }
0x1a0: {  	v4 =	vperm.xlane v3, v0;
	_ =	sdelay $0x1  }
0x1a1: {  	v4 =	vadd.s32 v1, v4;
	_ =	sdelay $0x1  }
0x1a2: {  	v3 =	vperm.xlane v3, v2;
	_ =	sdelay $0x1  }
0x1a3: {  	s0 =	simm.s32 $0x10580;
	v3 =	vadd.s32 v1, v3  }
0x1a4: {  	[tilespmem:s0], [sflag:$0x2] =	stream.indirect_vreg.gather [hbm4b:s3+s2], $0x80, v4, vm0, $0xb8;
	[tilespmem:$0x1C580] =	vst v63  }
0x1a5: {  	s0 =	simm.s32 $0x10D80  }
0x1a6: {  	[tilespmem:s0], [sflag:$0x2] =	stream.indirect_vreg.gather [hbm4b:s5+s2], $0x80, v4, vm0, $0xb8;
	[tilespmem:$0x1C580] =	vst v63  }
0x1a7: {  	s0 =	simm.s32 $0x11580  }
0x1a8: {  	[tilespmem:s0], [sflag:$0x2] =	stream.indirect_vreg.gather [hbm4b:s3+s2], $0x80, v3, vm0, $0xb8;
	[tilespmem:$0x1C580] =	vst v63  }
0x1a9: {  	s0 =	simm.s32 $0x11D80  }
0x1aa: {  	[tilespmem:s0], [sflag:$0x2] =	stream.indirect_vreg.gather [hbm4b:s5+s2], $0x80, v3, vm0, $0xb8;
	[tilespmem:$0x1C580] =	vst v63  }
0x1ab: {  	v3 =	vld [tilespmem:s18+$0xFFFFFFC0];
	_ =	sdelay $0x4  }
0x1ac: {  	v59 =	vshll.u32 v3, $0x2  }
0x1ad: {  	v3 =	vand.u32 $0x7, v3;
	v4 =	vand.u32 $0xFFFFFFE0, v59  }
0x1ae: {  	v3 =	vor.u32 v3, v4  }
0x1af: {  	v4 =	vperm.xlane v3, v0;
	_ =	sdelay $0x1  }
0x1b0: {  	v4 =	vadd.s32 v1, v4;
	_ =	sdelay $0x1  }
0x1b1: {  	v3 =	vperm.xlane v3, v2;
	_ =	sdelay $0x1  }
0x1b2: {  	s0 =	simm.s32 $0x12580;
	v3 =	vadd.s32 v1, v3  }
0x1b3: {  	[tilespmem:s0], [sflag:$0x2] =	stream.indirect_vreg.gather [hbm4b:s3+s2], $0x80, v4, vm0, $0xb8;
	[tilespmem:$0x1C580] =	vst v63  }
0x1b4: {  	s0 =	simm.s32 $0x12D80  }
0x1b5: {  	[tilespmem:s0], [sflag:$0x2] =	stream.indirect_vreg.gather [hbm4b:s5+s2], $0x80, v4, vm0, $0xb8;
	[tilespmem:$0x1C580] =	vst v63  }
0x1b6: {  	s0 =	simm.s32 $0x13580  }
0x1b7: {  	[tilespmem:s0], [sflag:$0x2] =	stream.indirect_vreg.gather [hbm4b:s3+s2], $0x80, v3, vm0, $0xb8;
	[tilespmem:$0x1C580] =	vst v63  }
0x1b8: {  	s0 =	simm.s32 $0x13D80  }
0x1b9: {  	[tilespmem:s0], [sflag:$0x2] =	stream.indirect_vreg.gather [hbm4b:s5+s2], $0x80, v3, vm0, $0xb8;
	[tilespmem:$0x1C580] =	vst v63  }
0x1ba: {  	v3 =	vld [tilespmem:s21+$0x180];
	_ =	sdelay $0x4  }
0x1bb: {  	v60 =	vshll.u32 v3, $0x2  }
0x1bc: {  	v3 =	vand.u32 $0x7, v3;
	v4 =	vand.u32 $0xFFFFFFE0, v60  }
0x1bd: {  	v3 =	vor.u32 v3, v4  }
0x1be: {  	v4 =	vperm.xlane v3, v0;
	_ =	sdelay $0x1  }
0x1bf: {  	v4 =	vadd.s32 v1, v4;
	_ =	sdelay $0x1  }
0x1c0: {  	v3 =	vperm.xlane v3, v2;
	_ =	sdelay $0x1  }
0x1c1: {  	s21 =	simm.s32 $0x14580;
	v3 =	vadd.s32 v1, v3  }
0x1c2: {  	[tilespmem:s21], [sflag:$0x2] =	stream.indirect_vreg.gather [hbm4b:s3+s2], $0x80, v4, vm0, $0xb8;
	[tilespmem:$0x1C580] =	vst v63  }
0x1c3: {  	s21 =	simm.s32 $0x14D80  }
0x1c4: {  	[tilespmem:s21], [sflag:$0x2] =	stream.indirect_vreg.gather [hbm4b:s5+s2], $0x80, v4, vm0, $0xb8;
	[tilespmem:$0x1C580] =	vst v63  }
0x1c5: {  	s21 =	simm.s32 $0x15580  }
0x1c6: {  	[tilespmem:s21], [sflag:$0x2] =	stream.indirect_vreg.gather [hbm4b:s3+s2], $0x80, v3, vm0, $0xb8;
	[tilespmem:$0x1C580] =	vst v63  }
0x1c7: {  	s21 =	simm.s32 $0x15D80  }
0x1c8: {  	[tilespmem:s21], [sflag:$0x2] =	stream.indirect_vreg.gather [hbm4b:s5+s2], $0x80, v3, vm0, $0xb8;
	[tilespmem:$0x1C580] =	vst v63  }
0x1c9: {  	v3 =	vld [tilespmem:s18+$0xFFFFFFE0];
	_ =	sdelay $0x4  }
0x1ca: {  	v61 =	vshll.u32 v3, $0x2  }
0x1cb: {  	v3 =	vand.u32 $0x7, v3;
	v4 =	vand.u32 $0xFFFFFFE0, v61  }
0x1cc: {  	v3 =	vor.u32 v3, v4  }
0x1cd: {  	v4 =	vperm.xlane v3, v0;
	_ =	sdelay $0x1  }
0x1ce: {  	v4 =	vadd.s32 v1, v4;
	_ =	sdelay $0x1  }
0x1cf: {  	v3 =	vperm.xlane v3, v2;
	_ =	sdelay $0x1  }
0x1d0: {  	s21 =	simm.s32 $0x16580;
	v3 =	vadd.s32 v1, v3  }
0x1d1: {  	[tilespmem:s21], [sflag:$0x2] =	stream.indirect_vreg.gather [hbm4b:s3+s2], $0x80, v4, vm0, $0xb8;
	[tilespmem:$0x1C580] =	vst v63  }
0x1d2: {  	s21 =	simm.s32 $0x16D80  }
0x1d3: {  	[tilespmem:s21], [sflag:$0x2] =	stream.indirect_vreg.gather [hbm4b:s5+s2], $0x80, v4, vm0, $0xb8;
	[tilespmem:$0x1C580] =	vst v63  }
0x1d4: {  	s21 =	simm.s32 $0x17580  }
0x1d5: {  	[tilespmem:s21], [sflag:$0x2] =	stream.indirect_vreg.gather [hbm4b:s3+s2], $0x80, v3, vm0, $0xb8;
	[tilespmem:$0x1C580] =	vst v63  }
0x1d6: {  	s21 =	simm.s32 $0x17D80  }
0x1d7: {  	[tilespmem:s21], [sflag:$0x2] =	stream.indirect_vreg.gather [hbm4b:s5+s2], $0x80, v3, vm0, $0xb8;
	[tilespmem:$0x1C580] =	vst v63  }
0x1d8: {  	v3 =	vld [tilespmem:s18+$0xFFFFFFF0];
	_ =	sdelay $0x4  }
0x1d9: {  	v62 =	vshll.u32 v3, $0x2  }
0x1da: {  	v3 =	vand.u32 $0x7, v3;
	v4 =	vand.u32 $0xFFFFFFE0, v62  }
0x1db: {  	v3 =	vor.u32 v3, v4  }
0x1dc: {  	v4 =	vperm.xlane v3, v0;
	_ =	sdelay $0x1  }
0x1dd: {  	v4 =	vadd.s32 v1, v4;
	_ =	sdelay $0x1  }
0x1de: {  	v3 =	vperm.xlane v3, v2;
	_ =	sdelay $0x1  }
0x1df: {  	s21 =	simm.s32 $0x18580;
	v3 =	vadd.s32 v1, v3  }
0x1e0: {  	[tilespmem:s21], [sflag:$0x2] =	stream.indirect_vreg.gather [hbm4b:s3+s2], $0x80, v4, vm0, $0xb8;
	[tilespmem:$0x1C580] =	vst v63  }
0x1e1: {  	s21 =	simm.s32 $0x18D80  }
0x1e2: {  	[tilespmem:s21], [sflag:$0x2] =	stream.indirect_vreg.gather [hbm4b:s5+s2], $0x80, v4, vm0, $0xb8;
	[tilespmem:$0x1C580] =	vst v63  }
0x1e3: {  	s21 =	simm.s32 $0x19580  }
0x1e4: {  	[tilespmem:s21], [sflag:$0x2] =	stream.indirect_vreg.gather [hbm4b:s3+s2], $0x80, v3, vm0, $0xb8;
	[tilespmem:$0x1C580] =	vst v63  }
0x1e5: {  	s21 =	simm.s32 $0x19D80  }
0x1e6: {  	[tilespmem:s21], [sflag:$0x2] =	stream.indirect_vreg.gather [hbm4b:s5+s2], $0x80, v3, vm0, $0xb8;
	[tilespmem:$0x1C580] =	vst v63  }
0x1e7: {  	v3 =	vld [tilespmem:s18+$0x0];
	_ =	sdelay $0x4  }
0x1e8: {  	v63 =	vshll.u32 v3, $0x2  }
0x1e9: {  	v3 =	vand.u32 $0x7, v3;
	v4 =	vand.u32 $0xFFFFFFE0, v63  }
0x1ea: {  	v3 =	vor.u32 v3, v4  }
0x1eb: {  	v4 =	vperm.xlane v3, v0;
	_ =	sdelay $0x1  }
0x1ec: {  	v4 =	vadd.s32 v1, v4;
	_ =	sdelay $0x2  }
0x1ed: {  	v3 =	vperm.xlane v3, v2;
	_ =	sdelay $0x1  }
0x1ee: {  	v3 =	vadd.s32 v1, v3;
	[tilespmem:s4], [sflag:$0x2] =	stream.indirect_vreg.gather [hbm4b:s3+s2], $0x80, v4, vm0, $0xb8;
	[tilespmem:$0x1C580] =	vst v63  }
0x1ef: {  	p0 =	sne.s32 s20, $0x380  }
0x1f0: {  	[tilespmem:s26], [sflag:$0x2] =	stream.indirect_vreg.gather [hbm4b:s5+s2], $0x80, v4, vm0, $0xb8;
	[tilespmem:$0x1C580] =	vst v63  }
.Ltmp0:
0x1f1: {  	_ = 	snop;
	(pc) =	sbr.rel @p0 .LBB2_2-.Ltmp0, $4  }
0x1f2: {  	s12 =	simm.s32 $0x580;
	s20 =	sadd.s32 $0xE0, s20  }
0x1f3: {  	[tilespmem:s6], [sflag:$0x2] =	stream.indirect_vreg.gather [hbm4b:s3+s2], $0x80, v3, vm0, $0xb8;
	[tilespmem:$0x1C580] =	vst v63  }
0x1f4: {  	s1 =	simm.s32 $0xE580;
	s19 =	sadd.s32 $0x3800, s19;
	s18 =	sadd.s32 $0xE0, s18  }
0x1f5: {  	[tilespmem:s23], [sflag:$0x2] =	stream.indirect_vreg.gather [hbm4b:s5+s2], $0x80, v3, vm0, $0xb8;
	[tilespmem:$0x1C580] =	vst v63  }
0x1f6: {  	_ =	swait.ge [sflag:s14], $0x2000  }
0x1f7: {  	[sflag:s14] =	ssyncset.done $0x0  }
0x1f8: {  	[sflag:s14] =	ssyncadd.s32 $0xFFFFE000  }
0x1f9: {  	_ =	swait.ge [sflag:s14], $0x2000  }
0x1fa: {  	[sflag:s14] =	ssyncset.done $0x0  }
0x1fb: {  	[sflag:s14] =	ssyncadd.s32 $0xFFFFE000  }
0x1fc: {  	_ =	swait.ge [sflag:s14], $0x2000  }
0x1fd: {  	[sflag:s14] =	ssyncset.done $0x0  }
0x1fe: {  	[sflag:s14] =	ssyncadd.s32 $0xFFFFE000  }
0x1ff: {  	_ =	swait.ge [sflag:s14], $0x2000  }
0x200: {  	[sflag:s14] =	ssyncset.done $0x0  }
0x201: {  	[sflag:s14] =	ssyncadd.s32 $0xFFFFE000  }
0x202: {  	_ =	swait.ge [sflag:s14], $0x2000  }
0x203: {  	[sflag:s14] =	ssyncset.done $0x0  }
0x204: {  	[sflag:s14] =	ssyncadd.s32 $0xFFFFE000  }
0x205: {  	_ =	swait.ge [sflag:s14], $0x2000  }
0x206: {  	[sflag:s14] =	ssyncset.done $0x0  }
0x207: {  	[sflag:s14] =	ssyncadd.s32 $0xFFFFE000  }
0x208: {  	_ =	swait.ge [sflag:s14], $0x2000  }
0x209: {  	[sflag:s14] =	ssyncset.done $0x0  }
0x20a: {  	s18 =	rddreg [dreg:$0x3];
	[sflag:s14] =	ssyncadd.s32 $0xFFFFE000  }
0x20b: {  	[hbm4b:s18+s2] =	stream.linear.scatter [tilespmem:s12], [sflag:$0x3], $0xE000, $0x38;
	[tilespmem:$0x1C580] =	vst v63  }
0x20c: {  	_ =	swait.ge [sflag:s16], $0x2000  }
0x20d: {  	[sflag:s16] =	ssyncset.done $0x0  }
0x20e: {  	[sflag:s16] =	ssyncadd.s32 $0xFFFFE000  }
0x20f: {  	_ =	swait.ge [sflag:s16], $0x2000  }
0x210: {  	[sflag:s16] =	ssyncset.done $0x0  }
0x211: {  	[sflag:s16] =	ssyncadd.s32 $0xFFFFE000  }
0x212: {  	_ =	swait.ge [sflag:s16], $0x2000  }
0x213: {  	[sflag:s16] =	ssyncset.done $0x0  }
0x214: {  	[sflag:s16] =	ssyncadd.s32 $0xFFFFE000  }
0x215: {  	_ =	swait.ge [sflag:s16], $0x2000  }
0x216: {  	[sflag:s16] =	ssyncset.done $0x0  }
0x217: {  	[sflag:s16] =	ssyncadd.s32 $0xFFFFE000  }
0x218: {  	_ =	swait.ge [sflag:s16], $0x2000  }
0x219: {  	[sflag:s16] =	ssyncset.done $0x0  }
0x21a: {  	[sflag:s16] =	ssyncadd.s32 $0xFFFFE000  }
0x21b: {  	_ =	swait.ge [sflag:s16], $0x2000  }
0x21c: {  	[sflag:s16] =	ssyncset.done $0x0  }
0x21d: {  	[sflag:s16] =	ssyncadd.s32 $0xFFFFE000  }
0x21e: {  	_ =	swait.ge [sflag:s16], $0x2000  }
0x21f: {  	[sflag:s16] =	ssyncset.done $0x0  }
0x220: {  	s25 =	rddreg [dreg:$0x4];
	[sflag:s16] =	ssyncadd.s32 $0xFFFFE000  }
0x221: {  	[hbm4b:s25+s2] =	stream.linear.scatter [tilespmem:s1], [sflag:$0x4], $0xE000, $0x38;
	[tilespmem:$0x1C580] =	vst v63  }
0x222: {  	_ =	swait.ge [sflag:s15], $0xE000  }
0x223: {  	s19 =	simm.s32 $0xD80;
	[sflag:s15] =	ssyncset.done $0x0  }
0x224: {  	s20 =	simm.s32 $0x1580;
	s21 =	simm.s32 $0x1D80;
	[sflag:s15] =	ssyncadd.s32 $0xFFFF2000  }
0x225: {  	s22 =	simm.s32 $0x2580;
	s23 =	simm.s32 $0x2D80;
	_ =	swait.ge [sflag:s17], $0xE000  }
0x226: {  	s24 =	simm.s32 $0x3580;
	s28 =	simm.s32 $0x4D80;
	s0 =	rddreg [dreg:$0x7]  }
0x227: {  	s30 =	simm.s32 $0x5580;
	s26 =	rddreg [dreg:$0x5];
	s0 =	sadd.s32 $0x1, s0  }
0x228: {  	s4 =	simm.s32 $0x6580;
	s6 =	simm.s32 $0x6D80;
	p0 =	sne.s32 s0, s26  }
.Ltmp1:
0x229: {  	s7 =	simm.s32 $0x7580;
	s8 =	simm.s32 $0x7D80;
	(pc) =	sbr.rel @p0 .LBB2_1-.Ltmp1, $4  }
0x22a: {  	s9 =	simm.s32 $0x8580;
	s10 =	simm.s32 $0x8D80;
	s13 =	simm.s32 $0x9580  }
0x22b: {  	s11 =	simm.s32 $0x9D80;
	s29 =	simm.s32 $0xA580;
	[sflag:s17] =	ssyncset.done $0x0  }
0x22c: {  	s31 =	simm.s32 $0xB580;
	s25 =	simm.s32 $0x3D80;
	[sflag:s17] =	ssyncadd.s32 $0xFFFF2000  }
0x22d: {  	[dreg:$0x7] =	wrdreg s0;
	s26 =	simm.s32 $0x4580;
	s0 =	simm.s32 $0x5D80  }
0x22e: {  	_ =	sfence.sel $0x180000  }
0x22f: {  	[bflag:$0x0] =	sbarrier.arrive $0xFFFF  }
0x230: {  	_ =	strace $0x9000004A  }
0x231: {  	s0 =	stileid.u32;
	[bflag:$0x2] =	sbarrier.arrive $0xFFFF  }
0x232: {  	p0 =	sne.s32 s0, $0x0;
	s0 =	rddreg [dreg:$0x1]  }
0x233: {  	s0 =	sadd.s32 @!p0 $0x100000, s0  }
0x234: {  	[sflag:s0] =	ssyncadd.tile.s32 @!p0 $0x1;
	_ =	shalt  }
.Lfunc_end2:
_tile_overlayer_lowered:
.L_overlay_start_2:
0x235: {  	(tag) =	ssettag $0x2  }
0x236: {  	s0 =	rddreg [dreg:$0x0];
	s2 =	stileid.u32  }
0x237: {  	s1 =	rddreg [dreg:$0x1];
	p0 =	sne.s32 s2, $0x0  }
0x238: {  	s3 =	rddreg [dreg:$0x2];
	[bflag:$0x3] =	sbarrier.arrive $0xFFFF;
	s2 =	simm.s32 @!p0 $0x1C05  }
0x239: {  	[timem:s3], [sflag:s2] =	dma.local @!p0 [hbm:s0], s1  }
0x23a: {  	s0 =	simm.s32 @!p0 $0x5  }
0x23b: {  	_ =	swait.ge @!p0 [sflag:s0], s1  }
0x23c: {  	s1 =	ssub.s32 @!p0 $0x0, s1;
	[sflag:s0] =	ssyncset.done @!p0 $0x0  }
0x23d: {  	[sflag:s0] =	ssyncadd.s32 @!p0 s1  }
0x23e: {  	[bflag:$0x3] =	sbarrier.arrive $0xFFFF  }
0x23f: {  	_ =	shalt  }

// kernel: kernel.13.cloned.1.call-start
scs
__scs_entry_jumppad:
0x0: {  	(pc) =	sbr.rel $0x88, $3  }
0x1: {  	(tag) =	ssettag $0x0;
	lr =	simm.s32 $0x1  }
0x2: {  	[smem:$0x3F7E] =	sst lr;
	_ =	strace $0xD0000000  }
0x3: {  	_ = 	snop  }
0x4: {  	_ = 	snop  }
0x5: {  	_ = 	snop  }
0x6: {  	_ = 	snop  }
0x7: {  	_ = 	snop  }
__scs_overlays_trampoline_lowered:
0x8: {  	[smem:$0x3F8D] =	sst s0  }
0x9: {  	[smem:$0x3F8E] =	sst s1  }
0xa: {  	[smem:$0x3F8F] =	sst s2  }
0xb: {  	[smem:$0x3F90] =	sst s3  }
0xc: {  	[smem:$0x3F91] =	sst s4  }
0xd: {  	[smem:$0x3F92] =	sst s5  }
0xe: {  	[smem:$0x3F93] =	sst s6  }
0xf: {  	[smem:$0x3F94] =	sst s7  }
0x10: {  	[smem:$0x3F95] =	sst s8  }
0x11: {  	[smem:$0x3F96] =	sst s9;
	s0 =	simm.s32 @!p0 $0x0  }
0x12: {  	s1 =	sld [smem:$0x3F7C];
	s0 =	simm.s32 @p0 $0x1  }
0x13: {  	[smem:$0x3F97] =	sst s0;
	s0 =	simm.s32 @!p1 $0x0  }
0x14: {  	s2 =	sld [smem:$0x3F7B];
	s0 =	simm.s32 @p1 $0x1  }
0x15: {  	[smem:$0x3F98] =	sst s0;
	s0 =	simm.s32 @!p2 $0x0  }
0x16: {  	s3 =	sld [smem:$0x3FDB];
	s0 =	simm.s32 @p2 $0x1  }
0x17: {  	s4 =	simm.s32 $0x1BF5;
	[smem:$0x3F9A] =	sst s0  }
0x18: {  	s0 =	sld [smem:$0x3F7D];
	_ =	swait.ge [sflag:s4], $0x0  }
0x19: {  	s7 =	sld [smem:$0x3F7E]  }
0x1a: {  	s8 =	sadd.s32 $0xFFFFE003, lr  }
0x1b: {  	s9 =	sadd.s32 $0xFFFFFEF7, lr;
	s5 =	simm.s32 $0xFFFFFFFF;
	p2 =	slt.u32 s8, $0xFFFFF086  }
0x1c: {  	p1 =	slt.u32 s9, $0xF7A;
	s5 =	simm.s32 @!p2 $0x0  }
0x1d: {  	s5 =	simm.s32 @p1 $0x1;
	p0 =	seq.s32 s7, s2  }
0x1e: {  	s7 =	smul.u32 @!p0 $0xF7A, s2;
	p2 =	seq.s32 @!p0 s5, $0x0  }
0x1f: {  	s9 =	smul.u32 $0xF7A, s1;
	s8 =	simm.s32 @!p0 $0x1BF5;
	p2 =	por !p2, p0  }
0x20: {  	[sflag:s8] =	ssyncset.s32 @!p0 $0xFFFFF086;
	s6 =	sadd.s32 @!p0 s3, s7;
	s7 =	simm.s32 @!p0 $0x108  }
0x21: {  	s3 =	sadd.s32 s3, s9;
	s6 =	sadd.s32 @!p0 $0x88, s6;
	s7 =	simm.s32 @p2 $0x1082  }
0x22: {  	[simem:s7], [sflag:s8] =	dma.local @!p0 [hbm:s6], $0xF7A  }
0x23: {  	s9 =	sor.u32 $0xD0000000, s2;
	s6 =	simm.s32 $0x108;
	_ =	swait.ge @!p0 [sflag:s8], $0x0  }
0x24: {  	s3 =	sadd.s32 $0x88, s3;
	s6 =	simm.s32 @!p1 $0x1082;
	[sflag:s4] =	ssyncset.s32 $0xFFFFF086  }
0x25: {  	[simem:s6], [sflag:s4] =	dma.local [hbm:s3], $0xF7A  }
0x26: {  	[smem:$0x3F7E] =	sst s1;
	(tag) =	ssettag s2;
	_ =	strace s9  }
0x27: {  	s1 =	sld [smem:$0x3F8E]  }
0x28: {  	s2 =	sld [smem:$0x3F8F]  }
0x29: {  	s4 =	sld [smem:$0x3F91]  }
0x2a: {  	p0 =	seq.s32 s5, $0x0;
	s5 =	sld [smem:$0x3F92]  }
0x2b: {  	s6 =	sld [smem:$0x3F93]  }
0x2c: {  	s7 =	sld [smem:$0x3F94]  }
0x2d: {  	s3 =	simm.s32 $0x108;
	s8 =	sld [smem:$0x3F95]  }
0x2e: {  	s3 =	simm.s32 @!p0 $0x1082;
	s9 =	sld [smem:$0x3F96]  }
0x2f: {  	lr =	sadd.s32 s0, s3;
	s0 =	sld [smem:$0x3F8D]  }
0x30: {  	s3 =	sld [smem:$0x3F90]  }
0x31: {  	[smem:$0x3F99] =	sst s10  }
0x32: {  	s10 =	sld [smem:$0x3F97];
	_ =	sdelay $0x3  }
0x33: {  	p0 =	seq.s32 s10, $0x1;
	s10 =	sld [smem:$0x3F99];
	_ =	sdelay $0x3  }
0x34: {  	[smem:$0x3F99] =	sst s10  }
0x35: {  	s10 =	sld [smem:$0x3F98];
	_ =	sdelay $0x3  }
0x36: {  	p1 =	seq.s32 s10, $0x1;
	s10 =	sld [smem:$0x3F99];
	_ =	sdelay $0x3  }
0x37: {  	[smem:$0x3F99] =	sst s10  }
0x38: {  	s10 =	sld [smem:$0x3F9A]  }
0x39: {  	_ = 	snop;
	(pc) =	sbr.ind lr, $3  }
0x3a: {  	_ = 	snop  }
0x3b: {  	_ = 	snop  }
0x3c: {  	p2 =	seq.s32 s10, $0x1;
	s10 =	sld [smem:$0x3F99]  }
0x3d: {  	_ =	shalt  }
0x3e: {  	_ =	shalt  }
0x3f: {  	_ =	shalt  }
0x40: {  	_ =	shalt  }
0x41: {  	_ =	shalt  }
0x42: {  	_ =	shalt  }
0x43: {  	_ =	shalt  }
0x44: {  	_ =	shalt  }
0x45: {  	_ =	shalt  }
0x46: {  	_ =	shalt  }
0x47: {  	_ =	shalt  }
0x48: {  	_ =	shalt  }
0x49: {  	_ =	shalt  }
0x4a: {  	_ =	shalt  }
0x4b: {  	_ =	shalt  }
0x4c: {  	_ =	shalt  }
0x4d: {  	_ =	shalt  }
0x4e: {  	_ =	shalt  }
0x4f: {  	_ =	shalt  }
0x50: {  	_ =	shalt  }
0x51: {  	_ =	shalt  }
0x52: {  	_ =	shalt  }
0x53: {  	_ =	shalt  }
0x54: {  	_ =	shalt  }
0x55: {  	_ =	shalt  }
0x56: {  	_ =	shalt  }
0x57: {  	_ =	shalt  }
0x58: {  	_ =	shalt  }
0x59: {  	_ =	shalt  }
0x5a: {  	_ =	shalt  }
0x5b: {  	_ =	shalt  }
0x5c: {  	_ =	shalt  }
0x5d: {  	_ =	shalt  }
0x5e: {  	_ =	shalt  }
0x5f: {  	_ =	shalt  }
0x60: {  	_ =	shalt  }
0x61: {  	_ =	shalt  }
0x62: {  	_ =	shalt  }
0x63: {  	_ =	shalt  }
0x64: {  	_ =	shalt  }
0x65: {  	_ =	shalt  }
0x66: {  	_ =	shalt  }
0x67: {  	_ =	shalt  }
0x68: {  	_ =	shalt  }
0x69: {  	_ =	shalt  }
0x6a: {  	_ =	shalt  }
0x6b: {  	_ =	shalt  }
0x6c: {  	_ =	shalt  }
0x6d: {  	_ =	shalt  }
0x6e: {  	_ =	shalt  }
0x6f: {  	_ =	shalt  }
0x70: {  	_ =	shalt  }
0x71: {  	_ =	shalt  }
0x72: {  	_ =	shalt  }
0x73: {  	_ =	shalt  }
0x74: {  	_ =	shalt  }
0x75: {  	_ =	shalt  }
0x76: {  	_ =	shalt  }
0x77: {  	_ =	shalt  }
0x78: {  	_ =	shalt  }
0x79: {  	_ =	shalt  }
0x7a: {  	_ =	shalt  }
0x7b: {  	_ =	shalt  }
0x7c: {  	_ =	shalt  }
0x7d: {  	_ =	shalt  }
0x7e: {  	_ =	shalt  }
0x7f: {  	_ =	shalt  }
0x80: {  	_ =	shalt  }
0x81: {  	_ =	shalt  }
0x82: {  	_ =	shalt  }
0x83: {  	_ =	shalt  }
0x84: {  	_ =	shalt  }
0x85: {  	_ =	shalt  }
0x86: {  	_ =	shalt  }
0x87: {  	_ =	shalt  }
.Lfunc_end0:
.L_simem_size_0:
called_computation.1_lowered:
.L_overlay_start_0:
0x88: {  	s2 =	sld [smem:$0x3FD9]  }
0x89: {  	s3 =	sld [smem:$0x3FFE];
	_ =	sdelay $0x1  }
0x8a: {  	s1 =	srdreg.scid  }
0x8b: {  	s0 =	sand.u32 $0x1, s1  }
0x8c: {  	s17 =	sshll.u32 s0, $0xA;
	s2 =	sadd.s32 s3, s2  }
0x8d: {  	s2 =	sadd.s32 s2, s17  }
0x8e: {  	[smem:$0x3FA5] =	sst s2  }
0x8f: {  	_ = 	snop  }
0x90: {  	s2 =	sld [smem:$0x3FD0];
	(tm) =	ssettm $0x1  }
0x91: {  	s18 =	sld [smem:$0x3FFB];
	_ =	sdelay $0x3  }
0x92: {  	_ =	strace s18  }
0x93: {  	s3 =	sld [smem:$0x3FFC];
	_ =	sdelay $0x3  }
0x94: {  	_ =	strace s3  }
0x95: {  	s3 =	sld [smem:$0x3FFD];
	_ =	sdelay $0x3  }
0x96: {  	_ =	strace s3  }
0x97: {  	_ =	strace $0x8FFFFFFF  }
0x98: {  	s19 =	sld [smem:$0x3FDB];
	_ =	sdelay $0x1  }
0x99: {  	s4 =	simm.s32 $_scs_section_size  }
0x9a: {  	s5 =	simm.s32 $_size__tile_overlayer_lowered;
	s6 =	simm.s32 $_tile_overlayer_lowered  }
0x9b: {  	s22 =	simm.s32 $0x1BFF;
	s21 =	sshll.u32 s6, $0x1;
	s3 =	sadd.s32 s4, s19  }
0x9c: {  	s7 =	simm.s32 $0x0;
	s20 =	sshll.u32 s5, $0x1;
	s5 =	sadd.s32 s21, s3  }
0x9d: {  	[timem:s7], [sflag:s22] =	dma.local [hbm:s5], s20  }
0x9e: {  	_ =	swait.ge [sflag:s22], s20  }
0x9f: {  	s4 =	ssub.s32 $0x0, s20;
	[sflag:s22] =	ssyncset.done $0x0  }
0xa0: {  	[sflag:s22] =	ssyncadd.s32 s4;
	_ =	sdelay $0x1  }
0xa1: {  	s23 =	simm.s32 $0x1B8B  }
0xa2: {  	_ =	swait.ge [sflag:s23], $0x1  }
0xa3: {  	[sflag:s23] =	ssyncset.done $0x0  }
0xa4: {  	s25 =	simm.s32 $0x1B8E;
	s24 =	sld [smem:$0x3FFE];
	[sflag:s23] =	ssyncadd.s32 $0xFFFFFFFF  }
0xa5: {  	s26 =	simm.s32 $execute0_lowered;
	[smem:$0x3FD2] =	sst s25  }
0xa6: {  	s5 =	sshll.u32 s26, $0x1;
	_ =	strace $0x80000046;
	[dreg:$0x1] =	wrdreg $0xFFFFFFFF  }
0xa7: {  	s28 =	simm.s32 $_size_execute0_lowered;
	s3 =	sadd.s32 s3, s5;
	[dreg:$0x0] =	wrdreg $0x0  }
0xa8: {  	s5 =	sshll.u32 s28, $0x1;
	[dreg:$0x2] =	wrdreg s3  }
0xa9: {  	[dreg:$0x3] =	wrdreg s5  }
0xaa: {  	[dreg:$0x4] =	wrdreg $0xC0  }
0xab: {  	_ =	task [dreg:s7], $0x5FFFF  }
0xac: {  	[dreg:$0x1] =	wrdreg $0xFFFFFFFF  }
0xad: {  	[dreg:$0x0] =	wrdreg $0x60  }
0xae: {  	[dreg:$0x2] =	wrdreg s24  }
0xaf: {  	[dreg:$0x3] =	wrdreg s2  }
0xb0: {  	[dreg:$0x4] =	wrdreg $0xA  }
0xb1: {  	_ =	task.clear_ibuf [dreg:s7], $0x5FFFF;
	_ =	strace $0x90000046  }
0xb2: {  	s29 =	simm.s32 $0xA;
	_ =	strace $0x80000048  }
0xb3: {  	_ =	swait.ge [sflag:s29], $0x1  }
0xb4: {  	[sflag:s29] =	ssyncadd.s32 $0xFFFFFFFF  }
0xb5: {  	_ =	strace $0x90000048  }
0xb6: {  	_ =	sfence  }
0xb7: {  	s30 =	sld [smem:$0x0];
	_ =	sdelay $0x2  }
0xb8: {  	s31 =	sshll.u32 s1, $0xD;
	s1 =	sshrl.u32 s1, $0x2  }
0xb9: {  	s3 =	sand.u32 $0x4000, s31;
	s1 =	sadd.s32 s1, s30  }
0xba: {  	s0 =	sor.u32 s3, s0;
	s1 =	sshll.u32 s1, $0x11  }
0xbb: {  	s0 =	sor.u32 s1, s0  }
0xbc: {  	s0 =	sadd.s32 $0x8F2B, s0  }
0xbd: {  	[sflag:s0] =	ssyncadd.remote.s32 $0x1  }
0xbe: {  	_ =	sfence.sel $0xFFFF  }
0xbf: {  	[dreg:$0x0] =	wrdreg $0xFFFFFFFF;
	(pc) =	sbr.abs _section_cstart, $3  }
0xc0: {  	[dreg:$0x1] =	wrdreg $0xFFFFFFFF  }
0xc1: {  	_ =	task.clear_ibuf [dreg:s7], $0x2FFFF;
	_ =	strace $0x9FFFFFFF  }
0xc2: {  	(tm) =	ssettm $0x7FFFFFFF  }
0xc3: {  	_ =	shalt  }
tec
execute0_lowered:
.L_overlay_start_1:
0x0: {  	(tag) =	ssettag $0x1  }
0x1: {  	s0 =	rddreg [dreg:$0x0];
	s1 =	srdreg.scid  }
0x2: {  	s10 =	stileid.u32;
	s4 =	rddreg [dreg:$0x1]  }
0x3: {  	s2 =	simm.s32 $0x0;
	s12 =	simm.s32 $0x580;
	s19 =	simm.s32 $0xD80  }
0x4: {  	s28 =	simm.s32 $0x4D80;
	s30 =	simm.s32 $0x5580;
	s13 =	simm.s32 $0x9580  }
0x5: {  	s11 =	simm.s32 $0x9D80;
	s29 =	simm.s32 $0xA580;
	s31 =	simm.s32 $0xB580  }
0x6: {  	s14 =	simm.s32 $0x1;
	s15 =	simm.s32 $0x3;
	s16 =	simm.s32 $0x2  }
0x7: {  	s17 =	simm.s32 $0x4;
	s18 =	simm.s32 $0x0;
	s1 =	sand.u32 $0x1, s1  }
0x8: {  	s3 =	sshll.u32 s10, $0x1;
	[smem:$0x7FF] =	sst s2;
	s9 =	sadd.s32 $0x2E0C00, s0  }
0x9: {  	s22 =	smul.u32 $0x2A000, s10;
	s10 =	simm.s32 $0x8D80;
	s3 =	sor.u32 s1, s3  }
0xa: {  	s5 =	ssub.s32 $0x2, s1;
	_ =	strace $0x80000047;
	s1 =	smul.u32 $0x15000, s1  }
0xb: {  	[dreg:$0x8] =	wrdreg s18;
	s6 =	smul.u32 $0x540, s3;
	s7 =	sshrl.u32 s5, $0x1  }
0xc: {  	s8 =	smul.u32 $0xA8000, s3;
	s3 =	sadd.s32 $0x5800, s0;
	s25 =	sadd.s32 s22, s9  }
0xd: {  	s22 =	simm.s32 $0x2580;
	s7 =	ssub.s32 s5, s7;
	s5 =	sadd.s32 $0x5900, s0  }
0xe: {  	s0 =	sadd.s32 s1, s25;
	s25 =	simm.s32 $0x3D80;
	s1 =	simm.s32 $0xE580  }
0xf: {  	s20 =	sshrl.u32 s6, $0x3;
	s21 =	sshrl.u32 s8, $0x3;
	s26 =	smax.u32 s7, $0x1  }
0x10: {  	s0 =	sadd.s32 $0x1C00, s0;
	s6 =	simm.s32 $0x6D80;
	s7 =	simm.s32 $0x7580  }
0x11: {  	s8 =	simm.s32 $0x7D80;
	s4 =	sadd.s32 s4, s20;
	[dreg:$0x6] =	wrdreg s26  }
0x12: {  	s23 =	sadd.s32 s9, s21;
	[dreg:$0x7] =	wrdreg s0;
	s20 =	simm.s32 $0x1580  }
0x13: {  	s21 =	simm.s32 $0x1D80;
	s26 =	simm.s32 $0x4580;
	s0 =	simm.s32 $0x5D80  }
0x14: {  	v2 =	vlaneseq.u32;
	s9 =	simm.s32 $0x8580;
	[dreg:$0x3] =	wrdreg s4;
	s24 =	sadd.s32 $0x11800, s23  }
0x15: {  	vm0 =	vmmov $0xffff;
	v1 =	vshrl.u32 v2, $0x3;
	s4 =	sadd.s32 $0x13400, s23;
	s23 =	simm.s32 $0x2D80;
	[dreg:$0x4] =	wrdreg s24  }
0x16: {  	v0 =	vand.u32 $0x7, v2;
	v2 =	vor.u32 $0x8, v2;
	v1 =	vmul.u32 $0x8, v1;
	[dreg:$0x5] =	wrdreg s4;
	s24 =	simm.s32 $0x3580;
	s4 =	simm.s32 $0x6580  }
.LBB2_1:
0x17: {  	s18 =	rddreg [dreg:$0x3]  }
0x18: {  	[tilespmem:s2], [sflag:$0x5] =	stream.linear.gather [hbm4b:s18+s2], $0x540, $0x38;
	[tilespmem:$0x1C580] =	vst v63  }
0x19: {  	s18 =	simm.s32 $0x5  }
0x1a: {  	_ =	swait.ge [sflag:s18], $0x540  }
0x1b: {  	[sflag:s18] =	ssyncset.done $0x0  }
0x1c: {  	[sflag:s18] =	ssyncadd.s32 $0xFFFFFAC0  }
0x1d: {  	v3 =	vld [tilespmem:$0x0];
	_ =	sdelay $0x4  }
0x1e: {  	v4 =	vshll.u32 v3, $0x2  }
0x1f: {  	v3 =	vand.u32 $0x7, v3;
	v4 =	vand.u32 $0xFFFFFFE0, v4  }
0x20: {  	v3 =	vor.u32 v3, v4  }
0x21: {  	v4 =	vperm.xlane v3, v0;
	_ =	sdelay $0x1  }
0x22: {  	v4 =	vadd.s32 v1, v4;
	_ =	sdelay $0x1  }
0x23: {  	v3 =	vperm.xlane v3, v2;
	_ =	sdelay $0x1  }
0x24: {  	v3 =	vadd.s32 v1, v3  }
0x25: {  	[tilespmem:s12], [sflag:$0x1] =	stream.indirect_vreg.gather [hbm4b:s3+s2], $0x80, v4, vm0, $0xb8;
	[tilespmem:$0x1C580] =	vst v63  }
0x26: {  	_ = 	snop  }
0x27: {  	[tilespmem:s19], [sflag:$0x1] =	stream.indirect_vreg.gather [hbm4b:s5+s2], $0x80, v4, vm0, $0xb8;
	[tilespmem:$0x1C580] =	vst v63  }
0x28: {  	_ = 	snop  }
0x29: {  	[tilespmem:s20], [sflag:$0x1] =	stream.indirect_vreg.gather [hbm4b:s3+s2], $0x80, v3, vm0, $0xb8;
	[tilespmem:$0x1C580] =	vst v63  }
0x2a: {  	_ = 	snop  }
0x2b: {  	[tilespmem:s21], [sflag:$0x1] =	stream.indirect_vreg.gather [hbm4b:s5+s2], $0x80, v3, vm0, $0xb8;
	[tilespmem:$0x1C580] =	vst v63  }
0x2c: {  	v3 =	vld [tilespmem:$0x10];
	_ =	sdelay $0x4  }
0x2d: {  	v51 =	vshll.u32 v3, $0x2  }
0x2e: {  	v3 =	vand.u32 $0x7, v3;
	v4 =	vand.u32 $0xFFFFFFE0, v51  }
0x2f: {  	v3 =	vor.u32 v3, v4  }
0x30: {  	v4 =	vperm.xlane v3, v0;
	_ =	sdelay $0x1  }
0x31: {  	v4 =	vadd.s32 v1, v4;
	_ =	sdelay $0x1  }
0x32: {  	v3 =	vperm.xlane v3, v2;
	_ =	sdelay $0x1  }
0x33: {  	v3 =	vadd.s32 v1, v3  }
0x34: {  	[tilespmem:s22], [sflag:$0x1] =	stream.indirect_vreg.gather [hbm4b:s3+s2], $0x80, v4, vm0, $0xb8;
	[tilespmem:$0x1C580] =	vst v63  }
0x35: {  	_ = 	snop  }
0x36: {  	[tilespmem:s23], [sflag:$0x1] =	stream.indirect_vreg.gather [hbm4b:s5+s2], $0x80, v4, vm0, $0xb8;
	[tilespmem:$0x1C580] =	vst v63  }
0x37: {  	_ = 	snop  }
0x38: {  	[tilespmem:s24], [sflag:$0x1] =	stream.indirect_vreg.gather [hbm4b:s3+s2], $0x80, v3, vm0, $0xb8;
	[tilespmem:$0x1C580] =	vst v63  }
0x39: {  	_ = 	snop  }
0x3a: {  	[tilespmem:s25], [sflag:$0x1] =	stream.indirect_vreg.gather [hbm4b:s5+s2], $0x80, v3, vm0, $0xb8;
	[tilespmem:$0x1C580] =	vst v63  }
0x3b: {  	v3 =	vld [tilespmem:$0x20];
	_ =	sdelay $0x4  }
0x3c: {  	v52 =	vshll.u32 v3, $0x2  }
0x3d: {  	v3 =	vand.u32 $0x7, v3;
	v4 =	vand.u32 $0xFFFFFFE0, v52  }
0x3e: {  	v3 =	vor.u32 v3, v4  }
0x3f: {  	v4 =	vperm.xlane v3, v0;
	_ =	sdelay $0x1  }
0x40: {  	v4 =	vadd.s32 v1, v4;
	_ =	sdelay $0x1  }
0x41: {  	v3 =	vperm.xlane v3, v2;
	_ =	sdelay $0x1  }
0x42: {  	v3 =	vadd.s32 v1, v3  }
0x43: {  	[tilespmem:s26], [sflag:$0x1] =	stream.indirect_vreg.gather [hbm4b:s3+s2], $0x80, v4, vm0, $0xb8;
	[tilespmem:$0x1C580] =	vst v63  }
0x44: {  	_ = 	snop  }
0x45: {  	[tilespmem:s28], [sflag:$0x1] =	stream.indirect_vreg.gather [hbm4b:s5+s2], $0x80, v4, vm0, $0xb8;
	[tilespmem:$0x1C580] =	vst v63  }
0x46: {  	_ = 	snop  }
0x47: {  	[tilespmem:s30], [sflag:$0x1] =	stream.indirect_vreg.gather [hbm4b:s3+s2], $0x80, v3, vm0, $0xb8;
	[tilespmem:$0x1C580] =	vst v63  }
0x48: {  	_ = 	snop  }
0x49: {  	[tilespmem:s0], [sflag:$0x1] =	stream.indirect_vreg.gather [hbm4b:s5+s2], $0x80, v3, vm0, $0xb8;
	[tilespmem:$0x1C580] =	vst v63  }
0x4a: {  	v3 =	vld [tilespmem:$0x30];
	_ =	sdelay $0x4  }
0x4b: {  	v53 =	vshll.u32 v3, $0x2  }
0x4c: {  	v3 =	vand.u32 $0x7, v3;
	v4 =	vand.u32 $0xFFFFFFE0, v53  }
0x4d: {  	v3 =	vor.u32 v3, v4  }
0x4e: {  	v4 =	vperm.xlane v3, v0;
	_ =	sdelay $0x1  }
0x4f: {  	v4 =	vadd.s32 v1, v4;
	_ =	sdelay $0x1  }
0x50: {  	v3 =	vperm.xlane v3, v2;
	_ =	sdelay $0x1  }
0x51: {  	v3 =	vadd.s32 v1, v3  }
0x52: {  	[tilespmem:s4], [sflag:$0x1] =	stream.indirect_vreg.gather [hbm4b:s3+s2], $0x80, v4, vm0, $0xb8;
	[tilespmem:$0x1C580] =	vst v63  }
0x53: {  	_ = 	snop  }
0x54: {  	[tilespmem:s6], [sflag:$0x1] =	stream.indirect_vreg.gather [hbm4b:s5+s2], $0x80, v4, vm0, $0xb8;
	[tilespmem:$0x1C580] =	vst v63  }
0x55: {  	_ = 	snop  }
0x56: {  	[tilespmem:s7], [sflag:$0x1] =	stream.indirect_vreg.gather [hbm4b:s3+s2], $0x80, v3, vm0, $0xb8;
	[tilespmem:$0x1C580] =	vst v63  }
0x57: {  	_ = 	snop  }
0x58: {  	[tilespmem:s8], [sflag:$0x1] =	stream.indirect_vreg.gather [hbm4b:s5+s2], $0x80, v3, vm0, $0xb8;
	[tilespmem:$0x1C580] =	vst v63  }
0x59: {  	v3 =	vld [tilespmem:$0x40];
	_ =	sdelay $0x4  }
0x5a: {  	v54 =	vshll.u32 v3, $0x2  }
0x5b: {  	v3 =	vand.u32 $0x7, v3;
	v4 =	vand.u32 $0xFFFFFFE0, v54  }
0x5c: {  	v3 =	vor.u32 v3, v4  }
0x5d: {  	v4 =	vperm.xlane v3, v0;
	_ =	sdelay $0x1  }
0x5e: {  	v4 =	vadd.s32 v1, v4;
	_ =	sdelay $0x1  }
0x5f: {  	v3 =	vperm.xlane v3, v2;
	_ =	sdelay $0x1  }
0x60: {  	v3 =	vadd.s32 v1, v3  }
0x61: {  	[tilespmem:s9], [sflag:$0x1] =	stream.indirect_vreg.gather [hbm4b:s3+s2], $0x80, v4, vm0, $0xb8;
	[tilespmem:$0x1C580] =	vst v63  }
0x62: {  	_ = 	snop  }
0x63: {  	[tilespmem:s10], [sflag:$0x1] =	stream.indirect_vreg.gather [hbm4b:s5+s2], $0x80, v4, vm0, $0xb8;
	[tilespmem:$0x1C580] =	vst v63  }
0x64: {  	_ = 	snop  }
0x65: {  	[tilespmem:s13], [sflag:$0x1] =	stream.indirect_vreg.gather [hbm4b:s3+s2], $0x80, v3, vm0, $0xb8;
	[tilespmem:$0x1C580] =	vst v63  }
0x66: {  	_ = 	snop  }
0x67: {  	[tilespmem:s11], [sflag:$0x1] =	stream.indirect_vreg.gather [hbm4b:s5+s2], $0x80, v3, vm0, $0xb8;
	[tilespmem:$0x1C580] =	vst v63  }
0x68: {  	v3 =	vld [tilespmem:$0x50];
	_ =	sdelay $0x4  }
0x69: {  	v55 =	vshll.u32 v3, $0x2  }
0x6a: {  	v3 =	vand.u32 $0x7, v3;
	v4 =	vand.u32 $0xFFFFFFE0, v55  }
0x6b: {  	v3 =	vor.u32 v3, v4  }
0x6c: {  	v4 =	vperm.xlane v3, v0;
	_ =	sdelay $0x1  }
0x6d: {  	v4 =	vadd.s32 v1, v4;
	_ =	sdelay $0x1  }
0x6e: {  	v3 =	vperm.xlane v3, v2;
	_ =	sdelay $0x1  }
0x6f: {  	v3 =	vadd.s32 v1, v3  }
0x70: {  	[tilespmem:s29], [sflag:$0x1] =	stream.indirect_vreg.gather [hbm4b:s3+s2], $0x80, v4, vm0, $0xb8;
	[tilespmem:$0x1C580] =	vst v63  }
0x71: {  	s13 =	simm.s32 $0xAD80  }
0x72: {  	[tilespmem:s13], [sflag:$0x1] =	stream.indirect_vreg.gather [hbm4b:s5+s2], $0x80, v4, vm0, $0xb8;
	[tilespmem:$0x1C580] =	vst v63  }
0x73: {  	_ = 	snop  }
0x74: {  	[tilespmem:s31], [sflag:$0x1] =	stream.indirect_vreg.gather [hbm4b:s3+s2], $0x80, v3, vm0, $0xb8;
	[tilespmem:$0x1C580] =	vst v63  }
0x75: {  	s18 =	simm.s32 $0xBD80  }
0x76: {  	[tilespmem:s18], [sflag:$0x1] =	stream.indirect_vreg.gather [hbm4b:s5+s2], $0x80, v3, vm0, $0xb8;
	[tilespmem:$0x1C580] =	vst v63  }
0x77: {  	v3 =	vld [tilespmem:$0x60];
	_ =	sdelay $0x4  }
0x78: {  	v56 =	vshll.u32 v3, $0x2  }
0x79: {  	v3 =	vand.u32 $0x7, v3;
	v4 =	vand.u32 $0xFFFFFFE0, v56  }
0x7a: {  	v3 =	vor.u32 v3, v4  }
0x7b: {  	v4 =	vperm.xlane v3, v0;
	_ =	sdelay $0x1  }
0x7c: {  	v4 =	vadd.s32 v1, v4;
	_ =	sdelay $0x1  }
0x7d: {  	v3 =	vperm.xlane v3, v2;
	_ =	sdelay $0x1  }
0x7e: {  	s19 =	simm.s32 $0xC580;
	v3 =	vadd.s32 v1, v3  }
0x7f: {  	[tilespmem:s19], [sflag:$0x1] =	stream.indirect_vreg.gather [hbm4b:s3+s2], $0x80, v4, vm0, $0xb8;
	[tilespmem:$0x1C580] =	vst v63  }
0x80: {  	s20 =	simm.s32 $0xCD80  }
0x81: {  	[tilespmem:s20], [sflag:$0x1] =	stream.indirect_vreg.gather [hbm4b:s5+s2], $0x80, v4, vm0, $0xb8;
	[tilespmem:$0x1C580] =	vst v63  }
0x82: {  	s21 =	simm.s32 $0xD580  }
0x83: {  	[tilespmem:s21], [sflag:$0x1] =	stream.indirect_vreg.gather [hbm4b:s3+s2], $0x80, v3, vm0, $0xb8;
	[tilespmem:$0x1C580] =	vst v63  }
0x84: {  	s22 =	simm.s32 $0xDD80  }
0x85: {  	[tilespmem:s22], [sflag:$0x1] =	stream.indirect_vreg.gather [hbm4b:s5+s2], $0x80, v3, vm0, $0xb8;
	[tilespmem:$0x1C580] =	vst v63  }
0x86: {  	v3 =	vld [tilespmem:$0x70];
	_ =	sdelay $0x4  }
0x87: {  	v57 =	vshll.u32 v3, $0x2  }
0x88: {  	v3 =	vand.u32 $0x7, v3;
	v4 =	vand.u32 $0xFFFFFFE0, v57  }
0x89: {  	v3 =	vor.u32 v3, v4  }
0x8a: {  	v4 =	vperm.xlane v3, v0;
	_ =	sdelay $0x1  }
0x8b: {  	v4 =	vadd.s32 v1, v4;
	_ =	sdelay $0x1  }
0x8c: {  	v3 =	vperm.xlane v3, v2;
	_ =	sdelay $0x1  }
0x8d: {  	v3 =	vadd.s32 v1, v3  }
0x8e: {  	[tilespmem:s1], [sflag:$0x2] =	stream.indirect_vreg.gather [hbm4b:s3+s2], $0x80, v4, vm0, $0xb8;
	[tilespmem:$0x1C580] =	vst v63  }
0x8f: {  	s23 =	simm.s32 $0xED80  }
0x90: {  	[tilespmem:s23], [sflag:$0x2] =	stream.indirect_vreg.gather [hbm4b:s5+s2], $0x80, v4, vm0, $0xb8;
	[tilespmem:$0x1C580] =	vst v63  }
0x91: {  	s24 =	simm.s32 $0xF580  }
0x92: {  	[tilespmem:s24], [sflag:$0x2] =	stream.indirect_vreg.gather [hbm4b:s3+s2], $0x80, v3, vm0, $0xb8;
	[tilespmem:$0x1C580] =	vst v63  }
0x93: {  	s25 =	simm.s32 $0xFD80  }
0x94: {  	[tilespmem:s25], [sflag:$0x2] =	stream.indirect_vreg.gather [hbm4b:s5+s2], $0x80, v3, vm0, $0xb8;
	[tilespmem:$0x1C580] =	vst v63  }
0x95: {  	v3 =	vld [tilespmem:$0x80];
	_ =	sdelay $0x4  }
0x96: {  	v58 =	vshll.u32 v3, $0x2  }
0x97: {  	v3 =	vand.u32 $0x7, v3;
	v4 =	vand.u32 $0xFFFFFFE0, v58  }
0x98: {  	v3 =	vor.u32 v3, v4  }
0x99: {  	v4 =	vperm.xlane v3, v0;
	_ =	sdelay $0x1  }
0x9a: {  	v4 =	vadd.s32 v1, v4;
	_ =	sdelay $0x1  }
0x9b: {  	v3 =	vperm.xlane v3, v2;
	_ =	sdelay $0x1  }
0x9c: {  	s26 =	simm.s32 $0x10580;
	v3 =	vadd.s32 v1, v3  }
0x9d: {  	[tilespmem:s26], [sflag:$0x2] =	stream.indirect_vreg.gather [hbm4b:s3+s2], $0x80, v4, vm0, $0xb8;
	[tilespmem:$0x1C580] =	vst v63  }
0x9e: {  	s1 =	simm.s32 $0x10D80  }
0x9f: {  	[tilespmem:s1], [sflag:$0x2] =	stream.indirect_vreg.gather [hbm4b:s5+s2], $0x80, v4, vm0, $0xb8;
	[tilespmem:$0x1C580] =	vst v63  }
0xa0: {  	s4 =	simm.s32 $0x11580  }
0xa1: {  	[tilespmem:s4], [sflag:$0x2] =	stream.indirect_vreg.gather [hbm4b:s3+s2], $0x80, v3, vm0, $0xb8;
	[tilespmem:$0x1C580] =	vst v63  }
0xa2: {  	s6 =	simm.s32 $0x11D80  }
0xa3: {  	[tilespmem:s6], [sflag:$0x2] =	stream.indirect_vreg.gather [hbm4b:s5+s2], $0x80, v3, vm0, $0xb8;
	[tilespmem:$0x1C580] =	vst v63  }
0xa4: {  	v3 =	vld [tilespmem:$0x90];
	_ =	sdelay $0x4  }
0xa5: {  	v59 =	vshll.u32 v3, $0x2  }
0xa6: {  	v3 =	vand.u32 $0x7, v3;
	v4 =	vand.u32 $0xFFFFFFE0, v59  }
0xa7: {  	v3 =	vor.u32 v3, v4  }
0xa8: {  	v4 =	vperm.xlane v3, v0;
	_ =	sdelay $0x1  }
0xa9: {  	v4 =	vadd.s32 v1, v4;
	_ =	sdelay $0x1  }
0xaa: {  	v3 =	vperm.xlane v3, v2;
	_ =	sdelay $0x1  }
0xab: {  	s7 =	simm.s32 $0x12580;
	v3 =	vadd.s32 v1, v3  }
0xac: {  	[tilespmem:s7], [sflag:$0x2] =	stream.indirect_vreg.gather [hbm4b:s3+s2], $0x80, v4, vm0, $0xb8;
	[tilespmem:$0x1C580] =	vst v63  }
0xad: {  	s8 =	simm.s32 $0x12D80  }
0xae: {  	[tilespmem:s8], [sflag:$0x2] =	stream.indirect_vreg.gather [hbm4b:s5+s2], $0x80, v4, vm0, $0xb8;
	[tilespmem:$0x1C580] =	vst v63  }
0xaf: {  	s9 =	simm.s32 $0x13580  }
0xb0: {  	[tilespmem:s9], [sflag:$0x2] =	stream.indirect_vreg.gather [hbm4b:s3+s2], $0x80, v3, vm0, $0xb8;
	[tilespmem:$0x1C580] =	vst v63  }
0xb1: {  	s10 =	simm.s32 $0x13D80  }
0xb2: {  	[tilespmem:s10], [sflag:$0x2] =	stream.indirect_vreg.gather [hbm4b:s5+s2], $0x80, v3, vm0, $0xb8;
	[tilespmem:$0x1C580] =	vst v63  }
0xb3: {  	v3 =	vld [tilespmem:$0xA0];
	_ =	sdelay $0x4  }
0xb4: {  	v60 =	vshll.u32 v3, $0x2  }
0xb5: {  	v3 =	vand.u32 $0x7, v3;
	v4 =	vand.u32 $0xFFFFFFE0, v60  }
0xb6: {  	v3 =	vor.u32 v3, v4  }
0xb7: {  	v4 =	vperm.xlane v3, v0;
	_ =	sdelay $0x1  }
0xb8: {  	v4 =	vadd.s32 v1, v4;
	_ =	sdelay $0x1  }
0xb9: {  	v3 =	vperm.xlane v3, v2;
	_ =	sdelay $0x1  }
0xba: {  	s11 =	simm.s32 $0x14580;
	v3 =	vadd.s32 v1, v3  }
0xbb: {  	[tilespmem:s11], [sflag:$0x2] =	stream.indirect_vreg.gather [hbm4b:s3+s2], $0x80, v4, vm0, $0xb8;
	[tilespmem:$0x1C580] =	vst v63  }
0xbc: {  	s12 =	simm.s32 $0x14D80  }
0xbd: {  	[tilespmem:s12], [sflag:$0x2] =	stream.indirect_vreg.gather [hbm4b:s5+s2], $0x80, v4, vm0, $0xb8;
	[tilespmem:$0x1C580] =	vst v63  }
0xbe: {  	s13 =	simm.s32 $0x15580  }
0xbf: {  	[tilespmem:s13], [sflag:$0x2] =	stream.indirect_vreg.gather [hbm4b:s3+s2], $0x80, v3, vm0, $0xb8;
	[tilespmem:$0x1C580] =	vst v63  }
0xc0: {  	s18 =	simm.s32 $0x15D80  }
0xc1: {  	[tilespmem:s18], [sflag:$0x2] =	stream.indirect_vreg.gather [hbm4b:s5+s2], $0x80, v3, vm0, $0xb8;
	[tilespmem:$0x1C580] =	vst v63  }
0xc2: {  	v3 =	vld [tilespmem:$0xB0];
	_ =	sdelay $0x4  }
0xc3: {  	v61 =	vshll.u32 v3, $0x2  }
0xc4: {  	v3 =	vand.u32 $0x7, v3;
	v4 =	vand.u32 $0xFFFFFFE0, v61  }
0xc5: {  	v3 =	vor.u32 v3, v4  }
0xc6: {  	v4 =	vperm.xlane v3, v0;
	_ =	sdelay $0x1  }
0xc7: {  	v4 =	vadd.s32 v1, v4;
	_ =	sdelay $0x1  }
0xc8: {  	v3 =	vperm.xlane v3, v2;
	_ =	sdelay $0x1  }
0xc9: {  	s19 =	simm.s32 $0x16580;
	v3 =	vadd.s32 v1, v3  }
0xca: {  	[tilespmem:s19], [sflag:$0x2] =	stream.indirect_vreg.gather [hbm4b:s3+s2], $0x80, v4, vm0, $0xb8;
	[tilespmem:$0x1C580] =	vst v63  }
0xcb: {  	s20 =	simm.s32 $0x16D80  }
0xcc: {  	[tilespmem:s20], [sflag:$0x2] =	stream.indirect_vreg.gather [hbm4b:s5+s2], $0x80, v4, vm0, $0xb8;
	[tilespmem:$0x1C580] =	vst v63  }
0xcd: {  	s21 =	simm.s32 $0x17580  }
0xce: {  	[tilespmem:s21], [sflag:$0x2] =	stream.indirect_vreg.gather [hbm4b:s3+s2], $0x80, v3, vm0, $0xb8;
	[tilespmem:$0x1C580] =	vst v63  }
0xcf: {  	s22 =	simm.s32 $0x17D80  }
0xd0: {  	[tilespmem:s22], [sflag:$0x2] =	stream.indirect_vreg.gather [hbm4b:s5+s2], $0x80, v3, vm0, $0xb8;
	[tilespmem:$0x1C580] =	vst v63  }
0xd1: {  	v3 =	vld [tilespmem:$0xC0];
	_ =	sdelay $0x4  }
0xd2: {  	v62 =	vshll.u32 v3, $0x2  }
0xd3: {  	v3 =	vand.u32 $0x7, v3;
	v4 =	vand.u32 $0xFFFFFFE0, v62  }
0xd4: {  	v3 =	vor.u32 v3, v4  }
0xd5: {  	v4 =	vperm.xlane v3, v0;
	_ =	sdelay $0x1  }
0xd6: {  	v4 =	vadd.s32 v1, v4;
	_ =	sdelay $0x1  }
0xd7: {  	v3 =	vperm.xlane v3, v2;
	_ =	sdelay $0x1  }
0xd8: {  	s23 =	simm.s32 $0x18580;
	v3 =	vadd.s32 v1, v3  }
0xd9: {  	[tilespmem:s23], [sflag:$0x2] =	stream.indirect_vreg.gather [hbm4b:s3+s2], $0x80, v4, vm0, $0xb8;
	[tilespmem:$0x1C580] =	vst v63  }
0xda: {  	s24 =	simm.s32 $0x18D80  }
0xdb: {  	[tilespmem:s24], [sflag:$0x2] =	stream.indirect_vreg.gather [hbm4b:s5+s2], $0x80, v4, vm0, $0xb8;
	[tilespmem:$0x1C580] =	vst v63  }
0xdc: {  	s25 =	simm.s32 $0x19580  }
0xdd: {  	[tilespmem:s25], [sflag:$0x2] =	stream.indirect_vreg.gather [hbm4b:s3+s2], $0x80, v3, vm0, $0xb8;
	[tilespmem:$0x1C580] =	vst v63  }
0xde: {  	s26 =	simm.s32 $0x19D80  }
0xdf: {  	[tilespmem:s26], [sflag:$0x2] =	stream.indirect_vreg.gather [hbm4b:s5+s2], $0x80, v3, vm0, $0xb8;
	[tilespmem:$0x1C580] =	vst v63  }
0xe0: {  	v3 =	vld [tilespmem:$0xD0];
	_ =	sdelay $0x4  }
0xe1: {  	v63 =	vshll.u32 v3, $0x2  }
0xe2: {  	v3 =	vand.u32 $0x7, v3;
	v4 =	vand.u32 $0xFFFFFFE0, v63  }
0xe3: {  	v3 =	vor.u32 v3, v4  }
0xe4: {  	v4 =	vperm.xlane v3, v0;
	_ =	sdelay $0x1  }
0xe5: {  	v4 =	vadd.s32 v1, v4  }
0xe6: {  	s28 =	simm.s32 $0x3580;
	s30 =	simm.s32 $0x4580  }
0xe7: {  	s29 =	simm.s32 $0xB580;
	s31 =	simm.s32 $0x4D80;
	s4 =	simm.s32 $0x1A580;
	v3 =	vperm.xlane v3, v2  }
0xe8: {  	s6 =	simm.s32 $0x1B580;
	s7 =	simm.s32 $0x7580;
	s8 =	simm.s32 $0x7D80  }
0xe9: {  	s9 =	simm.s32 $0x8580;
	s10 =	simm.s32 $0x8D80;
	s11 =	simm.s32 $0x9D80;
	v3 =	vadd.s32 v1, v3  }
0xea: {  	[tilespmem:s4], [sflag:$0x2] =	stream.indirect_vreg.gather [hbm4b:s3+s2], $0x80, v4, vm0, $0xb8;
	[tilespmem:$0x1C580] =	vst v63  }
0xeb: {  	s13 =	simm.s32 $0x9580;
	s18 =	simm.s32 $0x1B0;
	s26 =	simm.s32 $0x1AD80  }
0xec: {  	[tilespmem:s26], [sflag:$0x2] =	stream.indirect_vreg.gather [hbm4b:s5+s2], $0x80, v4, vm0, $0xb8;
	[tilespmem:$0x1C580] =	vst v63  }
0xed: {  	s19 =	rddreg [dreg:$0x7];
	s20 =	simm.s32 $0x0;
	s22 =	simm.s32 $0xAD80  }
0xee: {  	[tilespmem:s6], [sflag:$0x2] =	stream.indirect_vreg.gather [hbm4b:s3+s2], $0x80, v3, vm0, $0xb8;
	[tilespmem:$0x1C580] =	vst v63  }
0xef: {  	s23 =	simm.s32 $0x1BD80;
	s24 =	simm.s32 $0x1D80;
	s25 =	simm.s32 $0xA580  }
0xf0: {  	[tilespmem:s23], [sflag:$0x2] =	stream.indirect_vreg.gather [hbm4b:s5+s2], $0x80, v3, vm0, $0xb8;
	[tilespmem:$0x1C580] =	vst v63  }
.LBB2_2:
0xf1: {  	_ =	swait.ge [sflag:s14], $0x2000  }
0xf2: {  	[sflag:s14] =	ssyncset.done $0x0  }
0xf3: {  	[sflag:s14] =	ssyncadd.s32 $0xFFFFE000  }
0xf4: {  	_ =	swait.ge [sflag:s14], $0x2000  }
0xf5: {  	[sflag:s14] =	ssyncset.done $0x0  }
0xf6: {  	[sflag:s14] =	ssyncadd.s32 $0xFFFFE000  }
0xf7: {  	_ =	swait.ge [sflag:s14], $0x2000  }
0xf8: {  	[sflag:s14] =	ssyncset.done $0x0  }
0xf9: {  	[sflag:s14] =	ssyncadd.s32 $0xFFFFE000  }
0xfa: {  	_ =	swait.ge [sflag:s14], $0x2000  }
0xfb: {  	[sflag:s14] =	ssyncset.done $0x0  }
0xfc: {  	[sflag:s14] =	ssyncadd.s32 $0xFFFFE000  }
0xfd: {  	_ =	swait.ge [sflag:s14], $0x2000  }
0xfe: {  	[sflag:s14] =	ssyncset.done $0x0  }
0xff: {  	[sflag:s14] =	ssyncadd.s32 $0xFFFFE000  }
0x100: {  	_ =	swait.ge [sflag:s14], $0x2000  }
0x101: {  	[sflag:s14] =	ssyncset.done $0x0  }
0x102: {  	[sflag:s14] =	ssyncadd.s32 $0xFFFFE000  }
0x103: {  	_ =	swait.ge [sflag:s14], $0x2000  }
0x104: {  	[sflag:s14] =	ssyncset.done $0x0  }
0x105: {  	s21 =	sadd.s32 $0xFFFFE400, s19;
	s1 =	simm.s32 $0x580;
	[sflag:s14] =	ssyncadd.s32 $0xFFFFE000  }
0x106: {  	[hbm4b:s21+s2] =	stream.linear.scatter [tilespmem:s1], [sflag:$0x3], $0xE000, $0x38;
	[tilespmem:$0x1C580] =	vst v63  }
0x107: {  	_ =	swait.ge [sflag:s15], $0xE000  }
0x108: {  	[sflag:s15] =	ssyncset.done $0x0  }
0x109: {  	[sflag:s15] =	ssyncadd.s32 $0xFFFF2000  }
0x10a: {  	v3 =	vld [tilespmem:s18+$0xFFFFFF30];
	_ =	sdelay $0x4  }
0x10b: {  	v4 =	vshll.u32 v3, $0x2  }
0x10c: {  	v3 =	vand.u32 $0x7, v3;
	v4 =	vand.u32 $0xFFFFFFE0, v4  }
0x10d: {  	v3 =	vor.u32 v3, v4  }
0x10e: {  	v4 =	vperm.xlane v3, v0;
	_ =	sdelay $0x1  }
0x10f: {  	v4 =	vadd.s32 v1, v4;
	_ =	sdelay $0x1  }
0x110: {  	v3 =	vperm.xlane v3, v2;
	_ =	sdelay $0x1  }
0x111: {  	v3 =	vadd.s32 v1, v3  }
0x112: {  	[tilespmem:s1], [sflag:$0x1] =	stream.indirect_vreg.gather [hbm4b:s3+s2], $0x80, v4, vm0, $0xb8;
	[tilespmem:$0x1C580] =	vst v63  }
0x113: {  	s0 =	simm.s32 $0xD80  }
0x114: {  	[tilespmem:s0], [sflag:$0x1] =	stream.indirect_vreg.gather [hbm4b:s5+s2], $0x80, v4, vm0, $0xb8;
	[tilespmem:$0x1C580] =	vst v63  }
0x115: {  	s1 =	simm.s32 $0x1580  }
0x116: {  	[tilespmem:s1], [sflag:$0x1] =	stream.indirect_vreg.gather [hbm4b:s3+s2], $0x80, v3, vm0, $0xb8;
	[tilespmem:$0x1C580] =	vst v63  }
0x117: {  	_ = 	snop  }
0x118: {  	[tilespmem:s24], [sflag:$0x1] =	stream.indirect_vreg.gather [hbm4b:s5+s2], $0x80, v3, vm0, $0xb8;
	[tilespmem:$0x1C580] =	vst v63  }
0x119: {  	v3 =	vld [tilespmem:s18+$0xFFFFFF40];
	_ =	sdelay $0x4  }
0x11a: {  	v51 =	vshll.u32 v3, $0x2  }
0x11b: {  	v3 =	vand.u32 $0x7, v3;
	v4 =	vand.u32 $0xFFFFFFE0, v51  }
0x11c: {  	v3 =	vor.u32 v3, v4  }
0x11d: {  	v4 =	vperm.xlane v3, v0;
	_ =	sdelay $0x1  }
0x11e: {  	v4 =	vadd.s32 v1, v4;
	_ =	sdelay $0x1  }
0x11f: {  	v3 =	vperm.xlane v3, v2;
	_ =	sdelay $0x1  }
0x120: {  	s21 =	simm.s32 $0x2580;
	v3 =	vadd.s32 v1, v3  }
0x121: {  	[tilespmem:s21], [sflag:$0x1] =	stream.indirect_vreg.gather [hbm4b:s3+s2], $0x80, v4, vm0, $0xb8;
	[tilespmem:$0x1C580] =	vst v63  }
0x122: {  	s1 =	simm.s32 $0x2D80  }
0x123: {  	[tilespmem:s1], [sflag:$0x1] =	stream.indirect_vreg.gather [hbm4b:s5+s2], $0x80, v4, vm0, $0xb8;
	[tilespmem:$0x1C580] =	vst v63  }
0x124: {  	_ = 	snop  }
0x125: {  	[tilespmem:s28], [sflag:$0x1] =	stream.indirect_vreg.gather [hbm4b:s3+s2], $0x80, v3, vm0, $0xb8;
	[tilespmem:$0x1C580] =	vst v63  }
0x126: {  	s21 =	simm.s32 $0x3D80  }
0x127: {  	[tilespmem:s21], [sflag:$0x1] =	stream.indirect_vreg.gather [hbm4b:s5+s2], $0x80, v3, vm0, $0xb8;
	[tilespmem:$0x1C580] =	vst v63  }
0x128: {  	s21 =	sand.u32 $0x7E0, s20  }
0x129: {  	v3 =	vld [tilespmem:s21+$0x100];
	_ =	sdelay $0x4  }
0x12a: {  	v52 =	vshll.u32 v3, $0x2  }
0x12b: {  	v3 =	vand.u32 $0x7, v3;
	v4 =	vand.u32 $0xFFFFFFE0, v52  }
0x12c: {  	v3 =	vor.u32 v3, v4  }
0x12d: {  	v4 =	vperm.xlane v3, v0;
	_ =	sdelay $0x1  }
0x12e: {  	v4 =	vadd.s32 v1, v4;
	_ =	sdelay $0x1  }
0x12f: {  	v3 =	vperm.xlane v3, v2;
	_ =	sdelay $0x1  }
0x130: {  	v3 =	vadd.s32 v1, v3  }
0x131: {  	[tilespmem:s30], [sflag:$0x1] =	stream.indirect_vreg.gather [hbm4b:s3+s2], $0x80, v4, vm0, $0xb8;
	[tilespmem:$0x1C580] =	vst v63  }
0x132: {  	_ = 	snop  }
0x133: {  	[tilespmem:s31], [sflag:$0x1] =	stream.indirect_vreg.gather [hbm4b:s5+s2], $0x80, v4, vm0, $0xb8;
	[tilespmem:$0x1C580] =	vst v63  }
0x134: {  	s1 =	simm.s32 $0x5580  }
0x135: {  	[tilespmem:s1], [sflag:$0x1] =	stream.indirect_vreg.gather [hbm4b:s3+s2], $0x80, v3, vm0, $0xb8;
	[tilespmem:$0x1C580] =	vst v63  }
0x136: {  	s1 =	simm.s32 $0x5D80  }
0x137: {  	[tilespmem:s1], [sflag:$0x1] =	stream.indirect_vreg.gather [hbm4b:s5+s2], $0x80, v3, vm0, $0xb8;
	[tilespmem:$0x1C580] =	vst v63  }
0x138: {  	v3 =	vld [tilespmem:s18+$0xFFFFFF60];
	_ =	sdelay $0x4  }
0x139: {  	v53 =	vshll.u32 v3, $0x2  }
0x13a: {  	v3 =	vand.u32 $0x7, v3;
	v4 =	vand.u32 $0xFFFFFFE0, v53  }
0x13b: {  	v3 =	vor.u32 v3, v4  }
0x13c: {  	v4 =	vperm.xlane v3, v0;
	_ =	sdelay $0x1  }
0x13d: {  	v4 =	vadd.s32 v1, v4;
	_ =	sdelay $0x1  }
0x13e: {  	v3 =	vperm.xlane v3, v2;
	_ =	sdelay $0x1  }
0x13f: {  	s1 =	simm.s32 $0x6580;
	v3 =	vadd.s32 v1, v3  }
0x140: {  	[tilespmem:s1], [sflag:$0x1] =	stream.indirect_vreg.gather [hbm4b:s3+s2], $0x80, v4, vm0, $0xb8;
	[tilespmem:$0x1C580] =	vst v63  }
0x141: {  	s1 =	simm.s32 $0x6D80  }
0x142: {  	[tilespmem:s1], [sflag:$0x1] =	stream.indirect_vreg.gather [hbm4b:s5+s2], $0x80, v4, vm0, $0xb8;
	[tilespmem:$0x1C580] =	vst v63  }
0x143: {  	_ = 	snop  }
0x144: {  	[tilespmem:s7], [sflag:$0x1] =	stream.indirect_vreg.gather [hbm4b:s3+s2], $0x80, v3, vm0, $0xb8;
	[tilespmem:$0x1C580] =	vst v63  }
0x145: {  	_ = 	snop  }
0x146: {  	[tilespmem:s8], [sflag:$0x1] =	stream.indirect_vreg.gather [hbm4b:s5+s2], $0x80, v3, vm0, $0xb8;
	[tilespmem:$0x1C580] =	vst v63  }
0x147: {  	v3 =	vld [tilespmem:s18+$0xFFFFFF70];
	_ =	sdelay $0x4  }
0x148: {  	v54 =	vshll.u32 v3, $0x2  }
0x149: {  	v3 =	vand.u32 $0x7, v3;
	v4 =	vand.u32 $0xFFFFFFE0, v54  }
0x14a: {  	v3 =	vor.u32 v3, v4  }
0x14b: {  	v4 =	vperm.xlane v3, v0;
	_ =	sdelay $0x1  }
0x14c: {  	v4 =	vadd.s32 v1, v4;
	_ =	sdelay $0x1  }
0x14d: {  	v3 =	vperm.xlane v3, v2;
	_ =	sdelay $0x1  }
0x14e: {  	v3 =	vadd.s32 v1, v3  }
0x14f: {  	[tilespmem:s9], [sflag:$0x1] =	stream.indirect_vreg.gather [hbm4b:s3+s2], $0x80, v4, vm0, $0xb8;
	[tilespmem:$0x1C580] =	vst v63  }
0x150: {  	_ = 	snop  }
0x151: {  	[tilespmem:s10], [sflag:$0x1] =	stream.indirect_vreg.gather [hbm4b:s5+s2], $0x80, v4, vm0, $0xb8;
	[tilespmem:$0x1C580] =	vst v63  }
0x152: {  	_ = 	snop  }
0x153: {  	[tilespmem:s13], [sflag:$0x1] =	stream.indirect_vreg.gather [hbm4b:s3+s2], $0x80, v3, vm0, $0xb8;
	[tilespmem:$0x1C580] =	vst v63  }
0x154: {  	_ = 	snop  }
0x155: {  	[tilespmem:s11], [sflag:$0x1] =	stream.indirect_vreg.gather [hbm4b:s5+s2], $0x80, v3, vm0, $0xb8;
	[tilespmem:$0x1C580] =	vst v63  }
0x156: {  	v3 =	vld [tilespmem:s18+$0xFFFFFF80];
	_ =	sdelay $0x4  }
0x157: {  	v55 =	vshll.u32 v3, $0x2  }
0x158: {  	v3 =	vand.u32 $0x7, v3;
	v4 =	vand.u32 $0xFFFFFFE0, v55  }
0x159: {  	v3 =	vor.u32 v3, v4  }
0x15a: {  	v4 =	vperm.xlane v3, v0;
	_ =	sdelay $0x1  }
0x15b: {  	v4 =	vadd.s32 v1, v4;
	_ =	sdelay $0x1  }
0x15c: {  	v3 =	vperm.xlane v3, v2;
	_ =	sdelay $0x1  }
0x15d: {  	v3 =	vadd.s32 v1, v3  }
0x15e: {  	[tilespmem:s25], [sflag:$0x1] =	stream.indirect_vreg.gather [hbm4b:s3+s2], $0x80, v4, vm0, $0xb8;
	[tilespmem:$0x1C580] =	vst v63  }
0x15f: {  	_ = 	snop  }
0x160: {  	[tilespmem:s22], [sflag:$0x1] =	stream.indirect_vreg.gather [hbm4b:s5+s2], $0x80, v4, vm0, $0xb8;
	[tilespmem:$0x1C580] =	vst v63  }
0x161: {  	_ = 	snop  }
0x162: {  	[tilespmem:s29], [sflag:$0x1] =	stream.indirect_vreg.gather [hbm4b:s3+s2], $0x80, v3, vm0, $0xb8;
	[tilespmem:$0x1C580] =	vst v63  }
0x163: {  	s1 =	simm.s32 $0xBD80  }
0x164: {  	[tilespmem:s1], [sflag:$0x1] =	stream.indirect_vreg.gather [hbm4b:s5+s2], $0x80, v3, vm0, $0xb8;
	[tilespmem:$0x1C580] =	vst v63  }
0x165: {  	v3 =	vld [tilespmem:s18+$0xFFFFFF90];
	_ =	sdelay $0x4  }
0x166: {  	v56 =	vshll.u32 v3, $0x2  }
0x167: {  	v3 =	vand.u32 $0x7, v3;
	v4 =	vand.u32 $0xFFFFFFE0, v56  }
0x168: {  	v3 =	vor.u32 v3, v4  }
0x169: {  	v4 =	vperm.xlane v3, v0;
	_ =	sdelay $0x1  }
0x16a: {  	v4 =	vadd.s32 v1, v4;
	_ =	sdelay $0x1  }
0x16b: {  	v3 =	vperm.xlane v3, v2;
	_ =	sdelay $0x1  }
0x16c: {  	s1 =	simm.s32 $0xC580;
	v3 =	vadd.s32 v1, v3  }
0x16d: {  	[tilespmem:s1], [sflag:$0x1] =	stream.indirect_vreg.gather [hbm4b:s3+s2], $0x80, v4, vm0, $0xb8;
	[tilespmem:$0x1C580] =	vst v63  }
0x16e: {  	s1 =	simm.s32 $0xCD80  }
0x16f: {  	[tilespmem:s1], [sflag:$0x1] =	stream.indirect_vreg.gather [hbm4b:s5+s2], $0x80, v4, vm0, $0xb8;
	[tilespmem:$0x1C580] =	vst v63  }
0x170: {  	s1 =	simm.s32 $0xD580  }
0x171: {  	[tilespmem:s1], [sflag:$0x1] =	stream.indirect_vreg.gather [hbm4b:s3+s2], $0x80, v3, vm0, $0xb8;
	[tilespmem:$0x1C580] =	vst v63  }
0x172: {  	s1 =	simm.s32 $0xDD80  }
0x173: {  	[tilespmem:s1], [sflag:$0x1] =	stream.indirect_vreg.gather [hbm4b:s5+s2], $0x80, v3, vm0, $0xb8;
	[tilespmem:$0x1C580] =	vst v63  }
0x174: {  	_ =	swait.ge [sflag:s16], $0x2000  }
0x175: {  	[sflag:s16] =	ssyncset.done $0x0  }
0x176: {  	[sflag:s16] =	ssyncadd.s32 $0xFFFFE000  }
0x177: {  	_ =	swait.ge [sflag:s16], $0x2000  }
0x178: {  	[sflag:s16] =	ssyncset.done $0x0  }
0x179: {  	[sflag:s16] =	ssyncadd.s32 $0xFFFFE000  }
0x17a: {  	_ =	swait.ge [sflag:s16], $0x2000  }
0x17b: {  	[sflag:s16] =	ssyncset.done $0x0  }
0x17c: {  	[sflag:s16] =	ssyncadd.s32 $0xFFFFE000  }
0x17d: {  	_ =	swait.ge [sflag:s16], $0x2000  }
0x17e: {  	[sflag:s16] =	ssyncset.done $0x0  }
0x17f: {  	[sflag:s16] =	ssyncadd.s32 $0xFFFFE000  }
0x180: {  	_ =	swait.ge [sflag:s16], $0x2000  }
0x181: {  	[sflag:s16] =	ssyncset.done $0x0  }
0x182: {  	[sflag:s16] =	ssyncadd.s32 $0xFFFFE000  }
0x183: {  	_ =	swait.ge [sflag:s16], $0x2000  }
0x184: {  	[sflag:s16] =	ssyncset.done $0x0  }
0x185: {  	[sflag:s16] =	ssyncadd.s32 $0xFFFFE000  }
0x186: {  	_ =	swait.ge [sflag:s16], $0x2000  }
0x187: {  	[sflag:s16] =	ssyncset.done $0x0  }
0x188: {  	s0 =	simm.s32 $0xE580;
	[sflag:s16] =	ssyncadd.s32 $0xFFFFE000  }
0x189: {  	[hbm4b:s19+s2] =	stream.linear.scatter [tilespmem:s0], [sflag:$0x4], $0xE000, $0x38;
	[tilespmem:$0x1C580] =	vst v63  }
0x18a: {  	_ =	swait.ge [sflag:s17], $0xE000  }
0x18b: {  	[sflag:s17] =	ssyncset.done $0x0  }
0x18c: {  	[sflag:s17] =	ssyncadd.s32 $0xFFFF2000  }
0x18d: {  	v3 =	vld [tilespmem:s18+$0xFFFFFFA0];
	_ =	sdelay $0x4  }
0x18e: {  	v57 =	vshll.u32 v3, $0x2  }
0x18f: {  	v3 =	vand.u32 $0x7, v3;
	v4 =	vand.u32 $0xFFFFFFE0, v57  }
0x190: {  	v3 =	vor.u32 v3, v4  }
0x191: {  	v4 =	vperm.xlane v3, v0;
	_ =	sdelay $0x1  }
0x192: {  	v4 =	vadd.s32 v1, v4;
	_ =	sdelay $0x1  }
0x193: {  	v3 =	vperm.xlane v3, v2;
	_ =	sdelay $0x1  }
0x194: {  	v3 =	vadd.s32 v1, v3  }
0x195: {  	[tilespmem:s0], [sflag:$0x2] =	stream.indirect_vreg.gather [hbm4b:s3+s2], $0x80, v4, vm0, $0xb8;
	[tilespmem:$0x1C580] =	vst v63  }
0x196: {  	s0 =	simm.s32 $0xED80  }
0x197: {  	[tilespmem:s0], [sflag:$0x2] =	stream.indirect_vreg.gather [hbm4b:s5+s2], $0x80, v4, vm0, $0xb8;
	[tilespmem:$0x1C580] =	vst v63  }
0x198: {  	s0 =	simm.s32 $0xF580  }
0x199: {  	[tilespmem:s0], [sflag:$0x2] =	stream.indirect_vreg.gather [hbm4b:s3+s2], $0x80, v3, vm0, $0xb8;
	[tilespmem:$0x1C580] =	vst v63  }
0x19a: {  	s0 =	simm.s32 $0xFD80  }
0x19b: {  	[tilespmem:s0], [sflag:$0x2] =	stream.indirect_vreg.gather [hbm4b:s5+s2], $0x80, v3, vm0, $0xb8;
	[tilespmem:$0x1C580] =	vst v63  }
0x19c: {  	v3 =	vld [tilespmem:s18+$0xFFFFFFB0];
	_ =	sdelay $0x4  }
0x19d: {  	v58 =	vshll.u32 v3, $0x2  }
0x19e: {  	v3 =	vand.u32 $0x7, v3;
	v4 =	vand.u32 $0xFFFFFFE0, v58  }
0x19f: {  	v3 =	vor.u32 v3, v4  }
0x1a0: {  	v4 =	vperm.xlane v3, v0;
	_ =	sdelay $0x1  }
0x1a1: {  	v4 =	vadd.s32 v1, v4;
	_ =	sdelay $0x1  }
0x1a2: {  	v3 =	vperm.xlane v3, v2;
	_ =	sdelay $0x1  }
0x1a3: {  	s0 =	simm.s32 $0x10580;
	v3 =	vadd.s32 v1, v3  }
0x1a4: {  	[tilespmem:s0], [sflag:$0x2] =	stream.indirect_vreg.gather [hbm4b:s3+s2], $0x80, v4, vm0, $0xb8;
	[tilespmem:$0x1C580] =	vst v63  }
0x1a5: {  	s0 =	simm.s32 $0x10D80  }
0x1a6: {  	[tilespmem:s0], [sflag:$0x2] =	stream.indirect_vreg.gather [hbm4b:s5+s2], $0x80, v4, vm0, $0xb8;
	[tilespmem:$0x1C580] =	vst v63  }
0x1a7: {  	s0 =	simm.s32 $0x11580  }
0x1a8: {  	[tilespmem:s0], [sflag:$0x2] =	stream.indirect_vreg.gather [hbm4b:s3+s2], $0x80, v3, vm0, $0xb8;
	[tilespmem:$0x1C580] =	vst v63  }
0x1a9: {  	s0 =	simm.s32 $0x11D80  }
0x1aa: {  	[tilespmem:s0], [sflag:$0x2] =	stream.indirect_vreg.gather [hbm4b:s5+s2], $0x80, v3, vm0, $0xb8;
	[tilespmem:$0x1C580] =	vst v63  }
0x1ab: {  	v3 =	vld [tilespmem:s18+$0xFFFFFFC0];
	_ =	sdelay $0x4  }
0x1ac: {  	v59 =	vshll.u32 v3, $0x2  }
0x1ad: {  	v3 =	vand.u32 $0x7, v3;
	v4 =	vand.u32 $0xFFFFFFE0, v59  }
0x1ae: {  	v3 =	vor.u32 v3, v4  }
0x1af: {  	v4 =	vperm.xlane v3, v0;
	_ =	sdelay $0x1  }
0x1b0: {  	v4 =	vadd.s32 v1, v4;
	_ =	sdelay $0x1  }
0x1b1: {  	v3 =	vperm.xlane v3, v2;
	_ =	sdelay $0x1  }
0x1b2: {  	s0 =	simm.s32 $0x12580;
	v3 =	vadd.s32 v1, v3  }
0x1b3: {  	[tilespmem:s0], [sflag:$0x2] =	stream.indirect_vreg.gather [hbm4b:s3+s2], $0x80, v4, vm0, $0xb8;
	[tilespmem:$0x1C580] =	vst v63  }
0x1b4: {  	s0 =	simm.s32 $0x12D80  }
0x1b5: {  	[tilespmem:s0], [sflag:$0x2] =	stream.indirect_vreg.gather [hbm4b:s5+s2], $0x80, v4, vm0, $0xb8;
	[tilespmem:$0x1C580] =	vst v63  }
0x1b6: {  	s0 =	simm.s32 $0x13580  }
0x1b7: {  	[tilespmem:s0], [sflag:$0x2] =	stream.indirect_vreg.gather [hbm4b:s3+s2], $0x80, v3, vm0, $0xb8;
	[tilespmem:$0x1C580] =	vst v63  }
0x1b8: {  	s0 =	simm.s32 $0x13D80  }
0x1b9: {  	[tilespmem:s0], [sflag:$0x2] =	stream.indirect_vreg.gather [hbm4b:s5+s2], $0x80, v3, vm0, $0xb8;
	[tilespmem:$0x1C580] =	vst v63  }
0x1ba: {  	v3 =	vld [tilespmem:s21+$0x180];
	_ =	sdelay $0x4  }
0x1bb: {  	v60 =	vshll.u32 v3, $0x2  }
0x1bc: {  	v3 =	vand.u32 $0x7, v3;
	v4 =	vand.u32 $0xFFFFFFE0, v60  }
0x1bd: {  	v3 =	vor.u32 v3, v4  }
0x1be: {  	v4 =	vperm.xlane v3, v0;
	_ =	sdelay $0x1  }
0x1bf: {  	v4 =	vadd.s32 v1, v4;
	_ =	sdelay $0x1  }
0x1c0: {  	v3 =	vperm.xlane v3, v2;
	_ =	sdelay $0x1  }
0x1c1: {  	s21 =	simm.s32 $0x14580;
	v3 =	vadd.s32 v1, v3  }
0x1c2: {  	[tilespmem:s21], [sflag:$0x2] =	stream.indirect_vreg.gather [hbm4b:s3+s2], $0x80, v4, vm0, $0xb8;
	[tilespmem:$0x1C580] =	vst v63  }
0x1c3: {  	s21 =	simm.s32 $0x14D80  }
0x1c4: {  	[tilespmem:s21], [sflag:$0x2] =	stream.indirect_vreg.gather [hbm4b:s5+s2], $0x80, v4, vm0, $0xb8;
	[tilespmem:$0x1C580] =	vst v63  }
0x1c5: {  	s21 =	simm.s32 $0x15580  }
0x1c6: {  	[tilespmem:s21], [sflag:$0x2] =	stream.indirect_vreg.gather [hbm4b:s3+s2], $0x80, v3, vm0, $0xb8;
	[tilespmem:$0x1C580] =	vst v63  }
0x1c7: {  	s21 =	simm.s32 $0x15D80  }
0x1c8: {  	[tilespmem:s21], [sflag:$0x2] =	stream.indirect_vreg.gather [hbm4b:s5+s2], $0x80, v3, vm0, $0xb8;
	[tilespmem:$0x1C580] =	vst v63  }
0x1c9: {  	v3 =	vld [tilespmem:s18+$0xFFFFFFE0];
	_ =	sdelay $0x4  }
0x1ca: {  	v61 =	vshll.u32 v3, $0x2  }
0x1cb: {  	v3 =	vand.u32 $0x7, v3;
	v4 =	vand.u32 $0xFFFFFFE0, v61  }
0x1cc: {  	v3 =	vor.u32 v3, v4  }
0x1cd: {  	v4 =	vperm.xlane v3, v0;
	_ =	sdelay $0x1  }
0x1ce: {  	v4 =	vadd.s32 v1, v4;
	_ =	sdelay $0x1  }
0x1cf: {  	v3 =	vperm.xlane v3, v2;
	_ =	sdelay $0x1  }
0x1d0: {  	s21 =	simm.s32 $0x16580;
	v3 =	vadd.s32 v1, v3  }
0x1d1: {  	[tilespmem:s21], [sflag:$0x2] =	stream.indirect_vreg.gather [hbm4b:s3+s2], $0x80, v4, vm0, $0xb8;
	[tilespmem:$0x1C580] =	vst v63  }
0x1d2: {  	s21 =	simm.s32 $0x16D80  }
0x1d3: {  	[tilespmem:s21], [sflag:$0x2] =	stream.indirect_vreg.gather [hbm4b:s5+s2], $0x80, v4, vm0, $0xb8;
	[tilespmem:$0x1C580] =	vst v63  }
0x1d4: {  	s21 =	simm.s32 $0x17580  }
0x1d5: {  	[tilespmem:s21], [sflag:$0x2] =	stream.indirect_vreg.gather [hbm4b:s3+s2], $0x80, v3, vm0, $0xb8;
	[tilespmem:$0x1C580] =	vst v63  }
0x1d6: {  	s21 =	simm.s32 $0x17D80  }
0x1d7: {  	[tilespmem:s21], [sflag:$0x2] =	stream.indirect_vreg.gather [hbm4b:s5+s2], $0x80, v3, vm0, $0xb8;
	[tilespmem:$0x1C580] =	vst v63  }
0x1d8: {  	v3 =	vld [tilespmem:s18+$0xFFFFFFF0];
	_ =	sdelay $0x4  }
0x1d9: {  	v62 =	vshll.u32 v3, $0x2  }
0x1da: {  	v3 =	vand.u32 $0x7, v3;
	v4 =	vand.u32 $0xFFFFFFE0, v62  }
0x1db: {  	v3 =	vor.u32 v3, v4  }
0x1dc: {  	v4 =	vperm.xlane v3, v0;
	_ =	sdelay $0x1  }
0x1dd: {  	v4 =	vadd.s32 v1, v4;
	_ =	sdelay $0x1  }
0x1de: {  	v3 =	vperm.xlane v3, v2;
	_ =	sdelay $0x1  }
0x1df: {  	s21 =	simm.s32 $0x18580;
	v3 =	vadd.s32 v1, v3  }
0x1e0: {  	[tilespmem:s21], [sflag:$0x2] =	stream.indirect_vreg.gather [hbm4b:s3+s2], $0x80, v4, vm0, $0xb8;
	[tilespmem:$0x1C580] =	vst v63  }
0x1e1: {  	s21 =	simm.s32 $0x18D80  }
0x1e2: {  	[tilespmem:s21], [sflag:$0x2] =	stream.indirect_vreg.gather [hbm4b:s5+s2], $0x80, v4, vm0, $0xb8;
	[tilespmem:$0x1C580] =	vst v63  }
0x1e3: {  	s21 =	simm.s32 $0x19580  }
0x1e4: {  	[tilespmem:s21], [sflag:$0x2] =	stream.indirect_vreg.gather [hbm4b:s3+s2], $0x80, v3, vm0, $0xb8;
	[tilespmem:$0x1C580] =	vst v63  }
0x1e5: {  	s21 =	simm.s32 $0x19D80  }
0x1e6: {  	[tilespmem:s21], [sflag:$0x2] =	stream.indirect_vreg.gather [hbm4b:s5+s2], $0x80, v3, vm0, $0xb8;
	[tilespmem:$0x1C580] =	vst v63  }
0x1e7: {  	v3 =	vld [tilespmem:s18+$0x0];
	_ =	sdelay $0x4  }
0x1e8: {  	v63 =	vshll.u32 v3, $0x2  }
0x1e9: {  	v3 =	vand.u32 $0x7, v3;
	v4 =	vand.u32 $0xFFFFFFE0, v63  }
0x1ea: {  	v3 =	vor.u32 v3, v4  }
0x1eb: {  	v4 =	vperm.xlane v3, v0;
	_ =	sdelay $0x1  }
0x1ec: {  	v4 =	vadd.s32 v1, v4;
	_ =	sdelay $0x2  }
0x1ed: {  	v3 =	vperm.xlane v3, v2;
	_ =	sdelay $0x1  }
0x1ee: {  	v3 =	vadd.s32 v1, v3;
	[tilespmem:s4], [sflag:$0x2] =	stream.indirect_vreg.gather [hbm4b:s3+s2], $0x80, v4, vm0, $0xb8;
	[tilespmem:$0x1C580] =	vst v63  }
0x1ef: {  	p0 =	sne.s32 s20, $0x380  }
0x1f0: {  	[tilespmem:s26], [sflag:$0x2] =	stream.indirect_vreg.gather [hbm4b:s5+s2], $0x80, v4, vm0, $0xb8;
	[tilespmem:$0x1C580] =	vst v63  }
.Ltmp0:
0x1f1: {  	_ = 	snop;
	(pc) =	sbr.rel @p0 .LBB2_2-.Ltmp0, $4  }
0x1f2: {  	s12 =	simm.s32 $0x580;
	s20 =	sadd.s32 $0xE0, s20  }
0x1f3: {  	[tilespmem:s6], [sflag:$0x2] =	stream.indirect_vreg.gather [hbm4b:s3+s2], $0x80, v3, vm0, $0xb8;
	[tilespmem:$0x1C580] =	vst v63  }
0x1f4: {  	s1 =	simm.s32 $0xE580;
	s19 =	sadd.s32 $0x3800, s19;
	s18 =	sadd.s32 $0xE0, s18  }
0x1f5: {  	[tilespmem:s23], [sflag:$0x2] =	stream.indirect_vreg.gather [hbm4b:s5+s2], $0x80, v3, vm0, $0xb8;
	[tilespmem:$0x1C580] =	vst v63  }
0x1f6: {  	_ =	swait.ge [sflag:s14], $0x2000  }
0x1f7: {  	[sflag:s14] =	ssyncset.done $0x0  }
0x1f8: {  	[sflag:s14] =	ssyncadd.s32 $0xFFFFE000  }
0x1f9: {  	_ =	swait.ge [sflag:s14], $0x2000  }
0x1fa: {  	[sflag:s14] =	ssyncset.done $0x0  }
0x1fb: {  	[sflag:s14] =	ssyncadd.s32 $0xFFFFE000  }
0x1fc: {  	_ =	swait.ge [sflag:s14], $0x2000  }
0x1fd: {  	[sflag:s14] =	ssyncset.done $0x0  }
0x1fe: {  	[sflag:s14] =	ssyncadd.s32 $0xFFFFE000  }
0x1ff: {  	_ =	swait.ge [sflag:s14], $0x2000  }
0x200: {  	[sflag:s14] =	ssyncset.done $0x0  }
0x201: {  	[sflag:s14] =	ssyncadd.s32 $0xFFFFE000  }
0x202: {  	_ =	swait.ge [sflag:s14], $0x2000  }
0x203: {  	[sflag:s14] =	ssyncset.done $0x0  }
0x204: {  	[sflag:s14] =	ssyncadd.s32 $0xFFFFE000  }
0x205: {  	_ =	swait.ge [sflag:s14], $0x2000  }
0x206: {  	[sflag:s14] =	ssyncset.done $0x0  }
0x207: {  	[sflag:s14] =	ssyncadd.s32 $0xFFFFE000  }
0x208: {  	_ =	swait.ge [sflag:s14], $0x2000  }
0x209: {  	[sflag:s14] =	ssyncset.done $0x0  }
0x20a: {  	s18 =	rddreg [dreg:$0x4];
	[sflag:s14] =	ssyncadd.s32 $0xFFFFE000  }
0x20b: {  	[hbm4b:s18+s2] =	stream.linear.scatter [tilespmem:s12], [sflag:$0x3], $0xE000, $0x38;
	[tilespmem:$0x1C580] =	vst v63  }
0x20c: {  	_ =	swait.ge [sflag:s16], $0x2000  }
0x20d: {  	[sflag:s16] =	ssyncset.done $0x0  }
0x20e: {  	[sflag:s16] =	ssyncadd.s32 $0xFFFFE000  }
0x20f: {  	_ =	swait.ge [sflag:s16], $0x2000  }
0x210: {  	[sflag:s16] =	ssyncset.done $0x0  }
0x211: {  	[sflag:s16] =	ssyncadd.s32 $0xFFFFE000  }
0x212: {  	_ =	swait.ge [sflag:s16], $0x2000  }
0x213: {  	[sflag:s16] =	ssyncset.done $0x0  }
0x214: {  	[sflag:s16] =	ssyncadd.s32 $0xFFFFE000  }
0x215: {  	_ =	swait.ge [sflag:s16], $0x2000  }
0x216: {  	[sflag:s16] =	ssyncset.done $0x0  }
0x217: {  	[sflag:s16] =	ssyncadd.s32 $0xFFFFE000  }
0x218: {  	_ =	swait.ge [sflag:s16], $0x2000  }
0x219: {  	[sflag:s16] =	ssyncset.done $0x0  }
0x21a: {  	[sflag:s16] =	ssyncadd.s32 $0xFFFFE000  }
0x21b: {  	_ =	swait.ge [sflag:s16], $0x2000  }
0x21c: {  	[sflag:s16] =	ssyncset.done $0x0  }
0x21d: {  	[sflag:s16] =	ssyncadd.s32 $0xFFFFE000  }
0x21e: {  	_ =	swait.ge [sflag:s16], $0x2000  }
0x21f: {  	[sflag:s16] =	ssyncset.done $0x0  }
0x220: {  	s25 =	rddreg [dreg:$0x5];
	[sflag:s16] =	ssyncadd.s32 $0xFFFFE000  }
0x221: {  	[hbm4b:s25+s2] =	stream.linear.scatter [tilespmem:s1], [sflag:$0x4], $0xE000, $0x38;
	[tilespmem:$0x1C580] =	vst v63  }
0x222: {  	_ =	swait.ge [sflag:s15], $0xE000  }
0x223: {  	s19 =	simm.s32 $0xD80;
	[sflag:s15] =	ssyncset.done $0x0  }
0x224: {  	s20 =	simm.s32 $0x1580;
	s21 =	simm.s32 $0x1D80;
	[sflag:s15] =	ssyncadd.s32 $0xFFFF2000  }
0x225: {  	s22 =	simm.s32 $0x2580;
	s23 =	simm.s32 $0x2D80;
	_ =	swait.ge [sflag:s17], $0xE000  }
0x226: {  	s24 =	simm.s32 $0x3580;
	s28 =	simm.s32 $0x4D80;
	s0 =	rddreg [dreg:$0x8]  }
0x227: {  	s30 =	simm.s32 $0x5580;
	s26 =	rddreg [dreg:$0x6];
	s0 =	sadd.s32 $0x1, s0  }
0x228: {  	s4 =	simm.s32 $0x6580;
	s6 =	simm.s32 $0x6D80;
	p0 =	sne.s32 s0, s26  }
.Ltmp1:
0x229: {  	s7 =	simm.s32 $0x7580;
	s8 =	simm.s32 $0x7D80;
	(pc) =	sbr.rel @p0 .LBB2_1-.Ltmp1, $4  }
0x22a: {  	s9 =	simm.s32 $0x8580;
	s10 =	simm.s32 $0x8D80;
	s13 =	simm.s32 $0x9580  }
0x22b: {  	s11 =	simm.s32 $0x9D80;
	s29 =	simm.s32 $0xA580;
	[sflag:s17] =	ssyncset.done $0x0  }
0x22c: {  	s31 =	simm.s32 $0xB580;
	s25 =	simm.s32 $0x3D80;
	[sflag:s17] =	ssyncadd.s32 $0xFFFF2000  }
0x22d: {  	[dreg:$0x8] =	wrdreg s0;
	s26 =	simm.s32 $0x4580;
	s0 =	simm.s32 $0x5D80  }
0x22e: {  	_ =	sfence.sel $0x180000  }
0x22f: {  	[bflag:$0x0] =	sbarrier.arrive $0xFFFF  }
0x230: {  	_ =	strace $0x90000047  }
0x231: {  	s0 =	stileid.u32;
	[bflag:$0x2] =	sbarrier.arrive $0xFFFF  }
0x232: {  	p0 =	sne.s32 s0, $0x0;
	s0 =	rddreg [dreg:$0x2]  }
0x233: {  	s0 =	sadd.s32 @!p0 $0x100000, s0  }
0x234: {  	[sflag:s0] =	ssyncadd.tile.s32 @!p0 $0x1;
	_ =	shalt  }
.Lfunc_end2:
_tile_overlayer_lowered:
.L_overlay_start_2:
0x235: {  	(tag) =	ssettag $0x2  }
0x236: {  	s0 =	rddreg [dreg:$0x0];
	s2 =	stileid.u32  }
0x237: {  	s1 =	rddreg [dreg:$0x1];
	p0 =	sne.s32 s2, $0x0  }
0x238: {  	s3 =	rddreg [dreg:$0x2];
	[bflag:$0x3] =	sbarrier.arrive $0xFFFF;
	s2 =	simm.s32 @!p0 $0x1C05  }
0x239: {  	[timem:s3], [sflag:s2] =	dma.local @!p0 [hbm:s0], s1  }
0x23a: {  	s0 =	simm.s32 @!p0 $0x5  }
0x23b: {  	_ =	swait.ge @!p0 [sflag:s0], s1  }
0x23c: {  	s1 =	ssub.s32 @!p0 $0x0, s1;
	[sflag:s0] =	ssyncset.done @!p0 $0x0  }
0x23d: {  	[sflag:s0] =	ssyncadd.s32 @!p0 s1  }
0x23e: {  	[bflag:$0x3] =	sbarrier.arrive $0xFFFF  }
0x23f: {  	_ =	shalt  }

</sc_bundles>
